<compile_context>
chip_gen: v7x
topology: tpu7x:2x2x1
jax: 0.10.2.dev20260603
libtpu: 0.0.44.dev20260713+nightly
codegen_flags: <defaults>
</compile_context>

<pallas_src>
import jax
import jax.numpy as jnp
from jax import lax
from jax.experimental import pallas as pl
from jax.experimental.pallas import tpu as pltpu
from jax.experimental.pallas import tpu_sc as plsc

N = 10000
D = 128
H = 256
E = 320000

NC = 2
NS = 16
B = 40
EPT = E // NS
NBATCH = EPT // B
NP = NBATCH // 2
WB = 624


def _table_body(nodes_ref, w1_ref, b1_ref, out_ref):
    n = nodes_ref[...]
    w = w1_ref[...]
    pa = lax.dot_general(n, w[:, :D], (((1,), (1,)), ((), ())),
                         preferred_element_type=jnp.float32)
    pb = lax.dot_general(n, w[:, D:], (((1,), (1,)), ((), ())),
                         preferred_element_type=jnp.float32)
    out_ref[0, :, :D] = pa + b1_ref[0, 0:1, :]
    out_ref[0, :, D:] = pb


def _build_table(nodes, W1, b1):
    nb = 10
    blk = N // nb
    return pl.pallas_call(
        _table_body,
        grid=(NC, nb),
        in_specs=[
            pl.BlockSpec((blk, D), lambda c, b: (b, 0)),
            pl.BlockSpec((H // NC, 2 * D), lambda c, b: (c, 0)),
            pl.BlockSpec((1, 1, H // NC), lambda c, b: (c, 0, 0)),
        ],
        out_specs=pl.BlockSpec((1, blk, 2 * D), lambda c, b: (c, b, 0)),
        out_shape=jax.ShapeDtypeStruct((NC, N, 2 * D), jnp.float32),
    )(nodes, W1, b1.reshape(NC, 1, H // NC))


def _sc_edge_body(t0, t1, ivec, jvec, u2,
                  acc_out,
                  idx_ia, idx_ja, idx_ib, idx_jb,
                  rows_ia, rows_ja, rows_ib, rows_jb,
                  h_v, u_v,
                  acc_sh,
                  sga1, sga2, sgb1, sgb2, ssc, ssc2, si1, si2):
    c = lax.axis_index("c")
    s = lax.axis_index("s")

    def zrow(r, _):
        for v in range(D // 16):
            h_v[r, pl.ds(v * 16, 16)] = jnp.zeros((16,), jnp.float32)
        return 0
    lax.fori_loop(0, B, zrow, 0)
    for k in range(15):
        pltpu.sync_copy(h_v, acc_sh.at[pl.ds(s * (N // NS) + k * B, B)])
    pltpu.sync_copy(h_v.at[pl.ds(0, 25)],
                    acc_sh.at[pl.ds(s * (N // NS) + 15 * B, 25)])
    plsc.subcore_barrier()

    pltpu.sync_copy(u2.at[c], u_v)
    uv = [u_v[0, pl.ds(v * 16, 16)] for v in range(D // 16)]

    def load_idx(t, ii, jj):
        base = s * EPT + t * B
        cpi = pltpu.make_async_copy(ivec.at[pl.ds(base, B)], ii.at[0], si1)
        cpj = pltpu.make_async_copy(jvec.at[pl.ds(base, B)], jj.at[0], si2)
        cpi.start()
        cpj.start()
        cpi.wait()
        cpj.wait()

    NSPL = 5
    SB = B // NSPL

    def _gather_parts(tref, ii, jj, ri, rj, sg1, sg2):
        parts = []
        for k in range(NSPL):
            ksl = pl.ds(k * SB, SB)
            parts.append(pltpu.make_async_copy(
                tref.at[ii.at[0, ksl]], ri.at[ksl], sg1))
            parts.append(pltpu.make_async_copy(
                tref.at[jj.at[0, ksl]], rj.at[ksl], sg2))
        return parts

    def start_gathers(ii, jj, ri, rj, sg1, sg2):
        @pl.when(c == 0)
        def _():
            for cp in _gather_parts(t0, ii, jj, ri, rj, sg1, sg2):
                cp.start()

        @pl.when(c == 1)
        def _():
            for cp in _gather_parts(t1, ii, jj, ri, rj, sg1, sg2):
                cp.start()

    def wait_gathers(ii, jj, ri, rj, sg1, sg2):
        @pl.when(c == 0)
        def _():
            for cp in _gather_parts(t0, ii, jj, ri, rj, sg1, sg2):
                cp.wait()

        @pl.when(c == 1)
        def _():
            for cp in _gather_parts(t1, ii, jj, ri, rj, sg1, sg2):
                cp.wait()

    def compute_h(rx, ry, hbuf):
        @plsc.parallel_loop(0, B, 1, unroll=4)
        def _(b):
            for v in range(D // 16):
                sl = pl.ds(v * 16, 16)
                sh = pl.ds(D + v * 16, 16)
                hbuf[b, sl] = jnp.maximum(
                    rx[b, sl] + ry[b, sh], 0.0) + uv[v]

    def _scatter_parts(hbuf, idxr, sem):
        parts = []
        for k in range(NSPL):
            ksl = pl.ds(k * SB, SB)
            parts.append(pltpu.make_async_copy(
                hbuf.at[ksl], acc_sh.at[idxr.at[0, ksl]], sem))
        return parts

    def consume(ii, jj, ri, rj, sg1, sg2):
        wait_gathers(ii, jj, ri, rj, sg1, sg2)
        compute_h(ri, rj, h_v)
        p1 = _scatter_parts(h_v, ii, ssc)
        for cp in p1:
            cp.start(add=True)
        for cp in p1:
            cp.wait()
        compute_h(rj, ri, h_v)
        p2 = _scatter_parts(h_v, jj, ssc2)
        for cp in p2:
            cp.start(add=True)
        for cp in p2:
            cp.wait()

    load_idx(0, idx_ia, idx_ja)
    start_gathers(idx_ia, idx_ja, rows_ia, rows_ja, sga1, sga2)

    def pair_body(p, _):
        load_idx(2 * p + 1, idx_ib, idx_jb)
        start_gathers(idx_ib, idx_jb, rows_ib, rows_jb, sgb1, sgb2)
        consume(idx_ia, idx_ja, rows_ia, rows_ja, sga1, sga2)

        @pl.when(p < NP - 1)
        def _():
            load_idx(2 * p + 2, idx_ia, idx_ja)
            start_gathers(idx_ia, idx_ja, rows_ia, rows_ja, sga1, sga2)
        consume(idx_ib, idx_jb, rows_ib, rows_jb, sgb1, sgb2)
        return 0
    lax.fori_loop(0, NP, pair_body, 0)

    plsc.subcore_barrier()

    rsl = pl.ds(s * WB, WB)
    pltpu.sync_copy(acc_sh.at[rsl], acc_out.at[c, rsl])

    @pl.when(s == NS - 1)
    def _():
        tsl = pl.ds(NS * WB, N - NS * WB)
        pltpu.sync_copy(acc_sh.at[tsl], acc_out.at[c, tsl])


def _sc_edge_accumulate(t0, t1, ivec, jvec, u2):
    mesh = plsc.VectorSubcoreMesh(core_axis_name="c", subcore_axis_name="s",
                                  num_cores=NC, num_subcores=NS)
    f = pl.kernel(
        _sc_edge_body,
        out_type=jax.ShapeDtypeStruct((NC, N, D), jnp.float32),
        mesh=mesh,
        scratch_types=[
            pltpu.VMEM((1, B), jnp.int32),
            pltpu.VMEM((1, B), jnp.int32),
            pltpu.VMEM((1, B), jnp.int32),
            pltpu.VMEM((1, B), jnp.int32),
            pltpu.VMEM((B, 2 * D), jnp.float32),
            pltpu.VMEM((B, 2 * D), jnp.float32),
            pltpu.VMEM((B, 2 * D), jnp.float32),
            pltpu.VMEM((B, 2 * D), jnp.float32),
            pltpu.VMEM((B, D), jnp.float32),
            pltpu.VMEM((1, D), jnp.float32),
            pltpu.VMEM_SHARED((N, D), jnp.float32),
            pltpu.SemaphoreType.DMA,
            pltpu.SemaphoreType.DMA,
            pltpu.SemaphoreType.DMA,
            pltpu.SemaphoreType.DMA,
            pltpu.SemaphoreType.DMA,
            pltpu.SemaphoreType.DMA,
            pltpu.SemaphoreType.DMA,
            pltpu.SemaphoreType.DMA,
        ],
    )
    return f(t0, t1, ivec, jvec, u2)


def _final_body(nodes_ref, h0_ref, h1_ref, w2_ref, out_ref):
    w2 = w2_ref[...]
    m = lax.dot_general(h0_ref[...], w2[:, :H // 2],
                        (((1,), (1,)), ((), ())),
                        preferred_element_type=jnp.float32)
    m += lax.dot_general(h1_ref[...], w2[:, H // 2:],
                         (((1,), (1,)), ((), ())),
                         preferred_element_type=jnp.float32)
    out_ref[...] = nodes_ref[...] + m


def _finalize(nodes, h0, h1, W2):
    nb = 10
    blk = N // nb
    return pl.pallas_call(
        _final_body,
        grid=(nb,),
        in_specs=[
            pl.BlockSpec((blk, D), lambda b: (b, 0)),
            pl.BlockSpec((blk, D), lambda b: (b, 0)),
            pl.BlockSpec((blk, D), lambda b: (b, 0)),
            pl.BlockSpec((D, H), lambda b: (0, 0)),
        ],
        out_specs=pl.BlockSpec((blk, D), lambda b: (b, 0)),
        out_shape=jax.ShapeDtypeStruct((N, D), jnp.float32),
    )(nodes, h0, h1, W2)


@jax.jit
def kernel(nodes, edges, W1, b1, W2, b2):
    table = _build_table(nodes, W1, b1)
    ivec = edges[:, 0].astype(jnp.int32)
    jvec = edges[:, 1].astype(jnp.int32)
    u = W2.T @ jnp.linalg.solve(W2 @ W2.T, b2)
    u2 = jnp.zeros((NC, 1, D), jnp.float32).at[:, 0, :].set(u.reshape(NC, D))
    acc = _sc_edge_accumulate(table[0], table[1], ivec, jvec, u2)
    return _finalize(nodes, acc[0], acc[1], W2)

# --- scband reference (transcript-rebuilt; emitter-appended) ---
"""Pipeline reference for scband-belief-gnn-36704790511854 (READ-ONLY COPY).

The authoritative reference and input builder live on the scoring server;
editing this copy changes nothing except your own understanding.
"""

import jax, jax.numpy as jnp
import numpy as np

N = 10000
D = 128
H = 256
E = 320000

def setup_inputs(seed: int = 0) -> dict:
    key = jax.random.key(seed)
    k1, k2, k3, k4, k5, k6 = jax.random.split(key, 6)
    nodes = jax.random.normal(k1, (N, D), dtype=jnp.float32)
    edges = jax.random.randint(k2, (E, 2), 0, N, dtype=jnp.int64)
    # msg MLP params: Linear(2*D -> H), ReLU, Linear(H -> D)
    s1 = 1.0 / np.sqrt(2 * D)
    s2 = 1.0 / np.sqrt(H)
    W1 = jax.random.uniform(k3, (H, 2 * D), dtype=jnp.float32, minval=-s1, maxval=s1)
    b1 = jax.random.uniform(k4, (H,), dtype=jnp.float32, minval=-s1, maxval=s1)
    W2 = jax.random.uniform(k5, (D, H), dtype=jnp.float32, minval=-s2, maxval=s2)
    b2 = jax.random.uniform(k6, (D,), dtype=jnp.float32, minval=-s2, maxval=s2)
    return {"nodes": nodes, "edges": edges, "W1": W1, "b1": b1, "W2": W2, "b2": b2}

def reference(nodes, edges, W1, b1, W2, b2):
    # Vectorized translation of the per-edge python loop.
    i = edges[:, 0]
    j = edges[:, 1]
    xi = jnp.take(nodes, i, axis=0)  # gather [E, D]
    xj = jnp.take(nodes, j, axis=0)  # gather [E, D]

    def mlp(x):
        h = jnp.maximum(x @ W1.T + b1, 0.0)
        return h @ W2.T + b2

    m_ij = mlp(jnp.concatenate([xi, xj], axis=-1))  # message to i
    m_ji = mlp(jnp.concatenate([xj, xi], axis=-1))  # message to j
    out = nodes
    out = out.at[i].add(m_ij)  # scatter-add
    out = out.at[j].add(m_ji)  # scatter-add
    return out

if __name__ == "__main__":
    import jax
    _d = setup_inputs()
    print(jax.jit(kernel)(*tuple(_d.values())))

</pallas_src>

<mosaic_0001>
#map = affine_map<(d0, d1) -> (0, 0)>
#map1 = affine_map<(d0, d1) -> (0)>
#map2 = affine_map<(d0, d1) -> (0, 0, 0)>
module attributes {stable_mosaic.version = 14 : i64} {
  func.func @_sc_edge_body(%arg0: i32, %arg1: i32, %arg2: memref<10000x256xf32, #tpu.memory_space<hbm>>, %arg3: memref<10000x256xf32, #tpu.memory_space<hbm>>, %arg4: memref<320000xi32, #tpu.memory_space<hbm>>, %arg5: memref<320000xi32, #tpu.memory_space<hbm>>, %arg6: memref<2x1x128xf32, #tpu.memory_space<hbm>>, %arg7: memref<2x10000x128xf32, #tpu.memory_space<hbm>>, %arg8: memref<1x40xi32, #tpu.memory_space<vmem>>, %arg9: memref<1x40xi32, #tpu.memory_space<vmem>>, %arg10: memref<1x40xi32, #tpu.memory_space<vmem>>, %arg11: memref<1x40xi32, #tpu.memory_space<vmem>>, %arg12: memref<40x256xf32, #tpu.memory_space<vmem>>, %arg13: memref<40x256xf32, #tpu.memory_space<vmem>>, %arg14: memref<40x256xf32, #tpu.memory_space<vmem>>, %arg15: memref<40x256xf32, #tpu.memory_space<vmem>>, %arg16: memref<40x128xf32, #tpu.memory_space<vmem>>, %arg17: memref<1x128xf32, #tpu.memory_space<vmem>>, %arg18: memref<10000x128xf32, #tpu.memory_space<vmem_shared>>, %arg19: memref<!tpu.dma_semaphore, #tpu.memory_space<semaphore_mem>>, %arg20: memref<!tpu.dma_semaphore, #tpu.memory_space<semaphore_mem>>, %arg21: memref<!tpu.dma_semaphore, #tpu.memory_space<semaphore_mem>>, %arg22: memref<!tpu.dma_semaphore, #tpu.memory_space<semaphore_mem>>, %arg23: memref<!tpu.dma_semaphore, #tpu.memory_space<semaphore_mem>>, %arg24: memref<!tpu.dma_semaphore, #tpu.memory_space<semaphore_mem>>, %arg25: memref<!tpu.dma_semaphore, #tpu.memory_space<semaphore_mem>>, %arg26: memref<!tpu.dma_semaphore, #tpu.memory_space<semaphore_mem>>) attributes {dimension_semantics = [#tpu.dimension_semantics<core_parallel>, #tpu.dimension_semantics<subcore_parallel>], iteration_bounds = array<i64: 2, 16>, scalar_prefetch = 0 : i64, scratch_operands = 19 : i64, tpu.core_type = #tpu.core_type<sc_vector_subcore>, window_params = [{transform_indices = #map}, {transform_indices = #map}, {transform_indices = #map1}, {transform_indices = #map1}, {transform_indices = #map2}, {transform_indices = #map2}]} {
    %scan3A = arith.constant 0 : i32
    %scan3A_0 = arith.constant 0 : i32
    %scan3A_1 = arith.constant 40 : i32
    %scan3A_2 = arith.addi %scan3A_0, %scan3A_1 : i32
    %scan3A_3 = arith.constant 1 : i32
    %scan3A_4 = scf.for %scan3A_167 = %scan3A_0 to %scan3A_2 step %scan3A_3 iter_args(%scan3A_168 = %scan3A) -> (i32)  : i32 {
      %broadcast_in_dim3A = arith.constant 0.000000e+00 : f32
      %broadcast_in_dim3A_169 = vector.broadcast %broadcast_in_dim3A : f32 to vector<16xf32>
      %swap3A = arith.index_cast %scan3A_167 : i32 to index
      %swap3A_170 = arith.constant 0 : index
      %swap3A_171 = tpu.vector_load %arg16[%swap3A, %swap3A_170] {strides = array<i32>} : memref<40x128xf32, #tpu.memory_space<vmem>>, vector<1x16xf32>,
      %swap3A_172 = vector.shape_cast %swap3A_171 : vector<1x16xf32> to vector<16xf32>
      %swap3A_173 = vector.shape_cast %broadcast_in_dim3A_169 : vector<16xf32> to vector<1x16xf32>
      tpu.vector_store %arg16[%swap3A, %swap3A_170], %swap3A_173 {strides = array<i32>} : memref<40x128xf32, #tpu.memory_space<vmem>>, vector<1x16xf32>,
      %broadcast_in_dim3A_174 = arith.constant 0.000000e+00 : f32
      %broadcast_in_dim3A_175 = vector.broadcast %broadcast_in_dim3A_174 : f32 to vector<16xf32>
      %swap3A_176 = arith.index_cast %scan3A_167 : i32 to index
      %swap3A_177 = arith.constant 16 : index
      %swap3A_178 = tpu.vector_load %arg16[%swap3A_176, %swap3A_177] {strides = array<i32>} : memref<40x128xf32, #tpu.memory_space<vmem>>, vector<1x16xf32>,
      %swap3A_179 = vector.shape_cast %swap3A_178 : vector<1x16xf32> to vector<16xf32>
      %swap3A_180 = vector.shape_cast %broadcast_in_dim3A_175 : vector<16xf32> to vector<1x16xf32>
      tpu.vector_store %arg16[%swap3A_176, %swap3A_177], %swap3A_180 {strides = array<i32>} : memref<40x128xf32, #tpu.memory_space<vmem>>, vector<1x16xf32>,
      %broadcast_in_dim3A_181 = arith.constant 0.000000e+00 : f32
      %broadcast_in_dim3A_182 = vector.broadcast %broadcast_in_dim3A_181 : f32 to vector<16xf32>
      %swap3A_183 = arith.index_cast %scan3A_167 : i32 to index
      %swap3A_184 = arith.constant 32 : index
      %swap3A_185 = tpu.vector_load %arg16[%swap3A_183, %swap3A_184] {strides = array<i32>} : memref<40x128xf32, #tpu.memory_space<vmem>>, vector<1x16xf32>,
      %swap3A_186 = vector.shape_cast %swap3A_185 : vector<1x16xf32> to vector<16xf32>
      %swap3A_187 = vector.shape_cast %broadcast_in_dim3A_182 : vector<16xf32> to vector<1x16xf32>
      tpu.vector_store %arg16[%swap3A_183, %swap3A_184], %swap3A_187 {strides = array<i32>} : memref<40x128xf32, #tpu.memory_space<vmem>>, vector<1x16xf32>,
      %broadcast_in_dim3A_188 = arith.constant 0.000000e+00 : f32
      %broadcast_in_dim3A_189 = vector.broadcast %broadcast_in_dim3A_188 : f32 to vector<16xf32>
      %swap3A_190 = arith.index_cast %scan3A_167 : i32 to index
      %swap3A_191 = arith.constant 48 : index
      %swap3A_192 = tpu.vector_load %arg16[%swap3A_190, %swap3A_191] {strides = array<i32>} : memref<40x128xf32, #tpu.memory_space<vmem>>, vector<1x16xf32>,
      %swap3A_193 = vector.shape_cast %swap3A_192 : vector<1x16xf32> to vector<16xf32>
      %swap3A_194 = vector.shape_cast %broadcast_in_dim3A_189 : vector<16xf32> to vector<1x16xf32>
      tpu.vector_store %arg16[%swap3A_190, %swap3A_191], %swap3A_194 {strides = array<i32>} : memref<40x128xf32, #tpu.memory_space<vmem>>, vector<1x16xf32>,
      %broadcast_in_dim3A_195 = arith.constant 0.000000e+00 : f32
      %broadcast_in_dim3A_196 = vector.broadcast %broadcast_in_dim3A_195 : f32 to vector<16xf32>
      %swap3A_197 = arith.index_cast %scan3A_167 : i32 to index
      %swap3A_198 = arith.constant 64 : index
      %swap3A_199 = tpu.vector_load %arg16[%swap3A_197, %swap3A_198] {strides = array<i32>} : memref<40x128xf32, #tpu.memory_space<vmem>>, vector<1x16xf32>,
      %swap3A_200 = vector.shape_cast %swap3A_199 : vector<1x16xf32> to vector<16xf32>
      %swap3A_201 = vector.shape_cast %broadcast_in_dim3A_196 : vector<16xf32> to vector<1x16xf32>
      tpu.vector_store %arg16[%swap3A_197, %swap3A_198], %swap3A_201 {strides = array<i32>} : memref<40x128xf32, #tpu.memory_space<vmem>>, vector<1x16xf32>,
      %broadcast_in_dim3A_202 = arith.constant 0.000000e+00 : f32
      %broadcast_in_dim3A_203 = vector.broadcast %broadcast_in_dim3A_202 : f32 to vector<16xf32>
      %swap3A_204 = arith.index_cast %scan3A_167 : i32 to index
      %swap3A_205 = arith.constant 80 : index
      %swap3A_206 = tpu.vector_load %arg16[%swap3A_204, %swap3A_205] {strides = array<i32>} : memref<40x128xf32, #tpu.memory_space<vmem>>, vector<1x16xf32>,
      %swap3A_207 = vector.shape_cast %swap3A_206 : vector<1x16xf32> to vector<16xf32>
      %swap3A_208 = vector.shape_cast %broadcast_in_dim3A_203 : vector<16xf32> to vector<1x16xf32>
      tpu.vector_store %arg16[%swap3A_204, %swap3A_205], %swap3A_208 {strides = array<i32>} : memref<40x128xf32, #tpu.memory_space<vmem>>, vector<1x16xf32>,
      %broadcast_in_dim3A_209 = arith.constant 0.000000e+00 : f32
      %broadcast_in_dim3A_210 = vector.broadcast %broadcast_in_dim3A_209 : f32 to vector<16xf32>
      %swap3A_211 = arith.index_cast %scan3A_167 : i32 to index
      %swap3A_212 = arith.constant 96 : index
      %swap3A_213 = tpu.vector_load %arg16[%swap3A_211, %swap3A_212] {strides = array<i32>} : memref<40x128xf32, #tpu.memory_space<vmem>>, vector<1x16xf32>,
      %swap3A_214 = vector.shape_cast %swap3A_213 : vector<1x16xf32> to vector<16xf32>
      %swap3A_215 = vector.shape_cast %broadcast_in_dim3A_210 : vector<16xf32> to vector<1x16xf32>
      tpu.vector_store %arg16[%swap3A_211, %swap3A_212], %swap3A_215 {strides = array<i32>} : memref<40x128xf32, #tpu.memory_space<vmem>>, vector<1x16xf32>,
      %broadcast_in_dim3A_216 = arith.constant 0.000000e+00 : f32
      %broadcast_in_dim3A_217 = vector.broadcast %broadcast_in_dim3A_216 : f32 to vector<16xf32>
      %swap3A_218 = arith.index_cast %scan3A_167 : i32 to index
      %swap3A_219 = arith.constant 112 : index
      %swap3A_220 = tpu.vector_load %arg16[%swap3A_218, %swap3A_219] {strides = array<i32>} : memref<40x128xf32, #tpu.memory_space<vmem>>, vector<1x16xf32>,
      %swap3A_221 = vector.shape_cast %swap3A_220 : vector<1x16xf32> to vector<16xf32>
      %swap3A_222 = vector.shape_cast %broadcast_in_dim3A_217 : vector<16xf32> to vector<1x16xf32>
      tpu.vector_store %arg16[%swap3A_218, %swap3A_219], %swap3A_222 {strides = array<i32>} : memref<40x128xf32, #tpu.memory_space<vmem>>, vector<1x16xf32>,
      %scan3A_223 = arith.constant 0 : i32
      scf.yield %scan3A_223 : i32
    }
    %scan3A_5 = arith.constant 40 : i32
    %mul3A = arith.constant 625 : i32
    %mul3A_6 = arith.muli %arg1, %mul3A : i32
    %add3A = arith.constant 0 : i32
    %add3A_7 = arith.addi %mul3A_6, %add3A : i32
    "tpu.region"() ({
      %run_scoped3A = tpu.sem_alloc : memref<!tpu.dma_semaphore, #tpu.memory_space<semaphore_mem>>
      %dma_start3A_167 = arith.constant 0 : i32
      %dma_start3A_168 = tpu.memref_slice %arg18[%add3A_7, %dma_start3A_167] : memref<10000x128xf32, #tpu.memory_space<vmem_shared>> -> memref<40x128xf32, #tpu.memory_space<vmem_shared>>
      %dma_start3A_169 = arith.constant 0 : i32
      %dma_start3A_170 = tpu.memref_slice %arg18[%add3A_7, %dma_start3A_169] : memref<10000x128xf32, #tpu.memory_space<vmem_shared>> -> memref<40x128xf32, #tpu.memory_space<vmem_shared>>
      tpu.enqueue_dma source(%arg16 : memref<40x128xf32, #tpu.memory_space<vmem>>) target(%dma_start3A_170 : memref<40x128xf32, #tpu.memory_space<vmem_shared>>) target_semaphore(%run_scoped3A : memref<!tpu.dma_semaphore, #tpu.memory_space<semaphore_mem>>)
      %dma_wait3A_171 = arith.constant 0 : i32
      %dma_wait3A_172 = tpu.memref_slice %arg18[%add3A_7, %dma_wait3A_171] : memref<10000x128xf32, #tpu.memory_space<vmem_shared>> -> memref<40x128xf32, #tpu.memory_space<vmem_shared>>
      %dma_wait3A_173 = arith.constant 0 : i32
      %dma_wait3A_174 = tpu.memref_slice %arg18[%add3A_7, %dma_wait3A_173] : memref<10000x128xf32, #tpu.memory_space<vmem_shared>> -> memref<40x128xf32, #tpu.memory_space<vmem_shared>>
      tpu.wait_dma2 semaphore(%run_scoped3A : memref<!tpu.dma_semaphore, #tpu.memory_space<semaphore_mem>>) src(%arg16 : memref<40x128xf32, #tpu.memory_space<vmem>>) dst(%dma_wait3A_174 : memref<40x128xf32, #tpu.memory_space<vmem_shared>>)
      tpu.yield
    }) : () -> ()
    %mul3A_8 = arith.constant 625 : i32
    %mul3A_9 = arith.muli %arg1, %mul3A_8 : i32
    %add3A_10 = arith.constant 40 : i32
    %add3A_11 = arith.addi %mul3A_9, %add3A_10 : i32
    "tpu.region"() ({
      %run_scoped3A = tpu.sem_alloc : memref<!tpu.dma_semaphore, #tpu.memory_space<semaphore_mem>>
      %dma_start3A_167 = arith.constant 0 : i32
      %dma_start3A_168 = tpu.memref_slice %arg18[%add3A_11, %dma_start3A_167] : memref<10000x128xf32, #tpu.memory_space<vmem_shared>> -> memref<40x128xf32, #tpu.memory_space<vmem_shared>>
      %dma_start3A_169 = arith.constant 0 : i32
      %dma_start3A_170 = tpu.memref_slice %arg18[%add3A_11, %dma_start3A_169] : memref<10000x128xf32, #tpu.memory_space<vmem_shared>> -> memref<40x128xf32, #tpu.memory_space<vmem_shared>>
      tpu.enqueue_dma source(%arg16 : memref<40x128xf32, #tpu.memory_space<vmem>>) target(%dma_start3A_170 : memref<40x128xf32, #tpu.memory_space<vmem_shared>>) target_semaphore(%run_scoped3A : memref<!tpu.dma_semaphore, #tpu.memory_space<semaphore_mem>>)
      %dma_wait3A_171 = arith.constant 0 : i32
      %dma_wait3A_172 = tpu.memref_slice %arg18[%add3A_11, %dma_wait3A_171] : memref<10000x128xf32, #tpu.memory_space<vmem_shared>> -> memref<40x128xf32, #tpu.memory_space<vmem_shared>>
      %dma_wait3A_173 = arith.constant 0 : i32
      %dma_wait3A_174 = tpu.memref_slice %arg18[%add3A_11, %dma_wait3A_173] : memref<10000x128xf32, #tpu.memory_space<vmem_shared>> -> memref<40x128xf32, #tpu.memory_space<vmem_shared>>
      tpu.wait_dma2 semaphore(%run_scoped3A : memref<!tpu.dma_semaphore, #tpu.memory_space<semaphore_mem>>) src(%arg16 : memref<40x128xf32, #tpu.memory_space<vmem>>) dst(%dma_wait3A_174 : memref<40x128xf32, #tpu.memory_space<vmem_shared>>)
      tpu.yield
    }) : () -> ()
    %mul3A_12 = arith.constant 625 : i32
    %mul3A_13 = arith.muli %arg1, %mul3A_12 : i32
    %add3A_14 = arith.constant 80 : i32
    %add3A_15 = arith.addi %mul3A_13, %add3A_14 : i32
    "tpu.region"() ({
      %run_scoped3A = tpu.sem_alloc : memref<!tpu.dma_semaphore, #tpu.memory_space<semaphore_mem>>
      %dma_start3A_167 = arith.constant 0 : i32
      %dma_start3A_168 = tpu.memref_slice %arg18[%add3A_15, %dma_start3A_167] : memref<10000x128xf32, #tpu.memory_space<vmem_shared>> -> memref<40x128xf32, #tpu.memory_space<vmem_shared>>
      %dma_start3A_169 = arith.constant 0 : i32
      %dma_start3A_170 = tpu.memref_slice %arg18[%add3A_15, %dma_start3A_169] : memref<10000x128xf32, #tpu.memory_space<vmem_shared>> -> memref<40x128xf32, #tpu.memory_space<vmem_shared>>
      tpu.enqueue_dma source(%arg16 : memref<40x128xf32, #tpu.memory_space<vmem>>) target(%dma_start3A_170 : memref<40x128xf32, #tpu.memory_space<vmem_shared>>) target_semaphore(%run_scoped3A : memref<!tpu.dma_semaphore, #tpu.memory_space<semaphore_mem>>)
      %dma_wait3A_171 = arith.constant 0 : i32
      %dma_wait3A_172 = tpu.memref_slice %arg18[%add3A_15, %dma_wait3A_171] : memref<10000x128xf32, #tpu.memory_space<vmem_shared>> -> memref<40x128xf32, #tpu.memory_space<vmem_shared>>
      %dma_wait3A_173 = arith.constant 0 : i32
      %dma_wait3A_174 = tpu.memref_slice %arg18[%add3A_15, %dma_wait3A_173] : memref<10000x128xf32, #tpu.memory_space<vmem_shared>> -> memref<40x128xf32, #tpu.memory_space<vmem_shared>>
      tpu.wait_dma2 semaphore(%run_scoped3A : memref<!tpu.dma_semaphore, #tpu.memory_space<semaphore_mem>>) src(%arg16 : memref<40x128xf32, #tpu.memory_space<vmem>>) dst(%dma_wait3A_174 : memref<40x128xf32, #tpu.memory_space<vmem_shared>>)
      tpu.yield
    }) : () -> ()
    %mul3A_16 = arith.constant 625 : i32
    %mul3A_17 = arith.muli %arg1, %mul3A_16 : i32
    %add3A_18 = arith.constant 120 : i32
    %add3A_19 = arith.addi %mul3A_17, %add3A_18 : i32
    "tpu.region"() ({
      %run_scoped3A = tpu.sem_alloc : memref<!tpu.dma_semaphore, #tpu.memory_space<semaphore_mem>>
      %dma_start3A_167 = arith.constant 0 : i32
      %dma_start3A_168 = tpu.memref_slice %arg18[%add3A_19, %dma_start3A_167] : memref<10000x128xf32, #tpu.memory_space<vmem_shared>> -> memref<40x128xf32, #tpu.memory_space<vmem_shared>>
      %dma_start3A_169 = arith.constant 0 : i32
      %dma_start3A_170 = tpu.memref_slice %arg18[%add3A_19, %dma_start3A_169] : memref<10000x128xf32, #tpu.memory_space<vmem_shared>> -> memref<40x128xf32, #tpu.memory_space<vmem_shared>>
      tpu.enqueue_dma source(%arg16 : memref<40x128xf32, #tpu.memory_space<vmem>>) target(%dma_start3A_170 : memref<40x128xf32, #tpu.memory_space<vmem_shared>>) target_semaphore(%run_scoped3A : memref<!tpu.dma_semaphore, #tpu.memory_space<semaphore_mem>>)
      %dma_wait3A_171 = arith.constant 0 : i32
      %dma_wait3A_172 = tpu.memref_slice %arg18[%add3A_19, %dma_wait3A_171] : memref<10000x128xf32, #tpu.memory_space<vmem_shared>> -> memref<40x128xf32, #tpu.memory_space<vmem_shared>>
      %dma_wait3A_173 = arith.constant 0 : i32
      %dma_wait3A_174 = tpu.memref_slice %arg18[%add3A_19, %dma_wait3A_173] : memref<10000x128xf32, #tpu.memory_space<vmem_shared>> -> memref<40x128xf32, #tpu.memory_space<vmem_shared>>
      tpu.wait_dma2 semaphore(%run_scoped3A : memref<!tpu.dma_semaphore, #tpu.memory_space<semaphore_mem>>) src(%arg16 : memref<40x128xf32, #tpu.memory_space<vmem>>) dst(%dma_wait3A_174 : memref<40x128xf32, #tpu.memory_space<vmem_shared>>)
      tpu.yield
    }) : () -> ()
    %mul3A_20 = arith.constant 625 : i32
    %mul3A_21 = arith.muli %arg1, %mul3A_20 : i32
    %add3A_22 = arith.constant 160 : i32
    %add3A_23 = arith.addi %mul3A_21, %add3A_22 : i32
    "tpu.region"() ({
      %run_scoped3A = tpu.sem_alloc : memref<!tpu.dma_semaphore, #tpu.memory_space<semaphore_mem>>
      %dma_start3A_167 = arith.constant 0 : i32
      %dma_start3A_168 = tpu.memref_slice %arg18[%add3A_23, %dma_start3A_167] : memref<10000x128xf32, #tpu.memory_space<vmem_shared>> -> memref<40x128xf32, #tpu.memory_space<vmem_shared>>
      %dma_start3A_169 = arith.constant 0 : i32
      %dma_start3A_170 = tpu.memref_slice %arg18[%add3A_23, %dma_start3A_169] : memref<10000x128xf32, #tpu.memory_space<vmem_shared>> -> memref<40x128xf32, #tpu.memory_space<vmem_shared>>
      tpu.enqueue_dma source(%arg16 : memref<40x128xf32, #tpu.memory_space<vmem>>) target(%dma_start3A_170 : memref<40x128xf32, #tpu.memory_space<vmem_shared>>) target_semaphore(%run_scoped3A : memref<!tpu.dma_semaphore, #tpu.memory_space<semaphore_mem>>)
      %dma_wait3A_171 = arith.constant 0 : i32
      %dma_wait3A_172 = tpu.memref_slice %arg18[%add3A_23, %dma_wait3A_171] : memref<10000x128xf32, #tpu.memory_space<vmem_shared>> -> memref<40x128xf32, #tpu.memory_space<vmem_shared>>
      %dma_wait3A_173 = arith.constant 0 : i32
      %dma_wait3A_174 = tpu.memref_slice %arg18[%add3A_23, %dma_wait3A_173] : memref<10000x128xf32, #tpu.memory_space<vmem_shared>> -> memref<40x128xf32, #tpu.memory_space<vmem_shared>>
      tpu.wait_dma2 semaphore(%run_scoped3A : memref<!tpu.dma_semaphore, #tpu.memory_space<semaphore_mem>>) src(%arg16 : memref<40x128xf32, #tpu.memory_space<vmem>>) dst(%dma_wait3A_174 : memref<40x128xf32, #tpu.memory_space<vmem_shared>>)
      tpu.yield
    }) : () -> ()
    %mul3A_24 = arith.constant 625 : i32
    %mul3A_25 = arith.muli %arg1, %mul3A_24 : i32
    %add3A_26 = arith.constant 200 : i32
    %add3A_27 = arith.addi %mul3A_25, %add3A_26 : i32
    "tpu.region"() ({
      %run_scoped3A = tpu.sem_alloc : memref<!tpu.dma_semaphore, #tpu.memory_space<semaphore_mem>>
      %dma_start3A_167 = arith.constant 0 : i32
      %dma_start3A_168 = tpu.memref_slice %arg18[%add3A_27, %dma_start3A_167] : memref<10000x128xf32, #tpu.memory_space<vmem_shared>> -> memref<40x128xf32, #tpu.memory_space<vmem_shared>>
      %dma_start3A_169 = arith.constant 0 : i32
      %dma_start3A_170 = tpu.memref_slice %arg18[%add3A_27, %dma_start3A_169] : memref<10000x128xf32, #tpu.memory_space<vmem_shared>> -> memref<40x128xf32, #tpu.memory_space<vmem_shared>>
      tpu.enqueue_dma source(%arg16 : memref<40x128xf32, #tpu.memory_space<vmem>>) target(%dma_start3A_170 : memref<40x128xf32, #tpu.memory_space<vmem_shared>>) target_semaphore(%run_scoped3A : memref<!tpu.dma_semaphore, #tpu.memory_space<semaphore_mem>>)
      %dma_wait3A_171 = arith.constant 0 : i32
      %dma_wait3A_172 = tpu.memref_slice %arg18[%add3A_27, %dma_wait3A_171] : memref<10000x128xf32, #tpu.memory_space<vmem_shared>> -> memref<40x128xf32, #tpu.memory_space<vmem_shared>>
      %dma_wait3A_173 = arith.constant 0 : i32
      %dma_wait3A_174 = tpu.memref_slice %arg18[%add3A_27, %dma_wait3A_173] : memref<10000x128xf32, #tpu.memory_space<vmem_shared>> -> memref<40x128xf32, #tpu.memory_space<vmem_shared>>
      tpu.wait_dma2 semaphore(%run_scoped3A : memref<!tpu.dma_semaphore, #tpu.memory_space<semaphore_mem>>) src(%arg16 : memref<40x128xf32, #tpu.memory_space<vmem>>) dst(%dma_wait3A_174 : memref<40x128xf32, #tpu.memory_space<vmem_shared>>)
      tpu.yield
    }) : () -> ()
    %mul3A_28 = arith.constant 625 : i32
    %mul3A_29 = arith.muli %arg1, %mul3A_28 : i32
    %add3A_30 = arith.constant 240 : i32
    %add3A_31 = arith.addi %mul3A_29, %add3A_30 : i32
    "tpu.region"() ({
      %run_scoped3A = tpu.sem_alloc : memref<!tpu.dma_semaphore, #tpu.memory_space<semaphore_mem>>
      %dma_start3A_167 = arith.constant 0 : i32
      %dma_start3A_168 = tpu.memref_slice %arg18[%add3A_31, %dma_start3A_167] : memref<10000x128xf32, #tpu.memory_space<vmem_shared>> -> memref<40x128xf32, #tpu.memory_space<vmem_shared>>
      %dma_start3A_169 = arith.constant 0 : i32
      %dma_start3A_170 = tpu.memref_slice %arg18[%add3A_31, %dma_start3A_169] : memref<10000x128xf32, #tpu.memory_space<vmem_shared>> -> memref<40x128xf32, #tpu.memory_space<vmem_shared>>
      tpu.enqueue_dma source(%arg16 : memref<40x128xf32, #tpu.memory_space<vmem>>) target(%dma_start3A_170 : memref<40x128xf32, #tpu.memory_space<vmem_shared>>) target_semaphore(%run_scoped3A : memref<!tpu.dma_semaphore, #tpu.memory_space<semaphore_mem>>)
      %dma_wait3A_171 = arith.constant 0 : i32
      %dma_wait3A_172 = tpu.memref_slice %arg18[%add3A_31, %dma_wait3A_171] : memref<10000x128xf32, #tpu.memory_space<vmem_shared>> -> memref<40x128xf32, #tpu.memory_space<vmem_shared>>
      %dma_wait3A_173 = arith.constant 0 : i32
      %dma_wait3A_174 = tpu.memref_slice %arg18[%add3A_31, %dma_wait3A_173] : memref<10000x128xf32, #tpu.memory_space<vmem_shared>> -> memref<40x128xf32, #tpu.memory_space<vmem_shared>>
      tpu.wait_dma2 semaphore(%run_scoped3A : memref<!tpu.dma_semaphore, #tpu.memory_space<semaphore_mem>>) src(%arg16 : memref<40x128xf32, #tpu.memory_space<vmem>>) dst(%dma_wait3A_174 : memref<40x128xf32, #tpu.memory_space<vmem_shared>>)
      tpu.yield
    }) : () -> ()
    %mul3A_32 = arith.constant 625 : i32
    %mul3A_33 = arith.muli %arg1, %mul3A_32 : i32
    %add3A_34 = arith.constant 280 : i32
    %add3A_35 = arith.addi %mul3A_33, %add3A_34 : i32
    "tpu.region"() ({
      %run_scoped3A = tpu.sem_alloc : memref<!tpu.dma_semaphore, #tpu.memory_space<semaphore_mem>>
      %dma_start3A_167 = arith.constant 0 : i32
      %dma_start3A_168 = tpu.memref_slice %arg18[%add3A_35, %dma_start3A_167] : memref<10000x128xf32, #tpu.memory_space<vmem_shared>> -> memref<40x128xf32, #tpu.memory_space<vmem_shared>>
      %dma_start3A_169 = arith.constant 0 : i32
      %dma_start3A_170 = tpu.memref_slice %arg18[%add3A_35, %dma_start3A_169] : memref<10000x128xf32, #tpu.memory_space<vmem_shared>> -> memref<40x128xf32, #tpu.memory_space<vmem_shared>>
      tpu.enqueue_dma source(%arg16 : memref<40x128xf32, #tpu.memory_space<vmem>>) target(%dma_start3A_170 : memref<40x128xf32, #tpu.memory_space<vmem_shared>>) target_semaphore(%run_scoped3A : memref<!tpu.dma_semaphore, #tpu.memory_space<semaphore_mem>>)
      %dma_wait3A_171 = arith.constant 0 : i32
      %dma_wait3A_172 = tpu.memref_slice %arg18[%add3A_35, %dma_wait3A_171] : memref<10000x128xf32, #tpu.memory_space<vmem_shared>> -> memref<40x128xf32, #tpu.memory_space<vmem_shared>>
      %dma_wait3A_173 = arith.constant 0 : i32
      %dma_wait3A_174 = tpu.memref_slice %arg18[%add3A_35, %dma_wait3A_173] : memref<10000x128xf32, #tpu.memory_space<vmem_shared>> -> memref<40x128xf32, #tpu.memory_space<vmem_shared>>
      tpu.wait_dma2 semaphore(%run_scoped3A : memref<!tpu.dma_semaphore, #tpu.memory_space<semaphore_mem>>) src(%arg16 : memref<40x128xf32, #tpu.memory_space<vmem>>) dst(%dma_wait3A_174 : memref<40x128xf32, #tpu.memory_space<vmem_shared>>)
      tpu.yield
    }) : () -> ()
    %mul3A_36 = arith.constant 625 : i32
    %mul3A_37 = arith.muli %arg1, %mul3A_36 : i32
    %add3A_38 = arith.constant 320 : i32
    %add3A_39 = arith.addi %mul3A_37, %add3A_38 : i32
    "tpu.region"() ({
      %run_scoped3A = tpu.sem_alloc : memref<!tpu.dma_semaphore, #tpu.memory_space<semaphore_mem>>
      %dma_start3A_167 = arith.constant 0 : i32
      %dma_start3A_168 = tpu.memref_slice %arg18[%add3A_39, %dma_start3A_167] : memref<10000x128xf32, #tpu.memory_space<vmem_shared>> -> memref<40x128xf32, #tpu.memory_space<vmem_shared>>
      %dma_start3A_169 = arith.constant 0 : i32
      %dma_start3A_170 = tpu.memref_slice %arg18[%add3A_39, %dma_start3A_169] : memref<10000x128xf32, #tpu.memory_space<vmem_shared>> -> memref<40x128xf32, #tpu.memory_space<vmem_shared>>
      tpu.enqueue_dma source(%arg16 : memref<40x128xf32, #tpu.memory_space<vmem>>) target(%dma_start3A_170 : memref<40x128xf32, #tpu.memory_space<vmem_shared>>) target_semaphore(%run_scoped3A : memref<!tpu.dma_semaphore, #tpu.memory_space<semaphore_mem>>)
      %dma_wait3A_171 = arith.constant 0 : i32
      %dma_wait3A_172 = tpu.memref_slice %arg18[%add3A_39, %dma_wait3A_171] : memref<10000x128xf32, #tpu.memory_space<vmem_shared>> -> memref<40x128xf32, #tpu.memory_space<vmem_shared>>
      %dma_wait3A_173 = arith.constant 0 : i32
      %dma_wait3A_174 = tpu.memref_slice %arg18[%add3A_39, %dma_wait3A_173] : memref<10000x128xf32, #tpu.memory_space<vmem_shared>> -> memref<40x128xf32, #tpu.memory_space<vmem_shared>>
      tpu.wait_dma2 semaphore(%run_scoped3A : memref<!tpu.dma_semaphore, #tpu.memory_space<semaphore_mem>>) src(%arg16 : memref<40x128xf32, #tpu.memory_space<vmem>>) dst(%dma_wait3A_174 : memref<40x128xf32, #tpu.memory_space<vmem_shared>>)
      tpu.yield
    }) : () -> ()
    %mul3A_40 = arith.constant 625 : i32
    %mul3A_41 = arith.muli %arg1, %mul3A_40 : i32
    %add3A_42 = arith.constant 360 : i32
    %add3A_43 = arith.addi %mul3A_41, %add3A_42 : i32
    "tpu.region"() ({
      %run_scoped3A = tpu.sem_alloc : memref<!tpu.dma_semaphore, #tpu.memory_space<semaphore_mem>>
      %dma_start3A_167 = arith.constant 0 : i32
      %dma_start3A_168 = tpu.memref_slice %arg18[%add3A_43, %dma_start3A_167] : memref<10000x128xf32, #tpu.memory_space<vmem_shared>> -> memref<40x128xf32, #tpu.memory_space<vmem_shared>>
      %dma_start3A_169 = arith.constant 0 : i32
      %dma_start3A_170 = tpu.memref_slice %arg18[%add3A_43, %dma_start3A_169] : memref<10000x128xf32, #tpu.memory_space<vmem_shared>> -> memref<40x128xf32, #tpu.memory_space<vmem_shared>>
      tpu.enqueue_dma source(%arg16 : memref<40x128xf32, #tpu.memory_space<vmem>>) target(%dma_start3A_170 : memref<40x128xf32, #tpu.memory_space<vmem_shared>>) target_semaphore(%run_scoped3A : memref<!tpu.dma_semaphore, #tpu.memory_space<semaphore_mem>>)
      %dma_wait3A_171 = arith.constant 0 : i32
      %dma_wait3A_172 = tpu.memref_slice %arg18[%add3A_43, %dma_wait3A_171] : memref<10000x128xf32, #tpu.memory_space<vmem_shared>> -> memref<40x128xf32, #tpu.memory_space<vmem_shared>>
      %dma_wait3A_173 = arith.constant 0 : i32
      %dma_wait3A_174 = tpu.memref_slice %arg18[%add3A_43, %dma_wait3A_173] : memref<10000x128xf32, #tpu.memory_space<vmem_shared>> -> memref<40x128xf32, #tpu.memory_space<vmem_shared>>
      tpu.wait_dma2 semaphore(%run_scoped3A : memref<!tpu.dma_semaphore, #tpu.memory_space<semaphore_mem>>) src(%arg16 : memref<40x128xf32, #tpu.memory_space<vmem>>) dst(%dma_wait3A_174 : memref<40x128xf32, #tpu.memory_space<vmem_shared>>)
      tpu.yield
    }) : () -> ()
    %mul3A_44 = arith.constant 625 : i32
    %mul3A_45 = arith.muli %arg1, %mul3A_44 : i32
    %add3A_46 = arith.constant 400 : i32
    %add3A_47 = arith.addi %mul3A_45, %add3A_46 : i32
    "tpu.region"() ({
      %run_scoped3A = tpu.sem_alloc : memref<!tpu.dma_semaphore, #tpu.memory_space<semaphore_mem>>
      %dma_start3A_167 = arith.constant 0 : i32
      %dma_start3A_168 = tpu.memref_slice %arg18[%add3A_47, %dma_start3A_167] : memref<10000x128xf32, #tpu.memory_space<vmem_shared>> -> memref<40x128xf32, #tpu.memory_space<vmem_shared>>
      %dma_start3A_169 = arith.constant 0 : i32
      %dma_start3A_170 = tpu.memref_slice %arg18[%add3A_47, %dma_start3A_169] : memref<10000x128xf32, #tpu.memory_space<vmem_shared>> -> memref<40x128xf32, #tpu.memory_space<vmem_shared>>
      tpu.enqueue_dma source(%arg16 : memref<40x128xf32, #tpu.memory_space<vmem>>) target(%dma_start3A_170 : memref<40x128xf32, #tpu.memory_space<vmem_shared>>) target_semaphore(%run_scoped3A : memref<!tpu.dma_semaphore, #tpu.memory_space<semaphore_mem>>)
      %dma_wait3A_171 = arith.constant 0 : i32
      %dma_wait3A_172 = tpu.memref_slice %arg18[%add3A_47, %dma_wait3A_171] : memref<10000x128xf32, #tpu.memory_space<vmem_shared>> -> memref<40x128xf32, #tpu.memory_space<vmem_shared>>
      %dma_wait3A_173 = arith.constant 0 : i32
      %dma_wait3A_174 = tpu.memref_slice %arg18[%add3A_47, %dma_wait3A_173] : memref<10000x128xf32, #tpu.memory_space<vmem_shared>> -> memref<40x128xf32, #tpu.memory_space<vmem_shared>>
      tpu.wait_dma2 semaphore(%run_scoped3A : memref<!tpu.dma_semaphore, #tpu.memory_space<semaphore_mem>>) src(%arg16 : memref<40x128xf32, #tpu.memory_space<vmem>>) dst(%dma_wait3A_174 : memref<40x128xf32, #tpu.memory_space<vmem_shared>>)
      tpu.yield
    }) : () -> ()
    %mul3A_48 = arith.constant 625 : i32
    %mul3A_49 = arith.muli %arg1, %mul3A_48 : i32
    %add3A_50 = arith.constant 440 : i32
    %add3A_51 = arith.addi %mul3A_49, %add3A_50 : i32
    "tpu.region"() ({
      %run_scoped3A = tpu.sem_alloc : memref<!tpu.dma_semaphore, #tpu.memory_space<semaphore_mem>>
      %dma_start3A_167 = arith.constant 0 : i32
      %dma_start3A_168 = tpu.memref_slice %arg18[%add3A_51, %dma_start3A_167] : memref<10000x128xf32, #tpu.memory_space<vmem_shared>> -> memref<40x128xf32, #tpu.memory_space<vmem_shared>>
      %dma_start3A_169 = arith.constant 0 : i32
      %dma_start3A_170 = tpu.memref_slice %arg18[%add3A_51, %dma_start3A_169] : memref<10000x128xf32, #tpu.memory_space<vmem_shared>> -> memref<40x128xf32, #tpu.memory_space<vmem_shared>>
      tpu.enqueue_dma source(%arg16 : memref<40x128xf32, #tpu.memory_space<vmem>>) target(%dma_start3A_170 : memref<40x128xf32, #tpu.memory_space<vmem_shared>>) target_semaphore(%run_scoped3A : memref<!tpu.dma_semaphore, #tpu.memory_space<semaphore_mem>>)
      %dma_wait3A_171 = arith.constant 0 : i32
      %dma_wait3A_172 = tpu.memref_slice %arg18[%add3A_51, %dma_wait3A_171] : memref<10000x128xf32, #tpu.memory_space<vmem_shared>> -> memref<40x128xf32, #tpu.memory_space<vmem_shared>>
      %dma_wait3A_173 = arith.constant 0 : i32
      %dma_wait3A_174 = tpu.memref_slice %arg18[%add3A_51, %dma_wait3A_173] : memref<10000x128xf32, #tpu.memory_space<vmem_shared>> -> memref<40x128xf32, #tpu.memory_space<vmem_shared>>
      tpu.wait_dma2 semaphore(%run_scoped3A : memref<!tpu.dma_semaphore, #tpu.memory_space<semaphore_mem>>) src(%arg16 : memref<40x128xf32, #tpu.memory_space<vmem>>) dst(%dma_wait3A_174 : memref<40x128xf32, #tpu.memory_space<vmem_shared>>)
      tpu.yield
    }) : () -> ()
    %mul3A_52 = arith.constant 625 : i32
    %mul3A_53 = arith.muli %arg1, %mul3A_52 : i32
    %add3A_54 = arith.constant 480 : i32
    %add3A_55 = arith.addi %mul3A_53, %add3A_54 : i32
    "tpu.region"() ({
      %run_scoped3A = tpu.sem_alloc : memref<!tpu.dma_semaphore, #tpu.memory_space<semaphore_mem>>
      %dma_start3A_167 = arith.constant 0 : i32
      %dma_start3A_168 = tpu.memref_slice %arg18[%add3A_55, %dma_start3A_167] : memref<10000x128xf32, #tpu.memory_space<vmem_shared>> -> memref<40x128xf32, #tpu.memory_space<vmem_shared>>
      %dma_start3A_169 = arith.constant 0 : i32
      %dma_start3A_170 = tpu.memref_slice %arg18[%add3A_55, %dma_start3A_169] : memref<10000x128xf32, #tpu.memory_space<vmem_shared>> -> memref<40x128xf32, #tpu.memory_space<vmem_shared>>
      tpu.enqueue_dma source(%arg16 : memref<40x128xf32, #tpu.memory_space<vmem>>) target(%dma_start3A_170 : memref<40x128xf32, #tpu.memory_space<vmem_shared>>) target_semaphore(%run_scoped3A : memref<!tpu.dma_semaphore, #tpu.memory_space<semaphore_mem>>)
      %dma_wait3A_171 = arith.constant 0 : i32
      %dma_wait3A_172 = tpu.memref_slice %arg18[%add3A_55, %dma_wait3A_171] : memref<10000x128xf32, #tpu.memory_space<vmem_shared>> -> memref<40x128xf32, #tpu.memory_space<vmem_shared>>
      %dma_wait3A_173 = arith.constant 0 : i32
      %dma_wait3A_174 = tpu.memref_slice %arg18[%add3A_55, %dma_wait3A_173] : memref<10000x128xf32, #tpu.memory_space<vmem_shared>> -> memref<40x128xf32, #tpu.memory_space<vmem_shared>>
      tpu.wait_dma2 semaphore(%run_scoped3A : memref<!tpu.dma_semaphore, #tpu.memory_space<semaphore_mem>>) src(%arg16 : memref<40x128xf32, #tpu.memory_space<vmem>>) dst(%dma_wait3A_174 : memref<40x128xf32, #tpu.memory_space<vmem_shared>>)
      tpu.yield
    }) : () -> ()
    %mul3A_56 = arith.constant 625 : i32
    %mul3A_57 = arith.muli %arg1, %mul3A_56 : i32
    %add3A_58 = arith.constant 520 : i32
    %add3A_59 = arith.addi %mul3A_57, %add3A_58 : i32
    "tpu.region"() ({
      %run_scoped3A = tpu.sem_alloc : memref<!tpu.dma_semaphore, #tpu.memory_space<semaphore_mem>>
      %dma_start3A_167 = arith.constant 0 : i32
      %dma_start3A_168 = tpu.memref_slice %arg18[%add3A_59, %dma_start3A_167] : memref<10000x128xf32, #tpu.memory_space<vmem_shared>> -> memref<40x128xf32, #tpu.memory_space<vmem_shared>>
      %dma_start3A_169 = arith.constant 0 : i32
      %dma_start3A_170 = tpu.memref_slice %arg18[%add3A_59, %dma_start3A_169] : memref<10000x128xf32, #tpu.memory_space<vmem_shared>> -> memref<40x128xf32, #tpu.memory_space<vmem_shared>>
      tpu.enqueue_dma source(%arg16 : memref<40x128xf32, #tpu.memory_space<vmem>>) target(%dma_start3A_170 : memref<40x128xf32, #tpu.memory_space<vmem_shared>>) target_semaphore(%run_scoped3A : memref<!tpu.dma_semaphore, #tpu.memory_space<semaphore_mem>>)
      %dma_wait3A_171 = arith.constant 0 : i32
      %dma_wait3A_172 = tpu.memref_slice %arg18[%add3A_59, %dma_wait3A_171] : memref<10000x128xf32, #tpu.memory_space<vmem_shared>> -> memref<40x128xf32, #tpu.memory_space<vmem_shared>>
      %dma_wait3A_173 = arith.constant 0 : i32
      %dma_wait3A_174 = tpu.memref_slice %arg18[%add3A_59, %dma_wait3A_173] : memref<10000x128xf32, #tpu.memory_space<vmem_shared>> -> memref<40x128xf32, #tpu.memory_space<vmem_shared>>
      tpu.wait_dma2 semaphore(%run_scoped3A : memref<!tpu.dma_semaphore, #tpu.memory_space<semaphore_mem>>) src(%arg16 : memref<40x128xf32, #tpu.memory_space<vmem>>) dst(%dma_wait3A_174 : memref<40x128xf32, #tpu.memory_space<vmem_shared>>)
      tpu.yield
    }) : () -> ()
    %mul3A_60 = arith.constant 625 : i32
    %mul3A_61 = arith.muli %arg1, %mul3A_60 : i32
    %add3A_62 = arith.constant 560 : i32
    %add3A_63 = arith.addi %mul3A_61, %add3A_62 : i32
    "tpu.region"() ({
      %run_scoped3A = tpu.sem_alloc : memref<!tpu.dma_semaphore, #tpu.memory_space<semaphore_mem>>
      %dma_start3A_167 = arith.constant 0 : i32
      %dma_start3A_168 = tpu.memref_slice %arg18[%add3A_63, %dma_start3A_167] : memref<10000x128xf32, #tpu.memory_space<vmem_shared>> -> memref<40x128xf32, #tpu.memory_space<vmem_shared>>
      %dma_start3A_169 = arith.constant 0 : i32
      %dma_start3A_170 = tpu.memref_slice %arg18[%add3A_63, %dma_start3A_169] : memref<10000x128xf32, #tpu.memory_space<vmem_shared>> -> memref<40x128xf32, #tpu.memory_space<vmem_shared>>
      tpu.enqueue_dma source(%arg16 : memref<40x128xf32, #tpu.memory_space<vmem>>) target(%dma_start3A_170 : memref<40x128xf32, #tpu.memory_space<vmem_shared>>) target_semaphore(%run_scoped3A : memref<!tpu.dma_semaphore, #tpu.memory_space<semaphore_mem>>)
      %dma_wait3A_171 = arith.constant 0 : i32
      %dma_wait3A_172 = tpu.memref_slice %arg18[%add3A_63, %dma_wait3A_171] : memref<10000x128xf32, #tpu.memory_space<vmem_shared>> -> memref<40x128xf32, #tpu.memory_space<vmem_shared>>
      %dma_wait3A_173 = arith.constant 0 : i32
      %dma_wait3A_174 = tpu.memref_slice %arg18[%add3A_63, %dma_wait3A_173] : memref<10000x128xf32, #tpu.memory_space<vmem_shared>> -> memref<40x128xf32, #tpu.memory_space<vmem_shared>>
      tpu.wait_dma2 semaphore(%run_scoped3A : memref<!tpu.dma_semaphore, #tpu.memory_space<semaphore_mem>>) src(%arg16 : memref<40x128xf32, #tpu.memory_space<vmem>>) dst(%dma_wait3A_174 : memref<40x128xf32, #tpu.memory_space<vmem_shared>>)
      tpu.yield
    }) : () -> ()
    %mul3A_64 = arith.constant 625 : i32
    %mul3A_65 = arith.muli %arg1, %mul3A_64 : i32
    %add3A_66 = arith.constant 600 : i32
    %add3A_67 = arith.addi %mul3A_65, %add3A_66 : i32
    "tpu.region"() ({
      %run_scoped3A = tpu.sem_alloc : memref<!tpu.dma_semaphore, #tpu.memory_space<semaphore_mem>>
      %dma_start3A_167 = arith.constant 0 : i32
      %dma_start3A_168 = arith.constant 0 : i32
      %dma_start3A_169 = tpu.memref_slice %arg16[%dma_start3A_167, %dma_start3A_168] : memref<40x128xf32, #tpu.memory_space<vmem>> -> memref<25x128xf32, #tpu.memory_space<vmem>>
      %dma_start3A_170 = arith.constant 0 : i32
      %dma_start3A_171 = tpu.memref_slice %arg18[%add3A_67, %dma_start3A_170] : memref<10000x128xf32, #tpu.memory_space<vmem_shared>> -> memref<25x128xf32, #tpu.memory_space<vmem_shared>>
      %dma_start3A_172 = arith.constant 0 : i32
      %dma_start3A_173 = tpu.memref_slice %arg18[%add3A_67, %dma_start3A_172] : memref<10000x128xf32, #tpu.memory_space<vmem_shared>> -> memref<25x128xf32, #tpu.memory_space<vmem_shared>>
      %dma_start3A_174 = arith.constant 0 : i32
      %dma_start3A_175 = arith.constant 0 : i32
      %dma_start3A_176 = tpu.memref_slice %arg16[%dma_start3A_174, %dma_start3A_175] : memref<40x128xf32, #tpu.memory_space<vmem>> -> memref<25x128xf32, #tpu.memory_space<vmem>>
      tpu.enqueue_dma source(%dma_start3A_176 : memref<25x128xf32, #tpu.memory_space<vmem>>) target(%dma_start3A_173 : memref<25x128xf32, #tpu.memory_space<vmem_shared>>) target_semaphore(%run_scoped3A : memref<!tpu.dma_semaphore, #tpu.memory_space<semaphore_mem>>)
      %dma_wait3A_177 = arith.constant 0 : i32
      %dma_wait3A_178 = arith.constant 0 : i32
      %dma_wait3A_179 = tpu.memref_slice %arg16[%dma_wait3A_177, %dma_wait3A_178] : memref<40x128xf32, #tpu.memory_space<vmem>> -> memref<25x128xf32, #tpu.memory_space<vmem>>
      %dma_wait3A_180 = arith.constant 0 : i32
      %dma_wait3A_181 = tpu.memref_slice %arg18[%add3A_67, %dma_wait3A_180] : memref<10000x128xf32, #tpu.memory_space<vmem_shared>> -> memref<25x128xf32, #tpu.memory_space<vmem_shared>>
      %dma_wait3A_182 = arith.constant 0 : i32
      %dma_wait3A_183 = tpu.memref_slice %arg18[%add3A_67, %dma_wait3A_182] : memref<10000x128xf32, #tpu.memory_space<vmem_shared>> -> memref<25x128xf32, #tpu.memory_space<vmem_shared>>
      %dma_wait3A_184 = arith.constant 0 : i32
      %dma_wait3A_185 = arith.constant 0 : i32
      %dma_wait3A_186 = tpu.memref_slice %arg16[%dma_wait3A_184, %dma_wait3A_185] : memref<40x128xf32, #tpu.memory_space<vmem>> -> memref<25x128xf32, #tpu.memory_space<vmem>>
      tpu.wait_dma2 semaphore(%run_scoped3A : memref<!tpu.dma_semaphore, #tpu.memory_space<semaphore_mem>>) src(%dma_wait3A_186 : memref<25x128xf32, #tpu.memory_space<vmem>>) dst(%dma_wait3A_183 : memref<25x128xf32, #tpu.memory_space<vmem_shared>>)
      tpu.yield
    }) : () -> ()
    %barrier3A = arith.constant 0 : index
    tpu.barrier barrier_id(%barrier3A)
    "tpu.region"() ({
      %run_scoped3A = tpu.sem_alloc : memref<!tpu.dma_semaphore, #tpu.memory_space<semaphore_mem>>
      %dma_start3A_167 = arith.constant 0 : i32
      %dma_start3A_168 = arith.constant 0 : i32
      %dma_start3A_169 = tpu.memref_slice %arg6[%arg0, %dma_start3A_167, %dma_start3A_168] : memref<2x1x128xf32, #tpu.memory_space<hbm>> -> memref<1x1x128xf32, #tpu.memory_space<hbm>>
      %dma_start3A_170 = tpu.memref_squeeze %dma_start3A_169 : memref<1x1x128xf32, #tpu.memory_space<hbm>> -> memref<1x128xf32, #tpu.memory_space<hbm>>
      %dma_start3A_171 = arith.constant 0 : i32
      %dma_start3A_172 = arith.constant 0 : i32
      %dma_start3A_173 = tpu.memref_slice %arg6[%arg0, %dma_start3A_171, %dma_start3A_172] : memref<2x1x128xf32, #tpu.memory_space<hbm>> -> memref<1x1x128xf32, #tpu.memory_space<hbm>>
      %dma_start3A_174 = tpu.memref_squeeze %dma_start3A_173 : memref<1x1x128xf32, #tpu.memory_space<hbm>> -> memref<1x128xf32, #tpu.memory_space<hbm>>
      tpu.enqueue_dma source(%dma_start3A_174 : memref<1x128xf32, #tpu.memory_space<hbm>>) target(%arg17 : memref<1x128xf32, #tpu.memory_space<vmem>>) target_semaphore(%run_scoped3A : memref<!tpu.dma_semaphore, #tpu.memory_space<semaphore_mem>>)
      %dma_wait3A_175 = arith.constant 0 : i32
      %dma_wait3A_176 = arith.constant 0 : i32
      %dma_wait3A_177 = tpu.memref_slice %arg6[%arg0, %dma_wait3A_175, %dma_wait3A_176] : memref<2x1x128xf32, #tpu.memory_space<hbm>> -> memref<1x1x128xf32, #tpu.memory_space<hbm>>
      %dma_wait3A_178 = tpu.memref_squeeze %dma_wait3A_177 : memref<1x1x128xf32, #tpu.memory_space<hbm>> -> memref<1x128xf32, #tpu.memory_space<hbm>>
      %dma_wait3A_179 = arith.constant 0 : i32
      %dma_wait3A_180 = arith.constant 0 : i32
      %dma_wait3A_181 = tpu.memref_slice %arg6[%arg0, %dma_wait3A_179, %dma_wait3A_180] : memref<2x1x128xf32, #tpu.memory_space<hbm>> -> memref<1x1x128xf32, #tpu.memory_space<hbm>>
      %dma_wait3A_182 = tpu.memref_squeeze %dma_wait3A_181 : memref<1x1x128xf32, #tpu.memory_space<hbm>> -> memref<1x128xf32, #tpu.memory_space<hbm>>
      tpu.wait_dma2 semaphore(%run_scoped3A : memref<!tpu.dma_semaphore, #tpu.memory_space<semaphore_mem>>) src(%dma_wait3A_182 : memref<1x128xf32, #tpu.memory_space<hbm>>) dst(%arg17 : memref<1x128xf32, #tpu.memory_space<vmem>>)
      tpu.yield
    }) : () -> ()
    %get3A = arith.constant 0 : i32
    %get3A_68 = arith.index_cast %get3A : i32 to index
    %get3A_69 = arith.constant 0 : index
    %get3A_70 = tpu.vector_load %arg17[%get3A_68, %get3A_69] {strides = array<i32>} : memref<1x128xf32, #tpu.memory_space<vmem>>, vector<1x16xf32>,
    %get3A_71 = vector.shape_cast %get3A_70 : vector<1x16xf32> to vector<16xf32>
    %get3A_72 = arith.constant 0 : i32
    %get3A_73 = arith.index_cast %get3A_72 : i32 to index
    %get3A_74 = arith.constant 16 : index
    %get3A_75 = tpu.vector_load %arg17[%get3A_73, %get3A_74] {strides = array<i32>} : memref<1x128xf32, #tpu.memory_space<vmem>>, vector<1x16xf32>,
    %get3A_76 = vector.shape_cast %get3A_75 : vector<1x16xf32> to vector<16xf32>
    %get3A_77 = arith.constant 0 : i32
    %get3A_78 = arith.index_cast %get3A_77 : i32 to index
    %get3A_79 = arith.constant 32 : index
    %get3A_80 = tpu.vector_load %arg17[%get3A_78, %get3A_79] {strides = array<i32>} : memref<1x128xf32, #tpu.memory_space<vmem>>, vector<1x16xf32>,
    %get3A_81 = vector.shape_cast %get3A_80 : vector<1x16xf32> to vector<16xf32>
    %get3A_82 = arith.constant 0 : i32
    %get3A_83 = arith.index_cast %get3A_82 : i32 to index
    %get3A_84 = arith.constant 48 : index
    %get3A_85 = tpu.vector_load %arg17[%get3A_83, %get3A_84] {strides = array<i32>} : memref<1x128xf32, #tpu.memory_space<vmem>>, vector<1x16xf32>,
    %get3A_86 = vector.shape_cast %get3A_85 : vector<1x16xf32> to vector<16xf32>
    %get3A_87 = arith.constant 0 : i32
    %get3A_88 = arith.index_cast %get3A_87 : i32 to index
    %get3A_89 = arith.constant 64 : index
    %get3A_90 = tpu.vector_load %arg17[%get3A_88, %get3A_89] {strides = array<i32>} : memref<1x128xf32, #tpu.memory_space<vmem>>, vector<1x16xf32>,
    %get3A_91 = vector.shape_cast %get3A_90 : vector<1x16xf32> to vector<16xf32>
    %get3A_92 = arith.constant 0 : i32
    %get3A_93 = arith.index_cast %get3A_92 : i32 to index
    %get3A_94 = arith.constant 80 : index
    %get3A_95 = tpu.vector_load %arg17[%get3A_93, %get3A_94] {strides = array<i32>} : memref<1x128xf32, #tpu.memory_space<vmem>>, vector<1x16xf32>,
    %get3A_96 = vector.shape_cast %get3A_95 : vector<1x16xf32> to vector<16xf32>
    %get3A_97 = arith.constant 0 : i32
    %get3A_98 = arith.index_cast %get3A_97 : i32 to index
    %get3A_99 = arith.constant 96 : index
    %get3A_100 = tpu.vector_load %arg17[%get3A_98, %get3A_99] {strides = array<i32>} : memref<1x128xf32, #tpu.memory_space<vmem>>, vector<1x16xf32>,
    %get3A_101 = vector.shape_cast %get3A_100 : vector<1x16xf32> to vector<16xf32>
    %get3A_102 = arith.constant 0 : i32
    %get3A_103 = arith.index_cast %get3A_102 : i32 to index
    %get3A_104 = arith.constant 112 : index
    %get3A_105 = tpu.vector_load %arg17[%get3A_103, %get3A_104] {strides = array<i32>} : memref<1x128xf32, #tpu.memory_space<vmem>>, vector<1x16xf32>,
    %get3A_106 = vector.shape_cast %get3A_105 : vector<1x16xf32> to vector<16xf32>
    %mul3A_107 = arith.constant 20000 : i32
    %mul3A_108 = arith.muli %arg1, %mul3A_107 : i32
    %add3A_109 = arith.constant 0 : i32
    %add3A_110 = arith.addi %mul3A_108, %add3A_109 : i32
    %dma_start3A = arith.constant 0 : i32
    %dma_start3A_111 = arith.constant 0 : i32
    %dma_start3A_112 = tpu.memref_slice %arg8[%dma_start3A, %dma_start3A_111] : memref<1x40xi32, #tpu.memory_space<vmem>> -> memref<1x40xi32, #tpu.memory_space<vmem>>
    %dma_start3A_113 = tpu.memref_squeeze %dma_start3A_112 : memref<1x40xi32, #tpu.memory_space<vmem>> -> memref<40xi32, #tpu.memory_space<vmem>>
    %dma_start3A_114 = tpu.memref_slice %arg4[%add3A_110] : memref<320000xi32, #tpu.memory_space<hbm>> -> memref<40xi32, #tpu.memory_space<hbm>>
    %dma_start3A_115 = arith.constant 0 : i32
    %dma_start3A_116 = tpu.memref_slice %arg8[%dma_start3A, %dma_start3A_115] : memref<1x40xi32, #tpu.memory_space<vmem>> -> memref<1x40xi32, #tpu.memory_space<vmem>>
    %dma_start3A_117 = tpu.memref_squeeze %dma_start3A_116 : memref<1x40xi32, #tpu.memory_space<vmem>> -> memref<40xi32, #tpu.memory_space<vmem>>
    %dma_start3A_118 = tpu.memref_slice %arg4[%add3A_110] : memref<320000xi32, #tpu.memory_space<hbm>> -> memref<40xi32, #tpu.memory_space<hbm>>
    tpu.enqueue_dma source(%dma_start3A_118 : memref<40xi32, #tpu.memory_space<hbm>>) target(%dma_start3A_117 : memref<40xi32, #tpu.memory_space<vmem>>) target_semaphore(%arg25 : memref<!tpu.dma_semaphore, #tpu.memory_space<semaphore_mem>>)
    %dma_start3A_119 = arith.constant 0 : i32
    %dma_start3A_120 = arith.constant 0 : i32
    %dma_start3A_121 = tpu.memref_slice %arg9[%dma_start3A_119, %dma_start3A_120] : memref<1x40xi32, #tpu.memory_space<vmem>> -> memref<1x40xi32, #tpu.memory_space<vmem>>
    %dma_start3A_122 = tpu.memref_squeeze %dma_start3A_121 : memref<1x40xi32, #tpu.memory_space<vmem>> -> memref<40xi32, #tpu.memory_space<vmem>>
    %dma_start3A_123 = tpu.memref_slice %arg5[%add3A_110] : memref<320000xi32, #tpu.memory_space<hbm>> -> memref<40xi32, #tpu.memory_space<hbm>>
    %dma_start3A_124 = arith.constant 0 : i32
    %dma_start3A_125 = tpu.memref_slice %arg9[%dma_start3A_119, %dma_start3A_124] : memref<1x40xi32, #tpu.memory_space<vmem>> -> memref<1x40xi32, #tpu.memory_space<vmem>>
    %dma_start3A_126 = tpu.memref_squeeze %dma_start3A_125 : memref<1x40xi32, #tpu.memory_space<vmem>> -> memref<40xi32, #tpu.memory_space<vmem>>
    %dma_start3A_127 = tpu.memref_slice %arg5[%add3A_110] : memref<320000xi32, #tpu.memory_space<hbm>> -> memref<40xi32, #tpu.memory_space<hbm>>
    tpu.enqueue_dma source(%dma_start3A_127 : memref<40xi32, #tpu.memory_space<hbm>>) target(%dma_start3A_126 : memref<40xi32, #tpu.memory_space<vmem>>) target_semaphore(%arg26 : memref<!tpu.dma_semaphore, #tpu.memory_space<semaphore_mem>>)
    %dma_wait3A = arith.constant 0 : i32
    %dma_wait3A_128 = arith.constant 0 : i32
    %dma_wait3A_129 = tpu.memref_slice %arg8[%dma_wait3A, %dma_wait3A_128] : memref<1x40xi32, #tpu.memory_space<vmem>> -> memref<1x40xi32, #tpu.memory_space<vmem>>
    %dma_wait3A_130 = tpu.memref_squeeze %dma_wait3A_129 : memref<1x40xi32, #tpu.memory_space<vmem>> -> memref<40xi32, #tpu.memory_space<vmem>>
    %dma_wait3A_131 = tpu.memref_slice %arg4[%add3A_110] : memref<320000xi32, #tpu.memory_space<hbm>> -> memref<40xi32, #tpu.memory_space<hbm>>
    %dma_wait3A_132 = arith.constant 0 : i32
    %dma_wait3A_133 = tpu.memref_slice %arg8[%dma_wait3A, %dma_wait3A_132] : memref<1x40xi32, #tpu.memory_space<vmem>> -> memref<1x40xi32, #tpu.memory_space<vmem>>
    %dma_wait3A_134 = tpu.memref_squeeze %dma_wait3A_133 : memref<1x40xi32, #tpu.memory_space<vmem>> -> memref<40xi32, #tpu.memory_space<vmem>>
    %dma_wait3A_135 = tpu.memref_slice %arg4[%add3A_110] : memref<320000xi32, #tpu.memory_space<hbm>> -> memref<40xi32, #tpu.memory_space<hbm>>
    tpu.wait_dma2 semaphore(%arg25 : memref<!tpu.dma_semaphore, #tpu.memory_space<semaphore_mem>>) src(%dma_wait3A_135 : memref<40xi32, #tpu.memory_space<hbm>>) dst(%dma_wait3A_134 : memref<40xi32, #tpu.memory_space<vmem>>)
    %dma_wait3A_136 = arith.constant 0 : i32
    %dma_wait3A_137 = arith.constant 0 : i32
    %dma_wait3A_138 = tpu.memref_slice %arg9[%dma_wait3A_136, %dma_wait3A_137] : memref<1x40xi32, #tpu.memory_space<vmem>> -> memref<1x40xi32, #tpu.memory_space<vmem>>
    %dma_wait3A_139 = tpu.memref_squeeze %dma_wait3A_138 : memref<1x40xi32, #tpu.memory_space<vmem>> -> memref<40xi32, #tpu.memory_space<vmem>>
    %dma_wait3A_140 = tpu.memref_slice %arg5[%add3A_110] : memref<320000xi32, #tpu.memory_space<hbm>> -> memref<40xi32, #tpu.memory_space<hbm>>
    %dma_wait3A_141 = arith.constant 0 : i32
    %dma_wait3A_142 = tpu.memref_slice %arg9[%dma_wait3A_136, %dma_wait3A_141] : memref<1x40xi32, #tpu.memory_space<vmem>> -> memref<1x40xi32, #tpu.memory_space<vmem>>
    %dma_wait3A_143 = tpu.memref_squeeze %dma_wait3A_142 : memref<1x40xi32, #tpu.memory_space<vmem>> -> memref<40xi32, #tpu.memory_space<vmem>>
    %dma_wait3A_144 = tpu.memref_slice %arg5[%add3A_110] : memref<320000xi32, #tpu.memory_space<hbm>> -> memref<40xi32, #tpu.memory_space<hbm>>
    tpu.wait_dma2 semaphore(%arg26 : memref<!tpu.dma_semaphore, #tpu.memory_space<semaphore_mem>>) src(%dma_wait3A_144 : memref<40xi32, #tpu.memory_space<hbm>>) dst(%dma_wait3A_143 : memref<40xi32, #tpu.memory_space<vmem>>)
    %eq3A = arith.constant 0 : i32
    %eq3A_145 = arith.cmpi eq, %arg0, %eq3A : i32
    %convert_element_type3A = arith.extui %eq3A_145 : i1 to i32
    %cond3A = arith.constant 0 : i32
    %cond3A_146 = arith.cmpi ne, %convert_element_type3A, %cond3A : i32
    scf.if %cond3A_146 {
      %dma_start3A_167 = arith.constant 0 : i32
      %dma_start3A_168 = arith.constant 0 : i32
      %dma_start3A_169 = arith.constant 0 : i32
      %dma_start3A_170 = tpu.memref_slice %arg12[%dma_start3A_168, %dma_start3A_169] : memref<40x256xf32, #tpu.memory_space<vmem>> -> memref<8x256xf32, #tpu.memory_space<vmem>>
      %dma_start3A_171 = arith.constant 0 : i32
      %dma_start3A_172 = tpu.memref_slice %arg8[%dma_start3A_167, %dma_start3A_171] : memref<1x40xi32, #tpu.memory_space<vmem>> -> memref<1x8xi32, #tpu.memory_space<vmem>>
      %dma_start3A_173 = tpu.memref_squeeze %dma_start3A_172 : memref<1x8xi32, #tpu.memory_space<vmem>> -> memref<8xi32, #tpu.memory_space<vmem>>
      %dma_start3A_174 = arith.constant 0 : i32
      %dma_start3A_175 = arith.constant 0 : i32
      %dma_start3A_176 = tpu.memref_slice %arg2[%dma_start3A_174, %dma_start3A_175] : memref<10000x256xf32, #tpu.memory_space<hbm>> -> memref<10000x256xf32, #tpu.memory_space<hbm>>
      tpu.enqueue_indirect_dma source(%dma_start3A_176 : memref<10000x256xf32, #tpu.memory_space<hbm>>) target(%dma_start3A_170 : memref<8x256xf32, #tpu.memory_space<vmem>>) offsets(%dma_start3A_173 : memref<8xi32, #tpu.memory_space<vmem>>) semaphore(%arg19 : memref<!tpu.dma_semaphore, #tpu.memory_space<semaphore_mem>>)
      %dma_start3A_177 = arith.constant 0 : i32
      %dma_start3A_178 = arith.constant 0 : i32
      %dma_start3A_179 = arith.constant 0 : i32
      %dma_start3A_180 = tpu.memref_slice %arg13[%dma_start3A_178, %dma_start3A_179] : memref<40x256xf32, #tpu.memory_space<vmem>> -> memref<8x256xf32, #tpu.memory_space<vmem>>
      %dma_start3A_181 = arith.constant 0 : i32
      %dma_start3A_182 = tpu.memref_slice %arg9[%dma_start3A_177, %dma_start3A_181] : memref<1x40xi32, #tpu.memory_space<vmem>> -> memref<1x8xi32, #tpu.memory_space<vmem>>
      %dma_start3A_183 = tpu.memref_squeeze %dma_start3A_182 : memref<1x8xi32, #tpu.memory_space<vmem>> -> memref<8xi32, #tpu.memory_space<vmem>>
      %dma_start3A_184 = arith.constant 0 : i32
      %dma_start3A_185 = arith.constant 0 : i32
      %dma_start3A_186 = tpu.memref_slice %arg2[%dma_start3A_184, %dma_start3A_185] : memref<10000x256xf32, #tpu.memory_space<hbm>> -> memref<10000x256xf32, #tpu.memory_space<hbm>>
      tpu.enqueue_indirect_dma source(%dma_start3A_186 : memref<10000x256xf32, #tpu.memory_space<hbm>>) target(%dma_start3A_180 : memref<8x256xf32, #tpu.memory_space<vmem>>) offsets(%dma_start3A_183 : memref<8xi32, #tpu.memory_space<vmem>>) semaphore(%arg20 : memref<!tpu.dma_semaphore, #tpu.memory_space<semaphore_mem>>)
      %dma_start3A_187 = arith.constant 0 : i32
      %dma_start3A_188 = arith.constant 8 : i32
      %dma_start3A_189 = arith.constant 0 : i32
      %dma_start3A_190 = tpu.memref_slice %arg12[%dma_start3A_188, %dma_start3A_189] : memref<40x256xf32, #tpu.memory_space<vmem>> -> memref<8x256xf32, #tpu.memory_space<vmem>>
      %dma_start3A_191 = arith.constant 8 : i32
      %dma_start3A_192 = tpu.memref_slice %arg8[%dma_start3A_187, %dma_start3A_191] : memref<1x40xi32, #tpu.memory_space<vmem>> -> memref<1x8xi32, #tpu.memory_space<vmem>>
      %dma_start3A_193 = tpu.memref_squeeze %dma_start3A_192 : memref<1x8xi32, #tpu.memory_space<vmem>> -> memref<8xi32, #tpu.memory_space<vmem>>
      %dma_start3A_194 = arith.constant 0 : i32
      %dma_start3A_195 = arith.constant 0 : i32
      %dma_start3A_196 = tpu.memref_slice %arg2[%dma_start3A_194, %dma_start3A_195] : memref<10000x256xf32, #tpu.memory_space<hbm>> -> memref<10000x256xf32, #tpu.memory_space<hbm>>
      tpu.enqueue_indirect_dma source(%dma_start3A_196 : memref<10000x256xf32, #tpu.memory_space<hbm>>) target(%dma_start3A_190 : memref<8x256xf32, #tpu.memory_space<vmem>>) offsets(%dma_start3A_193 : memref<8xi32, #tpu.memory_space<vmem>>) semaphore(%arg19 : memref<!tpu.dma_semaphore, #tpu.memory_space<semaphore_mem>>)
      %dma_start3A_197 = arith.constant 0 : i32
      %dma_start3A_198 = arith.constant 8 : i32
      %dma_start3A_199 = arith.constant 0 : i32
      %dma_start3A_200 = tpu.memref_slice %arg13[%dma_start3A_198, %dma_start3A_199] : memref<40x256xf32, #tpu.memory_space<vmem>> -> memref<8x256xf32, #tpu.memory_space<vmem>>
      %dma_start3A_201 = arith.constant 8 : i32
      %dma_start3A_202 = tpu.memref_slice %arg9[%dma_start3A_197, %dma_start3A_201] : memref<1x40xi32, #tpu.memory_space<vmem>> -> memref<1x8xi32, #tpu.memory_space<vmem>>
      %dma_start3A_203 = tpu.memref_squeeze %dma_start3A_202 : memref<1x8xi32, #tpu.memory_space<vmem>> -> memref<8xi32, #tpu.memory_space<vmem>>
      %dma_start3A_204 = arith.constant 0 : i32
      %dma_start3A_205 = arith.constant 0 : i32
      %dma_start3A_206 = tpu.memref_slice %arg2[%dma_start3A_204, %dma_start3A_205] : memref<10000x256xf32, #tpu.memory_space<hbm>> -> memref<10000x256xf32, #tpu.memory_space<hbm>>
      tpu.enqueue_indirect_dma source(%dma_start3A_206 : memref<10000x256xf32, #tpu.memory_space<hbm>>) target(%dma_start3A_200 : memref<8x256xf32, #tpu.memory_space<vmem>>) offsets(%dma_start3A_203 : memref<8xi32, #tpu.memory_space<vmem>>) semaphore(%arg20 : memref<!tpu.dma_semaphore, #tpu.memory_space<semaphore_mem>>)
      %dma_start3A_207 = arith.constant 0 : i32
      %dma_start3A_208 = arith.constant 16 : i32
      %dma_start3A_209 = arith.constant 0 : i32
      %dma_start3A_210 = tpu.memref_slice %arg12[%dma_start3A_208, %dma_start3A_209] : memref<40x256xf32, #tpu.memory_space<vmem>> -> memref<8x256xf32, #tpu.memory_space<vmem>>
      %dma_start3A_211 = arith.constant 16 : i32
      %dma_start3A_212 = tpu.memref_slice %arg8[%dma_start3A_207, %dma_start3A_211] : memref<1x40xi32, #tpu.memory_space<vmem>> -> memref<1x8xi32, #tpu.memory_space<vmem>>
      %dma_start3A_213 = tpu.memref_squeeze %dma_start3A_212 : memref<1x8xi32, #tpu.memory_space<vmem>> -> memref<8xi32, #tpu.memory_space<vmem>>
      %dma_start3A_214 = arith.constant 0 : i32
      %dma_start3A_215 = arith.constant 0 : i32
      %dma_start3A_216 = tpu.memref_slice %arg2[%dma_start3A_214, %dma_start3A_215] : memref<10000x256xf32, #tpu.memory_space<hbm>> -> memref<10000x256xf32, #tpu.memory_space<hbm>>
      tpu.enqueue_indirect_dma source(%dma_start3A_216 : memref<10000x256xf32, #tpu.memory_space<hbm>>) target(%dma_start3A_210 : memref<8x256xf32, #tpu.memory_space<vmem>>) offsets(%dma_start3A_213 : memref<8xi32, #tpu.memory_space<vmem>>) semaphore(%arg19 : memref<!tpu.dma_semaphore, #tpu.memory_space<semaphore_mem>>)
      %dma_start3A_217 = arith.constant 0 : i32
      %dma_start3A_218 = arith.constant 16 : i32
      %dma_start3A_219 = arith.constant 0 : i32
      %dma_start3A_220 = tpu.memref_slice %arg13[%dma_start3A_218, %dma_start3A_219] : memref<40x256xf32, #tpu.memory_space<vmem>> -> memref<8x256xf32, #tpu.memory_space<vmem>>
      %dma_start3A_221 = arith.constant 16 : i32
      %dma_start3A_222 = tpu.memref_slice %arg9[%dma_start3A_217, %dma_start3A_221] : memref<1x40xi32, #tpu.memory_space<vmem>> -> memref<1x8xi32, #tpu.memory_space<vmem>>
      %dma_start3A_223 = tpu.memref_squeeze %dma_start3A_222 : memref<1x8xi32, #tpu.memory_space<vmem>> -> memref<8xi32, #tpu.memory_space<vmem>>
      %dma_start3A_224 = arith.constant 0 : i32
      %dma_start3A_225 = arith.constant 0 : i32
      %dma_start3A_226 = tpu.memref_slice %arg2[%dma_start3A_224, %dma_start3A_225] : memref<10000x256xf32, #tpu.memory_space<hbm>> -> memref<10000x256xf32, #tpu.memory_space<hbm>>
      tpu.enqueue_indirect_dma source(%dma_start3A_226 : memref<10000x256xf32, #tpu.memory_space<hbm>>) target(%dma_start3A_220 : memref<8x256xf32, #tpu.memory_space<vmem>>) offsets(%dma_start3A_223 : memref<8xi32, #tpu.memory_space<vmem>>) semaphore(%arg20 : memref<!tpu.dma_semaphore, #tpu.memory_space<semaphore_mem>>)
      %dma_start3A_227 = arith.constant 0 : i32
      %dma_start3A_228 = arith.constant 24 : i32
      %dma_start3A_229 = arith.constant 0 : i32
      %dma_start3A_230 = tpu.memref_slice %arg12[%dma_start3A_228, %dma_start3A_229] : memref<40x256xf32, #tpu.memory_space<vmem>> -> memref<8x256xf32, #tpu.memory_space<vmem>>
      %dma_start3A_231 = arith.constant 24 : i32
      %dma_start3A_232 = tpu.memref_slice %arg8[%dma_start3A_227, %dma_start3A_231] : memref<1x40xi32, #tpu.memory_space<vmem>> -> memref<1x8xi32, #tpu.memory_space<vmem>>
      %dma_start3A_233 = tpu.memref_squeeze %dma_start3A_232 : memref<1x8xi32, #tpu.memory_space<vmem>> -> memref<8xi32, #tpu.memory_space<vmem>>
      %dma_start3A_234 = arith.constant 0 : i32
      %dma_start3A_235 = arith.constant 0 : i32
      %dma_start3A_236 = tpu.memref_slice %arg2[%dma_start3A_234, %dma_start3A_235] : memref<10000x256xf32, #tpu.memory_space<hbm>> -> memref<10000x256xf32, #tpu.memory_space<hbm>>
      tpu.enqueue_indirect_dma source(%dma_start3A_236 : memref<10000x256xf32, #tpu.memory_space<hbm>>) target(%dma_start3A_230 : memref<8x256xf32, #tpu.memory_space<vmem>>) offsets(%dma_start3A_233 : memref<8xi32, #tpu.memory_space<vmem>>) semaphore(%arg19 : memref<!tpu.dma_semaphore, #tpu.memory_space<semaphore_mem>>)
      %dma_start3A_237 = arith.constant 0 : i32
      %dma_start3A_238 = arith.constant 24 : i32
      %dma_start3A_239 = arith.constant 0 : i32
      %dma_start3A_240 = tpu.memref_slice %arg13[%dma_start3A_238, %dma_start3A_239] : memref<40x256xf32, #tpu.memory_space<vmem>> -> memref<8x256xf32, #tpu.memory_space<vmem>>
      %dma_start3A_241 = arith.constant 24 : i32
      %dma_start3A_242 = tpu.memref_slice %arg9[%dma_start3A_237, %dma_start3A_241] : memref<1x40xi32, #tpu.memory_space<vmem>> -> memref<1x8xi32, #tpu.memory_space<vmem>>
      %dma_start3A_243 = tpu.memref_squeeze %dma_start3A_242 : memref<1x8xi32, #tpu.memory_space<vmem>> -> memref<8xi32, #tpu.memory_space<vmem>>
      %dma_start3A_244 = arith.constant 0 : i32
      %dma_start3A_245 = arith.constant 0 : i32
      %dma_start3A_246 = tpu.memref_slice %arg2[%dma_start3A_244, %dma_start3A_245] : memref<10000x256xf32, #tpu.memory_space<hbm>> -> memref<10000x256xf32, #tpu.memory_space<hbm>>
      tpu.enqueue_indirect_dma source(%dma_start3A_246 : memref<10000x256xf32, #tpu.memory_space<hbm>>) target(%dma_start3A_240 : memref<8x256xf32, #tpu.memory_space<vmem>>) offsets(%dma_start3A_243 : memref<8xi32, #tpu.memory_space<vmem>>) semaphore(%arg20 : memref<!tpu.dma_semaphore, #tpu.memory_space<semaphore_mem>>)
      %dma_start3A_247 = arith.constant 0 : i32
      %dma_start3A_248 = arith.constant 32 : i32
      %dma_start3A_249 = arith.constant 0 : i32
      %dma_start3A_250 = tpu.memref_slice %arg12[%dma_start3A_248, %dma_start3A_249] : memref<40x256xf32, #tpu.memory_space<vmem>> -> memref<8x256xf32, #tpu.memory_space<vmem>>
      %dma_start3A_251 = arith.constant 32 : i32
      %dma_start3A_252 = tpu.memref_slice %arg8[%dma_start3A_247, %dma_start3A_251] : memref<1x40xi32, #tpu.memory_space<vmem>> -> memref<1x8xi32, #tpu.memory_space<vmem>>
      %dma_start3A_253 = tpu.memref_squeeze %dma_start3A_252 : memref<1x8xi32, #tpu.memory_space<vmem>> -> memref<8xi32, #tpu.memory_space<vmem>>
      %dma_start3A_254 = arith.constant 0 : i32
      %dma_start3A_255 = arith.constant 0 : i32
      %dma_start3A_256 = tpu.memref_slice %arg2[%dma_start3A_254, %dma_start3A_255] : memref<10000x256xf32, #tpu.memory_space<hbm>> -> memref<10000x256xf32, #tpu.memory_space<hbm>>
      tpu.enqueue_indirect_dma source(%dma_start3A_256 : memref<10000x256xf32, #tpu.memory_space<hbm>>) target(%dma_start3A_250 : memref<8x256xf32, #tpu.memory_space<vmem>>) offsets(%dma_start3A_253 : memref<8xi32, #tpu.memory_space<vmem>>) semaphore(%arg19 : memref<!tpu.dma_semaphore, #tpu.memory_space<semaphore_mem>>)
      %dma_start3A_257 = arith.constant 0 : i32
      %dma_start3A_258 = arith.constant 32 : i32
      %dma_start3A_259 = arith.constant 0 : i32
      %dma_start3A_260 = tpu.memref_slice %arg13[%dma_start3A_258, %dma_start3A_259] : memref<40x256xf32, #tpu.memory_space<vmem>> -> memref<8x256xf32, #tpu.memory_space<vmem>>
      %dma_start3A_261 = arith.constant 32 : i32
      %dma_start3A_262 = tpu.memref_slice %arg9[%dma_start3A_257, %dma_start3A_261] : memref<1x40xi32, #tpu.memory_space<vmem>> -> memref<1x8xi32, #tpu.memory_space<vmem>>
      %dma_start3A_263 = tpu.memref_squeeze %dma_start3A_262 : memref<1x8xi32, #tpu.memory_space<vmem>> -> memref<8xi32, #tpu.memory_space<vmem>>
      %dma_start3A_264 = arith.constant 0 : i32
      %dma_start3A_265 = arith.constant 0 : i32
      %dma_start3A_266 = tpu.memref_slice %arg2[%dma_start3A_264, %dma_start3A_265] : memref<10000x256xf32, #tpu.memory_space<hbm>> -> memref<10000x256xf32, #tpu.memory_space<hbm>>
      tpu.enqueue_indirect_dma source(%dma_start3A_266 : memref<10000x256xf32, #tpu.memory_space<hbm>>) target(%dma_start3A_260 : memref<8x256xf32, #tpu.memory_space<vmem>>) offsets(%dma_start3A_263 : memref<8xi32, #tpu.memory_space<vmem>>) semaphore(%arg20 : memref<!tpu.dma_semaphore, #tpu.memory_space<semaphore_mem>>)
    } else {
    }
    %eq3A_147 = arith.constant 1 : i32
    %eq3A_148 = arith.cmpi eq, %arg0, %eq3A_147 : i32
    %convert_element_type3A_149 = arith.extui %eq3A_148 : i1 to i32
    %cond3A_150 = arith.constant 0 : i32
    %cond3A_151 = arith.cmpi ne, %convert_element_type3A_149, %cond3A_150 : i32
    scf.if %cond3A_151 {
      %dma_start3A_167 = arith.constant 0 : i32
      %dma_start3A_168 = arith.constant 0 : i32
      %dma_start3A_169 = arith.constant 0 : i32
      %dma_start3A_170 = tpu.memref_slice %arg12[%dma_start3A_168, %dma_start3A_169] : memref<40x256xf32, #tpu.memory_space<vmem>> -> memref<8x256xf32, #tpu.memory_space<vmem>>
      %dma_start3A_171 = arith.constant 0 : i32
      %dma_start3A_172 = tpu.memref_slice %arg8[%dma_start3A_167, %dma_start3A_171] : memref<1x40xi32, #tpu.memory_space<vmem>> -> memref<1x8xi32, #tpu.memory_space<vmem>>
      %dma_start3A_173 = tpu.memref_squeeze %dma_start3A_172 : memref<1x8xi32, #tpu.memory_space<vmem>> -> memref<8xi32, #tpu.memory_space<vmem>>
      %dma_start3A_174 = arith.constant 0 : i32
      %dma_start3A_175 = arith.constant 0 : i32
      %dma_start3A_176 = tpu.memref_slice %arg3[%dma_start3A_174, %dma_start3A_175] : memref<10000x256xf32, #tpu.memory_space<hbm>> -> memref<10000x256xf32, #tpu.memory_space<hbm>>
      tpu.enqueue_indirect_dma source(%dma_start3A_176 : memref<10000x256xf32, #tpu.memory_space<hbm>>) target(%dma_start3A_170 : memref<8x256xf32, #tpu.memory_space<vmem>>) offsets(%dma_start3A_173 : memref<8xi32, #tpu.memory_space<vmem>>) semaphore(%arg19 : memref<!tpu.dma_semaphore, #tpu.memory_space<semaphore_mem>>)
      %dma_start3A_177 = arith.constant 0 : i32
      %dma_start3A_178 = arith.constant 0 : i32
      %dma_start3A_179 = arith.constant 0 : i32
      %dma_start3A_180 = tpu.memref_slice %arg13[%dma_start3A_178, %dma_start3A_179] : memref<40x256xf32, #tpu.memory_space<vmem>> -> memref<8x256xf32, #tpu.memory_space<vmem>>
      %dma_start3A_181 = arith.constant 0 : i32
      %dma_start3A_182 = tpu.memref_slice %arg9[%dma_start3A_177, %dma_start3A_181] : memref<1x40xi32, #tpu.memory_space<vmem>> -> memref<1x8xi32, #tpu.memory_space<vmem>>
      %dma_start3A_183 = tpu.memref_squeeze %dma_start3A_182 : memref<1x8xi32, #tpu.memory_space<vmem>> -> memref<8xi32, #tpu.memory_space<vmem>>
      %dma_start3A_184 = arith.constant 0 : i32
      %dma_start3A_185 = arith.constant 0 : i32
      %dma_start3A_186 = tpu.memref_slice %arg3[%dma_start3A_184, %dma_start3A_185] : memref<10000x256xf32, #tpu.memory_space<hbm>> -> memref<10000x256xf32, #tpu.memory_space<hbm>>
      tpu.enqueue_indirect_dma source(%dma_start3A_186 : memref<10000x256xf32, #tpu.memory_space<hbm>>) target(%dma_start3A_180 : memref<8x256xf32, #tpu.memory_space<vmem>>) offsets(%dma_start3A_183 : memref<8xi32, #tpu.memory_space<vmem>>) semaphore(%arg20 : memref<!tpu.dma_semaphore, #tpu.memory_space<semaphore_mem>>)
      %dma_start3A_187 = arith.constant 0 : i32
      %dma_start3A_188 = arith.constant 8 : i32
      %dma_start3A_189 = arith.constant 0 : i32
      %dma_start3A_190 = tpu.memref_slice %arg12[%dma_start3A_188, %dma_start3A_189] : memref<40x256xf32, #tpu.memory_space<vmem>> -> memref<8x256xf32, #tpu.memory_space<vmem>>
      %dma_start3A_191 = arith.constant 8 : i32
      %dma_start3A_192 = tpu.memref_slice %arg8[%dma_start3A_187, %dma_start3A_191] : memref<1x40xi32, #tpu.memory_space<vmem>> -> memref<1x8xi32, #tpu.memory_space<vmem>>
      %dma_start3A_193 = tpu.memref_squeeze %dma_start3A_192 : memref<1x8xi32, #tpu.memory_space<vmem>> -> memref<8xi32, #tpu.memory_space<vmem>>
      %dma_start3A_194 = arith.constant 0 : i32
      %dma_start3A_195 = arith.constant 0 : i32
      %dma_start3A_196 = tpu.memref_slice %arg3[%dma_start3A_194, %dma_start3A_195] : memref<10000x256xf32, #tpu.memory_space<hbm>> -> memref<10000x256xf32, #tpu.memory_space<hbm>>
      tpu.enqueue_indirect_dma source(%dma_start3A_196 : memref<10000x256xf32, #tpu.memory_space<hbm>>) target(%dma_start3A_190 : memref<8x256xf32, #tpu.memory_space<vmem>>) offsets(%dma_start3A_193 : memref<8xi32, #tpu.memory_space<vmem>>) semaphore(%arg19 : memref<!tpu.dma_semaphore, #tpu.memory_space<semaphore_mem>>)
      %dma_start3A_197 = arith.constant 0 : i32
      %dma_start3A_198 = arith.constant 8 : i32
      %dma_start3A_199 = arith.constant 0 : i32
      %dma_start3A_200 = tpu.memref_slice %arg13[%dma_start3A_198, %dma_start3A_199] : memref<40x256xf32, #tpu.memory_space<vmem>> -> memref<8x256xf32, #tpu.memory_space<vmem>>
      %dma_start3A_201 = arith.constant 8 : i32
      %dma_start3A_202 = tpu.memref_slice %arg9[%dma_start3A_197, %dma_start3A_201] : memref<1x40xi32, #tpu.memory_space<vmem>> -> memref<1x8xi32, #tpu.memory_space<vmem>>
      %dma_start3A_203 = tpu.memref_squeeze %dma_start3A_202 : memref<1x8xi32, #tpu.memory_space<vmem>> -> memref<8xi32, #tpu.memory_space<vmem>>
      %dma_start3A_204 = arith.constant 0 : i32
      %dma_start3A_205 = arith.constant 0 : i32
      %dma_start3A_206 = tpu.memref_slice %arg3[%dma_start3A_204, %dma_start3A_205] : memref<10000x256xf32, #tpu.memory_space<hbm>> -> memref<10000x256xf32, #tpu.memory_space<hbm>>
      tpu.enqueue_indirect_dma source(%dma_start3A_206 : memref<10000x256xf32, #tpu.memory_space<hbm>>) target(%dma_start3A_200 : memref<8x256xf32, #tpu.memory_space<vmem>>) offsets(%dma_start3A_203 : memref<8xi32, #tpu.memory_space<vmem>>) semaphore(%arg20 : memref<!tpu.dma_semaphore, #tpu.memory_space<semaphore_mem>>)
      %dma_start3A_207 = arith.constant 0 : i32
      %dma_start3A_208 = arith.constant 16 : i32
      %dma_start3A_209 = arith.constant 0 : i32
      %dma_start3A_210 = tpu.memref_slice %arg12[%dma_start3A_208, %dma_start3A_209] : memref<40x256xf32, #tpu.memory_space<vmem>> -> memref<8x256xf32, #tpu.memory_space<vmem>>
      %dma_start3A_211 = arith.constant 16 : i32
      %dma_start3A_212 = tpu.memref_slice %arg8[%dma_start3A_207, %dma_start3A_211] : memref<1x40xi32, #tpu.memory_space<vmem>> -> memref<1x8xi32, #tpu.memory_space<vmem>>
      %dma_start3A_213 = tpu.memref_squeeze %dma_start3A_212 : memref<1x8xi32, #tpu.memory_space<vmem>> -> memref<8xi32, #tpu.memory_space<vmem>>
      %dma_start3A_214 = arith.constant 0 : i32
      %dma_start3A_215 = arith.constant 0 : i32
      %dma_start3A_216 = tpu.memref_slice %arg3[%dma_start3A_214, %dma_start3A_215] : memref<10000x256xf32, #tpu.memory_space<hbm>> -> memref<10000x256xf32, #tpu.memory_space<hbm>>
      tpu.enqueue_indirect_dma source(%dma_start3A_216 : memref<10000x256xf32, #tpu.memory_space<hbm>>) target(%dma_start3A_210 : memref<8x256xf32, #tpu.memory_space<vmem>>) offsets(%dma_start3A_213 : memref<8xi32, #tpu.memory_space<vmem>>) semaphore(%arg19 : memref<!tpu.dma_semaphore, #tpu.memory_space<semaphore_mem>>)
      %dma_start3A_217 = arith.constant 0 : i32
      %dma_start3A_218 = arith.constant 16 : i32
      %dma_start3A_219 = arith.constant 0 : i32
      %dma_start3A_220 = tpu.memref_slice %arg13[%dma_start3A_218, %dma_start3A_219] : memref<40x256xf32, #tpu.memory_space<vmem>> -> memref<8x256xf32, #tpu.memory_space<vmem>>
      %dma_start3A_221 = arith.constant 16 : i32
      %dma_start3A_222 = tpu.memref_slice %arg9[%dma_start3A_217, %dma_start3A_221] : memref<1x40xi32, #tpu.memory_space<vmem>> -> memref<1x8xi32, #tpu.memory_space<vmem>>
      %dma_start3A_223 = tpu.memref_squeeze %dma_start3A_222 : memref<1x8xi32, #tpu.memory_space<vmem>> -> memref<8xi32, #tpu.memory_space<vmem>>
      %dma_start3A_224 = arith.constant 0 : i32
      %dma_start3A_225 = arith.constant 0 : i32
      %dma_start3A_226 = tpu.memref_slice %arg3[%dma_start3A_224, %dma_start3A_225] : memref<10000x256xf32, #tpu.memory_space<hbm>> -> memref<10000x256xf32, #tpu.memory_space<hbm>>
      tpu.enqueue_indirect_dma source(%dma_start3A_226 : memref<10000x256xf32, #tpu.memory_space<hbm>>) target(%dma_start3A_220 : memref<8x256xf32, #tpu.memory_space<vmem>>) offsets(%dma_start3A_223 : memref<8xi32, #tpu.memory_space<vmem>>) semaphore(%arg20 : memref<!tpu.dma_semaphore, #tpu.memory_space<semaphore_mem>>)
      %dma_start3A_227 = arith.constant 0 : i32
      %dma_start3A_228 = arith.constant 24 : i32
      %dma_start3A_229 = arith.constant 0 : i32
      %dma_start3A_230 = tpu.memref_slice %arg12[%dma_start3A_228, %dma_start3A_229] : memref<40x256xf32, #tpu.memory_space<vmem>> -> memref<8x256xf32, #tpu.memory_space<vmem>>
      %dma_start3A_231 = arith.constant 24 : i32
      %dma_start3A_232 = tpu.memref_slice %arg8[%dma_start3A_227, %dma_start3A_231] : memref<1x40xi32, #tpu.memory_space<vmem>> -> memref<1x8xi32, #tpu.memory_space<vmem>>
      %dma_start3A_233 = tpu.memref_squeeze %dma_start3A_232 : memref<1x8xi32, #tpu.memory_space<vmem>> -> memref<8xi32, #tpu.memory_space<vmem>>
      %dma_start3A_234 = arith.constant 0 : i32
      %dma_start3A_235 = arith.constant 0 : i32
      %dma_start3A_236 = tpu.memref_slice %arg3[%dma_start3A_234, %dma_start3A_235] : memref<10000x256xf32, #tpu.memory_space<hbm>> -> memref<10000x256xf32, #tpu.memory_space<hbm>>
      tpu.enqueue_indirect_dma source(%dma_start3A_236 : memref<10000x256xf32, #tpu.memory_space<hbm>>) target(%dma_start3A_230 : memref<8x256xf32, #tpu.memory_space<vmem>>) offsets(%dma_start3A_233 : memref<8xi32, #tpu.memory_space<vmem>>) semaphore(%arg19 : memref<!tpu.dma_semaphore, #tpu.memory_space<semaphore_mem>>)
      %dma_start3A_237 = arith.constant 0 : i32
      %dma_start3A_238 = arith.constant 24 : i32
      %dma_start3A_239 = arith.constant 0 : i32
      %dma_start3A_240 = tpu.memref_slice %arg13[%dma_start3A_238, %dma_start3A_239] : memref<40x256xf32, #tpu.memory_space<vmem>> -> memref<8x256xf32, #tpu.memory_space<vmem>>
      %dma_start3A_241 = arith.constant 24 : i32
      %dma_start3A_242 = tpu.memref_slice %arg9[%dma_start3A_237, %dma_start3A_241] : memref<1x40xi32, #tpu.memory_space<vmem>> -> memref<1x8xi32, #tpu.memory_space<vmem>>
      %dma_start3A_243 = tpu.memref_squeeze %dma_start3A_242 : memref<1x8xi32, #tpu.memory_space<vmem>> -> memref<8xi32, #tpu.memory_space<vmem>>
      %dma_start3A_244 = arith.constant 0 : i32
      %dma_start3A_245 = arith.constant 0 : i32
      %dma_start3A_246 = tpu.memref_slice %arg3[%dma_start3A_244, %dma_start3A_245] : memref<10000x256xf32, #tpu.memory_space<hbm>> -> memref<10000x256xf32, #tpu.memory_space<hbm>>
      tpu.enqueue_indirect_dma source(%dma_start3A_246 : memref<10000x256xf32, #tpu.memory_space<hbm>>) target(%dma_start3A_240 : memref<8x256xf32, #tpu.memory_space<vmem>>) offsets(%dma_start3A_243 : memref<8xi32, #tpu.memory_space<vmem>>) semaphore(%arg20 : memref<!tpu.dma_semaphore, #tpu.memory_space<semaphore_mem>>)
      %dma_start3A_247 = arith.constant 0 : i32
      %dma_start3A_248 = arith.constant 32 : i32
      %dma_start3A_249 = arith.constant 0 : i32
      %dma_start3A_250 = tpu.memref_slice %arg12[%dma_start3A_248, %dma_start3A_249] : memref<40x256xf32, #tpu.memory_space<vmem>> -> memref<8x256xf32, #tpu.memory_space<vmem>>
      %dma_start3A_251 = arith.constant 32 : i32
      %dma_start3A_252 = tpu.memref_slice %arg8[%dma_start3A_247, %dma_start3A_251] : memref<1x40xi32, #tpu.memory_space<vmem>> -> memref<1x8xi32, #tpu.memory_space<vmem>>
      %dma_start3A_253 = tpu.memref_squeeze %dma_start3A_252 : memref<1x8xi32, #tpu.memory_space<vmem>> -> memref<8xi32, #tpu.memory_space<vmem>>
      %dma_start3A_254 = arith.constant 0 : i32
      %dma_start3A_255 = arith.constant 0 : i32
      %dma_start3A_256 = tpu.memref_slice %arg3[%dma_start3A_254, %dma_start3A_255] : memref<10000x256xf32, #tpu.memory_space<hbm>> -> memref<10000x256xf32, #tpu.memory_space<hbm>>
      tpu.enqueue_indirect_dma source(%dma_start3A_256 : memref<10000x256xf32, #tpu.memory_space<hbm>>) target(%dma_start3A_250 : memref<8x256xf32, #tpu.memory_space<vmem>>) offsets(%dma_start3A_253 : memref<8xi32, #tpu.memory_space<vmem>>) semaphore(%arg19 : memref<!tpu.dma_semaphore, #tpu.memory_space<semaphore_mem>>)
      %dma_start3A_257 = arith.constant 0 : i32
      %dma_start3A_258 = arith.constant 32 : i32
      %dma_start3A_259 = arith.constant 0 : i32
      %dma_start3A_260 = tpu.memref_slice %arg13[%dma_start3A_258, %dma_start3A_259] : memref<40x256xf32, #tpu.memory_space<vmem>> -> memref<8x256xf32, #tpu.memory_space<vmem>>
      %dma_start3A_261 = arith.constant 32 : i32
      %dma_start3A_262 = tpu.memref_slice %arg9[%dma_start3A_257, %dma_start3A_261] : memref<1x40xi32, #tpu.memory_space<vmem>> -> memref<1x8xi32, #tpu.memory_space<vmem>>
      %dma_start3A_263 = tpu.memref_squeeze %dma_start3A_262 : memref<1x8xi32, #tpu.memory_space<vmem>> -> memref<8xi32, #tpu.memory_space<vmem>>
      %dma_start3A_264 = arith.constant 0 : i32
      %dma_start3A_265 = arith.constant 0 : i32
      %dma_start3A_266 = tpu.memref_slice %arg3[%dma_start3A_264, %dma_start3A_265] : memref<10000x256xf32, #tpu.memory_space<hbm>> -> memref<10000x256xf32, #tpu.memory_space<hbm>>
      tpu.enqueue_indirect_dma source(%dma_start3A_266 : memref<10000x256xf32, #tpu.memory_space<hbm>>) target(%dma_start3A_260 : memref<8x256xf32, #tpu.memory_space<vmem>>) offsets(%dma_start3A_263 : memref<8xi32, #tpu.memory_space<vmem>>) semaphore(%arg20 : memref<!tpu.dma_semaphore, #tpu.memory_space<semaphore_mem>>)
    } else {
    }
    %scan3A_152 = arith.constant 0 : i32
    %scan3A_153 = arith.constant 0 : i32
    %scan3A_154 = arith.constant 250 : i32
    %scan3A_155 = arith.addi %scan3A_153, %scan3A_154 : i32
    %scan3A_156 = arith.constant 1 : i32
    %scan3A_157 = scf.for %scan3A_167 = %scan3A_153 to %scan3A_155 step %scan3A_156 iter_args(%scan3A_168 = %scan3A_152) -> (i32)  : i32 {
      %mul3A_169 = arith.constant 2 : i32
      %mul3A_170 = arith.muli %mul3A_169, %scan3A_167 : i32
      %add3A_171 = arith.constant 1 : i32
      %add3A_172 = arith.addi %mul3A_170, %add3A_171 : i32
      %mul3A_173 = arith.constant 20000 : i32
      %mul3A_174 = arith.muli %arg1, %mul3A_173 : i32
      %mul3A_175 = arith.constant 40 : i32
      %mul3A_176 = arith.muli %add3A_172, %mul3A_175 : i32
      %add3A_177 = arith.addi %mul3A_174, %mul3A_176 : i32
      %dma_start3A_178 = arith.constant 0 : i32
      %dma_start3A_179 = arith.constant 0 : i32
      %dma_start3A_180 = tpu.memref_slice %arg10[%dma_start3A_178, %dma_start3A_179] : memref<1x40xi32, #tpu.memory_space<vmem>> -> memref<1x40xi32, #tpu.memory_space<vmem>>
      %dma_start3A_181 = tpu.memref_squeeze %dma_start3A_180 : memref<1x40xi32, #tpu.memory_space<vmem>> -> memref<40xi32, #tpu.memory_space<vmem>>
      %dma_start3A_182 = tpu.memref_slice %arg4[%add3A_177] : memref<320000xi32, #tpu.memory_space<hbm>> -> memref<40xi32, #tpu.memory_space<hbm>>
      %dma_start3A_183 = arith.constant 0 : i32
      %dma_start3A_184 = tpu.memref_slice %arg10[%dma_start3A_178, %dma_start3A_183] : memref<1x40xi32, #tpu.memory_space<vmem>> -> memref<1x40xi32, #tpu.memory_space<vmem>>
      %dma_start3A_185 = tpu.memref_squeeze %dma_start3A_184 : memref<1x40xi32, #tpu.memory_space<vmem>> -> memref<40xi32, #tpu.memory_space<vmem>>
      %dma_start3A_186 = tpu.memref_slice %arg4[%add3A_177] : memref<320000xi32, #tpu.memory_space<hbm>> -> memref<40xi32, #tpu.memory_space<hbm>>
      tpu.enqueue_dma source(%dma_start3A_186 : memref<40xi32, #tpu.memory_space<hbm>>) target(%dma_start3A_185 : memref<40xi32, #tpu.memory_space<vmem>>) target_semaphore(%arg25 : memref<!tpu.dma_semaphore, #tpu.memory_space<semaphore_mem>>)
      %dma_start3A_187 = arith.constant 0 : i32
      %dma_start3A_188 = arith.constant 0 : i32
      %dma_start3A_189 = tpu.memref_slice %arg11[%dma_start3A_187, %dma_start3A_188] : memref<1x40xi32, #tpu.memory_space<vmem>> -> memref<1x40xi32, #tpu.memory_space<vmem>>
      %dma_start3A_190 = tpu.memref_squeeze %dma_start3A_189 : memref<1x40xi32, #tpu.memory_space<vmem>> -> memref<40xi32, #tpu.memory_space<vmem>>
      %dma_start3A_191 = tpu.memref_slice %arg5[%add3A_177] : memref<320000xi32, #tpu.memory_space<hbm>> -> memref<40xi32, #tpu.memory_space<hbm>>
      %dma_start3A_192 = arith.constant 0 : i32
      %dma_start3A_193 = tpu.memref_slice %arg11[%dma_start3A_187, %dma_start3A_192] : memref<1x40xi32, #tpu.memory_space<vmem>> -> memref<1x40xi32, #tpu.memory_space<vmem>>
      %dma_start3A_194 = tpu.memref_squeeze %dma_start3A_193 : memref<1x40xi32, #tpu.memory_space<vmem>> -> memref<40xi32, #tpu.memory_space<vmem>>
      %dma_start3A_195 = tpu.memref_slice %arg5[%add3A_177] : memref<320000xi32, #tpu.memory_space<hbm>> -> memref<40xi32, #tpu.memory_space<hbm>>
      tpu.enqueue_dma source(%dma_start3A_195 : memref<40xi32, #tpu.memory_space<hbm>>) target(%dma_start3A_194 : memref<40xi32, #tpu.memory_space<vmem>>) target_semaphore(%arg26 : memref<!tpu.dma_semaphore, #tpu.memory_space<semaphore_mem>>)
      %dma_wait3A_196 = arith.constant 0 : i32
      %dma_wait3A_197 = arith.constant 0 : i32
      %dma_wait3A_198 = tpu.memref_slice %arg10[%dma_wait3A_196, %dma_wait3A_197] : memref<1x40xi32, #tpu.memory_space<vmem>> -> memref<1x40xi32, #tpu.memory_space<vmem>>
      %dma_wait3A_199 = tpu.memref_squeeze %dma_wait3A_198 : memref<1x40xi32, #tpu.memory_space<vmem>> -> memref<40xi32, #tpu.memory_space<vmem>>
      %dma_wait3A_200 = tpu.memref_slice %arg4[%add3A_177] : memref<320000xi32, #tpu.memory_space<hbm>> -> memref<40xi32, #tpu.memory_space<hbm>>
      %dma_wait3A_201 = arith.constant 0 : i32
      %dma_wait3A_202 = tpu.memref_slice %arg10[%dma_wait3A_196, %dma_wait3A_201] : memref<1x40xi32, #tpu.memory_space<vmem>> -> memref<1x40xi32, #tpu.memory_space<vmem>>
      %dma_wait3A_203 = tpu.memref_squeeze %dma_wait3A_202 : memref<1x40xi32, #tpu.memory_space<vmem>> -> memref<40xi32, #tpu.memory_space<vmem>>
      %dma_wait3A_204 = tpu.memref_slice %arg4[%add3A_177] : memref<320000xi32, #tpu.memory_space<hbm>> -> memref<40xi32, #tpu.memory_space<hbm>>
      tpu.wait_dma2 semaphore(%arg25 : memref<!tpu.dma_semaphore, #tpu.memory_space<semaphore_mem>>) src(%dma_wait3A_204 : memref<40xi32, #tpu.memory_space<hbm>>) dst(%dma_wait3A_203 : memref<40xi32, #tpu.memory_space<vmem>>)
      %dma_wait3A_205 = arith.constant 0 : i32
      %dma_wait3A_206 = arith.constant 0 : i32
      %dma_wait3A_207 = tpu.memref_slice %arg11[%dma_wait3A_205, %dma_wait3A_206] : memref<1x40xi32, #tpu.memory_space<vmem>> -> memref<1x40xi32, #tpu.memory_space<vmem>>
      %dma_wait3A_208 = tpu.memref_squeeze %dma_wait3A_207 : memref<1x40xi32, #tpu.memory_space<vmem>> -> memref<40xi32, #tpu.memory_space<vmem>>
      %dma_wait3A_209 = tpu.memref_slice %arg5[%add3A_177] : memref<320000xi32, #tpu.memory_space<hbm>> -> memref<40xi32, #tpu.memory_space<hbm>>
      %dma_wait3A_210 = arith.constant 0 : i32
      %dma_wait3A_211 = tpu.memref_slice %arg11[%dma_wait3A_205, %dma_wait3A_210] : memref<1x40xi32, #tpu.memory_space<vmem>> -> memref<1x40xi32, #tpu.memory_space<vmem>>
      %dma_wait3A_212 = tpu.memref_squeeze %dma_wait3A_211 : memref<1x40xi32, #tpu.memory_space<vmem>> -> memref<40xi32, #tpu.memory_space<vmem>>
      %dma_wait3A_213 = tpu.memref_slice %arg5[%add3A_177] : memref<320000xi32, #tpu.memory_space<hbm>> -> memref<40xi32, #tpu.memory_space<hbm>>
      tpu.wait_dma2 semaphore(%arg26 : memref<!tpu.dma_semaphore, #tpu.memory_space<semaphore_mem>>) src(%dma_wait3A_213 : memref<40xi32, #tpu.memory_space<hbm>>) dst(%dma_wait3A_212 : memref<40xi32, #tpu.memory_space<vmem>>)
      %eq3A_214 = arith.constant 0 : i32
      %eq3A_215 = arith.cmpi eq, %arg0, %eq3A_214 : i32
      %convert_element_type3A_216 = arith.extui %eq3A_215 : i1 to i32
      %cond3A_217 = arith.constant 0 : i32
      %cond3A_218 = arith.cmpi ne, %convert_element_type3A_216, %cond3A_217 : i32
      scf.if %cond3A_218 {
        %dma_start3A_660 = arith.constant 0 : i32
        %dma_start3A_661 = arith.constant 0 : i32
        %dma_start3A_662 = arith.constant 0 : i32
        %dma_start3A_663 = tpu.memref_slice %arg14[%dma_start3A_661, %dma_start3A_662] : memref<40x256xf32, #tpu.memory_space<vmem>> -> memref<8x256xf32, #tpu.memory_space<vmem>>
        %dma_start3A_664 = arith.constant 0 : i32
        %dma_start3A_665 = tpu.memref_slice %arg10[%dma_start3A_660, %dma_start3A_664] : memref<1x40xi32, #tpu.memory_space<vmem>> -> memref<1x8xi32, #tpu.memory_space<vmem>>
        %dma_start3A_666 = tpu.memref_squeeze %dma_start3A_665 : memref<1x8xi32, #tpu.memory_space<vmem>> -> memref<8xi32, #tpu.memory_space<vmem>>
        %dma_start3A_667 = arith.constant 0 : i32
        %dma_start3A_668 = arith.constant 0 : i32
        %dma_start3A_669 = tpu.memref_slice %arg2[%dma_start3A_667, %dma_start3A_668] : memref<10000x256xf32, #tpu.memory_space<hbm>> -> memref<10000x256xf32, #tpu.memory_space<hbm>>
        tpu.enqueue_indirect_dma source(%dma_start3A_669 : memref<10000x256xf32, #tpu.memory_space<hbm>>) target(%dma_start3A_663 : memref<8x256xf32, #tpu.memory_space<vmem>>) offsets(%dma_start3A_666 : memref<8xi32, #tpu.memory_space<vmem>>) semaphore(%arg21 : memref<!tpu.dma_semaphore, #tpu.memory_space<semaphore_mem>>)
        %dma_start3A_670 = arith.constant 0 : i32
        %dma_start3A_671 = arith.constant 0 : i32
        %dma_start3A_672 = arith.constant 0 : i32
        %dma_start3A_673 = tpu.memref_slice %arg15[%dma_start3A_671, %dma_start3A_672] : memref<40x256xf32, #tpu.memory_space<vmem>> -> memref<8x256xf32, #tpu.memory_space<vmem>>
        %dma_start3A_674 = arith.constant 0 : i32
        %dma_start3A_675 = tpu.memref_slice %arg11[%dma_start3A_670, %dma_start3A_674] : memref<1x40xi32, #tpu.memory_space<vmem>> -> memref<1x8xi32, #tpu.memory_space<vmem>>
        %dma_start3A_676 = tpu.memref_squeeze %dma_start3A_675 : memref<1x8xi32, #tpu.memory_space<vmem>> -> memref<8xi32, #tpu.memory_space<vmem>>
        %dma_start3A_677 = arith.constant 0 : i32
        %dma_start3A_678 = arith.constant 0 : i32
        %dma_start3A_679 = tpu.memref_slice %arg2[%dma_start3A_677, %dma_start3A_678] : memref<10000x256xf32, #tpu.memory_space<hbm>> -> memref<10000x256xf32, #tpu.memory_space<hbm>>
        tpu.enqueue_indirect_dma source(%dma_start3A_679 : memref<10000x256xf32, #tpu.memory_space<hbm>>) target(%dma_start3A_673 : memref<8x256xf32, #tpu.memory_space<vmem>>) offsets(%dma_start3A_676 : memref<8xi32, #tpu.memory_space<vmem>>) semaphore(%arg22 : memref<!tpu.dma_semaphore, #tpu.memory_space<semaphore_mem>>)
        %dma_start3A_680 = arith.constant 0 : i32
        %dma_start3A_681 = arith.constant 8 : i32
        %dma_start3A_682 = arith.constant 0 : i32
        %dma_start3A_683 = tpu.memref_slice %arg14[%dma_start3A_681, %dma_start3A_682] : memref<40x256xf32, #tpu.memory_space<vmem>> -> memref<8x256xf32, #tpu.memory_space<vmem>>
        %dma_start3A_684 = arith.constant 8 : i32
        %dma_start3A_685 = tpu.memref_slice %arg10[%dma_start3A_680, %dma_start3A_684] : memref<1x40xi32, #tpu.memory_space<vmem>> -> memref<1x8xi32, #tpu.memory_space<vmem>>
        %dma_start3A_686 = tpu.memref_squeeze %dma_start3A_685 : memref<1x8xi32, #tpu.memory_space<vmem>> -> memref<8xi32, #tpu.memory_space<vmem>>
        %dma_start3A_687 = arith.constant 0 : i32
        %dma_start3A_688 = arith.constant 0 : i32
        %dma_start3A_689 = tpu.memref_slice %arg2[%dma_start3A_687, %dma_start3A_688] : memref<10000x256xf32, #tpu.memory_space<hbm>> -> memref<10000x256xf32, #tpu.memory_space<hbm>>
        tpu.enqueue_indirect_dma source(%dma_start3A_689 : memref<10000x256xf32, #tpu.memory_space<hbm>>) target(%dma_start3A_683 : memref<8x256xf32, #tpu.memory_space<vmem>>) offsets(%dma_start3A_686 : memref<8xi32, #tpu.memory_space<vmem>>) semaphore(%arg21 : memref<!tpu.dma_semaphore, #tpu.memory_space<semaphore_mem>>)
        %dma_start3A_690 = arith.constant 0 : i32
        %dma_start3A_691 = arith.constant 8 : i32
        %dma_start3A_692 = arith.constant 0 : i32
        %dma_start3A_693 = tpu.memref_slice %arg15[%dma_start3A_691, %dma_start3A_692] : memref<40x256xf32, #tpu.memory_space<vmem>> -> memref<8x256xf32, #tpu.memory_space<vmem>>
        %dma_start3A_694 = arith.constant 8 : i32
        %dma_start3A_695 = tpu.memref_slice %arg11[%dma_start3A_690, %dma_start3A_694] : memref<1x40xi32, #tpu.memory_space<vmem>> -> memref<1x8xi32, #tpu.memory_space<vmem>>
        %dma_start3A_696 = tpu.memref_squeeze %dma_start3A_695 : memref<1x8xi32, #tpu.memory_space<vmem>> -> memref<8xi32, #tpu.memory_space<vmem>>
        %dma_start3A_697 = arith.constant 0 : i32
        %dma_start3A_698 = arith.constant 0 : i32
        %dma_start3A_699 = tpu.memref_slice %arg2[%dma_start3A_697, %dma_start3A_698] : memref<10000x256xf32, #tpu.memory_space<hbm>> -> memref<10000x256xf32, #tpu.memory_space<hbm>>
        tpu.enqueue_indirect_dma source(%dma_start3A_699 : memref<10000x256xf32, #tpu.memory_space<hbm>>) target(%dma_start3A_693 : memref<8x256xf32, #tpu.memory_space<vmem>>) offsets(%dma_start3A_696 : memref<8xi32, #tpu.memory_space<vmem>>) semaphore(%arg22 : memref<!tpu.dma_semaphore, #tpu.memory_space<semaphore_mem>>)
        %dma_start3A_700 = arith.constant 0 : i32
        %dma_start3A_701 = arith.constant 16 : i32
        %dma_start3A_702 = arith.constant 0 : i32
        %dma_start3A_703 = tpu.memref_slice %arg14[%dma_start3A_701, %dma_start3A_702] : memref<40x256xf32, #tpu.memory_space<vmem>> -> memref<8x256xf32, #tpu.memory_space<vmem>>
        %dma_start3A_704 = arith.constant 16 : i32
        %dma_start3A_705 = tpu.memref_slice %arg10[%dma_start3A_700, %dma_start3A_704] : memref<1x40xi32, #tpu.memory_space<vmem>> -> memref<1x8xi32, #tpu.memory_space<vmem>>
        %dma_start3A_706 = tpu.memref_squeeze %dma_start3A_705 : memref<1x8xi32, #tpu.memory_space<vmem>> -> memref<8xi32, #tpu.memory_space<vmem>>
        %dma_start3A_707 = arith.constant 0 : i32
        %dma_start3A_708 = arith.constant 0 : i32
        %dma_start3A_709 = tpu.memref_slice %arg2[%dma_start3A_707, %dma_start3A_708] : memref<10000x256xf32, #tpu.memory_space<hbm>> -> memref<10000x256xf32, #tpu.memory_space<hbm>>
        tpu.enqueue_indirect_dma source(%dma_start3A_709 : memref<10000x256xf32, #tpu.memory_space<hbm>>) target(%dma_start3A_703 : memref<8x256xf32, #tpu.memory_space<vmem>>) offsets(%dma_start3A_706 : memref<8xi32, #tpu.memory_space<vmem>>) semaphore(%arg21 : memref<!tpu.dma_semaphore, #tpu.memory_space<semaphore_mem>>)
        %dma_start3A_710 = arith.constant 0 : i32
        %dma_start3A_711 = arith.constant 16 : i32
        %dma_start3A_712 = arith.constant 0 : i32
        %dma_start3A_713 = tpu.memref_slice %arg15[%dma_start3A_711, %dma_start3A_712] : memref<40x256xf32, #tpu.memory_space<vmem>> -> memref<8x256xf32, #tpu.memory_space<vmem>>
        %dma_start3A_714 = arith.constant 16 : i32
        %dma_start3A_715 = tpu.memref_slice %arg11[%dma_start3A_710, %dma_start3A_714] : memref<1x40xi32, #tpu.memory_space<vmem>> -> memref<1x8xi32, #tpu.memory_space<vmem>>
        %dma_start3A_716 = tpu.memref_squeeze %dma_start3A_715 : memref<1x8xi32, #tpu.memory_space<vmem>> -> memref<8xi32, #tpu.memory_space<vmem>>
        %dma_start3A_717 = arith.constant 0 : i32
        %dma_start3A_718 = arith.constant 0 : i32
        %dma_start3A_719 = tpu.memref_slice %arg2[%dma_start3A_717, %dma_start3A_718] : memref<10000x256xf32, #tpu.memory_space<hbm>> -> memref<10000x256xf32, #tpu.memory_space<hbm>>
        tpu.enqueue_indirect_dma source(%dma_start3A_719 : memref<10000x256xf32, #tpu.memory_space<hbm>>) target(%dma_start3A_713 : memref<8x256xf32, #tpu.memory_space<vmem>>) offsets(%dma_start3A_716 : memref<8xi32, #tpu.memory_space<vmem>>) semaphore(%arg22 : memref<!tpu.dma_semaphore, #tpu.memory_space<semaphore_mem>>)
        %dma_start3A_720 = arith.constant 0 : i32
        %dma_start3A_721 = arith.constant 24 : i32
        %dma_start3A_722 = arith.constant 0 : i32
        %dma_start3A_723 = tpu.memref_slice %arg14[%dma_start3A_721, %dma_start3A_722] : memref<40x256xf32, #tpu.memory_space<vmem>> -> memref<8x256xf32, #tpu.memory_space<vmem>>
        %dma_start3A_724 = arith.constant 24 : i32
        %dma_start3A_725 = tpu.memref_slice %arg10[%dma_start3A_720, %dma_start3A_724] : memref<1x40xi32, #tpu.memory_space<vmem>> -> memref<1x8xi32, #tpu.memory_space<vmem>>
        %dma_start3A_726 = tpu.memref_squeeze %dma_start3A_725 : memref<1x8xi32, #tpu.memory_space<vmem>> -> memref<8xi32, #tpu.memory_space<vmem>>
        %dma_start3A_727 = arith.constant 0 : i32
        %dma_start3A_728 = arith.constant 0 : i32
        %dma_start3A_729 = tpu.memref_slice %arg2[%dma_start3A_727, %dma_start3A_728] : memref<10000x256xf32, #tpu.memory_space<hbm>> -> memref<10000x256xf32, #tpu.memory_space<hbm>>
        tpu.enqueue_indirect_dma source(%dma_start3A_729 : memref<10000x256xf32, #tpu.memory_space<hbm>>) target(%dma_start3A_723 : memref<8x256xf32, #tpu.memory_space<vmem>>) offsets(%dma_start3A_726 : memref<8xi32, #tpu.memory_space<vmem>>) semaphore(%arg21 : memref<!tpu.dma_semaphore, #tpu.memory_space<semaphore_mem>>)
        %dma_start3A_730 = arith.constant 0 : i32
        %dma_start3A_731 = arith.constant 24 : i32
        %dma_start3A_732 = arith.constant 0 : i32
        %dma_start3A_733 = tpu.memref_slice %arg15[%dma_start3A_731, %dma_start3A_732] : memref<40x256xf32, #tpu.memory_space<vmem>> -> memref<8x256xf32, #tpu.memory_space<vmem>>
        %dma_start3A_734 = arith.constant 24 : i32
        %dma_start3A_735 = tpu.memref_slice %arg11[%dma_start3A_730, %dma_start3A_734] : memref<1x40xi32, #tpu.memory_space<vmem>> -> memref<1x8xi32, #tpu.memory_space<vmem>>
        %dma_start3A_736 = tpu.memref_squeeze %dma_start3A_735 : memref<1x8xi32, #tpu.memory_space<vmem>> -> memref<8xi32, #tpu.memory_space<vmem>>
        %dma_start3A_737 = arith.constant 0 : i32
        %dma_start3A_738 = arith.constant 0 : i32
        %dma_start3A_739 = tpu.memref_slice %arg2[%dma_start3A_737, %dma_start3A_738] : memref<10000x256xf32, #tpu.memory_space<hbm>> -> memref<10000x256xf32, #tpu.memory_space<hbm>>
        tpu.enqueue_indirect_dma source(%dma_start3A_739 : memref<10000x256xf32, #tpu.memory_space<hbm>>) target(%dma_start3A_733 : memref<8x256xf32, #tpu.memory_space<vmem>>) offsets(%dma_start3A_736 : memref<8xi32, #tpu.memory_space<vmem>>) semaphore(%arg22 : memref<!tpu.dma_semaphore, #tpu.memory_space<semaphore_mem>>)
        %dma_start3A_740 = arith.constant 0 : i32
        %dma_start3A_741 = arith.constant 32 : i32
        %dma_start3A_742 = arith.constant 0 : i32
        %dma_start3A_743 = tpu.memref_slice %arg14[%dma_start3A_741, %dma_start3A_742] : memref<40x256xf32, #tpu.memory_space<vmem>> -> memref<8x256xf32, #tpu.memory_space<vmem>>
        %dma_start3A_744 = arith.constant 32 : i32
        %dma_start3A_745 = tpu.memref_slice %arg10[%dma_start3A_740, %dma_start3A_744] : memref<1x40xi32, #tpu.memory_space<vmem>> -> memref<1x8xi32, #tpu.memory_space<vmem>>
        %dma_start3A_746 = tpu.memref_squeeze %dma_start3A_745 : memref<1x8xi32, #tpu.memory_space<vmem>> -> memref<8xi32, #tpu.memory_space<vmem>>
        %dma_start3A_747 = arith.constant 0 : i32
        %dma_start3A_748 = arith.constant 0 : i32
        %dma_start3A_749 = tpu.memref_slice %arg2[%dma_start3A_747, %dma_start3A_748] : memref<10000x256xf32, #tpu.memory_space<hbm>> -> memref<10000x256xf32, #tpu.memory_space<hbm>>
        tpu.enqueue_indirect_dma source(%dma_start3A_749 : memref<10000x256xf32, #tpu.memory_space<hbm>>) target(%dma_start3A_743 : memref<8x256xf32, #tpu.memory_space<vmem>>) offsets(%dma_start3A_746 : memref<8xi32, #tpu.memory_space<vmem>>) semaphore(%arg21 : memref<!tpu.dma_semaphore, #tpu.memory_space<semaphore_mem>>)
        %dma_start3A_750 = arith.constant 0 : i32
        %dma_start3A_751 = arith.constant 32 : i32
        %dma_start3A_752 = arith.constant 0 : i32
        %dma_start3A_753 = tpu.memref_slice %arg15[%dma_start3A_751, %dma_start3A_752] : memref<40x256xf32, #tpu.memory_space<vmem>> -> memref<8x256xf32, #tpu.memory_space<vmem>>
        %dma_start3A_754 = arith.constant 32 : i32
        %dma_start3A_755 = tpu.memref_slice %arg11[%dma_start3A_750, %dma_start3A_754] : memref<1x40xi32, #tpu.memory_space<vmem>> -> memref<1x8xi32, #tpu.memory_space<vmem>>
        %dma_start3A_756 = tpu.memref_squeeze %dma_start3A_755 : memref<1x8xi32, #tpu.memory_space<vmem>> -> memref<8xi32, #tpu.memory_space<vmem>>
        %dma_start3A_757 = arith.constant 0 : i32
        %dma_start3A_758 = arith.constant 0 : i32
        %dma_start3A_759 = tpu.memref_slice %arg2[%dma_start3A_757, %dma_start3A_758] : memref<10000x256xf32, #tpu.memory_space<hbm>> -> memref<10000x256xf32, #tpu.memory_space<hbm>>
        tpu.enqueue_indirect_dma source(%dma_start3A_759 : memref<10000x256xf32, #tpu.memory_space<hbm>>) target(%dma_start3A_753 : memref<8x256xf32, #tpu.memory_space<vmem>>) offsets(%dma_start3A_756 : memref<8xi32, #tpu.memory_space<vmem>>) semaphore(%arg22 : memref<!tpu.dma_semaphore, #tpu.memory_space<semaphore_mem>>)
      } else {
      }
      %eq3A_219 = arith.constant 1 : i32
      %eq3A_220 = arith.cmpi eq, %arg0, %eq3A_219 : i32
      %convert_element_type3A_221 = arith.extui %eq3A_220 : i1 to i32
      %cond3A_222 = arith.constant 0 : i32
      %cond3A_223 = arith.cmpi ne, %convert_element_type3A_221, %cond3A_222 : i32
      scf.if %cond3A_223 {
        %dma_start3A_660 = arith.constant 0 : i32
        %dma_start3A_661 = arith.constant 0 : i32
        %dma_start3A_662 = arith.constant 0 : i32
        %dma_start3A_663 = tpu.memref_slice %arg14[%dma_start3A_661, %dma_start3A_662] : memref<40x256xf32, #tpu.memory_space<vmem>> -> memref<8x256xf32, #tpu.memory_space<vmem>>
        %dma_start3A_664 = arith.constant 0 : i32
        %dma_start3A_665 = tpu.memref_slice %arg10[%dma_start3A_660, %dma_start3A_664] : memref<1x40xi32, #tpu.memory_space<vmem>> -> memref<1x8xi32, #tpu.memory_space<vmem>>
        %dma_start3A_666 = tpu.memref_squeeze %dma_start3A_665 : memref<1x8xi32, #tpu.memory_space<vmem>> -> memref<8xi32, #tpu.memory_space<vmem>>
        %dma_start3A_667 = arith.constant 0 : i32
        %dma_start3A_668 = arith.constant 0 : i32
        %dma_start3A_669 = tpu.memref_slice %arg3[%dma_start3A_667, %dma_start3A_668] : memref<10000x256xf32, #tpu.memory_space<hbm>> -> memref<10000x256xf32, #tpu.memory_space<hbm>>
        tpu.enqueue_indirect_dma source(%dma_start3A_669 : memref<10000x256xf32, #tpu.memory_space<hbm>>) target(%dma_start3A_663 : memref<8x256xf32, #tpu.memory_space<vmem>>) offsets(%dma_start3A_666 : memref<8xi32, #tpu.memory_space<vmem>>) semaphore(%arg21 : memref<!tpu.dma_semaphore, #tpu.memory_space<semaphore_mem>>)
        %dma_start3A_670 = arith.constant 0 : i32
        %dma_start3A_671 = arith.constant 0 : i32
        %dma_start3A_672 = arith.constant 0 : i32
        %dma_start3A_673 = tpu.memref_slice %arg15[%dma_start3A_671, %dma_start3A_672] : memref<40x256xf32, #tpu.memory_space<vmem>> -> memref<8x256xf32, #tpu.memory_space<vmem>>
        %dma_start3A_674 = arith.constant 0 : i32
        %dma_start3A_675 = tpu.memref_slice %arg11[%dma_start3A_670, %dma_start3A_674] : memref<1x40xi32, #tpu.memory_space<vmem>> -> memref<1x8xi32, #tpu.memory_space<vmem>>
        %dma_start3A_676 = tpu.memref_squeeze %dma_start3A_675 : memref<1x8xi32, #tpu.memory_space<vmem>> -> memref<8xi32, #tpu.memory_space<vmem>>
        %dma_start3A_677 = arith.constant 0 : i32
        %dma_start3A_678 = arith.constant 0 : i32
        %dma_start3A_679 = tpu.memref_slice %arg3[%dma_start3A_677, %dma_start3A_678] : memref<10000x256xf32, #tpu.memory_space<hbm>> -> memref<10000x256xf32, #tpu.memory_space<hbm>>
        tpu.enqueue_indirect_dma source(%dma_start3A_679 : memref<10000x256xf32, #tpu.memory_space<hbm>>) target(%dma_start3A_673 : memref<8x256xf32, #tpu.memory_space<vmem>>) offsets(%dma_start3A_676 : memref<8xi32, #tpu.memory_space<vmem>>) semaphore(%arg22 : memref<!tpu.dma_semaphore, #tpu.memory_space<semaphore_mem>>)
        %dma_start3A_680 = arith.constant 0 : i32
        %dma_start3A_681 = arith.constant 8 : i32
        %dma_start3A_682 = arith.constant 0 : i32
        %dma_start3A_683 = tpu.memref_slice %arg14[%dma_start3A_681, %dma_start3A_682] : memref<40x256xf32, #tpu.memory_space<vmem>> -> memref<8x256xf32, #tpu.memory_space<vmem>>
        %dma_start3A_684 = arith.constant 8 : i32
        %dma_start3A_685 = tpu.memref_slice %arg10[%dma_start3A_680, %dma_start3A_684] : memref<1x40xi32, #tpu.memory_space<vmem>> -> memref<1x8xi32, #tpu.memory_space<vmem>>
        %dma_start3A_686 = tpu.memref_squeeze %dma_start3A_685 : memref<1x8xi32, #tpu.memory_space<vmem>> -> memref<8xi32, #tpu.memory_space<vmem>>
        %dma_start3A_687 = arith.constant 0 : i32
        %dma_start3A_688 = arith.constant 0 : i32
        %dma_start3A_689 = tpu.memref_slice %arg3[%dma_start3A_687, %dma_start3A_688] : memref<10000x256xf32, #tpu.memory_space<hbm>> -> memref<10000x256xf32, #tpu.memory_space<hbm>>
        tpu.enqueue_indirect_dma source(%dma_start3A_689 : memref<10000x256xf32, #tpu.memory_space<hbm>>) target(%dma_start3A_683 : memref<8x256xf32, #tpu.memory_space<vmem>>) offsets(%dma_start3A_686 : memref<8xi32, #tpu.memory_space<vmem>>) semaphore(%arg21 : memref<!tpu.dma_semaphore, #tpu.memory_space<semaphore_mem>>)
        %dma_start3A_690 = arith.constant 0 : i32
        %dma_start3A_691 = arith.constant 8 : i32
        %dma_start3A_692 = arith.constant 0 : i32
        %dma_start3A_693 = tpu.memref_slice %arg15[%dma_start3A_691, %dma_start3A_692] : memref<40x256xf32, #tpu.memory_space<vmem>> -> memref<8x256xf32, #tpu.memory_space<vmem>>
        %dma_start3A_694 = arith.constant 8 : i32
        %dma_start3A_695 = tpu.memref_slice %arg11[%dma_start3A_690, %dma_start3A_694] : memref<1x40xi32, #tpu.memory_space<vmem>> -> memref<1x8xi32, #tpu.memory_space<vmem>>
        %dma_start3A_696 = tpu.memref_squeeze %dma_start3A_695 : memref<1x8xi32, #tpu.memory_space<vmem>> -> memref<8xi32, #tpu.memory_space<vmem>>
        %dma_start3A_697 = arith.constant 0 : i32
        %dma_start3A_698 = arith.constant 0 : i32
        %dma_start3A_699 = tpu.memref_slice %arg3[%dma_start3A_697, %dma_start3A_698] : memref<10000x256xf32, #tpu.memory_space<hbm>> -> memref<10000x256xf32, #tpu.memory_space<hbm>>
        tpu.enqueue_indirect_dma source(%dma_start3A_699 : memref<10000x256xf32, #tpu.memory_space<hbm>>) target(%dma_start3A_693 : memref<8x256xf32, #tpu.memory_space<vmem>>) offsets(%dma_start3A_696 : memref<8xi32, #tpu.memory_space<vmem>>) semaphore(%arg22 : memref<!tpu.dma_semaphore, #tpu.memory_space<semaphore_mem>>)
        %dma_start3A_700 = arith.constant 0 : i32
        %dma_start3A_701 = arith.constant 16 : i32
        %dma_start3A_702 = arith.constant 0 : i32
        %dma_start3A_703 = tpu.memref_slice %arg14[%dma_start3A_701, %dma_start3A_702] : memref<40x256xf32, #tpu.memory_space<vmem>> -> memref<8x256xf32, #tpu.memory_space<vmem>>
        %dma_start3A_704 = arith.constant 16 : i32
        %dma_start3A_705 = tpu.memref_slice %arg10[%dma_start3A_700, %dma_start3A_704] : memref<1x40xi32, #tpu.memory_space<vmem>> -> memref<1x8xi32, #tpu.memory_space<vmem>>
        %dma_start3A_706 = tpu.memref_squeeze %dma_start3A_705 : memref<1x8xi32, #tpu.memory_space<vmem>> -> memref<8xi32, #tpu.memory_space<vmem>>
        %dma_start3A_707 = arith.constant 0 : i32
        %dma_start3A_708 = arith.constant 0 : i32
        %dma_start3A_709 = tpu.memref_slice %arg3[%dma_start3A_707, %dma_start3A_708] : memref<10000x256xf32, #tpu.memory_space<hbm>> -> memref<10000x256xf32, #tpu.memory_space<hbm>>
        tpu.enqueue_indirect_dma source(%dma_start3A_709 : memref<10000x256xf32, #tpu.memory_space<hbm>>) target(%dma_start3A_703 : memref<8x256xf32, #tpu.memory_space<vmem>>) offsets(%dma_start3A_706 : memref<8xi32, #tpu.memory_space<vmem>>) semaphore(%arg21 : memref<!tpu.dma_semaphore, #tpu.memory_space<semaphore_mem>>)
        %dma_start3A_710 = arith.constant 0 : i32
        %dma_start3A_711 = arith.constant 16 : i32
        %dma_start3A_712 = arith.constant 0 : i32
        %dma_start3A_713 = tpu.memref_slice %arg15[%dma_start3A_711, %dma_start3A_712] : memref<40x256xf32, #tpu.memory_space<vmem>> -> memref<8x256xf32, #tpu.memory_space<vmem>>
        %dma_start3A_714 = arith.constant 16 : i32
        %dma_start3A_715 = tpu.memref_slice %arg11[%dma_start3A_710, %dma_start3A_714] : memref<1x40xi32, #tpu.memory_space<vmem>> -> memref<1x8xi32, #tpu.memory_space<vmem>>
        %dma_start3A_716 = tpu.memref_squeeze %dma_start3A_715 : memref<1x8xi32, #tpu.memory_space<vmem>> -> memref<8xi32, #tpu.memory_space<vmem>>
        %dma_start3A_717 = arith.constant 0 : i32
        %dma_start3A_718 = arith.constant 0 : i32
        %dma_start3A_719 = tpu.memref_slice %arg3[%dma_start3A_717, %dma_start3A_718] : memref<10000x256xf32, #tpu.memory_space<hbm>> -> memref<10000x256xf32, #tpu.memory_space<hbm>>
        tpu.enqueue_indirect_dma source(%dma_start3A_719 : memref<10000x256xf32, #tpu.memory_space<hbm>>) target(%dma_start3A_713 : memref<8x256xf32, #tpu.memory_space<vmem>>) offsets(%dma_start3A_716 : memref<8xi32, #tpu.memory_space<vmem>>) semaphore(%arg22 : memref<!tpu.dma_semaphore, #tpu.memory_space<semaphore_mem>>)
        %dma_start3A_720 = arith.constant 0 : i32
        %dma_start3A_721 = arith.constant 24 : i32
        %dma_start3A_722 = arith.constant 0 : i32
        %dma_start3A_723 = tpu.memref_slice %arg14[%dma_start3A_721, %dma_start3A_722] : memref<40x256xf32, #tpu.memory_space<vmem>> -> memref<8x256xf32, #tpu.memory_space<vmem>>
        %dma_start3A_724 = arith.constant 24 : i32
        %dma_start3A_725 = tpu.memref_slice %arg10[%dma_start3A_720, %dma_start3A_724] : memref<1x40xi32, #tpu.memory_space<vmem>> -> memref<1x8xi32, #tpu.memory_space<vmem>>
        %dma_start3A_726 = tpu.memref_squeeze %dma_start3A_725 : memref<1x8xi32, #tpu.memory_space<vmem>> -> memref<8xi32, #tpu.memory_space<vmem>>
        %dma_start3A_727 = arith.constant 0 : i32
        %dma_start3A_728 = arith.constant 0 : i32
        %dma_start3A_729 = tpu.memref_slice %arg3[%dma_start3A_727, %dma_start3A_728] : memref<10000x256xf32, #tpu.memory_space<hbm>> -> memref<10000x256xf32, #tpu.memory_space<hbm>>
        tpu.enqueue_indirect_dma source(%dma_start3A_729 : memref<10000x256xf32, #tpu.memory_space<hbm>>) target(%dma_start3A_723 : memref<8x256xf32, #tpu.memory_space<vmem>>) offsets(%dma_start3A_726 : memref<8xi32, #tpu.memory_space<vmem>>) semaphore(%arg21 : memref<!tpu.dma_semaphore, #tpu.memory_space<semaphore_mem>>)
        %dma_start3A_730 = arith.constant 0 : i32
        %dma_start3A_731 = arith.constant 24 : i32
        %dma_start3A_732 = arith.constant 0 : i32
        %dma_start3A_733 = tpu.memref_slice %arg15[%dma_start3A_731, %dma_start3A_732] : memref<40x256xf32, #tpu.memory_space<vmem>> -> memref<8x256xf32, #tpu.memory_space<vmem>>
        %dma_start3A_734 = arith.constant 24 : i32
        %dma_start3A_735 = tpu.memref_slice %arg11[%dma_start3A_730, %dma_start3A_734] : memref<1x40xi32, #tpu.memory_space<vmem>> -> memref<1x8xi32, #tpu.memory_space<vmem>>
        %dma_start3A_736 = tpu.memref_squeeze %dma_start3A_735 : memref<1x8xi32, #tpu.memory_space<vmem>> -> memref<8xi32, #tpu.memory_space<vmem>>
        %dma_start3A_737 = arith.constant 0 : i32
        %dma_start3A_738 = arith.constant 0 : i32
        %dma_start3A_739 = tpu.memref_slice %arg3[%dma_start3A_737, %dma_start3A_738] : memref<10000x256xf32, #tpu.memory_space<hbm>> -> memref<10000x256xf32, #tpu.memory_space<hbm>>
        tpu.enqueue_indirect_dma source(%dma_start3A_739 : memref<10000x256xf32, #tpu.memory_space<hbm>>) target(%dma_start3A_733 : memref<8x256xf32, #tpu.memory_space<vmem>>) offsets(%dma_start3A_736 : memref<8xi32, #tpu.memory_space<vmem>>) semaphore(%arg22 : memref<!tpu.dma_semaphore, #tpu.memory_space<semaphore_mem>>)
        %dma_start3A_740 = arith.constant 0 : i32
        %dma_start3A_741 = arith.constant 32 : i32
        %dma_start3A_742 = arith.constant 0 : i32
        %dma_start3A_743 = tpu.memref_slice %arg14[%dma_start3A_741, %dma_start3A_742] : memref<40x256xf32, #tpu.memory_space<vmem>> -> memref<8x256xf32, #tpu.memory_space<vmem>>
        %dma_start3A_744 = arith.constant 32 : i32
        %dma_start3A_745 = tpu.memref_slice %arg10[%dma_start3A_740, %dma_start3A_744] : memref<1x40xi32, #tpu.memory_space<vmem>> -> memref<1x8xi32, #tpu.memory_space<vmem>>
        %dma_start3A_746 = tpu.memref_squeeze %dma_start3A_745 : memref<1x8xi32, #tpu.memory_space<vmem>> -> memref<8xi32, #tpu.memory_space<vmem>>
        %dma_start3A_747 = arith.constant 0 : i32
        %dma_start3A_748 = arith.constant 0 : i32
        %dma_start3A_749 = tpu.memref_slice %arg3[%dma_start3A_747, %dma_start3A_748] : memref<10000x256xf32, #tpu.memory_space<hbm>> -> memref<10000x256xf32, #tpu.memory_space<hbm>>
        tpu.enqueue_indirect_dma source(%dma_start3A_749 : memref<10000x256xf32, #tpu.memory_space<hbm>>) target(%dma_start3A_743 : memref<8x256xf32, #tpu.memory_space<vmem>>) offsets(%dma_start3A_746 : memref<8xi32, #tpu.memory_space<vmem>>) semaphore(%arg21 : memref<!tpu.dma_semaphore, #tpu.memory_space<semaphore_mem>>)
        %dma_start3A_750 = arith.constant 0 : i32
        %dma_start3A_751 = arith.constant 32 : i32
        %dma_start3A_752 = arith.constant 0 : i32
        %dma_start3A_753 = tpu.memref_slice %arg15[%dma_start3A_751, %dma_start3A_752] : memref<40x256xf32, #tpu.memory_space<vmem>> -> memref<8x256xf32, #tpu.memory_space<vmem>>
        %dma_start3A_754 = arith.constant 32 : i32
        %dma_start3A_755 = tpu.memref_slice %arg11[%dma_start3A_750, %dma_start3A_754] : memref<1x40xi32, #tpu.memory_space<vmem>> -> memref<1x8xi32, #tpu.memory_space<vmem>>
        %dma_start3A_756 = tpu.memref_squeeze %dma_start3A_755 : memref<1x8xi32, #tpu.memory_space<vmem>> -> memref<8xi32, #tpu.memory_space<vmem>>
        %dma_start3A_757 = arith.constant 0 : i32
        %dma_start3A_758 = arith.constant 0 : i32
        %dma_start3A_759 = tpu.memref_slice %arg3[%dma_start3A_757, %dma_start3A_758] : memref<10000x256xf32, #tpu.memory_space<hbm>> -> memref<10000x256xf32, #tpu.memory_space<hbm>>
        tpu.enqueue_indirect_dma source(%dma_start3A_759 : memref<10000x256xf32, #tpu.memory_space<hbm>>) target(%dma_start3A_753 : memref<8x256xf32, #tpu.memory_space<vmem>>) offsets(%dma_start3A_756 : memref<8xi32, #tpu.memory_space<vmem>>) semaphore(%arg22 : memref<!tpu.dma_semaphore, #tpu.memory_space<semaphore_mem>>)
      } else {
      }
      %eq3A_224 = arith.constant 0 : i32
      %eq3A_225 = arith.cmpi eq, %arg0, %eq3A_224 : i32
      %convert_element_type3A_226 = arith.extui %eq3A_225 : i1 to i32
      %cond3A_227 = arith.constant 0 : i32
      %cond3A_228 = arith.cmpi ne, %convert_element_type3A_226, %cond3A_227 : i32
      scf.if %cond3A_228 {
        %dma_wait3A_660 = arith.constant 0 : i32
        %dma_wait3A_661 = arith.constant 0 : i32
        %dma_wait3A_662 = arith.constant 0 : i32
        %dma_wait3A_663 = tpu.memref_slice %arg12[%dma_wait3A_661, %dma_wait3A_662] : memref<40x256xf32, #tpu.memory_space<vmem>> -> memref<8x256xf32, #tpu.memory_space<vmem>>
        %dma_wait3A_664 = arith.constant 0 : i32
        %dma_wait3A_665 = tpu.memref_slice %arg8[%dma_wait3A_660, %dma_wait3A_664] : memref<1x40xi32, #tpu.memory_space<vmem>> -> memref<1x8xi32, #tpu.memory_space<vmem>>
        %dma_wait3A_666 = tpu.memref_squeeze %dma_wait3A_665 : memref<1x8xi32, #tpu.memory_space<vmem>> -> memref<8xi32, #tpu.memory_space<vmem>>
        %dma_wait3A_667 = arith.constant 0 : i32
        %dma_wait3A_668 = arith.constant 0 : i32
        %dma_wait3A_669 = tpu.memref_slice %arg2[%dma_wait3A_667, %dma_wait3A_668] : memref<10000x256xf32, #tpu.memory_space<hbm>> -> memref<10000x256xf32, #tpu.memory_space<hbm>>
        tpu.wait_indirect_dma semaphore(%arg19 : memref<!tpu.dma_semaphore, #tpu.memory_space<semaphore_mem>>) src(%dma_wait3A_669 : memref<10000x256xf32, #tpu.memory_space<hbm>>) dst(%dma_wait3A_663 : memref<8x256xf32, #tpu.memory_space<vmem>>)
        %dma_wait3A_670 = arith.constant 0 : i32
        %dma_wait3A_671 = arith.constant 0 : i32
        %dma_wait3A_672 = arith.constant 0 : i32
        %dma_wait3A_673 = tpu.memref_slice %arg13[%dma_wait3A_671, %dma_wait3A_672] : memref<40x256xf32, #tpu.memory_space<vmem>> -> memref<8x256xf32, #tpu.memory_space<vmem>>
        %dma_wait3A_674 = arith.constant 0 : i32
        %dma_wait3A_675 = tpu.memref_slice %arg9[%dma_wait3A_670, %dma_wait3A_674] : memref<1x40xi32, #tpu.memory_space<vmem>> -> memref<1x8xi32, #tpu.memory_space<vmem>>
        %dma_wait3A_676 = tpu.memref_squeeze %dma_wait3A_675 : memref<1x8xi32, #tpu.memory_space<vmem>> -> memref<8xi32, #tpu.memory_space<vmem>>
        %dma_wait3A_677 = arith.constant 0 : i32
        %dma_wait3A_678 = arith.constant 0 : i32
        %dma_wait3A_679 = tpu.memref_slice %arg2[%dma_wait3A_677, %dma_wait3A_678] : memref<10000x256xf32, #tpu.memory_space<hbm>> -> memref<10000x256xf32, #tpu.memory_space<hbm>>
        tpu.wait_indirect_dma semaphore(%arg20 : memref<!tpu.dma_semaphore, #tpu.memory_space<semaphore_mem>>) src(%dma_wait3A_679 : memref<10000x256xf32, #tpu.memory_space<hbm>>) dst(%dma_wait3A_673 : memref<8x256xf32, #tpu.memory_space<vmem>>)
        %dma_wait3A_680 = arith.constant 0 : i32
        %dma_wait3A_681 = arith.constant 8 : i32
        %dma_wait3A_682 = arith.constant 0 : i32
        %dma_wait3A_683 = tpu.memref_slice %arg12[%dma_wait3A_681, %dma_wait3A_682] : memref<40x256xf32, #tpu.memory_space<vmem>> -> memref<8x256xf32, #tpu.memory_space<vmem>>
        %dma_wait3A_684 = arith.constant 8 : i32
        %dma_wait3A_685 = tpu.memref_slice %arg8[%dma_wait3A_680, %dma_wait3A_684] : memref<1x40xi32, #tpu.memory_space<vmem>> -> memref<1x8xi32, #tpu.memory_space<vmem>>
        %dma_wait3A_686 = tpu.memref_squeeze %dma_wait3A_685 : memref<1x8xi32, #tpu.memory_space<vmem>> -> memref<8xi32, #tpu.memory_space<vmem>>
        %dma_wait3A_687 = arith.constant 0 : i32
        %dma_wait3A_688 = arith.constant 0 : i32
        %dma_wait3A_689 = tpu.memref_slice %arg2[%dma_wait3A_687, %dma_wait3A_688] : memref<10000x256xf32, #tpu.memory_space<hbm>> -> memref<10000x256xf32, #tpu.memory_space<hbm>>
        tpu.wait_indirect_dma semaphore(%arg19 : memref<!tpu.dma_semaphore, #tpu.memory_space<semaphore_mem>>) src(%dma_wait3A_689 : memref<10000x256xf32, #tpu.memory_space<hbm>>) dst(%dma_wait3A_683 : memref<8x256xf32, #tpu.memory_space<vmem>>)
        %dma_wait3A_690 = arith.constant 0 : i32
        %dma_wait3A_691 = arith.constant 8 : i32
        %dma_wait3A_692 = arith.constant 0 : i32
        %dma_wait3A_693 = tpu.memref_slice %arg13[%dma_wait3A_691, %dma_wait3A_692] : memref<40x256xf32, #tpu.memory_space<vmem>> -> memref<8x256xf32, #tpu.memory_space<vmem>>
        %dma_wait3A_694 = arith.constant 8 : i32
        %dma_wait3A_695 = tpu.memref_slice %arg9[%dma_wait3A_690, %dma_wait3A_694] : memref<1x40xi32, #tpu.memory_space<vmem>> -> memref<1x8xi32, #tpu.memory_space<vmem>>
        %dma_wait3A_696 = tpu.memref_squeeze %dma_wait3A_695 : memref<1x8xi32, #tpu.memory_space<vmem>> -> memref<8xi32, #tpu.memory_space<vmem>>
        %dma_wait3A_697 = arith.constant 0 : i32
        %dma_wait3A_698 = arith.constant 0 : i32
        %dma_wait3A_699 = tpu.memref_slice %arg2[%dma_wait3A_697, %dma_wait3A_698] : memref<10000x256xf32, #tpu.memory_space<hbm>> -> memref<10000x256xf32, #tpu.memory_space<hbm>>
        tpu.wait_indirect_dma semaphore(%arg20 : memref<!tpu.dma_semaphore, #tpu.memory_space<semaphore_mem>>) src(%dma_wait3A_699 : memref<10000x256xf32, #tpu.memory_space<hbm>>) dst(%dma_wait3A_693 : memref<8x256xf32, #tpu.memory_space<vmem>>)
        %dma_wait3A_700 = arith.constant 0 : i32
        %dma_wait3A_701 = arith.constant 16 : i32
        %dma_wait3A_702 = arith.constant 0 : i32
        %dma_wait3A_703 = tpu.memref_slice %arg12[%dma_wait3A_701, %dma_wait3A_702] : memref<40x256xf32, #tpu.memory_space<vmem>> -> memref<8x256xf32, #tpu.memory_space<vmem>>
        %dma_wait3A_704 = arith.constant 16 : i32
        %dma_wait3A_705 = tpu.memref_slice %arg8[%dma_wait3A_700, %dma_wait3A_704] : memref<1x40xi32, #tpu.memory_space<vmem>> -> memref<1x8xi32, #tpu.memory_space<vmem>>
        %dma_wait3A_706 = tpu.memref_squeeze %dma_wait3A_705 : memref<1x8xi32, #tpu.memory_space<vmem>> -> memref<8xi32, #tpu.memory_space<vmem>>
        %dma_wait3A_707 = arith.constant 0 : i32
        %dma_wait3A_708 = arith.constant 0 : i32
        %dma_wait3A_709 = tpu.memref_slice %arg2[%dma_wait3A_707, %dma_wait3A_708] : memref<10000x256xf32, #tpu.memory_space<hbm>> -> memref<10000x256xf32, #tpu.memory_space<hbm>>
        tpu.wait_indirect_dma semaphore(%arg19 : memref<!tpu.dma_semaphore, #tpu.memory_space<semaphore_mem>>) src(%dma_wait3A_709 : memref<10000x256xf32, #tpu.memory_space<hbm>>) dst(%dma_wait3A_703 : memref<8x256xf32, #tpu.memory_space<vmem>>)
        %dma_wait3A_710 = arith.constant 0 : i32
        %dma_wait3A_711 = arith.constant 16 : i32
        %dma_wait3A_712 = arith.constant 0 : i32
        %dma_wait3A_713 = tpu.memref_slice %arg13[%dma_wait3A_711, %dma_wait3A_712] : memref<40x256xf32, #tpu.memory_space<vmem>> -> memref<8x256xf32, #tpu.memory_space<vmem>>
        %dma_wait3A_714 = arith.constant 16 : i32
        %dma_wait3A_715 = tpu.memref_slice %arg9[%dma_wait3A_710, %dma_wait3A_714] : memref<1x40xi32, #tpu.memory_space<vmem>> -> memref<1x8xi32, #tpu.memory_space<vmem>>
        %dma_wait3A_716 = tpu.memref_squeeze %dma_wait3A_715 : memref<1x8xi32, #tpu.memory_space<vmem>> -> memref<8xi32, #tpu.memory_space<vmem>>
        %dma_wait3A_717 = arith.constant 0 : i32
        %dma_wait3A_718 = arith.constant 0 : i32
        %dma_wait3A_719 = tpu.memref_slice %arg2[%dma_wait3A_717, %dma_wait3A_718] : memref<10000x256xf32, #tpu.memory_space<hbm>> -> memref<10000x256xf32, #tpu.memory_space<hbm>>
        tpu.wait_indirect_dma semaphore(%arg20 : memref<!tpu.dma_semaphore, #tpu.memory_space<semaphore_mem>>) src(%dma_wait3A_719 : memref<10000x256xf32, #tpu.memory_space<hbm>>) dst(%dma_wait3A_713 : memref<8x256xf32, #tpu.memory_space<vmem>>)
        %dma_wait3A_720 = arith.constant 0 : i32
        %dma_wait3A_721 = arith.constant 24 : i32
        %dma_wait3A_722 = arith.constant 0 : i32
        %dma_wait3A_723 = tpu.memref_slice %arg12[%dma_wait3A_721, %dma_wait3A_722] : memref<40x256xf32, #tpu.memory_space<vmem>> -> memref<8x256xf32, #tpu.memory_space<vmem>>
        %dma_wait3A_724 = arith.constant 24 : i32
        %dma_wait3A_725 = tpu.memref_slice %arg8[%dma_wait3A_720, %dma_wait3A_724] : memref<1x40xi32, #tpu.memory_space<vmem>> -> memref<1x8xi32, #tpu.memory_space<vmem>>
        %dma_wait3A_726 = tpu.memref_squeeze %dma_wait3A_725 : memref<1x8xi32, #tpu.memory_space<vmem>> -> memref<8xi32, #tpu.memory_space<vmem>>
        %dma_wait3A_727 = arith.constant 0 : i32
        %dma_wait3A_728 = arith.constant 0 : i32
        %dma_wait3A_729 = tpu.memref_slice %arg2[%dma_wait3A_727, %dma_wait3A_728] : memref<10000x256xf32, #tpu.memory_space<hbm>> -> memref<10000x256xf32, #tpu.memory_space<hbm>>
        tpu.wait_indirect_dma semaphore(%arg19 : memref<!tpu.dma_semaphore, #tpu.memory_space<semaphore_mem>>) src(%dma_wait3A_729 : memref<10000x256xf32, #tpu.memory_space<hbm>>) dst(%dma_wait3A_723 : memref<8x256xf32, #tpu.memory_space<vmem>>)
        %dma_wait3A_730 = arith.constant 0 : i32
        %dma_wait3A_731 = arith.constant 24 : i32
        %dma_wait3A_732 = arith.constant 0 : i32
        %dma_wait3A_733 = tpu.memref_slice %arg13[%dma_wait3A_731, %dma_wait3A_732] : memref<40x256xf32, #tpu.memory_space<vmem>> -> memref<8x256xf32, #tpu.memory_space<vmem>>
        %dma_wait3A_734 = arith.constant 24 : i32
        %dma_wait3A_735 = tpu.memref_slice %arg9[%dma_wait3A_730, %dma_wait3A_734] : memref<1x40xi32, #tpu.memory_space<vmem>> -> memref<1x8xi32, #tpu.memory_space<vmem>>
        %dma_wait3A_736 = tpu.memref_squeeze %dma_wait3A_735 : memref<1x8xi32, #tpu.memory_space<vmem>> -> memref<8xi32, #tpu.memory_space<vmem>>
        %dma_wait3A_737 = arith.constant 0 : i32
        %dma_wait3A_738 = arith.constant 0 : i32
        %dma_wait3A_739 = tpu.memref_slice %arg2[%dma_wait3A_737, %dma_wait3A_738] : memref<10000x256xf32, #tpu.memory_space<hbm>> -> memref<10000x256xf32, #tpu.memory_space<hbm>>
        tpu.wait_indirect_dma semaphore(%arg20 : memref<!tpu.dma_semaphore, #tpu.memory_space<semaphore_mem>>) src(%dma_wait3A_739 : memref<10000x256xf32, #tpu.memory_space<hbm>>) dst(%dma_wait3A_733 : memref<8x256xf32, #tpu.memory_space<vmem>>)
        %dma_wait3A_740 = arith.constant 0 : i32
        %dma_wait3A_741 = arith.constant 32 : i32
        %dma_wait3A_742 = arith.constant 0 : i32
        %dma_wait3A_743 = tpu.memref_slice %arg12[%dma_wait3A_741, %dma_wait3A_742] : memref<40x256xf32, #tpu.memory_space<vmem>> -> memref<8x256xf32, #tpu.memory_space<vmem>>
        %dma_wait3A_744 = arith.constant 32 : i32
        %dma_wait3A_745 = tpu.memref_slice %arg8[%dma_wait3A_740, %dma_wait3A_744] : memref<1x40xi32, #tpu.memory_space<vmem>> -> memref<1x8xi32, #tpu.memory_space<vmem>>
        %dma_wait3A_746 = tpu.memref_squeeze %dma_wait3A_745 : memref<1x8xi32, #tpu.memory_space<vmem>> -> memref<8xi32, #tpu.memory_space<vmem>>
        %dma_wait3A_747 = arith.constant 0 : i32
        %dma_wait3A_748 = arith.constant 0 : i32
        %dma_wait3A_749 = tpu.memref_slice %arg2[%dma_wait3A_747, %dma_wait3A_748] : memref<10000x256xf32, #tpu.memory_space<hbm>> -> memref<10000x256xf32, #tpu.memory_space<hbm>>
        tpu.wait_indirect_dma semaphore(%arg19 : memref<!tpu.dma_semaphore, #tpu.memory_space<semaphore_mem>>) src(%dma_wait3A_749 : memref<10000x256xf32, #tpu.memory_space<hbm>>) dst(%dma_wait3A_743 : memref<8x256xf32, #tpu.memory_space<vmem>>)
        %dma_wait3A_750 = arith.constant 0 : i32
        %dma_wait3A_751 = arith.constant 32 : i32
        %dma_wait3A_752 = arith.constant 0 : i32
        %dma_wait3A_753 = tpu.memref_slice %arg13[%dma_wait3A_751, %dma_wait3A_752] : memref<40x256xf32, #tpu.memory_space<vmem>> -> memref<8x256xf32, #tpu.memory_space<vmem>>
        %dma_wait3A_754 = arith.constant 32 : i32
        %dma_wait3A_755 = tpu.memref_slice %arg9[%dma_wait3A_750, %dma_wait3A_754] : memref<1x40xi32, #tpu.memory_space<vmem>> -> memref<1x8xi32, #tpu.memory_space<vmem>>
        %dma_wait3A_756 = tpu.memref_squeeze %dma_wait3A_755 : memref<1x8xi32, #tpu.memory_space<vmem>> -> memref<8xi32, #tpu.memory_space<vmem>>
        %dma_wait3A_757 = arith.constant 0 : i32
        %dma_wait3A_758 = arith.constant 0 : i32
        %dma_wait3A_759 = tpu.memref_slice %arg2[%dma_wait3A_757, %dma_wait3A_758] : memref<10000x256xf32, #tpu.memory_space<hbm>> -> memref<10000x256xf32, #tpu.memory_space<hbm>>
        tpu.wait_indirect_dma semaphore(%arg20 : memref<!tpu.dma_semaphore, #tpu.memory_space<semaphore_mem>>) src(%dma_wait3A_759 : memref<10000x256xf32, #tpu.memory_space<hbm>>) dst(%dma_wait3A_753 : memref<8x256xf32, #tpu.memory_space<vmem>>)
      } else {
      }
      %eq3A_229 = arith.constant 1 : i32
      %eq3A_230 = arith.cmpi eq, %arg0, %eq3A_229 : i32
      %convert_element_type3A_231 = arith.extui %eq3A_230 : i1 to i32
      %cond3A_232 = arith.constant 0 : i32
      %cond3A_233 = arith.cmpi ne, %convert_element_type3A_231, %cond3A_232 : i32
      scf.if %cond3A_233 {
        %dma_wait3A_660 = arith.constant 0 : i32
        %dma_wait3A_661 = arith.constant 0 : i32
        %dma_wait3A_662 = arith.constant 0 : i32
        %dma_wait3A_663 = tpu.memref_slice %arg12[%dma_wait3A_661, %dma_wait3A_662] : memref<40x256xf32, #tpu.memory_space<vmem>> -> memref<8x256xf32, #tpu.memory_space<vmem>>
        %dma_wait3A_664 = arith.constant 0 : i32
        %dma_wait3A_665 = tpu.memref_slice %arg8[%dma_wait3A_660, %dma_wait3A_664] : memref<1x40xi32, #tpu.memory_space<vmem>> -> memref<1x8xi32, #tpu.memory_space<vmem>>
        %dma_wait3A_666 = tpu.memref_squeeze %dma_wait3A_665 : memref<1x8xi32, #tpu.memory_space<vmem>> -> memref<8xi32, #tpu.memory_space<vmem>>
        %dma_wait3A_667 = arith.constant 0 : i32
        %dma_wait3A_668 = arith.constant 0 : i32
        %dma_wait3A_669 = tpu.memref_slice %arg3[%dma_wait3A_667, %dma_wait3A_668] : memref<10000x256xf32, #tpu.memory_space<hbm>> -> memref<10000x256xf32, #tpu.memory_space<hbm>>
        tpu.wait_indirect_dma semaphore(%arg19 : memref<!tpu.dma_semaphore, #tpu.memory_space<semaphore_mem>>) src(%dma_wait3A_669 : memref<10000x256xf32, #tpu.memory_space<hbm>>) dst(%dma_wait3A_663 : memref<8x256xf32, #tpu.memory_space<vmem>>)
        %dma_wait3A_670 = arith.constant 0 : i32
        %dma_wait3A_671 = arith.constant 0 : i32
        %dma_wait3A_672 = arith.constant 0 : i32
        %dma_wait3A_673 = tpu.memref_slice %arg13[%dma_wait3A_671, %dma_wait3A_672] : memref<40x256xf32, #tpu.memory_space<vmem>> -> memref<8x256xf32, #tpu.memory_space<vmem>>
        %dma_wait3A_674 = arith.constant 0 : i32
        %dma_wait3A_675 = tpu.memref_slice %arg9[%dma_wait3A_670, %dma_wait3A_674] : memref<1x40xi32, #tpu.memory_space<vmem>> -> memref<1x8xi32, #tpu.memory_space<vmem>>
        %dma_wait3A_676 = tpu.memref_squeeze %dma_wait3A_675 : memref<1x8xi32, #tpu.memory_space<vmem>> -> memref<8xi32, #tpu.memory_space<vmem>>
        %dma_wait3A_677 = arith.constant 0 : i32
        %dma_wait3A_678 = arith.constant 0 : i32
        %dma_wait3A_679 = tpu.memref_slice %arg3[%dma_wait3A_677, %dma_wait3A_678] : memref<10000x256xf32, #tpu.memory_space<hbm>> -> memref<10000x256xf32, #tpu.memory_space<hbm>>
        tpu.wait_indirect_dma semaphore(%arg20 : memref<!tpu.dma_semaphore, #tpu.memory_space<semaphore_mem>>) src(%dma_wait3A_679 : memref<10000x256xf32, #tpu.memory_space<hbm>>) dst(%dma_wait3A_673 : memref<8x256xf32, #tpu.memory_space<vmem>>)
        %dma_wait3A_680 = arith.constant 0 : i32
        %dma_wait3A_681 = arith.constant 8 : i32
        %dma_wait3A_682 = arith.constant 0 : i32
        %dma_wait3A_683 = tpu.memref_slice %arg12[%dma_wait3A_681, %dma_wait3A_682] : memref<40x256xf32, #tpu.memory_space<vmem>> -> memref<8x256xf32, #tpu.memory_space<vmem>>
        %dma_wait3A_684 = arith.constant 8 : i32
        %dma_wait3A_685 = tpu.memref_slice %arg8[%dma_wait3A_680, %dma_wait3A_684] : memref<1x40xi32, #tpu.memory_space<vmem>> -> memref<1x8xi32, #tpu.memory_space<vmem>>
        %dma_wait3A_686 = tpu.memref_squeeze %dma_wait3A_685 : memref<1x8xi32, #tpu.memory_space<vmem>> -> memref<8xi32, #tpu.memory_space<vmem>>
        %dma_wait3A_687 = arith.constant 0 : i32
        %dma_wait3A_688 = arith.constant 0 : i32
        %dma_wait3A_689 = tpu.memref_slice %arg3[%dma_wait3A_687, %dma_wait3A_688] : memref<10000x256xf32, #tpu.memory_space<hbm>> -> memref<10000x256xf32, #tpu.memory_space<hbm>>
        tpu.wait_indirect_dma semaphore(%arg19 : memref<!tpu.dma_semaphore, #tpu.memory_space<semaphore_mem>>) src(%dma_wait3A_689 : memref<10000x256xf32, #tpu.memory_space<hbm>>) dst(%dma_wait3A_683 : memref<8x256xf32, #tpu.memory_space<vmem>>)
        %dma_wait3A_690 = arith.constant 0 : i32
        %dma_wait3A_691 = arith.constant 8 : i32
        %dma_wait3A_692 = arith.constant 0 : i32
        %dma_wait3A_693 = tpu.memref_slice %arg13[%dma_wait3A_691, %dma_wait3A_692] : memref<40x256xf32, #tpu.memory_space<vmem>> -> memref<8x256xf32, #tpu.memory_space<vmem>>
        %dma_wait3A_694 = arith.constant 8 : i32
        %dma_wait3A_695 = tpu.memref_slice %arg9[%dma_wait3A_690, %dma_wait3A_694] : memref<1x40xi32, #tpu.memory_space<vmem>> -> memref<1x8xi32, #tpu.memory_space<vmem>>
        %dma_wait3A_696 = tpu.memref_squeeze %dma_wait3A_695 : memref<1x8xi32, #tpu.memory_space<vmem>> -> memref<8xi32, #tpu.memory_space<vmem>>
        %dma_wait3A_697 = arith.constant 0 : i32
        %dma_wait3A_698 = arith.constant 0 : i32
        %dma_wait3A_699 = tpu.memref_slice %arg3[%dma_wait3A_697, %dma_wait3A_698] : memref<10000x256xf32, #tpu.memory_space<hbm>> -> memref<10000x256xf32, #tpu.memory_space<hbm>>
        tpu.wait_indirect_dma semaphore(%arg20 : memref<!tpu.dma_semaphore, #tpu.memory_space<semaphore_mem>>) src(%dma_wait3A_699 : memref<10000x256xf32, #tpu.memory_space<hbm>>) dst(%dma_wait3A_693 : memref<8x256xf32, #tpu.memory_space<vmem>>)
        %dma_wait3A_700 = arith.constant 0 : i32
        %dma_wait3A_701 = arith.constant 16 : i32
        %dma_wait3A_702 = arith.constant 0 : i32
        %dma_wait3A_703 = tpu.memref_slice %arg12[%dma_wait3A_701, %dma_wait3A_702] : memref<40x256xf32, #tpu.memory_space<vmem>> -> memref<8x256xf32, #tpu.memory_space<vmem>>
        %dma_wait3A_704 = arith.constant 16 : i32
        %dma_wait3A_705 = tpu.memref_slice %arg8[%dma_wait3A_700, %dma_wait3A_704] : memref<1x40xi32, #tpu.memory_space<vmem>> -> memref<1x8xi32, #tpu.memory_space<vmem>>
        %dma_wait3A_706 = tpu.memref_squeeze %dma_wait3A_705 : memref<1x8xi32, #tpu.memory_space<vmem>> -> memref<8xi32, #tpu.memory_space<vmem>>
        %dma_wait3A_707 = arith.constant 0 : i32
        %dma_wait3A_708 = arith.constant 0 : i32
        %dma_wait3A_709 = tpu.memref_slice %arg3[%dma_wait3A_707, %dma_wait3A_708] : memref<10000x256xf32, #tpu.memory_space<hbm>> -> memref<10000x256xf32, #tpu.memory_space<hbm>>
        tpu.wait_indirect_dma semaphore(%arg19 : memref<!tpu.dma_semaphore, #tpu.memory_space<semaphore_mem>>) src(%dma_wait3A_709 : memref<10000x256xf32, #tpu.memory_space<hbm>>) dst(%dma_wait3A_703 : memref<8x256xf32, #tpu.memory_space<vmem>>)
        %dma_wait3A_710 = arith.constant 0 : i32
        %dma_wait3A_711 = arith.constant 16 : i32
        %dma_wait3A_712 = arith.constant 0 : i32
        %dma_wait3A_713 = tpu.memref_slice %arg13[%dma_wait3A_711, %dma_wait3A_712] : memref<40x256xf32, #tpu.memory_space<vmem>> -> memref<8x256xf32, #tpu.memory_space<vmem>>
        %dma_wait3A_714 = arith.constant 16 : i32
        %dma_wait3A_715 = tpu.memref_slice %arg9[%dma_wait3A_710, %dma_wait3A_714] : memref<1x40xi32, #tpu.memory_space<vmem>> -> memref<1x8xi32, #tpu.memory_space<vmem>>
        %dma_wait3A_716 = tpu.memref_squeeze %dma_wait3A_715 : memref<1x8xi32, #tpu.memory_space<vmem>> -> memref<8xi32, #tpu.memory_space<vmem>>
        %dma_wait3A_717 = arith.constant 0 : i32
        %dma_wait3A_718 = arith.constant 0 : i32
        %dma_wait3A_719 = tpu.memref_slice %arg3[%dma_wait3A_717, %dma_wait3A_718] : memref<10000x256xf32, #tpu.memory_space<hbm>> -> memref<10000x256xf32, #tpu.memory_space<hbm>>
        tpu.wait_indirect_dma semaphore(%arg20 : memref<!tpu.dma_semaphore, #tpu.memory_space<semaphore_mem>>) src(%dma_wait3A_719 : memref<10000x256xf32, #tpu.memory_space<hbm>>) dst(%dma_wait3A_713 : memref<8x256xf32, #tpu.memory_space<vmem>>)
        %dma_wait3A_720 = arith.constant 0 : i32
        %dma_wait3A_721 = arith.constant 24 : i32
        %dma_wait3A_722 = arith.constant 0 : i32
        %dma_wait3A_723 = tpu.memref_slice %arg12[%dma_wait3A_721, %dma_wait3A_722] : memref<40x256xf32, #tpu.memory_space<vmem>> -> memref<8x256xf32, #tpu.memory_space<vmem>>
        %dma_wait3A_724 = arith.constant 24 : i32
        %dma_wait3A_725 = tpu.memref_slice %arg8[%dma_wait3A_720, %dma_wait3A_724] : memref<1x40xi32, #tpu.memory_space<vmem>> -> memref<1x8xi32, #tpu.memory_space<vmem>>
        %dma_wait3A_726 = tpu.memref_squeeze %dma_wait3A_725 : memref<1x8xi32, #tpu.memory_space<vmem>> -> memref<8xi32, #tpu.memory_space<vmem>>
        %dma_wait3A_727 = arith.constant 0 : i32
        %dma_wait3A_728 = arith.constant 0 : i32
        %dma_wait3A_729 = tpu.memref_slice %arg3[%dma_wait3A_727, %dma_wait3A_728] : memref<10000x256xf32, #tpu.memory_space<hbm>> -> memref<10000x256xf32, #tpu.memory_space<hbm>>
        tpu.wait_indirect_dma semaphore(%arg19 : memref<!tpu.dma_semaphore, #tpu.memory_space<semaphore_mem>>) src(%dma_wait3A_729 : memref<10000x256xf32, #tpu.memory_space<hbm>>) dst(%dma_wait3A_723 : memref<8x256xf32, #tpu.memory_space<vmem>>)
        %dma_wait3A_730 = arith.constant 0 : i32
        %dma_wait3A_731 = arith.constant 24 : i32
        %dma_wait3A_732 = arith.constant 0 : i32
        %dma_wait3A_733 = tpu.memref_slice %arg13[%dma_wait3A_731, %dma_wait3A_732] : memref<40x256xf32, #tpu.memory_space<vmem>> -> memref<8x256xf32, #tpu.memory_space<vmem>>
        %dma_wait3A_734 = arith.constant 24 : i32
        %dma_wait3A_735 = tpu.memref_slice %arg9[%dma_wait3A_730, %dma_wait3A_734] : memref<1x40xi32, #tpu.memory_space<vmem>> -> memref<1x8xi32, #tpu.memory_space<vmem>>
        %dma_wait3A_736 = tpu.memref_squeeze %dma_wait3A_735 : memref<1x8xi32, #tpu.memory_space<vmem>> -> memref<8xi32, #tpu.memory_space<vmem>>
        %dma_wait3A_737 = arith.constant 0 : i32
        %dma_wait3A_738 = arith.constant 0 : i32
        %dma_wait3A_739 = tpu.memref_slice %arg3[%dma_wait3A_737, %dma_wait3A_738] : memref<10000x256xf32, #tpu.memory_space<hbm>> -> memref<10000x256xf32, #tpu.memory_space<hbm>>
        tpu.wait_indirect_dma semaphore(%arg20 : memref<!tpu.dma_semaphore, #tpu.memory_space<semaphore_mem>>) src(%dma_wait3A_739 : memref<10000x256xf32, #tpu.memory_space<hbm>>) dst(%dma_wait3A_733 : memref<8x256xf32, #tpu.memory_space<vmem>>)
        %dma_wait3A_740 = arith.constant 0 : i32
        %dma_wait3A_741 = arith.constant 32 : i32
        %dma_wait3A_742 = arith.constant 0 : i32
        %dma_wait3A_743 = tpu.memref_slice %arg12[%dma_wait3A_741, %dma_wait3A_742] : memref<40x256xf32, #tpu.memory_space<vmem>> -> memref<8x256xf32, #tpu.memory_space<vmem>>
        %dma_wait3A_744 = arith.constant 32 : i32
        %dma_wait3A_745 = tpu.memref_slice %arg8[%dma_wait3A_740, %dma_wait3A_744] : memref<1x40xi32, #tpu.memory_space<vmem>> -> memref<1x8xi32, #tpu.memory_space<vmem>>
        %dma_wait3A_746 = tpu.memref_squeeze %dma_wait3A_745 : memref<1x8xi32, #tpu.memory_space<vmem>> -> memref<8xi32, #tpu.memory_space<vmem>>
        %dma_wait3A_747 = arith.constant 0 : i32
        %dma_wait3A_748 = arith.constant 0 : i32
        %dma_wait3A_749 = tpu.memref_slice %arg3[%dma_wait3A_747, %dma_wait3A_748] : memref<10000x256xf32, #tpu.memory_space<hbm>> -> memref<10000x256xf32, #tpu.memory_space<hbm>>
        tpu.wait_indirect_dma semaphore(%arg19 : memref<!tpu.dma_semaphore, #tpu.memory_space<semaphore_mem>>) src(%dma_wait3A_749 : memref<10000x256xf32, #tpu.memory_space<hbm>>) dst(%dma_wait3A_743 : memref<8x256xf32, #tpu.memory_space<vmem>>)
        %dma_wait3A_750 = arith.constant 0 : i32
        %dma_wait3A_751 = arith.constant 32 : i32
        %dma_wait3A_752 = arith.constant 0 : i32
        %dma_wait3A_753 = tpu.memref_slice %arg13[%dma_wait3A_751, %dma_wait3A_752] : memref<40x256xf32, #tpu.memory_space<vmem>> -> memref<8x256xf32, #tpu.memory_space<vmem>>
        %dma_wait3A_754 = arith.constant 32 : i32
        %dma_wait3A_755 = tpu.memref_slice %arg9[%dma_wait3A_750, %dma_wait3A_754] : memref<1x40xi32, #tpu.memory_space<vmem>> -> memref<1x8xi32, #tpu.memory_space<vmem>>
        %dma_wait3A_756 = tpu.memref_squeeze %dma_wait3A_755 : memref<1x8xi32, #tpu.memory_space<vmem>> -> memref<8xi32, #tpu.memory_space<vmem>>
        %dma_wait3A_757 = arith.constant 0 : i32
        %dma_wait3A_758 = arith.constant 0 : i32
        %dma_wait3A_759 = tpu.memref_slice %arg3[%dma_wait3A_757, %dma_wait3A_758] : memref<10000x256xf32, #tpu.memory_space<hbm>> -> memref<10000x256xf32, #tpu.memory_space<hbm>>
        tpu.wait_indirect_dma semaphore(%arg20 : memref<!tpu.dma_semaphore, #tpu.memory_space<semaphore_mem>>) src(%dma_wait3A_759 : memref<10000x256xf32, #tpu.memory_space<hbm>>) dst(%dma_wait3A_753 : memref<8x256xf32, #tpu.memory_space<vmem>>)
      } else {
      }
      %parallel_loop3A = arith.constant 0 : i32
      %parallel_loop3A_234 = arith.constant 40 : i32
      %parallel_loop3A_235 = arith.constant 1 : i32
      scf.for %parallel_loop3A_660 = %parallel_loop3A to %parallel_loop3A_234 step %parallel_loop3A_235  : i32 {
        %parallel_loop3A_661 = arith.index_cast %parallel_loop3A_660 : i32 to index
        %parallel_loop3A_662 = arith.constant 0 : index
        %parallel_loop3A_663 = tpu.vector_load %arg12[%parallel_loop3A_661, %parallel_loop3A_662] {strides = array<i32>} : memref<40x256xf32, #tpu.memory_space<vmem>>, vector<1x16xf32>,
        %parallel_loop3A_664 = vector.shape_cast %parallel_loop3A_663 : vector<1x16xf32> to vector<16xf32>
        %parallel_loop3A_665 = arith.index_cast %parallel_loop3A_660 : i32 to index
        %parallel_loop3A_666 = arith.constant 128 : index
        %parallel_loop3A_667 = tpu.vector_load %arg13[%parallel_loop3A_665, %parallel_loop3A_666] {strides = array<i32>} : memref<40x256xf32, #tpu.memory_space<vmem>>, vector<1x16xf32>,
        %parallel_loop3A_668 = vector.shape_cast %parallel_loop3A_667 : vector<1x16xf32> to vector<16xf32>
        %parallel_loop3A_669 = arith.addf %parallel_loop3A_664, %parallel_loop3A_668 : vector<16xf32>
        %parallel_loop3A_670 = arith.constant 0.000000e+00 : f32
        %parallel_loop3A_671 = vector.broadcast %parallel_loop3A_670 : f32 to vector<16xf32>
        %parallel_loop3A_672 = arith.maximumf %parallel_loop3A_669, %parallel_loop3A_671 : vector<16xf32>
        %parallel_loop3A_673 = arith.addf %parallel_loop3A_672, %get3A_71 : vector<16xf32>
        %parallel_loop3A_674 = arith.index_cast %parallel_loop3A_660 : i32 to index
        %parallel_loop3A_675 = arith.constant 0 : index
        %parallel_loop3A_676 = tpu.vector_load %arg16[%parallel_loop3A_674, %parallel_loop3A_675] {strides = array<i32>} : memref<40x128xf32, #tpu.memory_space<vmem>>, vector<1x16xf32>,
        %parallel_loop3A_677 = vector.shape_cast %parallel_loop3A_676 : vector<1x16xf32> to vector<16xf32>
        %parallel_loop3A_678 = vector.shape_cast %parallel_loop3A_673 : vector<16xf32> to vector<1x16xf32>
        tpu.vector_store %arg16[%parallel_loop3A_674, %parallel_loop3A_675], %parallel_loop3A_678 {strides = array<i32>} : memref<40x128xf32, #tpu.memory_space<vmem>>, vector<1x16xf32>,
        %parallel_loop3A_679 = arith.index_cast %parallel_loop3A_660 : i32 to index
        %parallel_loop3A_680 = arith.constant 16 : index
        %parallel_loop3A_681 = tpu.vector_load %arg12[%parallel_loop3A_679, %parallel_loop3A_680] {strides = array<i32>} : memref<40x256xf32, #tpu.memory_space<vmem>>, vector<1x16xf32>,
        %parallel_loop3A_682 = vector.shape_cast %parallel_loop3A_681 : vector<1x16xf32> to vector<16xf32>
        %parallel_loop3A_683 = arith.index_cast %parallel_loop3A_660 : i32 to index
        %parallel_loop3A_684 = arith.constant 144 : index
        %parallel_loop3A_685 = tpu.vector_load %arg13[%parallel_loop3A_683, %parallel_loop3A_684] {strides = array<i32>} : memref<40x256xf32, #tpu.memory_space<vmem>>, vector<1x16xf32>,
        %parallel_loop3A_686 = vector.shape_cast %parallel_loop3A_685 : vector<1x16xf32> to vector<16xf32>
        %parallel_loop3A_687 = arith.addf %parallel_loop3A_682, %parallel_loop3A_686 : vector<16xf32>
        %parallel_loop3A_688 = arith.constant 0.000000e+00 : f32
        %parallel_loop3A_689 = vector.broadcast %parallel_loop3A_688 : f32 to vector<16xf32>
        %parallel_loop3A_690 = arith.maximumf %parallel_loop3A_687, %parallel_loop3A_689 : vector<16xf32>
        %parallel_loop3A_691 = arith.addf %parallel_loop3A_690, %get3A_76 : vector<16xf32>
        %parallel_loop3A_692 = arith.index_cast %parallel_loop3A_660 : i32 to index
        %parallel_loop3A_693 = arith.constant 16 : index
        %parallel_loop3A_694 = tpu.vector_load %arg16[%parallel_loop3A_692, %parallel_loop3A_693] {strides = array<i32>} : memref<40x128xf32, #tpu.memory_space<vmem>>, vector<1x16xf32>,
        %parallel_loop3A_695 = vector.shape_cast %parallel_loop3A_694 : vector<1x16xf32> to vector<16xf32>
        %parallel_loop3A_696 = vector.shape_cast %parallel_loop3A_691 : vector<16xf32> to vector<1x16xf32>
        tpu.vector_store %arg16[%parallel_loop3A_692, %parallel_loop3A_693], %parallel_loop3A_696 {strides = array<i32>} : memref<40x128xf32, #tpu.memory_space<vmem>>, vector<1x16xf32>,
        %parallel_loop3A_697 = arith.index_cast %parallel_loop3A_660 : i32 to index
        %parallel_loop3A_698 = arith.constant 32 : index
        %parallel_loop3A_699 = tpu.vector_load %arg12[%parallel_loop3A_697, %parallel_loop3A_698] {strides = array<i32>} : memref<40x256xf32, #tpu.memory_space<vmem>>, vector<1x16xf32>,
        %parallel_loop3A_700 = vector.shape_cast %parallel_loop3A_699 : vector<1x16xf32> to vector<16xf32>
        %parallel_loop3A_701 = arith.index_cast %parallel_loop3A_660 : i32 to index
        %parallel_loop3A_702 = arith.constant 160 : index
        %parallel_loop3A_703 = tpu.vector_load %arg13[%parallel_loop3A_701, %parallel_loop3A_702] {strides = array<i32>} : memref<40x256xf32, #tpu.memory_space<vmem>>, vector<1x16xf32>,
        %parallel_loop3A_704 = vector.shape_cast %parallel_loop3A_703 : vector<1x16xf32> to vector<16xf32>
        %parallel_loop3A_705 = arith.addf %parallel_loop3A_700, %parallel_loop3A_704 : vector<16xf32>
        %parallel_loop3A_706 = arith.constant 0.000000e+00 : f32
        %parallel_loop3A_707 = vector.broadcast %parallel_loop3A_706 : f32 to vector<16xf32>
        %parallel_loop3A_708 = arith.maximumf %parallel_loop3A_705, %parallel_loop3A_707 : vector<16xf32>
        %parallel_loop3A_709 = arith.addf %parallel_loop3A_708, %get3A_81 : vector<16xf32>
        %parallel_loop3A_710 = arith.index_cast %parallel_loop3A_660 : i32 to index
        %parallel_loop3A_711 = arith.constant 32 : index
        %parallel_loop3A_712 = tpu.vector_load %arg16[%parallel_loop3A_710, %parallel_loop3A_711] {strides = array<i32>} : memref<40x128xf32, #tpu.memory_space<vmem>>, vector<1x16xf32>,
        %parallel_loop3A_713 = vector.shape_cast %parallel_loop3A_712 : vector<1x16xf32> to vector<16xf32>
        %parallel_loop3A_714 = vector.shape_cast %parallel_loop3A_709 : vector<16xf32> to vector<1x16xf32>
        tpu.vector_store %arg16[%parallel_loop3A_710, %parallel_loop3A_711], %parallel_loop3A_714 {strides = array<i32>} : memref<40x128xf32, #tpu.memory_space<vmem>>, vector<1x16xf32>,
        %parallel_loop3A_715 = arith.index_cast %parallel_loop3A_660 : i32 to index
        %parallel_loop3A_716 = arith.constant 48 : index
        %parallel_loop3A_717 = tpu.vector_load %arg12[%parallel_loop3A_715, %parallel_loop3A_716] {strides = array<i32>} : memref<40x256xf32, #tpu.memory_space<vmem>>, vector<1x16xf32>,
        %parallel_loop3A_718 = vector.shape_cast %parallel_loop3A_717 : vector<1x16xf32> to vector<16xf32>
        %parallel_loop3A_719 = arith.index_cast %parallel_loop3A_660 : i32 to index
        %parallel_loop3A_720 = arith.constant 176 : index
        %parallel_loop3A_721 = tpu.vector_load %arg13[%parallel_loop3A_719, %parallel_loop3A_720] {strides = array<i32>} : memref<40x256xf32, #tpu.memory_space<vmem>>, vector<1x16xf32>,
        %parallel_loop3A_722 = vector.shape_cast %parallel_loop3A_721 : vector<1x16xf32> to vector<16xf32>
        %parallel_loop3A_723 = arith.addf %parallel_loop3A_718, %parallel_loop3A_722 : vector<16xf32>
        %parallel_loop3A_724 = arith.constant 0.000000e+00 : f32
        %parallel_loop3A_725 = vector.broadcast %parallel_loop3A_724 : f32 to vector<16xf32>
        %parallel_loop3A_726 = arith.maximumf %parallel_loop3A_723, %parallel_loop3A_725 : vector<16xf32>
        %parallel_loop3A_727 = arith.addf %parallel_loop3A_726, %get3A_86 : vector<16xf32>
        %parallel_loop3A_728 = arith.index_cast %parallel_loop3A_660 : i32 to index
        %parallel_loop3A_729 = arith.constant 48 : index
        %parallel_loop3A_730 = tpu.vector_load %arg16[%parallel_loop3A_728, %parallel_loop3A_729] {strides = array<i32>} : memref<40x128xf32, #tpu.memory_space<vmem>>, vector<1x16xf32>,
        %parallel_loop3A_731 = vector.shape_cast %parallel_loop3A_730 : vector<1x16xf32> to vector<16xf32>
        %parallel_loop3A_732 = vector.shape_cast %parallel_loop3A_727 : vector<16xf32> to vector<1x16xf32>
        tpu.vector_store %arg16[%parallel_loop3A_728, %parallel_loop3A_729], %parallel_loop3A_732 {strides = array<i32>} : memref<40x128xf32, #tpu.memory_space<vmem>>, vector<1x16xf32>,
        %parallel_loop3A_733 = arith.index_cast %parallel_loop3A_660 : i32 to index
        %parallel_loop3A_734 = arith.constant 64 : index
        %parallel_loop3A_735 = tpu.vector_load %arg12[%parallel_loop3A_733, %parallel_loop3A_734] {strides = array<i32>} : memref<40x256xf32, #tpu.memory_space<vmem>>, vector<1x16xf32>,
        %parallel_loop3A_736 = vector.shape_cast %parallel_loop3A_735 : vector<1x16xf32> to vector<16xf32>
        %parallel_loop3A_737 = arith.index_cast %parallel_loop3A_660 : i32 to index
        %parallel_loop3A_738 = arith.constant 192 : index
        %parallel_loop3A_739 = tpu.vector_load %arg13[%parallel_loop3A_737, %parallel_loop3A_738] {strides = array<i32>} : memref<40x256xf32, #tpu.memory_space<vmem>>, vector<1x16xf32>,
        %parallel_loop3A_740 = vector.shape_cast %parallel_loop3A_739 : vector<1x16xf32> to vector<16xf32>
        %parallel_loop3A_741 = arith.addf %parallel_loop3A_736, %parallel_loop3A_740 : vector<16xf32>
        %parallel_loop3A_742 = arith.constant 0.000000e+00 : f32
        %parallel_loop3A_743 = vector.broadcast %parallel_loop3A_742 : f32 to vector<16xf32>
        %parallel_loop3A_744 = arith.maximumf %parallel_loop3A_741, %parallel_loop3A_743 : vector<16xf32>
        %parallel_loop3A_745 = arith.addf %parallel_loop3A_744, %get3A_91 : vector<16xf32>
        %parallel_loop3A_746 = arith.index_cast %parallel_loop3A_660 : i32 to index
        %parallel_loop3A_747 = arith.constant 64 : index
        %parallel_loop3A_748 = tpu.vector_load %arg16[%parallel_loop3A_746, %parallel_loop3A_747] {strides = array<i32>} : memref<40x128xf32, #tpu.memory_space<vmem>>, vector<1x16xf32>,
        %parallel_loop3A_749 = vector.shape_cast %parallel_loop3A_748 : vector<1x16xf32> to vector<16xf32>
        %parallel_loop3A_750 = vector.shape_cast %parallel_loop3A_745 : vector<16xf32> to vector<1x16xf32>
        tpu.vector_store %arg16[%parallel_loop3A_746, %parallel_loop3A_747], %parallel_loop3A_750 {strides = array<i32>} : memref<40x128xf32, #tpu.memory_space<vmem>>, vector<1x16xf32>,
        %parallel_loop3A_751 = arith.index_cast %parallel_loop3A_660 : i32 to index
        %parallel_loop3A_752 = arith.constant 80 : index
        %parallel_loop3A_753 = tpu.vector_load %arg12[%parallel_loop3A_751, %parallel_loop3A_752] {strides = array<i32>} : memref<40x256xf32, #tpu.memory_space<vmem>>, vector<1x16xf32>,
        %parallel_loop3A_754 = vector.shape_cast %parallel_loop3A_753 : vector<1x16xf32> to vector<16xf32>
        %parallel_loop3A_755 = arith.index_cast %parallel_loop3A_660 : i32 to index
        %parallel_loop3A_756 = arith.constant 208 : index
        %parallel_loop3A_757 = tpu.vector_load %arg13[%parallel_loop3A_755, %parallel_loop3A_756] {strides = array<i32>} : memref<40x256xf32, #tpu.memory_space<vmem>>, vector<1x16xf32>,
        %parallel_loop3A_758 = vector.shape_cast %parallel_loop3A_757 : vector<1x16xf32> to vector<16xf32>
        %parallel_loop3A_759 = arith.addf %parallel_loop3A_754, %parallel_loop3A_758 : vector<16xf32>
        %parallel_loop3A_760 = arith.constant 0.000000e+00 : f32
        %parallel_loop3A_761 = vector.broadcast %parallel_loop3A_760 : f32 to vector<16xf32>
        %parallel_loop3A_762 = arith.maximumf %parallel_loop3A_759, %parallel_loop3A_761 : vector<16xf32>
        %parallel_loop3A_763 = arith.addf %parallel_loop3A_762, %get3A_96 : vector<16xf32>
        %parallel_loop3A_764 = arith.index_cast %parallel_loop3A_660 : i32 to index
        %parallel_loop3A_765 = arith.constant 80 : index
        %parallel_loop3A_766 = tpu.vector_load %arg16[%parallel_loop3A_764, %parallel_loop3A_765] {strides = array<i32>} : memref<40x128xf32, #tpu.memory_space<vmem>>, vector<1x16xf32>,
        %parallel_loop3A_767 = vector.shape_cast %parallel_loop3A_766 : vector<1x16xf32> to vector<16xf32>
        %parallel_loop3A_768 = vector.shape_cast %parallel_loop3A_763 : vector<16xf32> to vector<1x16xf32>
        tpu.vector_store %arg16[%parallel_loop3A_764, %parallel_loop3A_765], %parallel_loop3A_768 {strides = array<i32>} : memref<40x128xf32, #tpu.memory_space<vmem>>, vector<1x16xf32>,
        %parallel_loop3A_769 = arith.index_cast %parallel_loop3A_660 : i32 to index
        %parallel_loop3A_770 = arith.constant 96 : index
        %parallel_loop3A_771 = tpu.vector_load %arg12[%parallel_loop3A_769, %parallel_loop3A_770] {strides = array<i32>} : memref<40x256xf32, #tpu.memory_space<vmem>>, vector<1x16xf32>,
        %parallel_loop3A_772 = vector.shape_cast %parallel_loop3A_771 : vector<1x16xf32> to vector<16xf32>
        %parallel_loop3A_773 = arith.index_cast %parallel_loop3A_660 : i32 to index
        %parallel_loop3A_774 = arith.constant 224 : index
        %parallel_loop3A_775 = tpu.vector_load %arg13[%parallel_loop3A_773, %parallel_loop3A_774] {strides = array<i32>} : memref<40x256xf32, #tpu.memory_space<vmem>>, vector<1x16xf32>,
        %parallel_loop3A_776 = vector.shape_cast %parallel_loop3A_775 : vector<1x16xf32> to vector<16xf32>
        %parallel_loop3A_777 = arith.addf %parallel_loop3A_772, %parallel_loop3A_776 : vector<16xf32>
        %parallel_loop3A_778 = arith.constant 0.000000e+00 : f32
        %parallel_loop3A_779 = vector.broadcast %parallel_loop3A_778 : f32 to vector<16xf32>
        %parallel_loop3A_780 = arith.maximumf %parallel_loop3A_777, %parallel_loop3A_779 : vector<16xf32>
        %parallel_loop3A_781 = arith.addf %parallel_loop3A_780, %get3A_101 : vector<16xf32>
        %parallel_loop3A_782 = arith.index_cast %parallel_loop3A_660 : i32 to index
        %parallel_loop3A_783 = arith.constant 96 : index
        %parallel_loop3A_784 = tpu.vector_load %arg16[%parallel_loop3A_782, %parallel_loop3A_783] {strides = array<i32>} : memref<40x128xf32, #tpu.memory_space<vmem>>, vector<1x16xf32>,
        %parallel_loop3A_785 = vector.shape_cast %parallel_loop3A_784 : vector<1x16xf32> to vector<16xf32>
        %parallel_loop3A_786 = vector.shape_cast %parallel_loop3A_781 : vector<16xf32> to vector<1x16xf32>
        tpu.vector_store %arg16[%parallel_loop3A_782, %parallel_loop3A_783], %parallel_loop3A_786 {strides = array<i32>} : memref<40x128xf32, #tpu.memory_space<vmem>>, vector<1x16xf32>,
        %parallel_loop3A_787 = arith.index_cast %parallel_loop3A_660 : i32 to index
        %parallel_loop3A_788 = arith.constant 112 : index
        %parallel_loop3A_789 = tpu.vector_load %arg12[%parallel_loop3A_787, %parallel_loop3A_788] {strides = array<i32>} : memref<40x256xf32, #tpu.memory_space<vmem>>, vector<1x16xf32>,
        %parallel_loop3A_790 = vector.shape_cast %parallel_loop3A_789 : vector<1x16xf32> to vector<16xf32>
        %parallel_loop3A_791 = arith.index_cast %parallel_loop3A_660 : i32 to index
        %parallel_loop3A_792 = arith.constant 240 : index
        %parallel_loop3A_793 = tpu.vector_load %arg13[%parallel_loop3A_791, %parallel_loop3A_792] {strides = array<i32>} : memref<40x256xf32, #tpu.memory_space<vmem>>, vector<1x16xf32>,
        %parallel_loop3A_794 = vector.shape_cast %parallel_loop3A_793 : vector<1x16xf32> to vector<16xf32>
        %parallel_loop3A_795 = arith.addf %parallel_loop3A_790, %parallel_loop3A_794 : vector<16xf32>
        %parallel_loop3A_796 = arith.constant 0.000000e+00 : f32
        %parallel_loop3A_797 = vector.broadcast %parallel_loop3A_796 : f32 to vector<16xf32>
        %parallel_loop3A_798 = arith.maximumf %parallel_loop3A_795, %parallel_loop3A_797 : vector<16xf32>
        %parallel_loop3A_799 = arith.addf %parallel_loop3A_798, %get3A_106 : vector<16xf32>
        %parallel_loop3A_800 = arith.index_cast %parallel_loop3A_660 : i32 to index
        %parallel_loop3A_801 = arith.constant 112 : index
        %parallel_loop3A_802 = tpu.vector_load %arg16[%parallel_loop3A_800, %parallel_loop3A_801] {strides = array<i32>} : memref<40x128xf32, #tpu.memory_space<vmem>>, vector<1x16xf32>,
        %parallel_loop3A_803 = vector.shape_cast %parallel_loop3A_802 : vector<1x16xf32> to vector<16xf32>
        %parallel_loop3A_804 = vector.shape_cast %parallel_loop3A_799 : vector<16xf32> to vector<1x16xf32>
        tpu.vector_store %arg16[%parallel_loop3A_800, %parallel_loop3A_801], %parallel_loop3A_804 {strides = array<i32>} : memref<40x128xf32, #tpu.memory_space<vmem>>, vector<1x16xf32>,
      } {sc.loop_unroll_factor = 4 : i64, sc.parallel_access}
      %dma_start3A_236 = arith.constant 0 : i32
      %dma_start3A_237 = arith.constant 0 : i32
      %dma_start3A_238 = arith.constant 0 : i32
      %dma_start3A_239 = tpu.memref_slice %arg16[%dma_start3A_237, %dma_start3A_238] : memref<40x128xf32, #tpu.memory_space<vmem>> -> memref<8x128xf32, #tpu.memory_space<vmem>>
      %dma_start3A_240 = arith.constant 0 : i32
      %dma_start3A_241 = tpu.memref_slice %arg8[%dma_start3A_236, %dma_start3A_240] : memref<1x40xi32, #tpu.memory_space<vmem>> -> memref<1x8xi32, #tpu.memory_space<vmem>>
      %dma_start3A_242 = tpu.memref_squeeze %dma_start3A_241 : memref<1x8xi32, #tpu.memory_space<vmem>> -> memref<8xi32, #tpu.memory_space<vmem>>
      %dma_start3A_243 = arith.constant 0 : i32
      %dma_start3A_244 = arith.constant 0 : i32
      %dma_start3A_245 = tpu.memref_slice %arg18[%dma_start3A_243, %dma_start3A_244] : memref<10000x128xf32, #tpu.memory_space<vmem_shared>> -> memref<10000x128xf32, #tpu.memory_space<vmem_shared>>
      tpu.enqueue_indirect_dma source(%dma_start3A_239 : memref<8x128xf32, #tpu.memory_space<vmem>>) target(%dma_start3A_245 : memref<10000x128xf32, #tpu.memory_space<vmem_shared>>) offsets(%dma_start3A_242 : memref<8xi32, #tpu.memory_space<vmem>>) semaphore(%arg23 : memref<!tpu.dma_semaphore, #tpu.memory_space<semaphore_mem>>) {add = true}
      %dma_start3A_246 = arith.constant 0 : i32
      %dma_start3A_247 = arith.constant 8 : i32
      %dma_start3A_248 = arith.constant 0 : i32
      %dma_start3A_249 = tpu.memref_slice %arg16[%dma_start3A_247, %dma_start3A_248] : memref<40x128xf32, #tpu.memory_space<vmem>> -> memref<8x128xf32, #tpu.memory_space<vmem>>
      %dma_start3A_250 = arith.constant 8 : i32
      %dma_start3A_251 = tpu.memref_slice %arg8[%dma_start3A_246, %dma_start3A_250] : memref<1x40xi32, #tpu.memory_space<vmem>> -> memref<1x8xi32, #tpu.memory_space<vmem>>
      %dma_start3A_252 = tpu.memref_squeeze %dma_start3A_251 : memref<1x8xi32, #tpu.memory_space<vmem>> -> memref<8xi32, #tpu.memory_space<vmem>>
      %dma_start3A_253 = arith.constant 0 : i32
      %dma_start3A_254 = arith.constant 0 : i32
      %dma_start3A_255 = tpu.memref_slice %arg18[%dma_start3A_253, %dma_start3A_254] : memref<10000x128xf32, #tpu.memory_space<vmem_shared>> -> memref<10000x128xf32, #tpu.memory_space<vmem_shared>>
      tpu.enqueue_indirect_dma source(%dma_start3A_249 : memref<8x128xf32, #tpu.memory_space<vmem>>) target(%dma_start3A_255 : memref<10000x128xf32, #tpu.memory_space<vmem_shared>>) offsets(%dma_start3A_252 : memref<8xi32, #tpu.memory_space<vmem>>) semaphore(%arg23 : memref<!tpu.dma_semaphore, #tpu.memory_space<semaphore_mem>>) {add = true}
      %dma_start3A_256 = arith.constant 0 : i32
      %dma_start3A_257 = arith.constant 16 : i32
      %dma_start3A_258 = arith.constant 0 : i32
      %dma_start3A_259 = tpu.memref_slice %arg16[%dma_start3A_257, %dma_start3A_258] : memref<40x128xf32, #tpu.memory_space<vmem>> -> memref<8x128xf32, #tpu.memory_space<vmem>>
      %dma_start3A_260 = arith.constant 16 : i32
      %dma_start3A_261 = tpu.memref_slice %arg8[%dma_start3A_256, %dma_start3A_260] : memref<1x40xi32, #tpu.memory_space<vmem>> -> memref<1x8xi32, #tpu.memory_space<vmem>>
      %dma_start3A_262 = tpu.memref_squeeze %dma_start3A_261 : memref<1x8xi32, #tpu.memory_space<vmem>> -> memref<8xi32, #tpu.memory_space<vmem>>
      %dma_start3A_263 = arith.constant 0 : i32
      %dma_start3A_264 = arith.constant 0 : i32
      %dma_start3A_265 = tpu.memref_slice %arg18[%dma_start3A_263, %dma_start3A_264] : memref<10000x128xf32, #tpu.memory_space<vmem_shared>> -> memref<10000x128xf32, #tpu.memory_space<vmem_shared>>
      tpu.enqueue_indirect_dma source(%dma_start3A_259 : memref<8x128xf32, #tpu.memory_space<vmem>>) target(%dma_start3A_265 : memref<10000x128xf32, #tpu.memory_space<vmem_shared>>) offsets(%dma_start3A_262 : memref<8xi32, #tpu.memory_space<vmem>>) semaphore(%arg23 : memref<!tpu.dma_semaphore, #tpu.memory_space<semaphore_mem>>) {add = true}
      %dma_start3A_266 = arith.constant 0 : i32
      %dma_start3A_267 = arith.constant 24 : i32
      %dma_start3A_268 = arith.constant 0 : i32
      %dma_start3A_269 = tpu.memref_slice %arg16[%dma_start3A_267, %dma_start3A_268] : memref<40x128xf32, #tpu.memory_space<vmem>> -> memref<8x128xf32, #tpu.memory_space<vmem>>
      %dma_start3A_270 = arith.constant 24 : i32
      %dma_start3A_271 = tpu.memref_slice %arg8[%dma_start3A_266, %dma_start3A_270] : memref<1x40xi32, #tpu.memory_space<vmem>> -> memref<1x8xi32, #tpu.memory_space<vmem>>
      %dma_start3A_272 = tpu.memref_squeeze %dma_start3A_271 : memref<1x8xi32, #tpu.memory_space<vmem>> -> memref<8xi32, #tpu.memory_space<vmem>>
      %dma_start3A_273 = arith.constant 0 : i32
      %dma_start3A_274 = arith.constant 0 : i32
      %dma_start3A_275 = tpu.memref_slice %arg18[%dma_start3A_273, %dma_start3A_274] : memref<10000x128xf32, #tpu.memory_space<vmem_shared>> -> memref<10000x128xf32, #tpu.memory_space<vmem_shared>>
      tpu.enqueue_indirect_dma source(%dma_start3A_269 : memref<8x128xf32, #tpu.memory_space<vmem>>) target(%dma_start3A_275 : memref<10000x128xf32, #tpu.memory_space<vmem_shared>>) offsets(%dma_start3A_272 : memref<8xi32, #tpu.memory_space<vmem>>) semaphore(%arg23 : memref<!tpu.dma_semaphore, #tpu.memory_space<semaphore_mem>>) {add = true}
      %dma_start3A_276 = arith.constant 0 : i32
      %dma_start3A_277 = arith.constant 32 : i32
      %dma_start3A_278 = arith.constant 0 : i32
      %dma_start3A_279 = tpu.memref_slice %arg16[%dma_start3A_277, %dma_start3A_278] : memref<40x128xf32, #tpu.memory_space<vmem>> -> memref<8x128xf32, #tpu.memory_space<vmem>>
      %dma_start3A_280 = arith.constant 32 : i32
      %dma_start3A_281 = tpu.memref_slice %arg8[%dma_start3A_276, %dma_start3A_280] : memref<1x40xi32, #tpu.memory_space<vmem>> -> memref<1x8xi32, #tpu.memory_space<vmem>>
      %dma_start3A_282 = tpu.memref_squeeze %dma_start3A_281 : memref<1x8xi32, #tpu.memory_space<vmem>> -> memref<8xi32, #tpu.memory_space<vmem>>
      %dma_start3A_283 = arith.constant 0 : i32
      %dma_start3A_284 = arith.constant 0 : i32
      %dma_start3A_285 = tpu.memref_slice %arg18[%dma_start3A_283, %dma_start3A_284] : memref<10000x128xf32, #tpu.memory_space<vmem_shared>> -> memref<10000x128xf32, #tpu.memory_space<vmem_shared>>
      tpu.enqueue_indirect_dma source(%dma_start3A_279 : memref<8x128xf32, #tpu.memory_space<vmem>>) target(%dma_start3A_285 : memref<10000x128xf32, #tpu.memory_space<vmem_shared>>) offsets(%dma_start3A_282 : memref<8xi32, #tpu.memory_space<vmem>>) semaphore(%arg23 : memref<!tpu.dma_semaphore, #tpu.memory_space<semaphore_mem>>) {add = true}
      %dma_wait3A_286 = arith.constant 0 : i32
      %dma_wait3A_287 = arith.constant 0 : i32
      %dma_wait3A_288 = arith.constant 0 : i32
      %dma_wait3A_289 = tpu.memref_slice %arg16[%dma_wait3A_287, %dma_wait3A_288] : memref<40x128xf32, #tpu.memory_space<vmem>> -> memref<8x128xf32, #tpu.memory_space<vmem>>
      %dma_wait3A_290 = arith.constant 0 : i32
      %dma_wait3A_291 = tpu.memref_slice %arg8[%dma_wait3A_286, %dma_wait3A_290] : memref<1x40xi32, #tpu.memory_space<vmem>> -> memref<1x8xi32, #tpu.memory_space<vmem>>
      %dma_wait3A_292 = tpu.memref_squeeze %dma_wait3A_291 : memref<1x8xi32, #tpu.memory_space<vmem>> -> memref<8xi32, #tpu.memory_space<vmem>>
      %dma_wait3A_293 = arith.constant 0 : i32
      %dma_wait3A_294 = arith.constant 0 : i32
      %dma_wait3A_295 = tpu.memref_slice %arg18[%dma_wait3A_293, %dma_wait3A_294] : memref<10000x128xf32, #tpu.memory_space<vmem_shared>> -> memref<10000x128xf32, #tpu.memory_space<vmem_shared>>
      tpu.wait_indirect_dma semaphore(%arg23 : memref<!tpu.dma_semaphore, #tpu.memory_space<semaphore_mem>>) src(%dma_wait3A_289 : memref<8x128xf32, #tpu.memory_space<vmem>>) dst(%dma_wait3A_295 : memref<10000x128xf32, #tpu.memory_space<vmem_shared>>)
      %dma_wait3A_296 = arith.constant 0 : i32
      %dma_wait3A_297 = arith.constant 8 : i32
      %dma_wait3A_298 = arith.constant 0 : i32
      %dma_wait3A_299 = tpu.memref_slice %arg16[%dma_wait3A_297, %dma_wait3A_298] : memref<40x128xf32, #tpu.memory_space<vmem>> -> memref<8x128xf32, #tpu.memory_space<vmem>>
      %dma_wait3A_300 = arith.constant 8 : i32
      %dma_wait3A_301 = tpu.memref_slice %arg8[%dma_wait3A_296, %dma_wait3A_300] : memref<1x40xi32, #tpu.memory_space<vmem>> -> memref<1x8xi32, #tpu.memory_space<vmem>>
      %dma_wait3A_302 = tpu.memref_squeeze %dma_wait3A_301 : memref<1x8xi32, #tpu.memory_space<vmem>> -> memref<8xi32, #tpu.memory_space<vmem>>
      %dma_wait3A_303 = arith.constant 0 : i32
      %dma_wait3A_304 = arith.constant 0 : i32
      %dma_wait3A_305 = tpu.memref_slice %arg18[%dma_wait3A_303, %dma_wait3A_304] : memref<10000x128xf32, #tpu.memory_space<vmem_shared>> -> memref<10000x128xf32, #tpu.memory_space<vmem_shared>>
      tpu.wait_indirect_dma semaphore(%arg23 : memref<!tpu.dma_semaphore, #tpu.memory_space<semaphore_mem>>) src(%dma_wait3A_299 : memref<8x128xf32, #tpu.memory_space<vmem>>) dst(%dma_wait3A_305 : memref<10000x128xf32, #tpu.memory_space<vmem_shared>>)
      %dma_wait3A_306 = arith.constant 0 : i32
      %dma_wait3A_307 = arith.constant 16 : i32
      %dma_wait3A_308 = arith.constant 0 : i32
      %dma_wait3A_309 = tpu.memref_slice %arg16[%dma_wait3A_307, %dma_wait3A_308] : memref<40x128xf32, #tpu.memory_space<vmem>> -> memref<8x128xf32, #tpu.memory_space<vmem>>
      %dma_wait3A_310 = arith.constant 16 : i32
      %dma_wait3A_311 = tpu.memref_slice %arg8[%dma_wait3A_306, %dma_wait3A_310] : memref<1x40xi32, #tpu.memory_space<vmem>> -> memref<1x8xi32, #tpu.memory_space<vmem>>
      %dma_wait3A_312 = tpu.memref_squeeze %dma_wait3A_311 : memref<1x8xi32, #tpu.memory_space<vmem>> -> memref<8xi32, #tpu.memory_space<vmem>>
      %dma_wait3A_313 = arith.constant 0 : i32
      %dma_wait3A_314 = arith.constant 0 : i32
      %dma_wait3A_315 = tpu.memref_slice %arg18[%dma_wait3A_313, %dma_wait3A_314] : memref<10000x128xf32, #tpu.memory_space<vmem_shared>> -> memref<10000x128xf32, #tpu.memory_space<vmem_shared>>
      tpu.wait_indirect_dma semaphore(%arg23 : memref<!tpu.dma_semaphore, #tpu.memory_space<semaphore_mem>>) src(%dma_wait3A_309 : memref<8x128xf32, #tpu.memory_space<vmem>>) dst(%dma_wait3A_315 : memref<10000x128xf32, #tpu.memory_space<vmem_shared>>)
      %dma_wait3A_316 = arith.constant 0 : i32
      %dma_wait3A_317 = arith.constant 24 : i32
      %dma_wait3A_318 = arith.constant 0 : i32
      %dma_wait3A_319 = tpu.memref_slice %arg16[%dma_wait3A_317, %dma_wait3A_318] : memref<40x128xf32, #tpu.memory_space<vmem>> -> memref<8x128xf32, #tpu.memory_space<vmem>>
      %dma_wait3A_320 = arith.constant 24 : i32
      %dma_wait3A_321 = tpu.memref_slice %arg8[%dma_wait3A_316, %dma_wait3A_320] : memref<1x40xi32, #tpu.memory_space<vmem>> -> memref<1x8xi32, #tpu.memory_space<vmem>>
      %dma_wait3A_322 = tpu.memref_squeeze %dma_wait3A_321 : memref<1x8xi32, #tpu.memory_space<vmem>> -> memref<8xi32, #tpu.memory_space<vmem>>
      %dma_wait3A_323 = arith.constant 0 : i32
      %dma_wait3A_324 = arith.constant 0 : i32
      %dma_wait3A_325 = tpu.memref_slice %arg18[%dma_wait3A_323, %dma_wait3A_324] : memref<10000x128xf32, #tpu.memory_space<vmem_shared>> -> memref<10000x128xf32, #tpu.memory_space<vmem_shared>>
      tpu.wait_indirect_dma semaphore(%arg23 : memref<!tpu.dma_semaphore, #tpu.memory_space<semaphore_mem>>) src(%dma_wait3A_319 : memref<8x128xf32, #tpu.memory_space<vmem>>) dst(%dma_wait3A_325 : memref<10000x128xf32, #tpu.memory_space<vmem_shared>>)
      %dma_wait3A_326 = arith.constant 0 : i32
      %dma_wait3A_327 = arith.constant 32 : i32
      %dma_wait3A_328 = arith.constant 0 : i32
      %dma_wait3A_329 = tpu.memref_slice %arg16[%dma_wait3A_327, %dma_wait3A_328] : memref<40x128xf32, #tpu.memory_space<vmem>> -> memref<8x128xf32, #tpu.memory_space<vmem>>
      %dma_wait3A_330 = arith.constant 32 : i32
      %dma_wait3A_331 = tpu.memref_slice %arg8[%dma_wait3A_326, %dma_wait3A_330] : memref<1x40xi32, #tpu.memory_space<vmem>> -> memref<1x8xi32, #tpu.memory_space<vmem>>
      %dma_wait3A_332 = tpu.memref_squeeze %dma_wait3A_331 : memref<1x8xi32, #tpu.memory_space<vmem>> -> memref<8xi32, #tpu.memory_space<vmem>>
      %dma_wait3A_333 = arith.constant 0 : i32
      %dma_wait3A_334 = arith.constant 0 : i32
      %dma_wait3A_335 = tpu.memref_slice %arg18[%dma_wait3A_333, %dma_wait3A_334] : memref<10000x128xf32, #tpu.memory_space<vmem_shared>> -> memref<10000x128xf32, #tpu.memory_space<vmem_shared>>
      tpu.wait_indirect_dma semaphore(%arg23 : memref<!tpu.dma_semaphore, #tpu.memory_space<semaphore_mem>>) src(%dma_wait3A_329 : memref<8x128xf32, #tpu.memory_space<vmem>>) dst(%dma_wait3A_335 : memref<10000x128xf32, #tpu.memory_space<vmem_shared>>)
      %parallel_loop3A_336 = arith.constant 0 : i32
      %parallel_loop3A_337 = arith.constant 40 : i32
      %parallel_loop3A_338 = arith.constant 1 : i32
      scf.for %parallel_loop3A_660 = %parallel_loop3A_336 to %parallel_loop3A_337 step %parallel_loop3A_338  : i32 {
        %parallel_loop3A_661 = arith.index_cast %parallel_loop3A_660 : i32 to index
        %parallel_loop3A_662 = arith.constant 0 : index
        %parallel_loop3A_663 = tpu.vector_load %arg13[%parallel_loop3A_661, %parallel_loop3A_662] {strides = array<i32>} : memref<40x256xf32, #tpu.memory_space<vmem>>, vector<1x16xf32>,
        %parallel_loop3A_664 = vector.shape_cast %parallel_loop3A_663 : vector<1x16xf32> to vector<16xf32>
        %parallel_loop3A_665 = arith.index_cast %parallel_loop3A_660 : i32 to index
        %parallel_loop3A_666 = arith.constant 128 : index
        %parallel_loop3A_667 = tpu.vector_load %arg12[%parallel_loop3A_665, %parallel_loop3A_666] {strides = array<i32>} : memref<40x256xf32, #tpu.memory_space<vmem>>, vector<1x16xf32>,
        %parallel_loop3A_668 = vector.shape_cast %parallel_loop3A_667 : vector<1x16xf32> to vector<16xf32>
        %parallel_loop3A_669 = arith.addf %parallel_loop3A_664, %parallel_loop3A_668 : vector<16xf32>
        %parallel_loop3A_670 = arith.constant 0.000000e+00 : f32
        %parallel_loop3A_671 = vector.broadcast %parallel_loop3A_670 : f32 to vector<16xf32>
        %parallel_loop3A_672 = arith.maximumf %parallel_loop3A_669, %parallel_loop3A_671 : vector<16xf32>
        %parallel_loop3A_673 = arith.addf %parallel_loop3A_672, %get3A_71 : vector<16xf32>
        %parallel_loop3A_674 = arith.index_cast %parallel_loop3A_660 : i32 to index
        %parallel_loop3A_675 = arith.constant 0 : index
        %parallel_loop3A_676 = tpu.vector_load %arg16[%parallel_loop3A_674, %parallel_loop3A_675] {strides = array<i32>} : memref<40x128xf32, #tpu.memory_space<vmem>>, vector<1x16xf32>,
        %parallel_loop3A_677 = vector.shape_cast %parallel_loop3A_676 : vector<1x16xf32> to vector<16xf32>
        %parallel_loop3A_678 = vector.shape_cast %parallel_loop3A_673 : vector<16xf32> to vector<1x16xf32>
        tpu.vector_store %arg16[%parallel_loop3A_674, %parallel_loop3A_675], %parallel_loop3A_678 {strides = array<i32>} : memref<40x128xf32, #tpu.memory_space<vmem>>, vector<1x16xf32>,
        %parallel_loop3A_679 = arith.index_cast %parallel_loop3A_660 : i32 to index
        %parallel_loop3A_680 = arith.constant 16 : index
        %parallel_loop3A_681 = tpu.vector_load %arg13[%parallel_loop3A_679, %parallel_loop3A_680] {strides = array<i32>} : memref<40x256xf32, #tpu.memory_space<vmem>>, vector<1x16xf32>,
        %parallel_loop3A_682 = vector.shape_cast %parallel_loop3A_681 : vector<1x16xf32> to vector<16xf32>
        %parallel_loop3A_683 = arith.index_cast %parallel_loop3A_660 : i32 to index
        %parallel_loop3A_684 = arith.constant 144 : index
        %parallel_loop3A_685 = tpu.vector_load %arg12[%parallel_loop3A_683, %parallel_loop3A_684] {strides = array<i32>} : memref<40x256xf32, #tpu.memory_space<vmem>>, vector<1x16xf32>,
        %parallel_loop3A_686 = vector.shape_cast %parallel_loop3A_685 : vector<1x16xf32> to vector<16xf32>
        %parallel_loop3A_687 = arith.addf %parallel_loop3A_682, %parallel_loop3A_686 : vector<16xf32>
        %parallel_loop3A_688 = arith.constant 0.000000e+00 : f32
        %parallel_loop3A_689 = vector.broadcast %parallel_loop3A_688 : f32 to vector<16xf32>
        %parallel_loop3A_690 = arith.maximumf %parallel_loop3A_687, %parallel_loop3A_689 : vector<16xf32>
        %parallel_loop3A_691 = arith.addf %parallel_loop3A_690, %get3A_76 : vector<16xf32>
        %parallel_loop3A_692 = arith.index_cast %parallel_loop3A_660 : i32 to index
        %parallel_loop3A_693 = arith.constant 16 : index
        %parallel_loop3A_694 = tpu.vector_load %arg16[%parallel_loop3A_692, %parallel_loop3A_693] {strides = array<i32>} : memref<40x128xf32, #tpu.memory_space<vmem>>, vector<1x16xf32>,
        %parallel_loop3A_695 = vector.shape_cast %parallel_loop3A_694 : vector<1x16xf32> to vector<16xf32>
        %parallel_loop3A_696 = vector.shape_cast %parallel_loop3A_691 : vector<16xf32> to vector<1x16xf32>
        tpu.vector_store %arg16[%parallel_loop3A_692, %parallel_loop3A_693], %parallel_loop3A_696 {strides = array<i32>} : memref<40x128xf32, #tpu.memory_space<vmem>>, vector<1x16xf32>,
        %parallel_loop3A_697 = arith.index_cast %parallel_loop3A_660 : i32 to index
        %parallel_loop3A_698 = arith.constant 32 : index
        %parallel_loop3A_699 = tpu.vector_load %arg13[%parallel_loop3A_697, %parallel_loop3A_698] {strides = array<i32>} : memref<40x256xf32, #tpu.memory_space<vmem>>, vector<1x16xf32>,
        %parallel_loop3A_700 = vector.shape_cast %parallel_loop3A_699 : vector<1x16xf32> to vector<16xf32>
        %parallel_loop3A_701 = arith.index_cast %parallel_loop3A_660 : i32 to index
        %parallel_loop3A_702 = arith.constant 160 : index
        %parallel_loop3A_703 = tpu.vector_load %arg12[%parallel_loop3A_701, %parallel_loop3A_702] {strides = array<i32>} : memref<40x256xf32, #tpu.memory_space<vmem>>, vector<1x16xf32>,
        %parallel_loop3A_704 = vector.shape_cast %parallel_loop3A_703 : vector<1x16xf32> to vector<16xf32>
        %parallel_loop3A_705 = arith.addf %parallel_loop3A_700, %parallel_loop3A_704 : vector<16xf32>
        %parallel_loop3A_706 = arith.constant 0.000000e+00 : f32
        %parallel_loop3A_707 = vector.broadcast %parallel_loop3A_706 : f32 to vector<16xf32>
        %parallel_loop3A_708 = arith.maximumf %parallel_loop3A_705, %parallel_loop3A_707 : vector<16xf32>
        %parallel_loop3A_709 = arith.addf %parallel_loop3A_708, %get3A_81 : vector<16xf32>
        %parallel_loop3A_710 = arith.index_cast %parallel_loop3A_660 : i32 to index
        %parallel_loop3A_711 = arith.constant 32 : index
        %parallel_loop3A_712 = tpu.vector_load %arg16[%parallel_loop3A_710, %parallel_loop3A_711] {strides = array<i32>} : memref<40x128xf32, #tpu.memory_space<vmem>>, vector<1x16xf32>,
        %parallel_loop3A_713 = vector.shape_cast %parallel_loop3A_712 : vector<1x16xf32> to vector<16xf32>
        %parallel_loop3A_714 = vector.shape_cast %parallel_loop3A_709 : vector<16xf32> to vector<1x16xf32>
        tpu.vector_store %arg16[%parallel_loop3A_710, %parallel_loop3A_711], %parallel_loop3A_714 {strides = array<i32>} : memref<40x128xf32, #tpu.memory_space<vmem>>, vector<1x16xf32>,
        %parallel_loop3A_715 = arith.index_cast %parallel_loop3A_660 : i32 to index
        %parallel_loop3A_716 = arith.constant 48 : index
        %parallel_loop3A_717 = tpu.vector_load %arg13[%parallel_loop3A_715, %parallel_loop3A_716] {strides = array<i32>} : memref<40x256xf32, #tpu.memory_space<vmem>>, vector<1x16xf32>,
        %parallel_loop3A_718 = vector.shape_cast %parallel_loop3A_717 : vector<1x16xf32> to vector<16xf32>
        %parallel_loop3A_719 = arith.index_cast %parallel_loop3A_660 : i32 to index
        %parallel_loop3A_720 = arith.constant 176 : index
        %parallel_loop3A_721 = tpu.vector_load %arg12[%parallel_loop3A_719, %parallel_loop3A_720] {strides = array<i32>} : memref<40x256xf32, #tpu.memory_space<vmem>>, vector<1x16xf32>,
        %parallel_loop3A_722 = vector.shape_cast %parallel_loop3A_721 : vector<1x16xf32> to vector<16xf32>
        %parallel_loop3A_723 = arith.addf %parallel_loop3A_718, %parallel_loop3A_722 : vector<16xf32>
        %parallel_loop3A_724 = arith.constant 0.000000e+00 : f32
        %parallel_loop3A_725 = vector.broadcast %parallel_loop3A_724 : f32 to vector<16xf32>
        %parallel_loop3A_726 = arith.maximumf %parallel_loop3A_723, %parallel_loop3A_725 : vector<16xf32>
        %parallel_loop3A_727 = arith.addf %parallel_loop3A_726, %get3A_86 : vector<16xf32>
        %parallel_loop3A_728 = arith.index_cast %parallel_loop3A_660 : i32 to index
        %parallel_loop3A_729 = arith.constant 48 : index
        %parallel_loop3A_730 = tpu.vector_load %arg16[%parallel_loop3A_728, %parallel_loop3A_729] {strides = array<i32>} : memref<40x128xf32, #tpu.memory_space<vmem>>, vector<1x16xf32>,
        %parallel_loop3A_731 = vector.shape_cast %parallel_loop3A_730 : vector<1x16xf32> to vector<16xf32>
        %parallel_loop3A_732 = vector.shape_cast %parallel_loop3A_727 : vector<16xf32> to vector<1x16xf32>
        tpu.vector_store %arg16[%parallel_loop3A_728, %parallel_loop3A_729], %parallel_loop3A_732 {strides = array<i32>} : memref<40x128xf32, #tpu.memory_space<vmem>>, vector<1x16xf32>,
        %parallel_loop3A_733 = arith.index_cast %parallel_loop3A_660 : i32 to index
        %parallel_loop3A_734 = arith.constant 64 : index
        %parallel_loop3A_735 = tpu.vector_load %arg13[%parallel_loop3A_733, %parallel_loop3A_734] {strides = array<i32>} : memref<40x256xf32, #tpu.memory_space<vmem>>, vector<1x16xf32>,
        %parallel_loop3A_736 = vector.shape_cast %parallel_loop3A_735 : vector<1x16xf32> to vector<16xf32>
        %parallel_loop3A_737 = arith.index_cast %parallel_loop3A_660 : i32 to index
        %parallel_loop3A_738 = arith.constant 192 : index
        %parallel_loop3A_739 = tpu.vector_load %arg12[%parallel_loop3A_737, %parallel_loop3A_738] {strides = array<i32>} : memref<40x256xf32, #tpu.memory_space<vmem>>, vector<1x16xf32>,
        %parallel_loop3A_740 = vector.shape_cast %parallel_loop3A_739 : vector<1x16xf32> to vector<16xf32>
        %parallel_loop3A_741 = arith.addf %parallel_loop3A_736, %parallel_loop3A_740 : vector<16xf32>
        %parallel_loop3A_742 = arith.constant 0.000000e+00 : f32
        %parallel_loop3A_743 = vector.broadcast %parallel_loop3A_742 : f32 to vector<16xf32>
        %parallel_loop3A_744 = arith.maximumf %parallel_loop3A_741, %parallel_loop3A_743 : vector<16xf32>
        %parallel_loop3A_745 = arith.addf %parallel_loop3A_744, %get3A_91 : vector<16xf32>
        %parallel_loop3A_746 = arith.index_cast %parallel_loop3A_660 : i32 to index
        %parallel_loop3A_747 = arith.constant 64 : index
        %parallel_loop3A_748 = tpu.vector_load %arg16[%parallel_loop3A_746, %parallel_loop3A_747] {strides = array<i32>} : memref<40x128xf32, #tpu.memory_space<vmem>>, vector<1x16xf32>,
        %parallel_loop3A_749 = vector.shape_cast %parallel_loop3A_748 : vector<1x16xf32> to vector<16xf32>
        %parallel_loop3A_750 = vector.shape_cast %parallel_loop3A_745 : vector<16xf32> to vector<1x16xf32>
        tpu.vector_store %arg16[%parallel_loop3A_746, %parallel_loop3A_747], %parallel_loop3A_750 {strides = array<i32>} : memref<40x128xf32, #tpu.memory_space<vmem>>, vector<1x16xf32>,
        %parallel_loop3A_751 = arith.index_cast %parallel_loop3A_660 : i32 to index
        %parallel_loop3A_752 = arith.constant 80 : index
        %parallel_loop3A_753 = tpu.vector_load %arg13[%parallel_loop3A_751, %parallel_loop3A_752] {strides = array<i32>} : memref<40x256xf32, #tpu.memory_space<vmem>>, vector<1x16xf32>,
        %parallel_loop3A_754 = vector.shape_cast %parallel_loop3A_753 : vector<1x16xf32> to vector<16xf32>
        %parallel_loop3A_755 = arith.index_cast %parallel_loop3A_660 : i32 to index
        %parallel_loop3A_756 = arith.constant 208 : index
        %parallel_loop3A_757 = tpu.vector_load %arg12[%parallel_loop3A_755, %parallel_loop3A_756] {strides = array<i32>} : memref<40x256xf32, #tpu.memory_space<vmem>>, vector<1x16xf32>,
        %parallel_loop3A_758 = vector.shape_cast %parallel_loop3A_757 : vector<1x16xf32> to vector<16xf32>
        %parallel_loop3A_759 = arith.addf %parallel_loop3A_754, %parallel_loop3A_758 : vector<16xf32>
        %parallel_loop3A_760 = arith.constant 0.000000e+00 : f32
        %parallel_loop3A_761 = vector.broadcast %parallel_loop3A_760 : f32 to vector<16xf32>
        %parallel_loop3A_762 = arith.maximumf %parallel_loop3A_759, %parallel_loop3A_761 : vector<16xf32>
        %parallel_loop3A_763 = arith.addf %parallel_loop3A_762, %get3A_96 : vector<16xf32>
        %parallel_loop3A_764 = arith.index_cast %parallel_loop3A_660 : i32 to index
        %parallel_loop3A_765 = arith.constant 80 : index
        %parallel_loop3A_766 = tpu.vector_load %arg16[%parallel_loop3A_764, %parallel_loop3A_765] {strides = array<i32>} : memref<40x128xf32, #tpu.memory_space<vmem>>, vector<1x16xf32>,
        %parallel_loop3A_767 = vector.shape_cast %parallel_loop3A_766 : vector<1x16xf32> to vector<16xf32>
        %parallel_loop3A_768 = vector.shape_cast %parallel_loop3A_763 : vector<16xf32> to vector<1x16xf32>
        tpu.vector_store %arg16[%parallel_loop3A_764, %parallel_loop3A_765], %parallel_loop3A_768 {strides = array<i32>} : memref<40x128xf32, #tpu.memory_space<vmem>>, vector<1x16xf32>,
        %parallel_loop3A_769 = arith.index_cast %parallel_loop3A_660 : i32 to index
        %parallel_loop3A_770 = arith.constant 96 : index
        %parallel_loop3A_771 = tpu.vector_load %arg13[%parallel_loop3A_769, %parallel_loop3A_770] {strides = array<i32>} : memref<40x256xf32, #tpu.memory_space<vmem>>, vector<1x16xf32>,
        %parallel_loop3A_772 = vector.shape_cast %parallel_loop3A_771 : vector<1x16xf32> to vector<16xf32>
        %parallel_loop3A_773 = arith.index_cast %parallel_loop3A_660 : i32 to index
        %parallel_loop3A_774 = arith.constant 224 : index
        %parallel_loop3A_775 = tpu.vector_load %arg12[%parallel_loop3A_773, %parallel_loop3A_774] {strides = array<i32>} : memref<40x256xf32, #tpu.memory_space<vmem>>, vector<1x16xf32>,
        %parallel_loop3A_776 = vector.shape_cast %parallel_loop3A_775 : vector<1x16xf32> to vector<16xf32>
        %parallel_loop3A_777 = arith.addf %parallel_loop3A_772, %parallel_loop3A_776 : vector<16xf32>
        %parallel_loop3A_778 = arith.constant 0.000000e+00 : f32
        %parallel_loop3A_779 = vector.broadcast %parallel_loop3A_778 : f32 to vector<16xf32>
        %parallel_loop3A_780 = arith.maximumf %parallel_loop3A_777, %parallel_loop3A_779 : vector<16xf32>
        %parallel_loop3A_781 = arith.addf %parallel_loop3A_780, %get3A_101 : vector<16xf32>
        %parallel_loop3A_782 = arith.index_cast %parallel_loop3A_660 : i32 to index
        %parallel_loop3A_783 = arith.constant 96 : index
        %parallel_loop3A_784 = tpu.vector_load %arg16[%parallel_loop3A_782, %parallel_loop3A_783] {strides = array<i32>} : memref<40x128xf32, #tpu.memory_space<vmem>>, vector<1x16xf32>,
        %parallel_loop3A_785 = vector.shape_cast %parallel_loop3A_784 : vector<1x16xf32> to vector<16xf32>
        %parallel_loop3A_786 = vector.shape_cast %parallel_loop3A_781 : vector<16xf32> to vector<1x16xf32>
        tpu.vector_store %arg16[%parallel_loop3A_782, %parallel_loop3A_783], %parallel_loop3A_786 {strides = array<i32>} : memref<40x128xf32, #tpu.memory_space<vmem>>, vector<1x16xf32>,
        %parallel_loop3A_787 = arith.index_cast %parallel_loop3A_660 : i32 to index
        %parallel_loop3A_788 = arith.constant 112 : index
        %parallel_loop3A_789 = tpu.vector_load %arg13[%parallel_loop3A_787, %parallel_loop3A_788] {strides = array<i32>} : memref<40x256xf32, #tpu.memory_space<vmem>>, vector<1x16xf32>,
        %parallel_loop3A_790 = vector.shape_cast %parallel_loop3A_789 : vector<1x16xf32> to vector<16xf32>
        %parallel_loop3A_791 = arith.index_cast %parallel_loop3A_660 : i32 to index
        %parallel_loop3A_792 = arith.constant 240 : index
        %parallel_loop3A_793 = tpu.vector_load %arg12[%parallel_loop3A_791, %parallel_loop3A_792] {strides = array<i32>} : memref<40x256xf32, #tpu.memory_space<vmem>>, vector<1x16xf32>,
        %parallel_loop3A_794 = vector.shape_cast %parallel_loop3A_793 : vector<1x16xf32> to vector<16xf32>
        %parallel_loop3A_795 = arith.addf %parallel_loop3A_790, %parallel_loop3A_794 : vector<16xf32>
        %parallel_loop3A_796 = arith.constant 0.000000e+00 : f32
        %parallel_loop3A_797 = vector.broadcast %parallel_loop3A_796 : f32 to vector<16xf32>
        %parallel_loop3A_798 = arith.maximumf %parallel_loop3A_795, %parallel_loop3A_797 : vector<16xf32>
        %parallel_loop3A_799 = arith.addf %parallel_loop3A_798, %get3A_106 : vector<16xf32>
        %parallel_loop3A_800 = arith.index_cast %parallel_loop3A_660 : i32 to index
        %parallel_loop3A_801 = arith.constant 112 : index
        %parallel_loop3A_802 = tpu.vector_load %arg16[%parallel_loop3A_800, %parallel_loop3A_801] {strides = array<i32>} : memref<40x128xf32, #tpu.memory_space<vmem>>, vector<1x16xf32>,
        %parallel_loop3A_803 = vector.shape_cast %parallel_loop3A_802 : vector<1x16xf32> to vector<16xf32>
        %parallel_loop3A_804 = vector.shape_cast %parallel_loop3A_799 : vector<16xf32> to vector<1x16xf32>
        tpu.vector_store %arg16[%parallel_loop3A_800, %parallel_loop3A_801], %parallel_loop3A_804 {strides = array<i32>} : memref<40x128xf32, #tpu.memory_space<vmem>>, vector<1x16xf32>,
      } {sc.loop_unroll_factor = 4 : i64, sc.parallel_access}
      %dma_start3A_339 = arith.constant 0 : i32
      %dma_start3A_340 = arith.constant 0 : i32
      %dma_start3A_341 = arith.constant 0 : i32
      %dma_start3A_342 = tpu.memref_slice %arg16[%dma_start3A_340, %dma_start3A_341] : memref<40x128xf32, #tpu.memory_space<vmem>> -> memref<8x128xf32, #tpu.memory_space<vmem>>
      %dma_start3A_343 = arith.constant 0 : i32
      %dma_start3A_344 = tpu.memref_slice %arg9[%dma_start3A_339, %dma_start3A_343] : memref<1x40xi32, #tpu.memory_space<vmem>> -> memref<1x8xi32, #tpu.memory_space<vmem>>
      %dma_start3A_345 = tpu.memref_squeeze %dma_start3A_344 : memref<1x8xi32, #tpu.memory_space<vmem>> -> memref<8xi32, #tpu.memory_space<vmem>>
      %dma_start3A_346 = arith.constant 0 : i32
      %dma_start3A_347 = arith.constant 0 : i32
      %dma_start3A_348 = tpu.memref_slice %arg18[%dma_start3A_346, %dma_start3A_347] : memref<10000x128xf32, #tpu.memory_space<vmem_shared>> -> memref<10000x128xf32, #tpu.memory_space<vmem_shared>>
      tpu.enqueue_indirect_dma source(%dma_start3A_342 : memref<8x128xf32, #tpu.memory_space<vmem>>) target(%dma_start3A_348 : memref<10000x128xf32, #tpu.memory_space<vmem_shared>>) offsets(%dma_start3A_345 : memref<8xi32, #tpu.memory_space<vmem>>) semaphore(%arg24 : memref<!tpu.dma_semaphore, #tpu.memory_space<semaphore_mem>>) {add = true}
      %dma_start3A_349 = arith.constant 0 : i32
      %dma_start3A_350 = arith.constant 8 : i32
      %dma_start3A_351 = arith.constant 0 : i32
      %dma_start3A_352 = tpu.memref_slice %arg16[%dma_start3A_350, %dma_start3A_351] : memref<40x128xf32, #tpu.memory_space<vmem>> -> memref<8x128xf32, #tpu.memory_space<vmem>>
      %dma_start3A_353 = arith.constant 8 : i32
      %dma_start3A_354 = tpu.memref_slice %arg9[%dma_start3A_349, %dma_start3A_353] : memref<1x40xi32, #tpu.memory_space<vmem>> -> memref<1x8xi32, #tpu.memory_space<vmem>>
      %dma_start3A_355 = tpu.memref_squeeze %dma_start3A_354 : memref<1x8xi32, #tpu.memory_space<vmem>> -> memref<8xi32, #tpu.memory_space<vmem>>
      %dma_start3A_356 = arith.constant 0 : i32
      %dma_start3A_357 = arith.constant 0 : i32
      %dma_start3A_358 = tpu.memref_slice %arg18[%dma_start3A_356, %dma_start3A_357] : memref<10000x128xf32, #tpu.memory_space<vmem_shared>> -> memref<10000x128xf32, #tpu.memory_space<vmem_shared>>
      tpu.enqueue_indirect_dma source(%dma_start3A_352 : memref<8x128xf32, #tpu.memory_space<vmem>>) target(%dma_start3A_358 : memref<10000x128xf32, #tpu.memory_space<vmem_shared>>) offsets(%dma_start3A_355 : memref<8xi32, #tpu.memory_space<vmem>>) semaphore(%arg24 : memref<!tpu.dma_semaphore, #tpu.memory_space<semaphore_mem>>) {add = true}
      %dma_start3A_359 = arith.constant 0 : i32
      %dma_start3A_360 = arith.constant 16 : i32
      %dma_start3A_361 = arith.constant 0 : i32
      %dma_start3A_362 = tpu.memref_slice %arg16[%dma_start3A_360, %dma_start3A_361] : memref<40x128xf32, #tpu.memory_space<vmem>> -> memref<8x128xf32, #tpu.memory_space<vmem>>
      %dma_start3A_363 = arith.constant 16 : i32
      %dma_start3A_364 = tpu.memref_slice %arg9[%dma_start3A_359, %dma_start3A_363] : memref<1x40xi32, #tpu.memory_space<vmem>> -> memref<1x8xi32, #tpu.memory_space<vmem>>
      %dma_start3A_365 = tpu.memref_squeeze %dma_start3A_364 : memref<1x8xi32, #tpu.memory_space<vmem>> -> memref<8xi32, #tpu.memory_space<vmem>>
      %dma_start3A_366 = arith.constant 0 : i32
      %dma_start3A_367 = arith.constant 0 : i32
      %dma_start3A_368 = tpu.memref_slice %arg18[%dma_start3A_366, %dma_start3A_367] : memref<10000x128xf32, #tpu.memory_space<vmem_shared>> -> memref<10000x128xf32, #tpu.memory_space<vmem_shared>>
      tpu.enqueue_indirect_dma source(%dma_start3A_362 : memref<8x128xf32, #tpu.memory_space<vmem>>) target(%dma_start3A_368 : memref<10000x128xf32, #tpu.memory_space<vmem_shared>>) offsets(%dma_start3A_365 : memref<8xi32, #tpu.memory_space<vmem>>) semaphore(%arg24 : memref<!tpu.dma_semaphore, #tpu.memory_space<semaphore_mem>>) {add = true}
      %dma_start3A_369 = arith.constant 0 : i32
      %dma_start3A_370 = arith.constant 24 : i32
      %dma_start3A_371 = arith.constant 0 : i32
      %dma_start3A_372 = tpu.memref_slice %arg16[%dma_start3A_370, %dma_start3A_371] : memref<40x128xf32, #tpu.memory_space<vmem>> -> memref<8x128xf32, #tpu.memory_space<vmem>>
      %dma_start3A_373 = arith.constant 24 : i32
      %dma_start3A_374 = tpu.memref_slice %arg9[%dma_start3A_369, %dma_start3A_373] : memref<1x40xi32, #tpu.memory_space<vmem>> -> memref<1x8xi32, #tpu.memory_space<vmem>>
      %dma_start3A_375 = tpu.memref_squeeze %dma_start3A_374 : memref<1x8xi32, #tpu.memory_space<vmem>> -> memref<8xi32, #tpu.memory_space<vmem>>
      %dma_start3A_376 = arith.constant 0 : i32
      %dma_start3A_377 = arith.constant 0 : i32
      %dma_start3A_378 = tpu.memref_slice %arg18[%dma_start3A_376, %dma_start3A_377] : memref<10000x128xf32, #tpu.memory_space<vmem_shared>> -> memref<10000x128xf32, #tpu.memory_space<vmem_shared>>
      tpu.enqueue_indirect_dma source(%dma_start3A_372 : memref<8x128xf32, #tpu.memory_space<vmem>>) target(%dma_start3A_378 : memref<10000x128xf32, #tpu.memory_space<vmem_shared>>) offsets(%dma_start3A_375 : memref<8xi32, #tpu.memory_space<vmem>>) semaphore(%arg24 : memref<!tpu.dma_semaphore, #tpu.memory_space<semaphore_mem>>) {add = true}
      %dma_start3A_379 = arith.constant 0 : i32
      %dma_start3A_380 = arith.constant 32 : i32
      %dma_start3A_381 = arith.constant 0 : i32
      %dma_start3A_382 = tpu.memref_slice %arg16[%dma_start3A_380, %dma_start3A_381] : memref<40x128xf32, #tpu.memory_space<vmem>> -> memref<8x128xf32, #tpu.memory_space<vmem>>
      %dma_start3A_383 = arith.constant 32 : i32
      %dma_start3A_384 = tpu.memref_slice %arg9[%dma_start3A_379, %dma_start3A_383] : memref<1x40xi32, #tpu.memory_space<vmem>> -> memref<1x8xi32, #tpu.memory_space<vmem>>
      %dma_start3A_385 = tpu.memref_squeeze %dma_start3A_384 : memref<1x8xi32, #tpu.memory_space<vmem>> -> memref<8xi32, #tpu.memory_space<vmem>>
      %dma_start3A_386 = arith.constant 0 : i32
      %dma_start3A_387 = arith.constant 0 : i32
      %dma_start3A_388 = tpu.memref_slice %arg18[%dma_start3A_386, %dma_start3A_387] : memref<10000x128xf32, #tpu.memory_space<vmem_shared>> -> memref<10000x128xf32, #tpu.memory_space<vmem_shared>>
      tpu.enqueue_indirect_dma source(%dma_start3A_382 : memref<8x128xf32, #tpu.memory_space<vmem>>) target(%dma_start3A_388 : memref<10000x128xf32, #tpu.memory_space<vmem_shared>>) offsets(%dma_start3A_385 : memref<8xi32, #tpu.memory_space<vmem>>) semaphore(%arg24 : memref<!tpu.dma_semaphore, #tpu.memory_space<semaphore_mem>>) {add = true}
      %dma_wait3A_389 = arith.constant 0 : i32
      %dma_wait3A_390 = arith.constant 0 : i32
      %dma_wait3A_391 = arith.constant 0 : i32
      %dma_wait3A_392 = tpu.memref_slice %arg16[%dma_wait3A_390, %dma_wait3A_391] : memref<40x128xf32, #tpu.memory_space<vmem>> -> memref<8x128xf32, #tpu.memory_space<vmem>>
      %dma_wait3A_393 = arith.constant 0 : i32
      %dma_wait3A_394 = tpu.memref_slice %arg9[%dma_wait3A_389, %dma_wait3A_393] : memref<1x40xi32, #tpu.memory_space<vmem>> -> memref<1x8xi32, #tpu.memory_space<vmem>>
      %dma_wait3A_395 = tpu.memref_squeeze %dma_wait3A_394 : memref<1x8xi32, #tpu.memory_space<vmem>> -> memref<8xi32, #tpu.memory_space<vmem>>
      %dma_wait3A_396 = arith.constant 0 : i32
      %dma_wait3A_397 = arith.constant 0 : i32
      %dma_wait3A_398 = tpu.memref_slice %arg18[%dma_wait3A_396, %dma_wait3A_397] : memref<10000x128xf32, #tpu.memory_space<vmem_shared>> -> memref<10000x128xf32, #tpu.memory_space<vmem_shared>>
      tpu.wait_indirect_dma semaphore(%arg24 : memref<!tpu.dma_semaphore, #tpu.memory_space<semaphore_mem>>) src(%dma_wait3A_392 : memref<8x128xf32, #tpu.memory_space<vmem>>) dst(%dma_wait3A_398 : memref<10000x128xf32, #tpu.memory_space<vmem_shared>>)
      %dma_wait3A_399 = arith.constant 0 : i32
      %dma_wait3A_400 = arith.constant 8 : i32
      %dma_wait3A_401 = arith.constant 0 : i32
      %dma_wait3A_402 = tpu.memref_slice %arg16[%dma_wait3A_400, %dma_wait3A_401] : memref<40x128xf32, #tpu.memory_space<vmem>> -> memref<8x128xf32, #tpu.memory_space<vmem>>
      %dma_wait3A_403 = arith.constant 8 : i32
      %dma_wait3A_404 = tpu.memref_slice %arg9[%dma_wait3A_399, %dma_wait3A_403] : memref<1x40xi32, #tpu.memory_space<vmem>> -> memref<1x8xi32, #tpu.memory_space<vmem>>
      %dma_wait3A_405 = tpu.memref_squeeze %dma_wait3A_404 : memref<1x8xi32, #tpu.memory_space<vmem>> -> memref<8xi32, #tpu.memory_space<vmem>>
      %dma_wait3A_406 = arith.constant 0 : i32
      %dma_wait3A_407 = arith.constant 0 : i32
      %dma_wait3A_408 = tpu.memref_slice %arg18[%dma_wait3A_406, %dma_wait3A_407] : memref<10000x128xf32, #tpu.memory_space<vmem_shared>> -> memref<10000x128xf32, #tpu.memory_space<vmem_shared>>
      tpu.wait_indirect_dma semaphore(%arg24 : memref<!tpu.dma_semaphore, #tpu.memory_space<semaphore_mem>>) src(%dma_wait3A_402 : memref<8x128xf32, #tpu.memory_space<vmem>>) dst(%dma_wait3A_408 : memref<10000x128xf32, #tpu.memory_space<vmem_shared>>)
      %dma_wait3A_409 = arith.constant 0 : i32
      %dma_wait3A_410 = arith.constant 16 : i32
      %dma_wait3A_411 = arith.constant 0 : i32
      %dma_wait3A_412 = tpu.memref_slice %arg16[%dma_wait3A_410, %dma_wait3A_411] : memref<40x128xf32, #tpu.memory_space<vmem>> -> memref<8x128xf32, #tpu.memory_space<vmem>>
      %dma_wait3A_413 = arith.constant 16 : i32
      %dma_wait3A_414 = tpu.memref_slice %arg9[%dma_wait3A_409, %dma_wait3A_413] : memref<1x40xi32, #tpu.memory_space<vmem>> -> memref<1x8xi32, #tpu.memory_space<vmem>>
      %dma_wait3A_415 = tpu.memref_squeeze %dma_wait3A_414 : memref<1x8xi32, #tpu.memory_space<vmem>> -> memref<8xi32, #tpu.memory_space<vmem>>
      %dma_wait3A_416 = arith.constant 0 : i32
      %dma_wait3A_417 = arith.constant 0 : i32
      %dma_wait3A_418 = tpu.memref_slice %arg18[%dma_wait3A_416, %dma_wait3A_417] : memref<10000x128xf32, #tpu.memory_space<vmem_shared>> -> memref<10000x128xf32, #tpu.memory_space<vmem_shared>>
      tpu.wait_indirect_dma semaphore(%arg24 : memref<!tpu.dma_semaphore, #tpu.memory_space<semaphore_mem>>) src(%dma_wait3A_412 : memref<8x128xf32, #tpu.memory_space<vmem>>) dst(%dma_wait3A_418 : memref<10000x128xf32, #tpu.memory_space<vmem_shared>>)
      %dma_wait3A_419 = arith.constant 0 : i32
      %dma_wait3A_420 = arith.constant 24 : i32
      %dma_wait3A_421 = arith.constant 0 : i32
      %dma_wait3A_422 = tpu.memref_slice %arg16[%dma_wait3A_420, %dma_wait3A_421] : memref<40x128xf32, #tpu.memory_space<vmem>> -> memref<8x128xf32, #tpu.memory_space<vmem>>
      %dma_wait3A_423 = arith.constant 24 : i32
      %dma_wait3A_424 = tpu.memref_slice %arg9[%dma_wait3A_419, %dma_wait3A_423] : memref<1x40xi32, #tpu.memory_space<vmem>> -> memref<1x8xi32, #tpu.memory_space<vmem>>
      %dma_wait3A_425 = tpu.memref_squeeze %dma_wait3A_424 : memref<1x8xi32, #tpu.memory_space<vmem>> -> memref<8xi32, #tpu.memory_space<vmem>>
      %dma_wait3A_426 = arith.constant 0 : i32
      %dma_wait3A_427 = arith.constant 0 : i32
      %dma_wait3A_428 = tpu.memref_slice %arg18[%dma_wait3A_426, %dma_wait3A_427] : memref<10000x128xf32, #tpu.memory_space<vmem_shared>> -> memref<10000x128xf32, #tpu.memory_space<vmem_shared>>
      tpu.wait_indirect_dma semaphore(%arg24 : memref<!tpu.dma_semaphore, #tpu.memory_space<semaphore_mem>>) src(%dma_wait3A_422 : memref<8x128xf32, #tpu.memory_space<vmem>>) dst(%dma_wait3A_428 : memref<10000x128xf32, #tpu.memory_space<vmem_shared>>)
      %dma_wait3A_429 = arith.constant 0 : i32
      %dma_wait3A_430 = arith.constant 32 : i32
      %dma_wait3A_431 = arith.constant 0 : i32
      %dma_wait3A_432 = tpu.memref_slice %arg16[%dma_wait3A_430, %dma_wait3A_431] : memref<40x128xf32, #tpu.memory_space<vmem>> -> memref<8x128xf32, #tpu.memory_space<vmem>>
      %dma_wait3A_433 = arith.constant 32 : i32
      %dma_wait3A_434 = tpu.memref_slice %arg9[%dma_wait3A_429, %dma_wait3A_433] : memref<1x40xi32, #tpu.memory_space<vmem>> -> memref<1x8xi32, #tpu.memory_space<vmem>>
      %dma_wait3A_435 = tpu.memref_squeeze %dma_wait3A_434 : memref<1x8xi32, #tpu.memory_space<vmem>> -> memref<8xi32, #tpu.memory_space<vmem>>
      %dma_wait3A_436 = arith.constant 0 : i32
      %dma_wait3A_437 = arith.constant 0 : i32
      %dma_wait3A_438 = tpu.memref_slice %arg18[%dma_wait3A_436, %dma_wait3A_437] : memref<10000x128xf32, #tpu.memory_space<vmem_shared>> -> memref<10000x128xf32, #tpu.memory_space<vmem_shared>>
      tpu.wait_indirect_dma semaphore(%arg24 : memref<!tpu.dma_semaphore, #tpu.memory_space<semaphore_mem>>) src(%dma_wait3A_432 : memref<8x128xf32, #tpu.memory_space<vmem>>) dst(%dma_wait3A_438 : memref<10000x128xf32, #tpu.memory_space<vmem_shared>>)
      %lt3A = arith.constant 249 : i32
      %lt3A_439 = arith.cmpi slt, %scan3A_167, %lt3A : i32
      %convert_element_type3A_440 = arith.extui %lt3A_439 : i1 to i32
      %cond3A_441 = arith.constant 0 : i32
      %cond3A_442 = arith.cmpi ne, %convert_element_type3A_440, %cond3A_441 : i32
      scf.if %cond3A_442 {
        %mul3A_660 = arith.constant 2 : i32
        %mul3A_661 = arith.muli %mul3A_660, %scan3A_167 : i32
        %add3A_662 = arith.constant 2 : i32
        %add3A_663 = arith.addi %mul3A_661, %add3A_662 : i32
        %mul3A_664 = arith.constant 20000 : i32
        %mul3A_665 = arith.muli %arg1, %mul3A_664 : i32
        %mul3A_666 = arith.constant 40 : i32
        %mul3A_667 = arith.muli %add3A_663, %mul3A_666 : i32
        %add3A_668 = arith.addi %mul3A_665, %mul3A_667 : i32
        %dma_start3A_669 = arith.constant 0 : i32
        %dma_start3A_670 = arith.constant 0 : i32
        %dma_start3A_671 = tpu.memref_slice %arg8[%dma_start3A_669, %dma_start3A_670] : memref<1x40xi32, #tpu.memory_space<vmem>> -> memref<1x40xi32, #tpu.memory_space<vmem>>
        %dma_start3A_672 = tpu.memref_squeeze %dma_start3A_671 : memref<1x40xi32, #tpu.memory_space<vmem>> -> memref<40xi32, #tpu.memory_space<vmem>>
        %dma_start3A_673 = tpu.memref_slice %arg4[%add3A_668] : memref<320000xi32, #tpu.memory_space<hbm>> -> memref<40xi32, #tpu.memory_space<hbm>>
        %dma_start3A_674 = arith.constant 0 : i32
        %dma_start3A_675 = tpu.memref_slice %arg8[%dma_start3A_669, %dma_start3A_674] : memref<1x40xi32, #tpu.memory_space<vmem>> -> memref<1x40xi32, #tpu.memory_space<vmem>>
        %dma_start3A_676 = tpu.memref_squeeze %dma_start3A_675 : memref<1x40xi32, #tpu.memory_space<vmem>> -> memref<40xi32, #tpu.memory_space<vmem>>
        %dma_start3A_677 = tpu.memref_slice %arg4[%add3A_668] : memref<320000xi32, #tpu.memory_space<hbm>> -> memref<40xi32, #tpu.memory_space<hbm>>
        tpu.enqueue_dma source(%dma_start3A_677 : memref<40xi32, #tpu.memory_space<hbm>>) target(%dma_start3A_676 : memref<40xi32, #tpu.memory_space<vmem>>) target_semaphore(%arg25 : memref<!tpu.dma_semaphore, #tpu.memory_space<semaphore_mem>>)
        %dma_start3A_678 = arith.constant 0 : i32
        %dma_start3A_679 = arith.constant 0 : i32
        %dma_start3A_680 = tpu.memref_slice %arg9[%dma_start3A_678, %dma_start3A_679] : memref<1x40xi32, #tpu.memory_space<vmem>> -> memref<1x40xi32, #tpu.memory_space<vmem>>
        %dma_start3A_681 = tpu.memref_squeeze %dma_start3A_680 : memref<1x40xi32, #tpu.memory_space<vmem>> -> memref<40xi32, #tpu.memory_space<vmem>>
        %dma_start3A_682 = tpu.memref_slice %arg5[%add3A_668] : memref<320000xi32, #tpu.memory_space<hbm>> -> memref<40xi32, #tpu.memory_space<hbm>>
        %dma_start3A_683 = arith.constant 0 : i32
        %dma_start3A_684 = tpu.memref_slice %arg9[%dma_start3A_678, %dma_start3A_683] : memref<1x40xi32, #tpu.memory_space<vmem>> -> memref<1x40xi32, #tpu.memory_space<vmem>>
        %dma_start3A_685 = tpu.memref_squeeze %dma_start3A_684 : memref<1x40xi32, #tpu.memory_space<vmem>> -> memref<40xi32, #tpu.memory_space<vmem>>
        %dma_start3A_686 = tpu.memref_slice %arg5[%add3A_668] : memref<320000xi32, #tpu.memory_space<hbm>> -> memref<40xi32, #tpu.memory_space<hbm>>
        tpu.enqueue_dma source(%dma_start3A_686 : memref<40xi32, #tpu.memory_space<hbm>>) target(%dma_start3A_685 : memref<40xi32, #tpu.memory_space<vmem>>) target_semaphore(%arg26 : memref<!tpu.dma_semaphore, #tpu.memory_space<semaphore_mem>>)
        %dma_wait3A_687 = arith.constant 0 : i32
        %dma_wait3A_688 = arith.constant 0 : i32
        %dma_wait3A_689 = tpu.memref_slice %arg8[%dma_wait3A_687, %dma_wait3A_688] : memref<1x40xi32, #tpu.memory_space<vmem>> -> memref<1x40xi32, #tpu.memory_space<vmem>>
        %dma_wait3A_690 = tpu.memref_squeeze %dma_wait3A_689 : memref<1x40xi32, #tpu.memory_space<vmem>> -> memref<40xi32, #tpu.memory_space<vmem>>
        %dma_wait3A_691 = tpu.memref_slice %arg4[%add3A_668] : memref<320000xi32, #tpu.memory_space<hbm>> -> memref<40xi32, #tpu.memory_space<hbm>>
        %dma_wait3A_692 = arith.constant 0 : i32
        %dma_wait3A_693 = tpu.memref_slice %arg8[%dma_wait3A_687, %dma_wait3A_692] : memref<1x40xi32, #tpu.memory_space<vmem>> -> memref<1x40xi32, #tpu.memory_space<vmem>>
        %dma_wait3A_694 = tpu.memref_squeeze %dma_wait3A_693 : memref<1x40xi32, #tpu.memory_space<vmem>> -> memref<40xi32, #tpu.memory_space<vmem>>
        %dma_wait3A_695 = tpu.memref_slice %arg4[%add3A_668] : memref<320000xi32, #tpu.memory_space<hbm>> -> memref<40xi32, #tpu.memory_space<hbm>>
        tpu.wait_dma2 semaphore(%arg25 : memref<!tpu.dma_semaphore, #tpu.memory_space<semaphore_mem>>) src(%dma_wait3A_695 : memref<40xi32, #tpu.memory_space<hbm>>) dst(%dma_wait3A_694 : memref<40xi32, #tpu.memory_space<vmem>>)
        %dma_wait3A_696 = arith.constant 0 : i32
        %dma_wait3A_697 = arith.constant 0 : i32
        %dma_wait3A_698 = tpu.memref_slice %arg9[%dma_wait3A_696, %dma_wait3A_697] : memref<1x40xi32, #tpu.memory_space<vmem>> -> memref<1x40xi32, #tpu.memory_space<vmem>>
        %dma_wait3A_699 = tpu.memref_squeeze %dma_wait3A_698 : memref<1x40xi32, #tpu.memory_space<vmem>> -> memref<40xi32, #tpu.memory_space<vmem>>
        %dma_wait3A_700 = tpu.memref_slice %arg5[%add3A_668] : memref<320000xi32, #tpu.memory_space<hbm>> -> memref<40xi32, #tpu.memory_space<hbm>>
        %dma_wait3A_701 = arith.constant 0 : i32
        %dma_wait3A_702 = tpu.memref_slice %arg9[%dma_wait3A_696, %dma_wait3A_701] : memref<1x40xi32, #tpu.memory_space<vmem>> -> memref<1x40xi32, #tpu.memory_space<vmem>>
        %dma_wait3A_703 = tpu.memref_squeeze %dma_wait3A_702 : memref<1x40xi32, #tpu.memory_space<vmem>> -> memref<40xi32, #tpu.memory_space<vmem>>
        %dma_wait3A_704 = tpu.memref_slice %arg5[%add3A_668] : memref<320000xi32, #tpu.memory_space<hbm>> -> memref<40xi32, #tpu.memory_space<hbm>>
        tpu.wait_dma2 semaphore(%arg26 : memref<!tpu.dma_semaphore, #tpu.memory_space<semaphore_mem>>) src(%dma_wait3A_704 : memref<40xi32, #tpu.memory_space<hbm>>) dst(%dma_wait3A_703 : memref<40xi32, #tpu.memory_space<vmem>>)
        %eq3A_705 = arith.constant 0 : i32
        %eq3A_706 = arith.cmpi eq, %arg0, %eq3A_705 : i32
        %convert_element_type3A_707 = arith.extui %eq3A_706 : i1 to i32
        %cond3A_708 = arith.constant 0 : i32
        %cond3A_709 = arith.cmpi ne, %convert_element_type3A_707, %cond3A_708 : i32
        scf.if %cond3A_709 {
          %dma_start3A_715 = arith.constant 0 : i32
          %dma_start3A_716 = arith.constant 0 : i32
          %dma_start3A_717 = arith.constant 0 : i32
          %dma_start3A_718 = tpu.memref_slice %arg12[%dma_start3A_716, %dma_start3A_717] : memref<40x256xf32, #tpu.memory_space<vmem>> -> memref<8x256xf32, #tpu.memory_space<vmem>>
          %dma_start3A_719 = arith.constant 0 : i32
          %dma_start3A_720 = tpu.memref_slice %arg8[%dma_start3A_715, %dma_start3A_719] : memref<1x40xi32, #tpu.memory_space<vmem>> -> memref<1x8xi32, #tpu.memory_space<vmem>>
          %dma_start3A_721 = tpu.memref_squeeze %dma_start3A_720 : memref<1x8xi32, #tpu.memory_space<vmem>> -> memref<8xi32, #tpu.memory_space<vmem>>
          %dma_start3A_722 = arith.constant 0 : i32
          %dma_start3A_723 = arith.constant 0 : i32
          %dma_start3A_724 = tpu.memref_slice %arg2[%dma_start3A_722, %dma_start3A_723] : memref<10000x256xf32, #tpu.memory_space<hbm>> -> memref<10000x256xf32, #tpu.memory_space<hbm>>
          tpu.enqueue_indirect_dma source(%dma_start3A_724 : memref<10000x256xf32, #tpu.memory_space<hbm>>) target(%dma_start3A_718 : memref<8x256xf32, #tpu.memory_space<vmem>>) offsets(%dma_start3A_721 : memref<8xi32, #tpu.memory_space<vmem>>) semaphore(%arg19 : memref<!tpu.dma_semaphore, #tpu.memory_space<semaphore_mem>>)
          %dma_start3A_725 = arith.constant 0 : i32
          %dma_start3A_726 = arith.constant 0 : i32
          %dma_start3A_727 = arith.constant 0 : i32
          %dma_start3A_728 = tpu.memref_slice %arg13[%dma_start3A_726, %dma_start3A_727] : memref<40x256xf32, #tpu.memory_space<vmem>> -> memref<8x256xf32, #tpu.memory_space<vmem>>
          %dma_start3A_729 = arith.constant 0 : i32
          %dma_start3A_730 = tpu.memref_slice %arg9[%dma_start3A_725, %dma_start3A_729] : memref<1x40xi32, #tpu.memory_space<vmem>> -> memref<1x8xi32, #tpu.memory_space<vmem>>
          %dma_start3A_731 = tpu.memref_squeeze %dma_start3A_730 : memref<1x8xi32, #tpu.memory_space<vmem>> -> memref<8xi32, #tpu.memory_space<vmem>>
          %dma_start3A_732 = arith.constant 0 : i32
          %dma_start3A_733 = arith.constant 0 : i32
          %dma_start3A_734 = tpu.memref_slice %arg2[%dma_start3A_732, %dma_start3A_733] : memref<10000x256xf32, #tpu.memory_space<hbm>> -> memref<10000x256xf32, #tpu.memory_space<hbm>>
          tpu.enqueue_indirect_dma source(%dma_start3A_734 : memref<10000x256xf32, #tpu.memory_space<hbm>>) target(%dma_start3A_728 : memref<8x256xf32, #tpu.memory_space<vmem>>) offsets(%dma_start3A_731 : memref<8xi32, #tpu.memory_space<vmem>>) semaphore(%arg20 : memref<!tpu.dma_semaphore, #tpu.memory_space<semaphore_mem>>)
          %dma_start3A_735 = arith.constant 0 : i32
          %dma_start3A_736 = arith.constant 8 : i32
          %dma_start3A_737 = arith.constant 0 : i32
          %dma_start3A_738 = tpu.memref_slice %arg12[%dma_start3A_736, %dma_start3A_737] : memref<40x256xf32, #tpu.memory_space<vmem>> -> memref<8x256xf32, #tpu.memory_space<vmem>>
          %dma_start3A_739 = arith.constant 8 : i32
          %dma_start3A_740 = tpu.memref_slice %arg8[%dma_start3A_735, %dma_start3A_739] : memref<1x40xi32, #tpu.memory_space<vmem>> -> memref<1x8xi32, #tpu.memory_space<vmem>>
          %dma_start3A_741 = tpu.memref_squeeze %dma_start3A_740 : memref<1x8xi32, #tpu.memory_space<vmem>> -> memref<8xi32, #tpu.memory_space<vmem>>
          %dma_start3A_742 = arith.constant 0 : i32
          %dma_start3A_743 = arith.constant 0 : i32
          %dma_start3A_744 = tpu.memref_slice %arg2[%dma_start3A_742, %dma_start3A_743] : memref<10000x256xf32, #tpu.memory_space<hbm>> -> memref<10000x256xf32, #tpu.memory_space<hbm>>
          tpu.enqueue_indirect_dma source(%dma_start3A_744 : memref<10000x256xf32, #tpu.memory_space<hbm>>) target(%dma_start3A_738 : memref<8x256xf32, #tpu.memory_space<vmem>>) offsets(%dma_start3A_741 : memref<8xi32, #tpu.memory_space<vmem>>) semaphore(%arg19 : memref<!tpu.dma_semaphore, #tpu.memory_space<semaphore_mem>>)
          %dma_start3A_745 = arith.constant 0 : i32
          %dma_start3A_746 = arith.constant 8 : i32
          %dma_start3A_747 = arith.constant 0 : i32
          %dma_start3A_748 = tpu.memref_slice %arg13[%dma_start3A_746, %dma_start3A_747] : memref<40x256xf32, #tpu.memory_space<vmem>> -> memref<8x256xf32, #tpu.memory_space<vmem>>
          %dma_start3A_749 = arith.constant 8 : i32
          %dma_start3A_750 = tpu.memref_slice %arg9[%dma_start3A_745, %dma_start3A_749] : memref<1x40xi32, #tpu.memory_space<vmem>> -> memref<1x8xi32, #tpu.memory_space<vmem>>
          %dma_start3A_751 = tpu.memref_squeeze %dma_start3A_750 : memref<1x8xi32, #tpu.memory_space<vmem>> -> memref<8xi32, #tpu.memory_space<vmem>>
          %dma_start3A_752 = arith.constant 0 : i32
          %dma_start3A_753 = arith.constant 0 : i32
          %dma_start3A_754 = tpu.memref_slice %arg2[%dma_start3A_752, %dma_start3A_753] : memref<10000x256xf32, #tpu.memory_space<hbm>> -> memref<10000x256xf32, #tpu.memory_space<hbm>>
          tpu.enqueue_indirect_dma source(%dma_start3A_754 : memref<10000x256xf32, #tpu.memory_space<hbm>>) target(%dma_start3A_748 : memref<8x256xf32, #tpu.memory_space<vmem>>) offsets(%dma_start3A_751 : memref<8xi32, #tpu.memory_space<vmem>>) semaphore(%arg20 : memref<!tpu.dma_semaphore, #tpu.memory_space<semaphore_mem>>)
          %dma_start3A_755 = arith.constant 0 : i32
          %dma_start3A_756 = arith.constant 16 : i32
          %dma_start3A_757 = arith.constant 0 : i32
          %dma_start3A_758 = tpu.memref_slice %arg12[%dma_start3A_756, %dma_start3A_757] : memref<40x256xf32, #tpu.memory_space<vmem>> -> memref<8x256xf32, #tpu.memory_space<vmem>>
          %dma_start3A_759 = arith.constant 16 : i32
          %dma_start3A_760 = tpu.memref_slice %arg8[%dma_start3A_755, %dma_start3A_759] : memref<1x40xi32, #tpu.memory_space<vmem>> -> memref<1x8xi32, #tpu.memory_space<vmem>>
          %dma_start3A_761 = tpu.memref_squeeze %dma_start3A_760 : memref<1x8xi32, #tpu.memory_space<vmem>> -> memref<8xi32, #tpu.memory_space<vmem>>
          %dma_start3A_762 = arith.constant 0 : i32
          %dma_start3A_763 = arith.constant 0 : i32
          %dma_start3A_764 = tpu.memref_slice %arg2[%dma_start3A_762, %dma_start3A_763] : memref<10000x256xf32, #tpu.memory_space<hbm>> -> memref<10000x256xf32, #tpu.memory_space<hbm>>
          tpu.enqueue_indirect_dma source(%dma_start3A_764 : memref<10000x256xf32, #tpu.memory_space<hbm>>) target(%dma_start3A_758 : memref<8x256xf32, #tpu.memory_space<vmem>>) offsets(%dma_start3A_761 : memref<8xi32, #tpu.memory_space<vmem>>) semaphore(%arg19 : memref<!tpu.dma_semaphore, #tpu.memory_space<semaphore_mem>>)
          %dma_start3A_765 = arith.constant 0 : i32
          %dma_start3A_766 = arith.constant 16 : i32
          %dma_start3A_767 = arith.constant 0 : i32
          %dma_start3A_768 = tpu.memref_slice %arg13[%dma_start3A_766, %dma_start3A_767] : memref<40x256xf32, #tpu.memory_space<vmem>> -> memref<8x256xf32, #tpu.memory_space<vmem>>
          %dma_start3A_769 = arith.constant 16 : i32
          %dma_start3A_770 = tpu.memref_slice %arg9[%dma_start3A_765, %dma_start3A_769] : memref<1x40xi32, #tpu.memory_space<vmem>> -> memref<1x8xi32, #tpu.memory_space<vmem>>
          %dma_start3A_771 = tpu.memref_squeeze %dma_start3A_770 : memref<1x8xi32, #tpu.memory_space<vmem>> -> memref<8xi32, #tpu.memory_space<vmem>>
          %dma_start3A_772 = arith.constant 0 : i32
          %dma_start3A_773 = arith.constant 0 : i32
          %dma_start3A_774 = tpu.memref_slice %arg2[%dma_start3A_772, %dma_start3A_773] : memref<10000x256xf32, #tpu.memory_space<hbm>> -> memref<10000x256xf32, #tpu.memory_space<hbm>>
          tpu.enqueue_indirect_dma source(%dma_start3A_774 : memref<10000x256xf32, #tpu.memory_space<hbm>>) target(%dma_start3A_768 : memref<8x256xf32, #tpu.memory_space<vmem>>) offsets(%dma_start3A_771 : memref<8xi32, #tpu.memory_space<vmem>>) semaphore(%arg20 : memref<!tpu.dma_semaphore, #tpu.memory_space<semaphore_mem>>)
          %dma_start3A_775 = arith.constant 0 : i32
          %dma_start3A_776 = arith.constant 24 : i32
          %dma_start3A_777 = arith.constant 0 : i32
          %dma_start3A_778 = tpu.memref_slice %arg12[%dma_start3A_776, %dma_start3A_777] : memref<40x256xf32, #tpu.memory_space<vmem>> -> memref<8x256xf32, #tpu.memory_space<vmem>>
          %dma_start3A_779 = arith.constant 24 : i32
          %dma_start3A_780 = tpu.memref_slice %arg8[%dma_start3A_775, %dma_start3A_779] : memref<1x40xi32, #tpu.memory_space<vmem>> -> memref<1x8xi32, #tpu.memory_space<vmem>>
          %dma_start3A_781 = tpu.memref_squeeze %dma_start3A_780 : memref<1x8xi32, #tpu.memory_space<vmem>> -> memref<8xi32, #tpu.memory_space<vmem>>
          %dma_start3A_782 = arith.constant 0 : i32
          %dma_start3A_783 = arith.constant 0 : i32
          %dma_start3A_784 = tpu.memref_slice %arg2[%dma_start3A_782, %dma_start3A_783] : memref<10000x256xf32, #tpu.memory_space<hbm>> -> memref<10000x256xf32, #tpu.memory_space<hbm>>
          tpu.enqueue_indirect_dma source(%dma_start3A_784 : memref<10000x256xf32, #tpu.memory_space<hbm>>) target(%dma_start3A_778 : memref<8x256xf32, #tpu.memory_space<vmem>>) offsets(%dma_start3A_781 : memref<8xi32, #tpu.memory_space<vmem>>) semaphore(%arg19 : memref<!tpu.dma_semaphore, #tpu.memory_space<semaphore_mem>>)
          %dma_start3A_785 = arith.constant 0 : i32
          %dma_start3A_786 = arith.constant 24 : i32
          %dma_start3A_787 = arith.constant 0 : i32
          %dma_start3A_788 = tpu.memref_slice %arg13[%dma_start3A_786, %dma_start3A_787] : memref<40x256xf32, #tpu.memory_space<vmem>> -> memref<8x256xf32, #tpu.memory_space<vmem>>
          %dma_start3A_789 = arith.constant 24 : i32
          %dma_start3A_790 = tpu.memref_slice %arg9[%dma_start3A_785, %dma_start3A_789] : memref<1x40xi32, #tpu.memory_space<vmem>> -> memref<1x8xi32, #tpu.memory_space<vmem>>
          %dma_start3A_791 = tpu.memref_squeeze %dma_start3A_790 : memref<1x8xi32, #tpu.memory_space<vmem>> -> memref<8xi32, #tpu.memory_space<vmem>>
          %dma_start3A_792 = arith.constant 0 : i32
          %dma_start3A_793 = arith.constant 0 : i32
          %dma_start3A_794 = tpu.memref_slice %arg2[%dma_start3A_792, %dma_start3A_793] : memref<10000x256xf32, #tpu.memory_space<hbm>> -> memref<10000x256xf32, #tpu.memory_space<hbm>>
          tpu.enqueue_indirect_dma source(%dma_start3A_794 : memref<10000x256xf32, #tpu.memory_space<hbm>>) target(%dma_start3A_788 : memref<8x256xf32, #tpu.memory_space<vmem>>) offsets(%dma_start3A_791 : memref<8xi32, #tpu.memory_space<vmem>>) semaphore(%arg20 : memref<!tpu.dma_semaphore, #tpu.memory_space<semaphore_mem>>)
          %dma_start3A_795 = arith.constant 0 : i32
          %dma_start3A_796 = arith.constant 32 : i32
          %dma_start3A_797 = arith.constant 0 : i32
          %dma_start3A_798 = tpu.memref_slice %arg12[%dma_start3A_796, %dma_start3A_797] : memref<40x256xf32, #tpu.memory_space<vmem>> -> memref<8x256xf32, #tpu.memory_space<vmem>>
          %dma_start3A_799 = arith.constant 32 : i32
          %dma_start3A_800 = tpu.memref_slice %arg8[%dma_start3A_795, %dma_start3A_799] : memref<1x40xi32, #tpu.memory_space<vmem>> -> memref<1x8xi32, #tpu.memory_space<vmem>>
          %dma_start3A_801 = tpu.memref_squeeze %dma_start3A_800 : memref<1x8xi32, #tpu.memory_space<vmem>> -> memref<8xi32, #tpu.memory_space<vmem>>
          %dma_start3A_802 = arith.constant 0 : i32
          %dma_start3A_803 = arith.constant 0 : i32
          %dma_start3A_804 = tpu.memref_slice %arg2[%dma_start3A_802, %dma_start3A_803] : memref<10000x256xf32, #tpu.memory_space<hbm>> -> memref<10000x256xf32, #tpu.memory_space<hbm>>
          tpu.enqueue_indirect_dma source(%dma_start3A_804 : memref<10000x256xf32, #tpu.memory_space<hbm>>) target(%dma_start3A_798 : memref<8x256xf32, #tpu.memory_space<vmem>>) offsets(%dma_start3A_801 : memref<8xi32, #tpu.memory_space<vmem>>) semaphore(%arg19 : memref<!tpu.dma_semaphore, #tpu.memory_space<semaphore_mem>>)
          %dma_start3A_805 = arith.constant 0 : i32
          %dma_start3A_806 = arith.constant 32 : i32
          %dma_start3A_807 = arith.constant 0 : i32
          %dma_start3A_808 = tpu.memref_slice %arg13[%dma_start3A_806, %dma_start3A_807] : memref<40x256xf32, #tpu.memory_space<vmem>> -> memref<8x256xf32, #tpu.memory_space<vmem>>
          %dma_start3A_809 = arith.constant 32 : i32
          %dma_start3A_810 = tpu.memref_slice %arg9[%dma_start3A_805, %dma_start3A_809] : memref<1x40xi32, #tpu.memory_space<vmem>> -> memref<1x8xi32, #tpu.memory_space<vmem>>
          %dma_start3A_811 = tpu.memref_squeeze %dma_start3A_810 : memref<1x8xi32, #tpu.memory_space<vmem>> -> memref<8xi32, #tpu.memory_space<vmem>>
          %dma_start3A_812 = arith.constant 0 : i32
          %dma_start3A_813 = arith.constant 0 : i32
          %dma_start3A_814 = tpu.memref_slice %arg2[%dma_start3A_812, %dma_start3A_813] : memref<10000x256xf32, #tpu.memory_space<hbm>> -> memref<10000x256xf32, #tpu.memory_space<hbm>>
          tpu.enqueue_indirect_dma source(%dma_start3A_814 : memref<10000x256xf32, #tpu.memory_space<hbm>>) target(%dma_start3A_808 : memref<8x256xf32, #tpu.memory_space<vmem>>) offsets(%dma_start3A_811 : memref<8xi32, #tpu.memory_space<vmem>>) semaphore(%arg20 : memref<!tpu.dma_semaphore, #tpu.memory_space<semaphore_mem>>)
        } else {
        }
        %eq3A_710 = arith.constant 1 : i32
        %eq3A_711 = arith.cmpi eq, %arg0, %eq3A_710 : i32
        %convert_element_type3A_712 = arith.extui %eq3A_711 : i1 to i32
        %cond3A_713 = arith.constant 0 : i32
        %cond3A_714 = arith.cmpi ne, %convert_element_type3A_712, %cond3A_713 : i32
        scf.if %cond3A_714 {
          %dma_start3A_715 = arith.constant 0 : i32
          %dma_start3A_716 = arith.constant 0 : i32
          %dma_start3A_717 = arith.constant 0 : i32
          %dma_start3A_718 = tpu.memref_slice %arg12[%dma_start3A_716, %dma_start3A_717] : memref<40x256xf32, #tpu.memory_space<vmem>> -> memref<8x256xf32, #tpu.memory_space<vmem>>
          %dma_start3A_719 = arith.constant 0 : i32
          %dma_start3A_720 = tpu.memref_slice %arg8[%dma_start3A_715, %dma_start3A_719] : memref<1x40xi32, #tpu.memory_space<vmem>> -> memref<1x8xi32, #tpu.memory_space<vmem>>
          %dma_start3A_721 = tpu.memref_squeeze %dma_start3A_720 : memref<1x8xi32, #tpu.memory_space<vmem>> -> memref<8xi32, #tpu.memory_space<vmem>>
          %dma_start3A_722 = arith.constant 0 : i32
          %dma_start3A_723 = arith.constant 0 : i32
          %dma_start3A_724 = tpu.memref_slice %arg3[%dma_start3A_722, %dma_start3A_723] : memref<10000x256xf32, #tpu.memory_space<hbm>> -> memref<10000x256xf32, #tpu.memory_space<hbm>>
          tpu.enqueue_indirect_dma source(%dma_start3A_724 : memref<10000x256xf32, #tpu.memory_space<hbm>>) target(%dma_start3A_718 : memref<8x256xf32, #tpu.memory_space<vmem>>) offsets(%dma_start3A_721 : memref<8xi32, #tpu.memory_space<vmem>>) semaphore(%arg19 : memref<!tpu.dma_semaphore, #tpu.memory_space<semaphore_mem>>)
          %dma_start3A_725 = arith.constant 0 : i32
          %dma_start3A_726 = arith.constant 0 : i32
          %dma_start3A_727 = arith.constant 0 : i32
          %dma_start3A_728 = tpu.memref_slice %arg13[%dma_start3A_726, %dma_start3A_727] : memref<40x256xf32, #tpu.memory_space<vmem>> -> memref<8x256xf32, #tpu.memory_space<vmem>>
          %dma_start3A_729 = arith.constant 0 : i32
          %dma_start3A_730 = tpu.memref_slice %arg9[%dma_start3A_725, %dma_start3A_729] : memref<1x40xi32, #tpu.memory_space<vmem>> -> memref<1x8xi32, #tpu.memory_space<vmem>>
          %dma_start3A_731 = tpu.memref_squeeze %dma_start3A_730 : memref<1x8xi32, #tpu.memory_space<vmem>> -> memref<8xi32, #tpu.memory_space<vmem>>
          %dma_start3A_732 = arith.constant 0 : i32
          %dma_start3A_733 = arith.constant 0 : i32
          %dma_start3A_734 = tpu.memref_slice %arg3[%dma_start3A_732, %dma_start3A_733] : memref<10000x256xf32, #tpu.memory_space<hbm>> -> memref<10000x256xf32, #tpu.memory_space<hbm>>
          tpu.enqueue_indirect_dma source(%dma_start3A_734 : memref<10000x256xf32, #tpu.memory_space<hbm>>) target(%dma_start3A_728 : memref<8x256xf32, #tpu.memory_space<vmem>>) offsets(%dma_start3A_731 : memref<8xi32, #tpu.memory_space<vmem>>) semaphore(%arg20 : memref<!tpu.dma_semaphore, #tpu.memory_space<semaphore_mem>>)
          %dma_start3A_735 = arith.constant 0 : i32
          %dma_start3A_736 = arith.constant 8 : i32
          %dma_start3A_737 = arith.constant 0 : i32
          %dma_start3A_738 = tpu.memref_slice %arg12[%dma_start3A_736, %dma_start3A_737] : memref<40x256xf32, #tpu.memory_space<vmem>> -> memref<8x256xf32, #tpu.memory_space<vmem>>
          %dma_start3A_739 = arith.constant 8 : i32
          %dma_start3A_740 = tpu.memref_slice %arg8[%dma_start3A_735, %dma_start3A_739] : memref<1x40xi32, #tpu.memory_space<vmem>> -> memref<1x8xi32, #tpu.memory_space<vmem>>
          %dma_start3A_741 = tpu.memref_squeeze %dma_start3A_740 : memref<1x8xi32, #tpu.memory_space<vmem>> -> memref<8xi32, #tpu.memory_space<vmem>>
          %dma_start3A_742 = arith.constant 0 : i32
          %dma_start3A_743 = arith.constant 0 : i32
          %dma_start3A_744 = tpu.memref_slice %arg3[%dma_start3A_742, %dma_start3A_743] : memref<10000x256xf32, #tpu.memory_space<hbm>> -> memref<10000x256xf32, #tpu.memory_space<hbm>>
          tpu.enqueue_indirect_dma source(%dma_start3A_744 : memref<10000x256xf32, #tpu.memory_space<hbm>>) target(%dma_start3A_738 : memref<8x256xf32, #tpu.memory_space<vmem>>) offsets(%dma_start3A_741 : memref<8xi32, #tpu.memory_space<vmem>>) semaphore(%arg19 : memref<!tpu.dma_semaphore, #tpu.memory_space<semaphore_mem>>)
          %dma_start3A_745 = arith.constant 0 : i32
          %dma_start3A_746 = arith.constant 8 : i32
          %dma_start3A_747 = arith.constant 0 : i32
          %dma_start3A_748 = tpu.memref_slice %arg13[%dma_start3A_746, %dma_start3A_747] : memref<40x256xf32, #tpu.memory_space<vmem>> -> memref<8x256xf32, #tpu.memory_space<vmem>>
          %dma_start3A_749 = arith.constant 8 : i32
          %dma_start3A_750 = tpu.memref_slice %arg9[%dma_start3A_745, %dma_start3A_749] : memref<1x40xi32, #tpu.memory_space<vmem>> -> memref<1x8xi32, #tpu.memory_space<vmem>>
          %dma_start3A_751 = tpu.memref_squeeze %dma_start3A_750 : memref<1x8xi32, #tpu.memory_space<vmem>> -> memref<8xi32, #tpu.memory_space<vmem>>
          %dma_start3A_752 = arith.constant 0 : i32
          %dma_start3A_753 = arith.constant 0 : i32
          %dma_start3A_754 = tpu.memref_slice %arg3[%dma_start3A_752, %dma_start3A_753] : memref<10000x256xf32, #tpu.memory_space<hbm>> -> memref<10000x256xf32, #tpu.memory_space<hbm>>
          tpu.enqueue_indirect_dma source(%dma_start3A_754 : memref<10000x256xf32, #tpu.memory_space<hbm>>) target(%dma_start3A_748 : memref<8x256xf32, #tpu.memory_space<vmem>>) offsets(%dma_start3A_751 : memref<8xi32, #tpu.memory_space<vmem>>) semaphore(%arg20 : memref<!tpu.dma_semaphore, #tpu.memory_space<semaphore_mem>>)
          %dma_start3A_755 = arith.constant 0 : i32
          %dma_start3A_756 = arith.constant 16 : i32
          %dma_start3A_757 = arith.constant 0 : i32
          %dma_start3A_758 = tpu.memref_slice %arg12[%dma_start3A_756, %dma_start3A_757] : memref<40x256xf32, #tpu.memory_space<vmem>> -> memref<8x256xf32, #tpu.memory_space<vmem>>
          %dma_start3A_759 = arith.constant 16 : i32
          %dma_start3A_760 = tpu.memref_slice %arg8[%dma_start3A_755, %dma_start3A_759] : memref<1x40xi32, #tpu.memory_space<vmem>> -> memref<1x8xi32, #tpu.memory_space<vmem>>
          %dma_start3A_761 = tpu.memref_squeeze %dma_start3A_760 : memref<1x8xi32, #tpu.memory_space<vmem>> -> memref<8xi32, #tpu.memory_space<vmem>>
          %dma_start3A_762 = arith.constant 0 : i32
          %dma_start3A_763 = arith.constant 0 : i32
          %dma_start3A_764 = tpu.memref_slice %arg3[%dma_start3A_762, %dma_start3A_763] : memref<10000x256xf32, #tpu.memory_space<hbm>> -> memref<10000x256xf32, #tpu.memory_space<hbm>>
          tpu.enqueue_indirect_dma source(%dma_start3A_764 : memref<10000x256xf32, #tpu.memory_space<hbm>>) target(%dma_start3A_758 : memref<8x256xf32, #tpu.memory_space<vmem>>) offsets(%dma_start3A_761 : memref<8xi32, #tpu.memory_space<vmem>>) semaphore(%arg19 : memref<!tpu.dma_semaphore, #tpu.memory_space<semaphore_mem>>)
          %dma_start3A_765 = arith.constant 0 : i32
          %dma_start3A_766 = arith.constant 16 : i32
          %dma_start3A_767 = arith.constant 0 : i32
          %dma_start3A_768 = tpu.memref_slice %arg13[%dma_start3A_766, %dma_start3A_767] : memref<40x256xf32, #tpu.memory_space<vmem>> -> memref<8x256xf32, #tpu.memory_space<vmem>>
          %dma_start3A_769 = arith.constant 16 : i32
          %dma_start3A_770 = tpu.memref_slice %arg9[%dma_start3A_765, %dma_start3A_769] : memref<1x40xi32, #tpu.memory_space<vmem>> -> memref<1x8xi32, #tpu.memory_space<vmem>>
          %dma_start3A_771 = tpu.memref_squeeze %dma_start3A_770 : memref<1x8xi32, #tpu.memory_space<vmem>> -> memref<8xi32, #tpu.memory_space<vmem>>
          %dma_start3A_772 = arith.constant 0 : i32
          %dma_start3A_773 = arith.constant 0 : i32
          %dma_start3A_774 = tpu.memref_slice %arg3[%dma_start3A_772, %dma_start3A_773] : memref<10000x256xf32, #tpu.memory_space<hbm>> -> memref<10000x256xf32, #tpu.memory_space<hbm>>
          tpu.enqueue_indirect_dma source(%dma_start3A_774 : memref<10000x256xf32, #tpu.memory_space<hbm>>) target(%dma_start3A_768 : memref<8x256xf32, #tpu.memory_space<vmem>>) offsets(%dma_start3A_771 : memref<8xi32, #tpu.memory_space<vmem>>) semaphore(%arg20 : memref<!tpu.dma_semaphore, #tpu.memory_space<semaphore_mem>>)
          %dma_start3A_775 = arith.constant 0 : i32
          %dma_start3A_776 = arith.constant 24 : i32
          %dma_start3A_777 = arith.constant 0 : i32
          %dma_start3A_778 = tpu.memref_slice %arg12[%dma_start3A_776, %dma_start3A_777] : memref<40x256xf32, #tpu.memory_space<vmem>> -> memref<8x256xf32, #tpu.memory_space<vmem>>
          %dma_start3A_779 = arith.constant 24 : i32
          %dma_start3A_780 = tpu.memref_slice %arg8[%dma_start3A_775, %dma_start3A_779] : memref<1x40xi32, #tpu.memory_space<vmem>> -> memref<1x8xi32, #tpu.memory_space<vmem>>
          %dma_start3A_781 = tpu.memref_squeeze %dma_start3A_780 : memref<1x8xi32, #tpu.memory_space<vmem>> -> memref<8xi32, #tpu.memory_space<vmem>>
          %dma_start3A_782 = arith.constant 0 : i32
          %dma_start3A_783 = arith.constant 0 : i32
          %dma_start3A_784 = tpu.memref_slice %arg3[%dma_start3A_782, %dma_start3A_783] : memref<10000x256xf32, #tpu.memory_space<hbm>> -> memref<10000x256xf32, #tpu.memory_space<hbm>>
          tpu.enqueue_indirect_dma source(%dma_start3A_784 : memref<10000x256xf32, #tpu.memory_space<hbm>>) target(%dma_start3A_778 : memref<8x256xf32, #tpu.memory_space<vmem>>) offsets(%dma_start3A_781 : memref<8xi32, #tpu.memory_space<vmem>>) semaphore(%arg19 : memref<!tpu.dma_semaphore, #tpu.memory_space<semaphore_mem>>)
          %dma_start3A_785 = arith.constant 0 : i32
          %dma_start3A_786 = arith.constant 24 : i32
          %dma_start3A_787 = arith.constant 0 : i32
          %dma_start3A_788 = tpu.memref_slice %arg13[%dma_start3A_786, %dma_start3A_787] : memref<40x256xf32, #tpu.memory_space<vmem>> -> memref<8x256xf32, #tpu.memory_space<vmem>>
          %dma_start3A_789 = arith.constant 24 : i32
          %dma_start3A_790 = tpu.memref_slice %arg9[%dma_start3A_785, %dma_start3A_789] : memref<1x40xi32, #tpu.memory_space<vmem>> -> memref<1x8xi32, #tpu.memory_space<vmem>>
          %dma_start3A_791 = tpu.memref_squeeze %dma_start3A_790 : memref<1x8xi32, #tpu.memory_space<vmem>> -> memref<8xi32, #tpu.memory_space<vmem>>
          %dma_start3A_792 = arith.constant 0 : i32
          %dma_start3A_793 = arith.constant 0 : i32
          %dma_start3A_794 = tpu.memref_slice %arg3[%dma_start3A_792, %dma_start3A_793] : memref<10000x256xf32, #tpu.memory_space<hbm>> -> memref<10000x256xf32, #tpu.memory_space<hbm>>
          tpu.enqueue_indirect_dma source(%dma_start3A_794 : memref<10000x256xf32, #tpu.memory_space<hbm>>) target(%dma_start3A_788 : memref<8x256xf32, #tpu.memory_space<vmem>>) offsets(%dma_start3A_791 : memref<8xi32, #tpu.memory_space<vmem>>) semaphore(%arg20 : memref<!tpu.dma_semaphore, #tpu.memory_space<semaphore_mem>>)
          %dma_start3A_795 = arith.constant 0 : i32
          %dma_start3A_796 = arith.constant 32 : i32
          %dma_start3A_797 = arith.constant 0 : i32
          %dma_start3A_798 = tpu.memref_slice %arg12[%dma_start3A_796, %dma_start3A_797] : memref<40x256xf32, #tpu.memory_space<vmem>> -> memref<8x256xf32, #tpu.memory_space<vmem>>
          %dma_start3A_799 = arith.constant 32 : i32
          %dma_start3A_800 = tpu.memref_slice %arg8[%dma_start3A_795, %dma_start3A_799] : memref<1x40xi32, #tpu.memory_space<vmem>> -> memref<1x8xi32, #tpu.memory_space<vmem>>
          %dma_start3A_801 = tpu.memref_squeeze %dma_start3A_800 : memref<1x8xi32, #tpu.memory_space<vmem>> -> memref<8xi32, #tpu.memory_space<vmem>>
          %dma_start3A_802 = arith.constant 0 : i32
          %dma_start3A_803 = arith.constant 0 : i32
          %dma_start3A_804 = tpu.memref_slice %arg3[%dma_start3A_802, %dma_start3A_803] : memref<10000x256xf32, #tpu.memory_space<hbm>> -> memref<10000x256xf32, #tpu.memory_space<hbm>>
          tpu.enqueue_indirect_dma source(%dma_start3A_804 : memref<10000x256xf32, #tpu.memory_space<hbm>>) target(%dma_start3A_798 : memref<8x256xf32, #tpu.memory_space<vmem>>) offsets(%dma_start3A_801 : memref<8xi32, #tpu.memory_space<vmem>>) semaphore(%arg19 : memref<!tpu.dma_semaphore, #tpu.memory_space<semaphore_mem>>)
          %dma_start3A_805 = arith.constant 0 : i32
          %dma_start3A_806 = arith.constant 32 : i32
          %dma_start3A_807 = arith.constant 0 : i32
          %dma_start3A_808 = tpu.memref_slice %arg13[%dma_start3A_806, %dma_start3A_807] : memref<40x256xf32, #tpu.memory_space<vmem>> -> memref<8x256xf32, #tpu.memory_space<vmem>>
          %dma_start3A_809 = arith.constant 32 : i32
          %dma_start3A_810 = tpu.memref_slice %arg9[%dma_start3A_805, %dma_start3A_809] : memref<1x40xi32, #tpu.memory_space<vmem>> -> memref<1x8xi32, #tpu.memory_space<vmem>>
          %dma_start3A_811 = tpu.memref_squeeze %dma_start3A_810 : memref<1x8xi32, #tpu.memory_space<vmem>> -> memref<8xi32, #tpu.memory_space<vmem>>
          %dma_start3A_812 = arith.constant 0 : i32
          %dma_start3A_813 = arith.constant 0 : i32
          %dma_start3A_814 = tpu.memref_slice %arg3[%dma_start3A_812, %dma_start3A_813] : memref<10000x256xf32, #tpu.memory_space<hbm>> -> memref<10000x256xf32, #tpu.memory_space<hbm>>
          tpu.enqueue_indirect_dma source(%dma_start3A_814 : memref<10000x256xf32, #tpu.memory_space<hbm>>) target(%dma_start3A_808 : memref<8x256xf32, #tpu.memory_space<vmem>>) offsets(%dma_start3A_811 : memref<8xi32, #tpu.memory_space<vmem>>) semaphore(%arg20 : memref<!tpu.dma_semaphore, #tpu.memory_space<semaphore_mem>>)
        } else {
        }
      } else {
      }
      %eq3A_443 = arith.constant 0 : i32
      %eq3A_444 = arith.cmpi eq, %arg0, %eq3A_443 : i32
      %convert_element_type3A_445 = arith.extui %eq3A_444 : i1 to i32
      %cond3A_446 = arith.constant 0 : i32
      %cond3A_447 = arith.cmpi ne, %convert_element_type3A_445, %cond3A_446 : i32
      scf.if %cond3A_447 {
        %dma_wait3A_660 = arith.constant 0 : i32
        %dma_wait3A_661 = arith.constant 0 : i32
        %dma_wait3A_662 = arith.constant 0 : i32
        %dma_wait3A_663 = tpu.memref_slice %arg14[%dma_wait3A_661, %dma_wait3A_662] : memref<40x256xf32, #tpu.memory_space<vmem>> -> memref<8x256xf32, #tpu.memory_space<vmem>>
        %dma_wait3A_664 = arith.constant 0 : i32
        %dma_wait3A_665 = tpu.memref_slice %arg10[%dma_wait3A_660, %dma_wait3A_664] : memref<1x40xi32, #tpu.memory_space<vmem>> -> memref<1x8xi32, #tpu.memory_space<vmem>>
        %dma_wait3A_666 = tpu.memref_squeeze %dma_wait3A_665 : memref<1x8xi32, #tpu.memory_space<vmem>> -> memref<8xi32, #tpu.memory_space<vmem>>
        %dma_wait3A_667 = arith.constant 0 : i32
        %dma_wait3A_668 = arith.constant 0 : i32
        %dma_wait3A_669 = tpu.memref_slice %arg2[%dma_wait3A_667, %dma_wait3A_668] : memref<10000x256xf32, #tpu.memory_space<hbm>> -> memref<10000x256xf32, #tpu.memory_space<hbm>>
        tpu.wait_indirect_dma semaphore(%arg21 : memref<!tpu.dma_semaphore, #tpu.memory_space<semaphore_mem>>) src(%dma_wait3A_669 : memref<10000x256xf32, #tpu.memory_space<hbm>>) dst(%dma_wait3A_663 : memref<8x256xf32, #tpu.memory_space<vmem>>)
        %dma_wait3A_670 = arith.constant 0 : i32
        %dma_wait3A_671 = arith.constant 0 : i32
        %dma_wait3A_672 = arith.constant 0 : i32
        %dma_wait3A_673 = tpu.memref_slice %arg15[%dma_wait3A_671, %dma_wait3A_672] : memref<40x256xf32, #tpu.memory_space<vmem>> -> memref<8x256xf32, #tpu.memory_space<vmem>>
        %dma_wait3A_674 = arith.constant 0 : i32
        %dma_wait3A_675 = tpu.memref_slice %arg11[%dma_wait3A_670, %dma_wait3A_674] : memref<1x40xi32, #tpu.memory_space<vmem>> -> memref<1x8xi32, #tpu.memory_space<vmem>>
        %dma_wait3A_676 = tpu.memref_squeeze %dma_wait3A_675 : memref<1x8xi32, #tpu.memory_space<vmem>> -> memref<8xi32, #tpu.memory_space<vmem>>
        %dma_wait3A_677 = arith.constant 0 : i32
        %dma_wait3A_678 = arith.constant 0 : i32
        %dma_wait3A_679 = tpu.memref_slice %arg2[%dma_wait3A_677, %dma_wait3A_678] : memref<10000x256xf32, #tpu.memory_space<hbm>> -> memref<10000x256xf32, #tpu.memory_space<hbm>>
        tpu.wait_indirect_dma semaphore(%arg22 : memref<!tpu.dma_semaphore, #tpu.memory_space<semaphore_mem>>) src(%dma_wait3A_679 : memref<10000x256xf32, #tpu.memory_space<hbm>>) dst(%dma_wait3A_673 : memref<8x256xf32, #tpu.memory_space<vmem>>)
        %dma_wait3A_680 = arith.constant 0 : i32
        %dma_wait3A_681 = arith.constant 8 : i32
        %dma_wait3A_682 = arith.constant 0 : i32
        %dma_wait3A_683 = tpu.memref_slice %arg14[%dma_wait3A_681, %dma_wait3A_682] : memref<40x256xf32, #tpu.memory_space<vmem>> -> memref<8x256xf32, #tpu.memory_space<vmem>>
        %dma_wait3A_684 = arith.constant 8 : i32
        %dma_wait3A_685 = tpu.memref_slice %arg10[%dma_wait3A_680, %dma_wait3A_684] : memref<1x40xi32, #tpu.memory_space<vmem>> -> memref<1x8xi32, #tpu.memory_space<vmem>>
        %dma_wait3A_686 = tpu.memref_squeeze %dma_wait3A_685 : memref<1x8xi32, #tpu.memory_space<vmem>> -> memref<8xi32, #tpu.memory_space<vmem>>
        %dma_wait3A_687 = arith.constant 0 : i32
        %dma_wait3A_688 = arith.constant 0 : i32
        %dma_wait3A_689 = tpu.memref_slice %arg2[%dma_wait3A_687, %dma_wait3A_688] : memref<10000x256xf32, #tpu.memory_space<hbm>> -> memref<10000x256xf32, #tpu.memory_space<hbm>>
        tpu.wait_indirect_dma semaphore(%arg21 : memref<!tpu.dma_semaphore, #tpu.memory_space<semaphore_mem>>) src(%dma_wait3A_689 : memref<10000x256xf32, #tpu.memory_space<hbm>>) dst(%dma_wait3A_683 : memref<8x256xf32, #tpu.memory_space<vmem>>)
        %dma_wait3A_690 = arith.constant 0 : i32
        %dma_wait3A_691 = arith.constant 8 : i32
        %dma_wait3A_692 = arith.constant 0 : i32
        %dma_wait3A_693 = tpu.memref_slice %arg15[%dma_wait3A_691, %dma_wait3A_692] : memref<40x256xf32, #tpu.memory_space<vmem>> -> memref<8x256xf32, #tpu.memory_space<vmem>>
        %dma_wait3A_694 = arith.constant 8 : i32
        %dma_wait3A_695 = tpu.memref_slice %arg11[%dma_wait3A_690, %dma_wait3A_694] : memref<1x40xi32, #tpu.memory_space<vmem>> -> memref<1x8xi32, #tpu.memory_space<vmem>>
        %dma_wait3A_696 = tpu.memref_squeeze %dma_wait3A_695 : memref<1x8xi32, #tpu.memory_space<vmem>> -> memref<8xi32, #tpu.memory_space<vmem>>
        %dma_wait3A_697 = arith.constant 0 : i32
        %dma_wait3A_698 = arith.constant 0 : i32
        %dma_wait3A_699 = tpu.memref_slice %arg2[%dma_wait3A_697, %dma_wait3A_698] : memref<10000x256xf32, #tpu.memory_space<hbm>> -> memref<10000x256xf32, #tpu.memory_space<hbm>>
        tpu.wait_indirect_dma semaphore(%arg22 : memref<!tpu.dma_semaphore, #tpu.memory_space<semaphore_mem>>) src(%dma_wait3A_699 : memref<10000x256xf32, #tpu.memory_space<hbm>>) dst(%dma_wait3A_693 : memref<8x256xf32, #tpu.memory_space<vmem>>)
        %dma_wait3A_700 = arith.constant 0 : i32
        %dma_wait3A_701 = arith.constant 16 : i32
        %dma_wait3A_702 = arith.constant 0 : i32
        %dma_wait3A_703 = tpu.memref_slice %arg14[%dma_wait3A_701, %dma_wait3A_702] : memref<40x256xf32, #tpu.memory_space<vmem>> -> memref<8x256xf32, #tpu.memory_space<vmem>>
        %dma_wait3A_704 = arith.constant 16 : i32
        %dma_wait3A_705 = tpu.memref_slice %arg10[%dma_wait3A_700, %dma_wait3A_704] : memref<1x40xi32, #tpu.memory_space<vmem>> -> memref<1x8xi32, #tpu.memory_space<vmem>>
        %dma_wait3A_706 = tpu.memref_squeeze %dma_wait3A_705 : memref<1x8xi32, #tpu.memory_space<vmem>> -> memref<8xi32, #tpu.memory_space<vmem>>
        %dma_wait3A_707 = arith.constant 0 : i32
        %dma_wait3A_708 = arith.constant 0 : i32
        %dma_wait3A_709 = tpu.memref_slice %arg2[%dma_wait3A_707, %dma_wait3A_708] : memref<10000x256xf32, #tpu.memory_space<hbm>> -> memref<10000x256xf32, #tpu.memory_space<hbm>>
        tpu.wait_indirect_dma semaphore(%arg21 : memref<!tpu.dma_semaphore, #tpu.memory_space<semaphore_mem>>) src(%dma_wait3A_709 : memref<10000x256xf32, #tpu.memory_space<hbm>>) dst(%dma_wait3A_703 : memref<8x256xf32, #tpu.memory_space<vmem>>)
        %dma_wait3A_710 = arith.constant 0 : i32
        %dma_wait3A_711 = arith.constant 16 : i32
        %dma_wait3A_712 = arith.constant 0 : i32
        %dma_wait3A_713 = tpu.memref_slice %arg15[%dma_wait3A_711, %dma_wait3A_712] : memref<40x256xf32, #tpu.memory_space<vmem>> -> memref<8x256xf32, #tpu.memory_space<vmem>>
        %dma_wait3A_714 = arith.constant 16 : i32
        %dma_wait3A_715 = tpu.memref_slice %arg11[%dma_wait3A_710, %dma_wait3A_714] : memref<1x40xi32, #tpu.memory_space<vmem>> -> memref<1x8xi32, #tpu.memory_space<vmem>>
        %dma_wait3A_716 = tpu.memref_squeeze %dma_wait3A_715 : memref<1x8xi32, #tpu.memory_space<vmem>> -> memref<8xi32, #tpu.memory_space<vmem>>
        %dma_wait3A_717 = arith.constant 0 : i32
        %dma_wait3A_718 = arith.constant 0 : i32
        %dma_wait3A_719 = tpu.memref_slice %arg2[%dma_wait3A_717, %dma_wait3A_718] : memref<10000x256xf32, #tpu.memory_space<hbm>> -> memref<10000x256xf32, #tpu.memory_space<hbm>>
        tpu.wait_indirect_dma semaphore(%arg22 : memref<!tpu.dma_semaphore, #tpu.memory_space<semaphore_mem>>) src(%dma_wait3A_719 : memref<10000x256xf32, #tpu.memory_space<hbm>>) dst(%dma_wait3A_713 : memref<8x256xf32, #tpu.memory_space<vmem>>)
        %dma_wait3A_720 = arith.constant 0 : i32
        %dma_wait3A_721 = arith.constant 24 : i32
        %dma_wait3A_722 = arith.constant 0 : i32
        %dma_wait3A_723 = tpu.memref_slice %arg14[%dma_wait3A_721, %dma_wait3A_722] : memref<40x256xf32, #tpu.memory_space<vmem>> -> memref<8x256xf32, #tpu.memory_space<vmem>>
        %dma_wait3A_724 = arith.constant 24 : i32
        %dma_wait3A_725 = tpu.memref_slice %arg10[%dma_wait3A_720, %dma_wait3A_724] : memref<1x40xi32, #tpu.memory_space<vmem>> -> memref<1x8xi32, #tpu.memory_space<vmem>>
        %dma_wait3A_726 = tpu.memref_squeeze %dma_wait3A_725 : memref<1x8xi32, #tpu.memory_space<vmem>> -> memref<8xi32, #tpu.memory_space<vmem>>
        %dma_wait3A_727 = arith.constant 0 : i32
        %dma_wait3A_728 = arith.constant 0 : i32
        %dma_wait3A_729 = tpu.memref_slice %arg2[%dma_wait3A_727, %dma_wait3A_728] : memref<10000x256xf32, #tpu.memory_space<hbm>> -> memref<10000x256xf32, #tpu.memory_space<hbm>>
        tpu.wait_indirect_dma semaphore(%arg21 : memref<!tpu.dma_semaphore, #tpu.memory_space<semaphore_mem>>) src(%dma_wait3A_729 : memref<10000x256xf32, #tpu.memory_space<hbm>>) dst(%dma_wait3A_723 : memref<8x256xf32, #tpu.memory_space<vmem>>)
        %dma_wait3A_730 = arith.constant 0 : i32
        %dma_wait3A_731 = arith.constant 24 : i32
        %dma_wait3A_732 = arith.constant 0 : i32
        %dma_wait3A_733 = tpu.memref_slice %arg15[%dma_wait3A_731, %dma_wait3A_732] : memref<40x256xf32, #tpu.memory_space<vmem>> -> memref<8x256xf32, #tpu.memory_space<vmem>>
        %dma_wait3A_734 = arith.constant 24 : i32
        %dma_wait3A_735 = tpu.memref_slice %arg11[%dma_wait3A_730, %dma_wait3A_734] : memref<1x40xi32, #tpu.memory_space<vmem>> -> memref<1x8xi32, #tpu.memory_space<vmem>>
        %dma_wait3A_736 = tpu.memref_squeeze %dma_wait3A_735 : memref<1x8xi32, #tpu.memory_space<vmem>> -> memref<8xi32, #tpu.memory_space<vmem>>
        %dma_wait3A_737 = arith.constant 0 : i32
        %dma_wait3A_738 = arith.constant 0 : i32
        %dma_wait3A_739 = tpu.memref_slice %arg2[%dma_wait3A_737, %dma_wait3A_738] : memref<10000x256xf32, #tpu.memory_space<hbm>> -> memref<10000x256xf32, #tpu.memory_space<hbm>>
        tpu.wait_indirect_dma semaphore(%arg22 : memref<!tpu.dma_semaphore, #tpu.memory_space<semaphore_mem>>) src(%dma_wait3A_739 : memref<10000x256xf32, #tpu.memory_space<hbm>>) dst(%dma_wait3A_733 : memref<8x256xf32, #tpu.memory_space<vmem>>)
        %dma_wait3A_740 = arith.constant 0 : i32
        %dma_wait3A_741 = arith.constant 32 : i32
        %dma_wait3A_742 = arith.constant 0 : i32
        %dma_wait3A_743 = tpu.memref_slice %arg14[%dma_wait3A_741, %dma_wait3A_742] : memref<40x256xf32, #tpu.memory_space<vmem>> -> memref<8x256xf32, #tpu.memory_space<vmem>>
        %dma_wait3A_744 = arith.constant 32 : i32
        %dma_wait3A_745 = tpu.memref_slice %arg10[%dma_wait3A_740, %dma_wait3A_744] : memref<1x40xi32, #tpu.memory_space<vmem>> -> memref<1x8xi32, #tpu.memory_space<vmem>>
        %dma_wait3A_746 = tpu.memref_squeeze %dma_wait3A_745 : memref<1x8xi32, #tpu.memory_space<vmem>> -> memref<8xi32, #tpu.memory_space<vmem>>
        %dma_wait3A_747 = arith.constant 0 : i32
        %dma_wait3A_748 = arith.constant 0 : i32
        %dma_wait3A_749 = tpu.memref_slice %arg2[%dma_wait3A_747, %dma_wait3A_748] : memref<10000x256xf32, #tpu.memory_space<hbm>> -> memref<10000x256xf32, #tpu.memory_space<hbm>>
        tpu.wait_indirect_dma semaphore(%arg21 : memref<!tpu.dma_semaphore, #tpu.memory_space<semaphore_mem>>) src(%dma_wait3A_749 : memref<10000x256xf32, #tpu.memory_space<hbm>>) dst(%dma_wait3A_743 : memref<8x256xf32, #tpu.memory_space<vmem>>)
        %dma_wait3A_750 = arith.constant 0 : i32
        %dma_wait3A_751 = arith.constant 32 : i32
        %dma_wait3A_752 = arith.constant 0 : i32
        %dma_wait3A_753 = tpu.memref_slice %arg15[%dma_wait3A_751, %dma_wait3A_752] : memref<40x256xf32, #tpu.memory_space<vmem>> -> memref<8x256xf32, #tpu.memory_space<vmem>>
        %dma_wait3A_754 = arith.constant 32 : i32
        %dma_wait3A_755 = tpu.memref_slice %arg11[%dma_wait3A_750, %dma_wait3A_754] : memref<1x40xi32, #tpu.memory_space<vmem>> -> memref<1x8xi32, #tpu.memory_space<vmem>>
        %dma_wait3A_756 = tpu.memref_squeeze %dma_wait3A_755 : memref<1x8xi32, #tpu.memory_space<vmem>> -> memref<8xi32, #tpu.memory_space<vmem>>
        %dma_wait3A_757 = arith.constant 0 : i32
        %dma_wait3A_758 = arith.constant 0 : i32
        %dma_wait3A_759 = tpu.memref_slice %arg2[%dma_wait3A_757, %dma_wait3A_758] : memref<10000x256xf32, #tpu.memory_space<hbm>> -> memref<10000x256xf32, #tpu.memory_space<hbm>>
        tpu.wait_indirect_dma semaphore(%arg22 : memref<!tpu.dma_semaphore, #tpu.memory_space<semaphore_mem>>) src(%dma_wait3A_759 : memref<10000x256xf32, #tpu.memory_space<hbm>>) dst(%dma_wait3A_753 : memref<8x256xf32, #tpu.memory_space<vmem>>)
      } else {
      }
      %eq3A_448 = arith.constant 1 : i32
      %eq3A_449 = arith.cmpi eq, %arg0, %eq3A_448 : i32
      %convert_element_type3A_450 = arith.extui %eq3A_449 : i1 to i32
      %cond3A_451 = arith.constant 0 : i32
      %cond3A_452 = arith.cmpi ne, %convert_element_type3A_450, %cond3A_451 : i32
      scf.if %cond3A_452 {
        %dma_wait3A_660 = arith.constant 0 : i32
        %dma_wait3A_661 = arith.constant 0 : i32
        %dma_wait3A_662 = arith.constant 0 : i32
        %dma_wait3A_663 = tpu.memref_slice %arg14[%dma_wait3A_661, %dma_wait3A_662] : memref<40x256xf32, #tpu.memory_space<vmem>> -> memref<8x256xf32, #tpu.memory_space<vmem>>
        %dma_wait3A_664 = arith.constant 0 : i32
        %dma_wait3A_665 = tpu.memref_slice %arg10[%dma_wait3A_660, %dma_wait3A_664] : memref<1x40xi32, #tpu.memory_space<vmem>> -> memref<1x8xi32, #tpu.memory_space<vmem>>
        %dma_wait3A_666 = tpu.memref_squeeze %dma_wait3A_665 : memref<1x8xi32, #tpu.memory_space<vmem>> -> memref<8xi32, #tpu.memory_space<vmem>>
        %dma_wait3A_667 = arith.constant 0 : i32
        %dma_wait3A_668 = arith.constant 0 : i32
        %dma_wait3A_669 = tpu.memref_slice %arg3[%dma_wait3A_667, %dma_wait3A_668] : memref<10000x256xf32, #tpu.memory_space<hbm>> -> memref<10000x256xf32, #tpu.memory_space<hbm>>
        tpu.wait_indirect_dma semaphore(%arg21 : memref<!tpu.dma_semaphore, #tpu.memory_space<semaphore_mem>>) src(%dma_wait3A_669 : memref<10000x256xf32, #tpu.memory_space<hbm>>) dst(%dma_wait3A_663 : memref<8x256xf32, #tpu.memory_space<vmem>>)
        %dma_wait3A_670 = arith.constant 0 : i32
        %dma_wait3A_671 = arith.constant 0 : i32
        %dma_wait3A_672 = arith.constant 0 : i32
        %dma_wait3A_673 = tpu.memref_slice %arg15[%dma_wait3A_671, %dma_wait3A_672] : memref<40x256xf32, #tpu.memory_space<vmem>> -> memref<8x256xf32, #tpu.memory_space<vmem>>
        %dma_wait3A_674 = arith.constant 0 : i32
        %dma_wait3A_675 = tpu.memref_slice %arg11[%dma_wait3A_670, %dma_wait3A_674] : memref<1x40xi32, #tpu.memory_space<vmem>> -> memref<1x8xi32, #tpu.memory_space<vmem>>
        %dma_wait3A_676 = tpu.memref_squeeze %dma_wait3A_675 : memref<1x8xi32, #tpu.memory_space<vmem>> -> memref<8xi32, #tpu.memory_space<vmem>>
        %dma_wait3A_677 = arith.constant 0 : i32
        %dma_wait3A_678 = arith.constant 0 : i32
        %dma_wait3A_679 = tpu.memref_slice %arg3[%dma_wait3A_677, %dma_wait3A_678] : memref<10000x256xf32, #tpu.memory_space<hbm>> -> memref<10000x256xf32, #tpu.memory_space<hbm>>
        tpu.wait_indirect_dma semaphore(%arg22 : memref<!tpu.dma_semaphore, #tpu.memory_space<semaphore_mem>>) src(%dma_wait3A_679 : memref<10000x256xf32, #tpu.memory_space<hbm>>) dst(%dma_wait3A_673 : memref<8x256xf32, #tpu.memory_space<vmem>>)
        %dma_wait3A_680 = arith.constant 0 : i32
        %dma_wait3A_681 = arith.constant 8 : i32
        %dma_wait3A_682 = arith.constant 0 : i32
        %dma_wait3A_683 = tpu.memref_slice %arg14[%dma_wait3A_681, %dma_wait3A_682] : memref<40x256xf32, #tpu.memory_space<vmem>> -> memref<8x256xf32, #tpu.memory_space<vmem>>
        %dma_wait3A_684 = arith.constant 8 : i32
        %dma_wait3A_685 = tpu.memref_slice %arg10[%dma_wait3A_680, %dma_wait3A_684] : memref<1x40xi32, #tpu.memory_space<vmem>> -> memref<1x8xi32, #tpu.memory_space<vmem>>
        %dma_wait3A_686 = tpu.memref_squeeze %dma_wait3A_685 : memref<1x8xi32, #tpu.memory_space<vmem>> -> memref<8xi32, #tpu.memory_space<vmem>>
        %dma_wait3A_687 = arith.constant 0 : i32
        %dma_wait3A_688 = arith.constant 0 : i32
        %dma_wait3A_689 = tpu.memref_slice %arg3[%dma_wait3A_687, %dma_wait3A_688] : memref<10000x256xf32, #tpu.memory_space<hbm>> -> memref<10000x256xf32, #tpu.memory_space<hbm>>
        tpu.wait_indirect_dma semaphore(%arg21 : memref<!tpu.dma_semaphore, #tpu.memory_space<semaphore_mem>>) src(%dma_wait3A_689 : memref<10000x256xf32, #tpu.memory_space<hbm>>) dst(%dma_wait3A_683 : memref<8x256xf32, #tpu.memory_space<vmem>>)
        %dma_wait3A_690 = arith.constant 0 : i32
        %dma_wait3A_691 = arith.constant 8 : i32
        %dma_wait3A_692 = arith.constant 0 : i32
        %dma_wait3A_693 = tpu.memref_slice %arg15[%dma_wait3A_691, %dma_wait3A_692] : memref<40x256xf32, #tpu.memory_space<vmem>> -> memref<8x256xf32, #tpu.memory_space<vmem>>
        %dma_wait3A_694 = arith.constant 8 : i32
        %dma_wait3A_695 = tpu.memref_slice %arg11[%dma_wait3A_690, %dma_wait3A_694] : memref<1x40xi32, #tpu.memory_space<vmem>> -> memref<1x8xi32, #tpu.memory_space<vmem>>
        %dma_wait3A_696 = tpu.memref_squeeze %dma_wait3A_695 : memref<1x8xi32, #tpu.memory_space<vmem>> -> memref<8xi32, #tpu.memory_space<vmem>>
        %dma_wait3A_697 = arith.constant 0 : i32
        %dma_wait3A_698 = arith.constant 0 : i32
        %dma_wait3A_699 = tpu.memref_slice %arg3[%dma_wait3A_697, %dma_wait3A_698] : memref<10000x256xf32, #tpu.memory_space<hbm>> -> memref<10000x256xf32, #tpu.memory_space<hbm>>
        tpu.wait_indirect_dma semaphore(%arg22 : memref<!tpu.dma_semaphore, #tpu.memory_space<semaphore_mem>>) src(%dma_wait3A_699 : memref<10000x256xf32, #tpu.memory_space<hbm>>) dst(%dma_wait3A_693 : memref<8x256xf32, #tpu.memory_space<vmem>>)
        %dma_wait3A_700 = arith.constant 0 : i32
        %dma_wait3A_701 = arith.constant 16 : i32
        %dma_wait3A_702 = arith.constant 0 : i32
        %dma_wait3A_703 = tpu.memref_slice %arg14[%dma_wait3A_701, %dma_wait3A_702] : memref<40x256xf32, #tpu.memory_space<vmem>> -> memref<8x256xf32, #tpu.memory_space<vmem>>
        %dma_wait3A_704 = arith.constant 16 : i32
        %dma_wait3A_705 = tpu.memref_slice %arg10[%dma_wait3A_700, %dma_wait3A_704] : memref<1x40xi32, #tpu.memory_space<vmem>> -> memref<1x8xi32, #tpu.memory_space<vmem>>
        %dma_wait3A_706 = tpu.memref_squeeze %dma_wait3A_705 : memref<1x8xi32, #tpu.memory_space<vmem>> -> memref<8xi32, #tpu.memory_space<vmem>>
        %dma_wait3A_707 = arith.constant 0 : i32
        %dma_wait3A_708 = arith.constant 0 : i32
        %dma_wait3A_709 = tpu.memref_slice %arg3[%dma_wait3A_707, %dma_wait3A_708] : memref<10000x256xf32, #tpu.memory_space<hbm>> -> memref<10000x256xf32, #tpu.memory_space<hbm>>
        tpu.wait_indirect_dma semaphore(%arg21 : memref<!tpu.dma_semaphore, #tpu.memory_space<semaphore_mem>>) src(%dma_wait3A_709 : memref<10000x256xf32, #tpu.memory_space<hbm>>) dst(%dma_wait3A_703 : memref<8x256xf32, #tpu.memory_space<vmem>>)
        %dma_wait3A_710 = arith.constant 0 : i32
        %dma_wait3A_711 = arith.constant 16 : i32
        %dma_wait3A_712 = arith.constant 0 : i32
        %dma_wait3A_713 = tpu.memref_slice %arg15[%dma_wait3A_711, %dma_wait3A_712] : memref<40x256xf32, #tpu.memory_space<vmem>> -> memref<8x256xf32, #tpu.memory_space<vmem>>
        %dma_wait3A_714 = arith.constant 16 : i32
        %dma_wait3A_715 = tpu.memref_slice %arg11[%dma_wait3A_710, %dma_wait3A_714] : memref<1x40xi32, #tpu.memory_space<vmem>> -> memref<1x8xi32, #tpu.memory_space<vmem>>
        %dma_wait3A_716 = tpu.memref_squeeze %dma_wait3A_715 : memref<1x8xi32, #tpu.memory_space<vmem>> -> memref<8xi32, #tpu.memory_space<vmem>>
        %dma_wait3A_717 = arith.constant 0 : i32
        %dma_wait3A_718 = arith.constant 0 : i32
        %dma_wait3A_719 = tpu.memref_slice %arg3[%dma_wait3A_717, %dma_wait3A_718] : memref<10000x256xf32, #tpu.memory_space<hbm>> -> memref<10000x256xf32, #tpu.memory_space<hbm>>
        tpu.wait_indirect_dma semaphore(%arg22 : memref<!tpu.dma_semaphore, #tpu.memory_space<semaphore_mem>>) src(%dma_wait3A_719 : memref<10000x256xf32, #tpu.memory_space<hbm>>) dst(%dma_wait3A_713 : memref<8x256xf32, #tpu.memory_space<vmem>>)
        %dma_wait3A_720 = arith.constant 0 : i32
        %dma_wait3A_721 = arith.constant 24 : i32
        %dma_wait3A_722 = arith.constant 0 : i32
        %dma_wait3A_723 = tpu.memref_slice %arg14[%dma_wait3A_721, %dma_wait3A_722] : memref<40x256xf32, #tpu.memory_space<vmem>> -> memref<8x256xf32, #tpu.memory_space<vmem>>
        %dma_wait3A_724 = arith.constant 24 : i32
        %dma_wait3A_725 = tpu.memref_slice %arg10[%dma_wait3A_720, %dma_wait3A_724] : memref<1x40xi32, #tpu.memory_space<vmem>> -> memref<1x8xi32, #tpu.memory_space<vmem>>
        %dma_wait3A_726 = tpu.memref_squeeze %dma_wait3A_725 : memref<1x8xi32, #tpu.memory_space<vmem>> -> memref<8xi32, #tpu.memory_space<vmem>>
        %dma_wait3A_727 = arith.constant 0 : i32
        %dma_wait3A_728 = arith.constant 0 : i32
        %dma_wait3A_729 = tpu.memref_slice %arg3[%dma_wait3A_727, %dma_wait3A_728] : memref<10000x256xf32, #tpu.memory_space<hbm>> -> memref<10000x256xf32, #tpu.memory_space<hbm>>
        tpu.wait_indirect_dma semaphore(%arg21 : memref<!tpu.dma_semaphore, #tpu.memory_space<semaphore_mem>>) src(%dma_wait3A_729 : memref<10000x256xf32, #tpu.memory_space<hbm>>) dst(%dma_wait3A_723 : memref<8x256xf32, #tpu.memory_space<vmem>>)
        %dma_wait3A_730 = arith.constant 0 : i32
        %dma_wait3A_731 = arith.constant 24 : i32
        %dma_wait3A_732 = arith.constant 0 : i32
        %dma_wait3A_733 = tpu.memref_slice %arg15[%dma_wait3A_731, %dma_wait3A_732] : memref<40x256xf32, #tpu.memory_space<vmem>> -> memref<8x256xf32, #tpu.memory_space<vmem>>
        %dma_wait3A_734 = arith.constant 24 : i32
        %dma_wait3A_735 = tpu.memref_slice %arg11[%dma_wait3A_730, %dma_wait3A_734] : memref<1x40xi32, #tpu.memory_space<vmem>> -> memref<1x8xi32, #tpu.memory_space<vmem>>
        %dma_wait3A_736 = tpu.memref_squeeze %dma_wait3A_735 : memref<1x8xi32, #tpu.memory_space<vmem>> -> memref<8xi32, #tpu.memory_space<vmem>>
        %dma_wait3A_737 = arith.constant 0 : i32
        %dma_wait3A_738 = arith.constant 0 : i32
        %dma_wait3A_739 = tpu.memref_slice %arg3[%dma_wait3A_737, %dma_wait3A_738] : memref<10000x256xf32, #tpu.memory_space<hbm>> -> memref<10000x256xf32, #tpu.memory_space<hbm>>
        tpu.wait_indirect_dma semaphore(%arg22 : memref<!tpu.dma_semaphore, #tpu.memory_space<semaphore_mem>>) src(%dma_wait3A_739 : memref<10000x256xf32, #tpu.memory_space<hbm>>) dst(%dma_wait3A_733 : memref<8x256xf32, #tpu.memory_space<vmem>>)
        %dma_wait3A_740 = arith.constant 0 : i32
        %dma_wait3A_741 = arith.constant 32 : i32
        %dma_wait3A_742 = arith.constant 0 : i32
        %dma_wait3A_743 = tpu.memref_slice %arg14[%dma_wait3A_741, %dma_wait3A_742] : memref<40x256xf32, #tpu.memory_space<vmem>> -> memref<8x256xf32, #tpu.memory_space<vmem>>
        %dma_wait3A_744 = arith.constant 32 : i32
        %dma_wait3A_745 = tpu.memref_slice %arg10[%dma_wait3A_740, %dma_wait3A_744] : memref<1x40xi32, #tpu.memory_space<vmem>> -> memref<1x8xi32, #tpu.memory_space<vmem>>
        %dma_wait3A_746 = tpu.memref_squeeze %dma_wait3A_745 : memref<1x8xi32, #tpu.memory_space<vmem>> -> memref<8xi32, #tpu.memory_space<vmem>>
        %dma_wait3A_747 = arith.constant 0 : i32
        %dma_wait3A_748 = arith.constant 0 : i32
        %dma_wait3A_749 = tpu.memref_slice %arg3[%dma_wait3A_747, %dma_wait3A_748] : memref<10000x256xf32, #tpu.memory_space<hbm>> -> memref<10000x256xf32, #tpu.memory_space<hbm>>
        tpu.wait_indirect_dma semaphore(%arg21 : memref<!tpu.dma_semaphore, #tpu.memory_space<semaphore_mem>>) src(%dma_wait3A_749 : memref<10000x256xf32, #tpu.memory_space<hbm>>) dst(%dma_wait3A_743 : memref<8x256xf32, #tpu.memory_space<vmem>>)
        %dma_wait3A_750 = arith.constant 0 : i32
        %dma_wait3A_751 = arith.constant 32 : i32
        %dma_wait3A_752 = arith.constant 0 : i32
        %dma_wait3A_753 = tpu.memref_slice %arg15[%dma_wait3A_751, %dma_wait3A_752] : memref<40x256xf32, #tpu.memory_space<vmem>> -> memref<8x256xf32, #tpu.memory_space<vmem>>
        %dma_wait3A_754 = arith.constant 32 : i32
        %dma_wait3A_755 = tpu.memref_slice %arg11[%dma_wait3A_750, %dma_wait3A_754] : memref<1x40xi32, #tpu.memory_space<vmem>> -> memref<1x8xi32, #tpu.memory_space<vmem>>
        %dma_wait3A_756 = tpu.memref_squeeze %dma_wait3A_755 : memref<1x8xi32, #tpu.memory_space<vmem>> -> memref<8xi32, #tpu.memory_space<vmem>>
        %dma_wait3A_757 = arith.constant 0 : i32
        %dma_wait3A_758 = arith.constant 0 : i32
        %dma_wait3A_759 = tpu.memref_slice %arg3[%dma_wait3A_757, %dma_wait3A_758] : memref<10000x256xf32, #tpu.memory_space<hbm>> -> memref<10000x256xf32, #tpu.memory_space<hbm>>
        tpu.wait_indirect_dma semaphore(%arg22 : memref<!tpu.dma_semaphore, #tpu.memory_space<semaphore_mem>>) src(%dma_wait3A_759 : memref<10000x256xf32, #tpu.memory_space<hbm>>) dst(%dma_wait3A_753 : memref<8x256xf32, #tpu.memory_space<vmem>>)
      } else {
      }
      %parallel_loop3A_453 = arith.constant 0 : i32
      %parallel_loop3A_454 = arith.constant 40 : i32
      %parallel_loop3A_455 = arith.constant 1 : i32
      scf.for %parallel_loop3A_660 = %parallel_loop3A_453 to %parallel_loop3A_454 step %parallel_loop3A_455  : i32 {
        %parallel_loop3A_661 = arith.index_cast %parallel_loop3A_660 : i32 to index
        %parallel_loop3A_662 = arith.constant 0 : index
        %parallel_loop3A_663 = tpu.vector_load %arg14[%parallel_loop3A_661, %parallel_loop3A_662] {strides = array<i32>} : memref<40x256xf32, #tpu.memory_space<vmem>>, vector<1x16xf32>,
        %parallel_loop3A_664 = vector.shape_cast %parallel_loop3A_663 : vector<1x16xf32> to vector<16xf32>
        %parallel_loop3A_665 = arith.index_cast %parallel_loop3A_660 : i32 to index
        %parallel_loop3A_666 = arith.constant 128 : index
        %parallel_loop3A_667 = tpu.vector_load %arg15[%parallel_loop3A_665, %parallel_loop3A_666] {strides = array<i32>} : memref<40x256xf32, #tpu.memory_space<vmem>>, vector<1x16xf32>,
        %parallel_loop3A_668 = vector.shape_cast %parallel_loop3A_667 : vector<1x16xf32> to vector<16xf32>
        %parallel_loop3A_669 = arith.addf %parallel_loop3A_664, %parallel_loop3A_668 : vector<16xf32>
        %parallel_loop3A_670 = arith.constant 0.000000e+00 : f32
        %parallel_loop3A_671 = vector.broadcast %parallel_loop3A_670 : f32 to vector<16xf32>
        %parallel_loop3A_672 = arith.maximumf %parallel_loop3A_669, %parallel_loop3A_671 : vector<16xf32>
        %parallel_loop3A_673 = arith.addf %parallel_loop3A_672, %get3A_71 : vector<16xf32>
        %parallel_loop3A_674 = arith.index_cast %parallel_loop3A_660 : i32 to index
        %parallel_loop3A_675 = arith.constant 0 : index
        %parallel_loop3A_676 = tpu.vector_load %arg16[%parallel_loop3A_674, %parallel_loop3A_675] {strides = array<i32>} : memref<40x128xf32, #tpu.memory_space<vmem>>, vector<1x16xf32>,
        %parallel_loop3A_677 = vector.shape_cast %parallel_loop3A_676 : vector<1x16xf32> to vector<16xf32>
        %parallel_loop3A_678 = vector.shape_cast %parallel_loop3A_673 : vector<16xf32> to vector<1x16xf32>
        tpu.vector_store %arg16[%parallel_loop3A_674, %parallel_loop3A_675], %parallel_loop3A_678 {strides = array<i32>} : memref<40x128xf32, #tpu.memory_space<vmem>>, vector<1x16xf32>,
        %parallel_loop3A_679 = arith.index_cast %parallel_loop3A_660 : i32 to index
        %parallel_loop3A_680 = arith.constant 16 : index
        %parallel_loop3A_681 = tpu.vector_load %arg14[%parallel_loop3A_679, %parallel_loop3A_680] {strides = array<i32>} : memref<40x256xf32, #tpu.memory_space<vmem>>, vector<1x16xf32>,
        %parallel_loop3A_682 = vector.shape_cast %parallel_loop3A_681 : vector<1x16xf32> to vector<16xf32>
        %parallel_loop3A_683 = arith.index_cast %parallel_loop3A_660 : i32 to index
        %parallel_loop3A_684 = arith.constant 144 : index
        %parallel_loop3A_685 = tpu.vector_load %arg15[%parallel_loop3A_683, %parallel_loop3A_684] {strides = array<i32>} : memref<40x256xf32, #tpu.memory_space<vmem>>, vector<1x16xf32>,
        %parallel_loop3A_686 = vector.shape_cast %parallel_loop3A_685 : vector<1x16xf32> to vector<16xf32>
        %parallel_loop3A_687 = arith.addf %parallel_loop3A_682, %parallel_loop3A_686 : vector<16xf32>
        %parallel_loop3A_688 = arith.constant 0.000000e+00 : f32
        %parallel_loop3A_689 = vector.broadcast %parallel_loop3A_688 : f32 to vector<16xf32>
        %parallel_loop3A_690 = arith.maximumf %parallel_loop3A_687, %parallel_loop3A_689 : vector<16xf32>
        %parallel_loop3A_691 = arith.addf %parallel_loop3A_690, %get3A_76 : vector<16xf32>
        %parallel_loop3A_692 = arith.index_cast %parallel_loop3A_660 : i32 to index
        %parallel_loop3A_693 = arith.constant 16 : index
        %parallel_loop3A_694 = tpu.vector_load %arg16[%parallel_loop3A_692, %parallel_loop3A_693] {strides = array<i32>} : memref<40x128xf32, #tpu.memory_space<vmem>>, vector<1x16xf32>,
        %parallel_loop3A_695 = vector.shape_cast %parallel_loop3A_694 : vector<1x16xf32> to vector<16xf32>
        %parallel_loop3A_696 = vector.shape_cast %parallel_loop3A_691 : vector<16xf32> to vector<1x16xf32>
        tpu.vector_store %arg16[%parallel_loop3A_692, %parallel_loop3A_693], %parallel_loop3A_696 {strides = array<i32>} : memref<40x128xf32, #tpu.memory_space<vmem>>, vector<1x16xf32>,
        %parallel_loop3A_697 = arith.index_cast %parallel_loop3A_660 : i32 to index
        %parallel_loop3A_698 = arith.constant 32 : index
        %parallel_loop3A_699 = tpu.vector_load %arg14[%parallel_loop3A_697, %parallel_loop3A_698] {strides = array<i32>} : memref<40x256xf32, #tpu.memory_space<vmem>>, vector<1x16xf32>,
        %parallel_loop3A_700 = vector.shape_cast %parallel_loop3A_699 : vector<1x16xf32> to vector<16xf32>
        %parallel_loop3A_701 = arith.index_cast %parallel_loop3A_660 : i32 to index
        %parallel_loop3A_702 = arith.constant 160 : index
        %parallel_loop3A_703 = tpu.vector_load %arg15[%parallel_loop3A_701, %parallel_loop3A_702] {strides = array<i32>} : memref<40x256xf32, #tpu.memory_space<vmem>>, vector<1x16xf32>,
        %parallel_loop3A_704 = vector.shape_cast %parallel_loop3A_703 : vector<1x16xf32> to vector<16xf32>
        %parallel_loop3A_705 = arith.addf %parallel_loop3A_700, %parallel_loop3A_704 : vector<16xf32>
        %parallel_loop3A_706 = arith.constant 0.000000e+00 : f32
        %parallel_loop3A_707 = vector.broadcast %parallel_loop3A_706 : f32 to vector<16xf32>
        %parallel_loop3A_708 = arith.maximumf %parallel_loop3A_705, %parallel_loop3A_707 : vector<16xf32>
        %parallel_loop3A_709 = arith.addf %parallel_loop3A_708, %get3A_81 : vector<16xf32>
        %parallel_loop3A_710 = arith.index_cast %parallel_loop3A_660 : i32 to index
        %parallel_loop3A_711 = arith.constant 32 : index
        %parallel_loop3A_712 = tpu.vector_load %arg16[%parallel_loop3A_710, %parallel_loop3A_711] {strides = array<i32>} : memref<40x128xf32, #tpu.memory_space<vmem>>, vector<1x16xf32>,
        %parallel_loop3A_713 = vector.shape_cast %parallel_loop3A_712 : vector<1x16xf32> to vector<16xf32>
        %parallel_loop3A_714 = vector.shape_cast %parallel_loop3A_709 : vector<16xf32> to vector<1x16xf32>
        tpu.vector_store %arg16[%parallel_loop3A_710, %parallel_loop3A_711], %parallel_loop3A_714 {strides = array<i32>} : memref<40x128xf32, #tpu.memory_space<vmem>>, vector<1x16xf32>,
        %parallel_loop3A_715 = arith.index_cast %parallel_loop3A_660 : i32 to index
        %parallel_loop3A_716 = arith.constant 48 : index
        %parallel_loop3A_717 = tpu.vector_load %arg14[%parallel_loop3A_715, %parallel_loop3A_716] {strides = array<i32>} : memref<40x256xf32, #tpu.memory_space<vmem>>, vector<1x16xf32>,
        %parallel_loop3A_718 = vector.shape_cast %parallel_loop3A_717 : vector<1x16xf32> to vector<16xf32>
        %parallel_loop3A_719 = arith.index_cast %parallel_loop3A_660 : i32 to index
        %parallel_loop3A_720 = arith.constant 176 : index
        %parallel_loop3A_721 = tpu.vector_load %arg15[%parallel_loop3A_719, %parallel_loop3A_720] {strides = array<i32>} : memref<40x256xf32, #tpu.memory_space<vmem>>, vector<1x16xf32>,
        %parallel_loop3A_722 = vector.shape_cast %parallel_loop3A_721 : vector<1x16xf32> to vector<16xf32>
        %parallel_loop3A_723 = arith.addf %parallel_loop3A_718, %parallel_loop3A_722 : vector<16xf32>
        %parallel_loop3A_724 = arith.constant 0.000000e+00 : f32
        %parallel_loop3A_725 = vector.broadcast %parallel_loop3A_724 : f32 to vector<16xf32>
        %parallel_loop3A_726 = arith.maximumf %parallel_loop3A_723, %parallel_loop3A_725 : vector<16xf32>
        %parallel_loop3A_727 = arith.addf %parallel_loop3A_726, %get3A_86 : vector<16xf32>
        %parallel_loop3A_728 = arith.index_cast %parallel_loop3A_660 : i32 to index
        %parallel_loop3A_729 = arith.constant 48 : index
        %parallel_loop3A_730 = tpu.vector_load %arg16[%parallel_loop3A_728, %parallel_loop3A_729] {strides = array<i32>} : memref<40x128xf32, #tpu.memory_space<vmem>>, vector<1x16xf32>,
        %parallel_loop3A_731 = vector.shape_cast %parallel_loop3A_730 : vector<1x16xf32> to vector<16xf32>
        %parallel_loop3A_732 = vector.shape_cast %parallel_loop3A_727 : vector<16xf32> to vector<1x16xf32>
        tpu.vector_store %arg16[%parallel_loop3A_728, %parallel_loop3A_729], %parallel_loop3A_732 {strides = array<i32>} : memref<40x128xf32, #tpu.memory_space<vmem>>, vector<1x16xf32>,
        %parallel_loop3A_733 = arith.index_cast %parallel_loop3A_660 : i32 to index
        %parallel_loop3A_734 = arith.constant 64 : index
        %parallel_loop3A_735 = tpu.vector_load %arg14[%parallel_loop3A_733, %parallel_loop3A_734] {strides = array<i32>} : memref<40x256xf32, #tpu.memory_space<vmem>>, vector<1x16xf32>,
        %parallel_loop3A_736 = vector.shape_cast %parallel_loop3A_735 : vector<1x16xf32> to vector<16xf32>
        %parallel_loop3A_737 = arith.index_cast %parallel_loop3A_660 : i32 to index
        %parallel_loop3A_738 = arith.constant 192 : index
        %parallel_loop3A_739 = tpu.vector_load %arg15[%parallel_loop3A_737, %parallel_loop3A_738] {strides = array<i32>} : memref<40x256xf32, #tpu.memory_space<vmem>>, vector<1x16xf32>,
        %parallel_loop3A_740 = vector.shape_cast %parallel_loop3A_739 : vector<1x16xf32> to vector<16xf32>
        %parallel_loop3A_741 = arith.addf %parallel_loop3A_736, %parallel_loop3A_740 : vector<16xf32>
        %parallel_loop3A_742 = arith.constant 0.000000e+00 : f32
        %parallel_loop3A_743 = vector.broadcast %parallel_loop3A_742 : f32 to vector<16xf32>
        %parallel_loop3A_744 = arith.maximumf %parallel_loop3A_741, %parallel_loop3A_743 : vector<16xf32>
        %parallel_loop3A_745 = arith.addf %parallel_loop3A_744, %get3A_91 : vector<16xf32>
        %parallel_loop3A_746 = arith.index_cast %parallel_loop3A_660 : i32 to index
        %parallel_loop3A_747 = arith.constant 64 : index
        %parallel_loop3A_748 = tpu.vector_load %arg16[%parallel_loop3A_746, %parallel_loop3A_747] {strides = array<i32>} : memref<40x128xf32, #tpu.memory_space<vmem>>, vector<1x16xf32>,
        %parallel_loop3A_749 = vector.shape_cast %parallel_loop3A_748 : vector<1x16xf32> to vector<16xf32>
        %parallel_loop3A_750 = vector.shape_cast %parallel_loop3A_745 : vector<16xf32> to vector<1x16xf32>
        tpu.vector_store %arg16[%parallel_loop3A_746, %parallel_loop3A_747], %parallel_loop3A_750 {strides = array<i32>} : memref<40x128xf32, #tpu.memory_space<vmem>>, vector<1x16xf32>,
        %parallel_loop3A_751 = arith.index_cast %parallel_loop3A_660 : i32 to index
        %parallel_loop3A_752 = arith.constant 80 : index
        %parallel_loop3A_753 = tpu.vector_load %arg14[%parallel_loop3A_751, %parallel_loop3A_752] {strides = array<i32>} : memref<40x256xf32, #tpu.memory_space<vmem>>, vector<1x16xf32>,
        %parallel_loop3A_754 = vector.shape_cast %parallel_loop3A_753 : vector<1x16xf32> to vector<16xf32>
        %parallel_loop3A_755 = arith.index_cast %parallel_loop3A_660 : i32 to index
        %parallel_loop3A_756 = arith.constant 208 : index
        %parallel_loop3A_757 = tpu.vector_load %arg15[%parallel_loop3A_755, %parallel_loop3A_756] {strides = array<i32>} : memref<40x256xf32, #tpu.memory_space<vmem>>, vector<1x16xf32>,
        %parallel_loop3A_758 = vector.shape_cast %parallel_loop3A_757 : vector<1x16xf32> to vector<16xf32>
        %parallel_loop3A_759 = arith.addf %parallel_loop3A_754, %parallel_loop3A_758 : vector<16xf32>
        %parallel_loop3A_760 = arith.constant 0.000000e+00 : f32
        %parallel_loop3A_761 = vector.broadcast %parallel_loop3A_760 : f32 to vector<16xf32>
        %parallel_loop3A_762 = arith.maximumf %parallel_loop3A_759, %parallel_loop3A_761 : vector<16xf32>
        %parallel_loop3A_763 = arith.addf %parallel_loop3A_762, %get3A_96 : vector<16xf32>
        %parallel_loop3A_764 = arith.index_cast %parallel_loop3A_660 : i32 to index
        %parallel_loop3A_765 = arith.constant 80 : index
        %parallel_loop3A_766 = tpu.vector_load %arg16[%parallel_loop3A_764, %parallel_loop3A_765] {strides = array<i32>} : memref<40x128xf32, #tpu.memory_space<vmem>>, vector<1x16xf32>,
        %parallel_loop3A_767 = vector.shape_cast %parallel_loop3A_766 : vector<1x16xf32> to vector<16xf32>
        %parallel_loop3A_768 = vector.shape_cast %parallel_loop3A_763 : vector<16xf32> to vector<1x16xf32>
        tpu.vector_store %arg16[%parallel_loop3A_764, %parallel_loop3A_765], %parallel_loop3A_768 {strides = array<i32>} : memref<40x128xf32, #tpu.memory_space<vmem>>, vector<1x16xf32>,
        %parallel_loop3A_769 = arith.index_cast %parallel_loop3A_660 : i32 to index
        %parallel_loop3A_770 = arith.constant 96 : index
        %parallel_loop3A_771 = tpu.vector_load %arg14[%parallel_loop3A_769, %parallel_loop3A_770] {strides = array<i32>} : memref<40x256xf32, #tpu.memory_space<vmem>>, vector<1x16xf32>,
        %parallel_loop3A_772 = vector.shape_cast %parallel_loop3A_771 : vector<1x16xf32> to vector<16xf32>
        %parallel_loop3A_773 = arith.index_cast %parallel_loop3A_660 : i32 to index
        %parallel_loop3A_774 = arith.constant 224 : index
        %parallel_loop3A_775 = tpu.vector_load %arg15[%parallel_loop3A_773, %parallel_loop3A_774] {strides = array<i32>} : memref<40x256xf32, #tpu.memory_space<vmem>>, vector<1x16xf32>,
        %parallel_loop3A_776 = vector.shape_cast %parallel_loop3A_775 : vector<1x16xf32> to vector<16xf32>
        %parallel_loop3A_777 = arith.addf %parallel_loop3A_772, %parallel_loop3A_776 : vector<16xf32>
        %parallel_loop3A_778 = arith.constant 0.000000e+00 : f32
        %parallel_loop3A_779 = vector.broadcast %parallel_loop3A_778 : f32 to vector<16xf32>
        %parallel_loop3A_780 = arith.maximumf %parallel_loop3A_777, %parallel_loop3A_779 : vector<16xf32>
        %parallel_loop3A_781 = arith.addf %parallel_loop3A_780, %get3A_101 : vector<16xf32>
        %parallel_loop3A_782 = arith.index_cast %parallel_loop3A_660 : i32 to index
        %parallel_loop3A_783 = arith.constant 96 : index
        %parallel_loop3A_784 = tpu.vector_load %arg16[%parallel_loop3A_782, %parallel_loop3A_783] {strides = array<i32>} : memref<40x128xf32, #tpu.memory_space<vmem>>, vector<1x16xf32>,
        %parallel_loop3A_785 = vector.shape_cast %parallel_loop3A_784 : vector<1x16xf32> to vector<16xf32>
        %parallel_loop3A_786 = vector.shape_cast %parallel_loop3A_781 : vector<16xf32> to vector<1x16xf32>
        tpu.vector_store %arg16[%parallel_loop3A_782, %parallel_loop3A_783], %parallel_loop3A_786 {strides = array<i32>} : memref<40x128xf32, #tpu.memory_space<vmem>>, vector<1x16xf32>,
        %parallel_loop3A_787 = arith.index_cast %parallel_loop3A_660 : i32 to index
        %parallel_loop3A_788 = arith.constant 112 : index
        %parallel_loop3A_789 = tpu.vector_load %arg14[%parallel_loop3A_787, %parallel_loop3A_788] {strides = array<i32>} : memref<40x256xf32, #tpu.memory_space<vmem>>, vector<1x16xf32>,
        %parallel_loop3A_790 = vector.shape_cast %parallel_loop3A_789 : vector<1x16xf32> to vector<16xf32>
        %parallel_loop3A_791 = arith.index_cast %parallel_loop3A_660 : i32 to index
        %parallel_loop3A_792 = arith.constant 240 : index
        %parallel_loop3A_793 = tpu.vector_load %arg15[%parallel_loop3A_791, %parallel_loop3A_792] {strides = array<i32>} : memref<40x256xf32, #tpu.memory_space<vmem>>, vector<1x16xf32>,
        %parallel_loop3A_794 = vector.shape_cast %parallel_loop3A_793 : vector<1x16xf32> to vector<16xf32>
        %parallel_loop3A_795 = arith.addf %parallel_loop3A_790, %parallel_loop3A_794 : vector<16xf32>
        %parallel_loop3A_796 = arith.constant 0.000000e+00 : f32
        %parallel_loop3A_797 = vector.broadcast %parallel_loop3A_796 : f32 to vector<16xf32>
        %parallel_loop3A_798 = arith.maximumf %parallel_loop3A_795, %parallel_loop3A_797 : vector<16xf32>
        %parallel_loop3A_799 = arith.addf %parallel_loop3A_798, %get3A_106 : vector<16xf32>
        %parallel_loop3A_800 = arith.index_cast %parallel_loop3A_660 : i32 to index
        %parallel_loop3A_801 = arith.constant 112 : index
        %parallel_loop3A_802 = tpu.vector_load %arg16[%parallel_loop3A_800, %parallel_loop3A_801] {strides = array<i32>} : memref<40x128xf32, #tpu.memory_space<vmem>>, vector<1x16xf32>,
        %parallel_loop3A_803 = vector.shape_cast %parallel_loop3A_802 : vector<1x16xf32> to vector<16xf32>
        %parallel_loop3A_804 = vector.shape_cast %parallel_loop3A_799 : vector<16xf32> to vector<1x16xf32>
        tpu.vector_store %arg16[%parallel_loop3A_800, %parallel_loop3A_801], %parallel_loop3A_804 {strides = array<i32>} : memref<40x128xf32, #tpu.memory_space<vmem>>, vector<1x16xf32>,
      } {sc.loop_unroll_factor = 4 : i64, sc.parallel_access}
      %dma_start3A_456 = arith.constant 0 : i32
      %dma_start3A_457 = arith.constant 0 : i32
      %dma_start3A_458 = arith.constant 0 : i32
      %dma_start3A_459 = tpu.memref_slice %arg16[%dma_start3A_457, %dma_start3A_458] : memref<40x128xf32, #tpu.memory_space<vmem>> -> memref<8x128xf32, #tpu.memory_space<vmem>>
      %dma_start3A_460 = arith.constant 0 : i32
      %dma_start3A_461 = tpu.memref_slice %arg10[%dma_start3A_456, %dma_start3A_460] : memref<1x40xi32, #tpu.memory_space<vmem>> -> memref<1x8xi32, #tpu.memory_space<vmem>>
      %dma_start3A_462 = tpu.memref_squeeze %dma_start3A_461 : memref<1x8xi32, #tpu.memory_space<vmem>> -> memref<8xi32, #tpu.memory_space<vmem>>
      %dma_start3A_463 = arith.constant 0 : i32
      %dma_start3A_464 = arith.constant 0 : i32
      %dma_start3A_465 = tpu.memref_slice %arg18[%dma_start3A_463, %dma_start3A_464] : memref<10000x128xf32, #tpu.memory_space<vmem_shared>> -> memref<10000x128xf32, #tpu.memory_space<vmem_shared>>
      tpu.enqueue_indirect_dma source(%dma_start3A_459 : memref<8x128xf32, #tpu.memory_space<vmem>>) target(%dma_start3A_465 : memref<10000x128xf32, #tpu.memory_space<vmem_shared>>) offsets(%dma_start3A_462 : memref<8xi32, #tpu.memory_space<vmem>>) semaphore(%arg23 : memref<!tpu.dma_semaphore, #tpu.memory_space<semaphore_mem>>) {add = true}
      %dma_start3A_466 = arith.constant 0 : i32
      %dma_start3A_467 = arith.constant 8 : i32
      %dma_start3A_468 = arith.constant 0 : i32
      %dma_start3A_469 = tpu.memref_slice %arg16[%dma_start3A_467, %dma_start3A_468] : memref<40x128xf32, #tpu.memory_space<vmem>> -> memref<8x128xf32, #tpu.memory_space<vmem>>
      %dma_start3A_470 = arith.constant 8 : i32
      %dma_start3A_471 = tpu.memref_slice %arg10[%dma_start3A_466, %dma_start3A_470] : memref<1x40xi32, #tpu.memory_space<vmem>> -> memref<1x8xi32, #tpu.memory_space<vmem>>
      %dma_start3A_472 = tpu.memref_squeeze %dma_start3A_471 : memref<1x8xi32, #tpu.memory_space<vmem>> -> memref<8xi32, #tpu.memory_space<vmem>>
      %dma_start3A_473 = arith.constant 0 : i32
      %dma_start3A_474 = arith.constant 0 : i32
      %dma_start3A_475 = tpu.memref_slice %arg18[%dma_start3A_473, %dma_start3A_474] : memref<10000x128xf32, #tpu.memory_space<vmem_shared>> -> memref<10000x128xf32, #tpu.memory_space<vmem_shared>>
      tpu.enqueue_indirect_dma source(%dma_start3A_469 : memref<8x128xf32, #tpu.memory_space<vmem>>) target(%dma_start3A_475 : memref<10000x128xf32, #tpu.memory_space<vmem_shared>>) offsets(%dma_start3A_472 : memref<8xi32, #tpu.memory_space<vmem>>) semaphore(%arg23 : memref<!tpu.dma_semaphore, #tpu.memory_space<semaphore_mem>>) {add = true}
      %dma_start3A_476 = arith.constant 0 : i32
      %dma_start3A_477 = arith.constant 16 : i32
      %dma_start3A_478 = arith.constant 0 : i32
      %dma_start3A_479 = tpu.memref_slice %arg16[%dma_start3A_477, %dma_start3A_478] : memref<40x128xf32, #tpu.memory_space<vmem>> -> memref<8x128xf32, #tpu.memory_space<vmem>>
      %dma_start3A_480 = arith.constant 16 : i32
      %dma_start3A_481 = tpu.memref_slice %arg10[%dma_start3A_476, %dma_start3A_480] : memref<1x40xi32, #tpu.memory_space<vmem>> -> memref<1x8xi32, #tpu.memory_space<vmem>>
      %dma_start3A_482 = tpu.memref_squeeze %dma_start3A_481 : memref<1x8xi32, #tpu.memory_space<vmem>> -> memref<8xi32, #tpu.memory_space<vmem>>
      %dma_start3A_483 = arith.constant 0 : i32
      %dma_start3A_484 = arith.constant 0 : i32
      %dma_start3A_485 = tpu.memref_slice %arg18[%dma_start3A_483, %dma_start3A_484] : memref<10000x128xf32, #tpu.memory_space<vmem_shared>> -> memref<10000x128xf32, #tpu.memory_space<vmem_shared>>
      tpu.enqueue_indirect_dma source(%dma_start3A_479 : memref<8x128xf32, #tpu.memory_space<vmem>>) target(%dma_start3A_485 : memref<10000x128xf32, #tpu.memory_space<vmem_shared>>) offsets(%dma_start3A_482 : memref<8xi32, #tpu.memory_space<vmem>>) semaphore(%arg23 : memref<!tpu.dma_semaphore, #tpu.memory_space<semaphore_mem>>) {add = true}
      %dma_start3A_486 = arith.constant 0 : i32
      %dma_start3A_487 = arith.constant 24 : i32
      %dma_start3A_488 = arith.constant 0 : i32
      %dma_start3A_489 = tpu.memref_slice %arg16[%dma_start3A_487, %dma_start3A_488] : memref<40x128xf32, #tpu.memory_space<vmem>> -> memref<8x128xf32, #tpu.memory_space<vmem>>
      %dma_start3A_490 = arith.constant 24 : i32
      %dma_start3A_491 = tpu.memref_slice %arg10[%dma_start3A_486, %dma_start3A_490] : memref<1x40xi32, #tpu.memory_space<vmem>> -> memref<1x8xi32, #tpu.memory_space<vmem>>
      %dma_start3A_492 = tpu.memref_squeeze %dma_start3A_491 : memref<1x8xi32, #tpu.memory_space<vmem>> -> memref<8xi32, #tpu.memory_space<vmem>>
      %dma_start3A_493 = arith.constant 0 : i32
      %dma_start3A_494 = arith.constant 0 : i32
      %dma_start3A_495 = tpu.memref_slice %arg18[%dma_start3A_493, %dma_start3A_494] : memref<10000x128xf32, #tpu.memory_space<vmem_shared>> -> memref<10000x128xf32, #tpu.memory_space<vmem_shared>>
      tpu.enqueue_indirect_dma source(%dma_start3A_489 : memref<8x128xf32, #tpu.memory_space<vmem>>) target(%dma_start3A_495 : memref<10000x128xf32, #tpu.memory_space<vmem_shared>>) offsets(%dma_start3A_492 : memref<8xi32, #tpu.memory_space<vmem>>) semaphore(%arg23 : memref<!tpu.dma_semaphore, #tpu.memory_space<semaphore_mem>>) {add = true}
      %dma_start3A_496 = arith.constant 0 : i32
      %dma_start3A_497 = arith.constant 32 : i32
      %dma_start3A_498 = arith.constant 0 : i32
      %dma_start3A_499 = tpu.memref_slice %arg16[%dma_start3A_497, %dma_start3A_498] : memref<40x128xf32, #tpu.memory_space<vmem>> -> memref<8x128xf32, #tpu.memory_space<vmem>>
      %dma_start3A_500 = arith.constant 32 : i32
      %dma_start3A_501 = tpu.memref_slice %arg10[%dma_start3A_496, %dma_start3A_500] : memref<1x40xi32, #tpu.memory_space<vmem>> -> memref<1x8xi32, #tpu.memory_space<vmem>>
      %dma_start3A_502 = tpu.memref_squeeze %dma_start3A_501 : memref<1x8xi32, #tpu.memory_space<vmem>> -> memref<8xi32, #tpu.memory_space<vmem>>
      %dma_start3A_503 = arith.constant 0 : i32
      %dma_start3A_504 = arith.constant 0 : i32
      %dma_start3A_505 = tpu.memref_slice %arg18[%dma_start3A_503, %dma_start3A_504] : memref<10000x128xf32, #tpu.memory_space<vmem_shared>> -> memref<10000x128xf32, #tpu.memory_space<vmem_shared>>
      tpu.enqueue_indirect_dma source(%dma_start3A_499 : memref<8x128xf32, #tpu.memory_space<vmem>>) target(%dma_start3A_505 : memref<10000x128xf32, #tpu.memory_space<vmem_shared>>) offsets(%dma_start3A_502 : memref<8xi32, #tpu.memory_space<vmem>>) semaphore(%arg23 : memref<!tpu.dma_semaphore, #tpu.memory_space<semaphore_mem>>) {add = true}
      %dma_wait3A_506 = arith.constant 0 : i32
      %dma_wait3A_507 = arith.constant 0 : i32
      %dma_wait3A_508 = arith.constant 0 : i32
      %dma_wait3A_509 = tpu.memref_slice %arg16[%dma_wait3A_507, %dma_wait3A_508] : memref<40x128xf32, #tpu.memory_space<vmem>> -> memref<8x128xf32, #tpu.memory_space<vmem>>
      %dma_wait3A_510 = arith.constant 0 : i32
      %dma_wait3A_511 = tpu.memref_slice %arg10[%dma_wait3A_506, %dma_wait3A_510] : memref<1x40xi32, #tpu.memory_space<vmem>> -> memref<1x8xi32, #tpu.memory_space<vmem>>
      %dma_wait3A_512 = tpu.memref_squeeze %dma_wait3A_511 : memref<1x8xi32, #tpu.memory_space<vmem>> -> memref<8xi32, #tpu.memory_space<vmem>>
      %dma_wait3A_513 = arith.constant 0 : i32
      %dma_wait3A_514 = arith.constant 0 : i32
      %dma_wait3A_515 = tpu.memref_slice %arg18[%dma_wait3A_513, %dma_wait3A_514] : memref<10000x128xf32, #tpu.memory_space<vmem_shared>> -> memref<10000x128xf32, #tpu.memory_space<vmem_shared>>
      tpu.wait_indirect_dma semaphore(%arg23 : memref<!tpu.dma_semaphore, #tpu.memory_space<semaphore_mem>>) src(%dma_wait3A_509 : memref<8x128xf32, #tpu.memory_space<vmem>>) dst(%dma_wait3A_515 : memref<10000x128xf32, #tpu.memory_space<vmem_shared>>)
      %dma_wait3A_516 = arith.constant 0 : i32
      %dma_wait3A_517 = arith.constant 8 : i32
      %dma_wait3A_518 = arith.constant 0 : i32
      %dma_wait3A_519 = tpu.memref_slice %arg16[%dma_wait3A_517, %dma_wait3A_518] : memref<40x128xf32, #tpu.memory_space<vmem>> -> memref<8x128xf32, #tpu.memory_space<vmem>>
      %dma_wait3A_520 = arith.constant 8 : i32
      %dma_wait3A_521 = tpu.memref_slice %arg10[%dma_wait3A_516, %dma_wait3A_520] : memref<1x40xi32, #tpu.memory_space<vmem>> -> memref<1x8xi32, #tpu.memory_space<vmem>>
      %dma_wait3A_522 = tpu.memref_squeeze %dma_wait3A_521 : memref<1x8xi32, #tpu.memory_space<vmem>> -> memref<8xi32, #tpu.memory_space<vmem>>
      %dma_wait3A_523 = arith.constant 0 : i32
      %dma_wait3A_524 = arith.constant 0 : i32
      %dma_wait3A_525 = tpu.memref_slice %arg18[%dma_wait3A_523, %dma_wait3A_524] : memref<10000x128xf32, #tpu.memory_space<vmem_shared>> -> memref<10000x128xf32, #tpu.memory_space<vmem_shared>>
      tpu.wait_indirect_dma semaphore(%arg23 : memref<!tpu.dma_semaphore, #tpu.memory_space<semaphore_mem>>) src(%dma_wait3A_519 : memref<8x128xf32, #tpu.memory_space<vmem>>) dst(%dma_wait3A_525 : memref<10000x128xf32, #tpu.memory_space<vmem_shared>>)
      %dma_wait3A_526 = arith.constant 0 : i32
      %dma_wait3A_527 = arith.constant 16 : i32
      %dma_wait3A_528 = arith.constant 0 : i32
      %dma_wait3A_529 = tpu.memref_slice %arg16[%dma_wait3A_527, %dma_wait3A_528] : memref<40x128xf32, #tpu.memory_space<vmem>> -> memref<8x128xf32, #tpu.memory_space<vmem>>
      %dma_wait3A_530 = arith.constant 16 : i32
      %dma_wait3A_531 = tpu.memref_slice %arg10[%dma_wait3A_526, %dma_wait3A_530] : memref<1x40xi32, #tpu.memory_space<vmem>> -> memref<1x8xi32, #tpu.memory_space<vmem>>
      %dma_wait3A_532 = tpu.memref_squeeze %dma_wait3A_531 : memref<1x8xi32, #tpu.memory_space<vmem>> -> memref<8xi32, #tpu.memory_space<vmem>>
      %dma_wait3A_533 = arith.constant 0 : i32
      %dma_wait3A_534 = arith.constant 0 : i32
      %dma_wait3A_535 = tpu.memref_slice %arg18[%dma_wait3A_533, %dma_wait3A_534] : memref<10000x128xf32, #tpu.memory_space<vmem_shared>> -> memref<10000x128xf32, #tpu.memory_space<vmem_shared>>
      tpu.wait_indirect_dma semaphore(%arg23 : memref<!tpu.dma_semaphore, #tpu.memory_space<semaphore_mem>>) src(%dma_wait3A_529 : memref<8x128xf32, #tpu.memory_space<vmem>>) dst(%dma_wait3A_535 : memref<10000x128xf32, #tpu.memory_space<vmem_shared>>)
      %dma_wait3A_536 = arith.constant 0 : i32
      %dma_wait3A_537 = arith.constant 24 : i32
      %dma_wait3A_538 = arith.constant 0 : i32
      %dma_wait3A_539 = tpu.memref_slice %arg16[%dma_wait3A_537, %dma_wait3A_538] : memref<40x128xf32, #tpu.memory_space<vmem>> -> memref<8x128xf32, #tpu.memory_space<vmem>>
      %dma_wait3A_540 = arith.constant 24 : i32
      %dma_wait3A_541 = tpu.memref_slice %arg10[%dma_wait3A_536, %dma_wait3A_540] : memref<1x40xi32, #tpu.memory_space<vmem>> -> memref<1x8xi32, #tpu.memory_space<vmem>>
      %dma_wait3A_542 = tpu.memref_squeeze %dma_wait3A_541 : memref<1x8xi32, #tpu.memory_space<vmem>> -> memref<8xi32, #tpu.memory_space<vmem>>
      %dma_wait3A_543 = arith.constant 0 : i32
      %dma_wait3A_544 = arith.constant 0 : i32
      %dma_wait3A_545 = tpu.memref_slice %arg18[%dma_wait3A_543, %dma_wait3A_544] : memref<10000x128xf32, #tpu.memory_space<vmem_shared>> -> memref<10000x128xf32, #tpu.memory_space<vmem_shared>>
      tpu.wait_indirect_dma semaphore(%arg23 : memref<!tpu.dma_semaphore, #tpu.memory_space<semaphore_mem>>) src(%dma_wait3A_539 : memref<8x128xf32, #tpu.memory_space<vmem>>) dst(%dma_wait3A_545 : memref<10000x128xf32, #tpu.memory_space<vmem_shared>>)
      %dma_wait3A_546 = arith.constant 0 : i32
      %dma_wait3A_547 = arith.constant 32 : i32
      %dma_wait3A_548 = arith.constant 0 : i32
      %dma_wait3A_549 = tpu.memref_slice %arg16[%dma_wait3A_547, %dma_wait3A_548] : memref<40x128xf32, #tpu.memory_space<vmem>> -> memref<8x128xf32, #tpu.memory_space<vmem>>
      %dma_wait3A_550 = arith.constant 32 : i32
      %dma_wait3A_551 = tpu.memref_slice %arg10[%dma_wait3A_546, %dma_wait3A_550] : memref<1x40xi32, #tpu.memory_space<vmem>> -> memref<1x8xi32, #tpu.memory_space<vmem>>
      %dma_wait3A_552 = tpu.memref_squeeze %dma_wait3A_551 : memref<1x8xi32, #tpu.memory_space<vmem>> -> memref<8xi32, #tpu.memory_space<vmem>>
      %dma_wait3A_553 = arith.constant 0 : i32
      %dma_wait3A_554 = arith.constant 0 : i32
      %dma_wait3A_555 = tpu.memref_slice %arg18[%dma_wait3A_553, %dma_wait3A_554] : memref<10000x128xf32, #tpu.memory_space<vmem_shared>> -> memref<10000x128xf32, #tpu.memory_space<vmem_shared>>
      tpu.wait_indirect_dma semaphore(%arg23 : memref<!tpu.dma_semaphore, #tpu.memory_space<semaphore_mem>>) src(%dma_wait3A_549 : memref<8x128xf32, #tpu.memory_space<vmem>>) dst(%dma_wait3A_555 : memref<10000x128xf32, #tpu.memory_space<vmem_shared>>)
      %parallel_loop3A_556 = arith.constant 0 : i32
      %parallel_loop3A_557 = arith.constant 40 : i32
      %parallel_loop3A_558 = arith.constant 1 : i32
      scf.for %parallel_loop3A_660 = %parallel_loop3A_556 to %parallel_loop3A_557 step %parallel_loop3A_558  : i32 {
        %parallel_loop3A_661 = arith.index_cast %parallel_loop3A_660 : i32 to index
        %parallel_loop3A_662 = arith.constant 0 : index
        %parallel_loop3A_663 = tpu.vector_load %arg15[%parallel_loop3A_661, %parallel_loop3A_662] {strides = array<i32>} : memref<40x256xf32, #tpu.memory_space<vmem>>, vector<1x16xf32>,
        %parallel_loop3A_664 = vector.shape_cast %parallel_loop3A_663 : vector<1x16xf32> to vector<16xf32>
        %parallel_loop3A_665 = arith.index_cast %parallel_loop3A_660 : i32 to index
        %parallel_loop3A_666 = arith.constant 128 : index
        %parallel_loop3A_667 = tpu.vector_load %arg14[%parallel_loop3A_665, %parallel_loop3A_666] {strides = array<i32>} : memref<40x256xf32, #tpu.memory_space<vmem>>, vector<1x16xf32>,
        %parallel_loop3A_668 = vector.shape_cast %parallel_loop3A_667 : vector<1x16xf32> to vector<16xf32>
        %parallel_loop3A_669 = arith.addf %parallel_loop3A_664, %parallel_loop3A_668 : vector<16xf32>
        %parallel_loop3A_670 = arith.constant 0.000000e+00 : f32
        %parallel_loop3A_671 = vector.broadcast %parallel_loop3A_670 : f32 to vector<16xf32>
        %parallel_loop3A_672 = arith.maximumf %parallel_loop3A_669, %parallel_loop3A_671 : vector<16xf32>
        %parallel_loop3A_673 = arith.addf %parallel_loop3A_672, %get3A_71 : vector<16xf32>
        %parallel_loop3A_674 = arith.index_cast %parallel_loop3A_660 : i32 to index
        %parallel_loop3A_675 = arith.constant 0 : index
        %parallel_loop3A_676 = tpu.vector_load %arg16[%parallel_loop3A_674, %parallel_loop3A_675] {strides = array<i32>} : memref<40x128xf32, #tpu.memory_space<vmem>>, vector<1x16xf32>,
        %parallel_loop3A_677 = vector.shape_cast %parallel_loop3A_676 : vector<1x16xf32> to vector<16xf32>
        %parallel_loop3A_678 = vector.shape_cast %parallel_loop3A_673 : vector<16xf32> to vector<1x16xf32>
        tpu.vector_store %arg16[%parallel_loop3A_674, %parallel_loop3A_675], %parallel_loop3A_678 {strides = array<i32>} : memref<40x128xf32, #tpu.memory_space<vmem>>, vector<1x16xf32>,
        %parallel_loop3A_679 = arith.index_cast %parallel_loop3A_660 : i32 to index
        %parallel_loop3A_680 = arith.constant 16 : index
        %parallel_loop3A_681 = tpu.vector_load %arg15[%parallel_loop3A_679, %parallel_loop3A_680] {strides = array<i32>} : memref<40x256xf32, #tpu.memory_space<vmem>>, vector<1x16xf32>,
        %parallel_loop3A_682 = vector.shape_cast %parallel_loop3A_681 : vector<1x16xf32> to vector<16xf32>
        %parallel_loop3A_683 = arith.index_cast %parallel_loop3A_660 : i32 to index
        %parallel_loop3A_684 = arith.constant 144 : index
        %parallel_loop3A_685 = tpu.vector_load %arg14[%parallel_loop3A_683, %parallel_loop3A_684] {strides = array<i32>} : memref<40x256xf32, #tpu.memory_space<vmem>>, vector<1x16xf32>,
        %parallel_loop3A_686 = vector.shape_cast %parallel_loop3A_685 : vector<1x16xf32> to vector<16xf32>
        %parallel_loop3A_687 = arith.addf %parallel_loop3A_682, %parallel_loop3A_686 : vector<16xf32>
        %parallel_loop3A_688 = arith.constant 0.000000e+00 : f32
        %parallel_loop3A_689 = vector.broadcast %parallel_loop3A_688 : f32 to vector<16xf32>
        %parallel_loop3A_690 = arith.maximumf %parallel_loop3A_687, %parallel_loop3A_689 : vector<16xf32>
        %parallel_loop3A_691 = arith.addf %parallel_loop3A_690, %get3A_76 : vector<16xf32>
        %parallel_loop3A_692 = arith.index_cast %parallel_loop3A_660 : i32 to index
        %parallel_loop3A_693 = arith.constant 16 : index
        %parallel_loop3A_694 = tpu.vector_load %arg16[%parallel_loop3A_692, %parallel_loop3A_693] {strides = array<i32>} : memref<40x128xf32, #tpu.memory_space<vmem>>, vector<1x16xf32>,
        %parallel_loop3A_695 = vector.shape_cast %parallel_loop3A_694 : vector<1x16xf32> to vector<16xf32>
        %parallel_loop3A_696 = vector.shape_cast %parallel_loop3A_691 : vector<16xf32> to vector<1x16xf32>
        tpu.vector_store %arg16[%parallel_loop3A_692, %parallel_loop3A_693], %parallel_loop3A_696 {strides = array<i32>} : memref<40x128xf32, #tpu.memory_space<vmem>>, vector<1x16xf32>,
        %parallel_loop3A_697 = arith.index_cast %parallel_loop3A_660 : i32 to index
        %parallel_loop3A_698 = arith.constant 32 : index
        %parallel_loop3A_699 = tpu.vector_load %arg15[%parallel_loop3A_697, %parallel_loop3A_698] {strides = array<i32>} : memref<40x256xf32, #tpu.memory_space<vmem>>, vector<1x16xf32>,
        %parallel_loop3A_700 = vector.shape_cast %parallel_loop3A_699 : vector<1x16xf32> to vector<16xf32>
        %parallel_loop3A_701 = arith.index_cast %parallel_loop3A_660 : i32 to index
        %parallel_loop3A_702 = arith.constant 160 : index
        %parallel_loop3A_703 = tpu.vector_load %arg14[%parallel_loop3A_701, %parallel_loop3A_702] {strides = array<i32>} : memref<40x256xf32, #tpu.memory_space<vmem>>, vector<1x16xf32>,
        %parallel_loop3A_704 = vector.shape_cast %parallel_loop3A_703 : vector<1x16xf32> to vector<16xf32>
        %parallel_loop3A_705 = arith.addf %parallel_loop3A_700, %parallel_loop3A_704 : vector<16xf32>
        %parallel_loop3A_706 = arith.constant 0.000000e+00 : f32
        %parallel_loop3A_707 = vector.broadcast %parallel_loop3A_706 : f32 to vector<16xf32>
        %parallel_loop3A_708 = arith.maximumf %parallel_loop3A_705, %parallel_loop3A_707 : vector<16xf32>
        %parallel_loop3A_709 = arith.addf %parallel_loop3A_708, %get3A_81 : vector<16xf32>
        %parallel_loop3A_710 = arith.index_cast %parallel_loop3A_660 : i32 to index
        %parallel_loop3A_711 = arith.constant 32 : index
        %parallel_loop3A_712 = tpu.vector_load %arg16[%parallel_loop3A_710, %parallel_loop3A_711] {strides = array<i32>} : memref<40x128xf32, #tpu.memory_space<vmem>>, vector<1x16xf32>,
        %parallel_loop3A_713 = vector.shape_cast %parallel_loop3A_712 : vector<1x16xf32> to vector<16xf32>
        %parallel_loop3A_714 = vector.shape_cast %parallel_loop3A_709 : vector<16xf32> to vector<1x16xf32>
        tpu.vector_store %arg16[%parallel_loop3A_710, %parallel_loop3A_711], %parallel_loop3A_714 {strides = array<i32>} : memref<40x128xf32, #tpu.memory_space<vmem>>, vector<1x16xf32>,
        %parallel_loop3A_715 = arith.index_cast %parallel_loop3A_660 : i32 to index
        %parallel_loop3A_716 = arith.constant 48 : index
        %parallel_loop3A_717 = tpu.vector_load %arg15[%parallel_loop3A_715, %parallel_loop3A_716] {strides = array<i32>} : memref<40x256xf32, #tpu.memory_space<vmem>>, vector<1x16xf32>,
        %parallel_loop3A_718 = vector.shape_cast %parallel_loop3A_717 : vector<1x16xf32> to vector<16xf32>
        %parallel_loop3A_719 = arith.index_cast %parallel_loop3A_660 : i32 to index
        %parallel_loop3A_720 = arith.constant 176 : index
        %parallel_loop3A_721 = tpu.vector_load %arg14[%parallel_loop3A_719, %parallel_loop3A_720] {strides = array<i32>} : memref<40x256xf32, #tpu.memory_space<vmem>>, vector<1x16xf32>,
        %parallel_loop3A_722 = vector.shape_cast %parallel_loop3A_721 : vector<1x16xf32> to vector<16xf32>
        %parallel_loop3A_723 = arith.addf %parallel_loop3A_718, %parallel_loop3A_722 : vector<16xf32>
        %parallel_loop3A_724 = arith.constant 0.000000e+00 : f32
        %parallel_loop3A_725 = vector.broadcast %parallel_loop3A_724 : f32 to vector<16xf32>
        %parallel_loop3A_726 = arith.maximumf %parallel_loop3A_723, %parallel_loop3A_725 : vector<16xf32>
        %parallel_loop3A_727 = arith.addf %parallel_loop3A_726, %get3A_86 : vector<16xf32>
        %parallel_loop3A_728 = arith.index_cast %parallel_loop3A_660 : i32 to index
        %parallel_loop3A_729 = arith.constant 48 : index
        %parallel_loop3A_730 = tpu.vector_load %arg16[%parallel_loop3A_728, %parallel_loop3A_729] {strides = array<i32>} : memref<40x128xf32, #tpu.memory_space<vmem>>, vector<1x16xf32>,
        %parallel_loop3A_731 = vector.shape_cast %parallel_loop3A_730 : vector<1x16xf32> to vector<16xf32>
        %parallel_loop3A_732 = vector.shape_cast %parallel_loop3A_727 : vector<16xf32> to vector<1x16xf32>
        tpu.vector_store %arg16[%parallel_loop3A_728, %parallel_loop3A_729], %parallel_loop3A_732 {strides = array<i32>} : memref<40x128xf32, #tpu.memory_space<vmem>>, vector<1x16xf32>,
        %parallel_loop3A_733 = arith.index_cast %parallel_loop3A_660 : i32 to index
        %parallel_loop3A_734 = arith.constant 64 : index
        %parallel_loop3A_735 = tpu.vector_load %arg15[%parallel_loop3A_733, %parallel_loop3A_734] {strides = array<i32>} : memref<40x256xf32, #tpu.memory_space<vmem>>, vector<1x16xf32>,
        %parallel_loop3A_736 = vector.shape_cast %parallel_loop3A_735 : vector<1x16xf32> to vector<16xf32>
        %parallel_loop3A_737 = arith.index_cast %parallel_loop3A_660 : i32 to index
        %parallel_loop3A_738 = arith.constant 192 : index
        %parallel_loop3A_739 = tpu.vector_load %arg14[%parallel_loop3A_737, %parallel_loop3A_738] {strides = array<i32>} : memref<40x256xf32, #tpu.memory_space<vmem>>, vector<1x16xf32>,
        %parallel_loop3A_740 = vector.shape_cast %parallel_loop3A_739 : vector<1x16xf32> to vector<16xf32>
        %parallel_loop3A_741 = arith.addf %parallel_loop3A_736, %parallel_loop3A_740 : vector<16xf32>
        %parallel_loop3A_742 = arith.constant 0.000000e+00 : f32
        %parallel_loop3A_743 = vector.broadcast %parallel_loop3A_742 : f32 to vector<16xf32>
        %parallel_loop3A_744 = arith.maximumf %parallel_loop3A_741, %parallel_loop3A_743 : vector<16xf32>
        %parallel_loop3A_745 = arith.addf %parallel_loop3A_744, %get3A_91 : vector<16xf32>
        %parallel_loop3A_746 = arith.index_cast %parallel_loop3A_660 : i32 to index
        %parallel_loop3A_747 = arith.constant 64 : index
        %parallel_loop3A_748 = tpu.vector_load %arg16[%parallel_loop3A_746, %parallel_loop3A_747] {strides = array<i32>} : memref<40x128xf32, #tpu.memory_space<vmem>>, vector<1x16xf32>,
        %parallel_loop3A_749 = vector.shape_cast %parallel_loop3A_748 : vector<1x16xf32> to vector<16xf32>
        %parallel_loop3A_750 = vector.shape_cast %parallel_loop3A_745 : vector<16xf32> to vector<1x16xf32>
        tpu.vector_store %arg16[%parallel_loop3A_746, %parallel_loop3A_747], %parallel_loop3A_750 {strides = array<i32>} : memref<40x128xf32, #tpu.memory_space<vmem>>, vector<1x16xf32>,
        %parallel_loop3A_751 = arith.index_cast %parallel_loop3A_660 : i32 to index
        %parallel_loop3A_752 = arith.constant 80 : index
        %parallel_loop3A_753 = tpu.vector_load %arg15[%parallel_loop3A_751, %parallel_loop3A_752] {strides = array<i32>} : memref<40x256xf32, #tpu.memory_space<vmem>>, vector<1x16xf32>,
        %parallel_loop3A_754 = vector.shape_cast %parallel_loop3A_753 : vector<1x16xf32> to vector<16xf32>
        %parallel_loop3A_755 = arith.index_cast %parallel_loop3A_660 : i32 to index
        %parallel_loop3A_756 = arith.constant 208 : index
        %parallel_loop3A_757 = tpu.vector_load %arg14[%parallel_loop3A_755, %parallel_loop3A_756] {strides = array<i32>} : memref<40x256xf32, #tpu.memory_space<vmem>>, vector<1x16xf32>,
        %parallel_loop3A_758 = vector.shape_cast %parallel_loop3A_757 : vector<1x16xf32> to vector<16xf32>
        %parallel_loop3A_759 = arith.addf %parallel_loop3A_754, %parallel_loop3A_758 : vector<16xf32>
        %parallel_loop3A_760 = arith.constant 0.000000e+00 : f32
        %parallel_loop3A_761 = vector.broadcast %parallel_loop3A_760 : f32 to vector<16xf32>
        %parallel_loop3A_762 = arith.maximumf %parallel_loop3A_759, %parallel_loop3A_761 : vector<16xf32>
        %parallel_loop3A_763 = arith.addf %parallel_loop3A_762, %get3A_96 : vector<16xf32>
        %parallel_loop3A_764 = arith.index_cast %parallel_loop3A_660 : i32 to index
        %parallel_loop3A_765 = arith.constant 80 : index
        %parallel_loop3A_766 = tpu.vector_load %arg16[%parallel_loop3A_764, %parallel_loop3A_765] {strides = array<i32>} : memref<40x128xf32, #tpu.memory_space<vmem>>, vector<1x16xf32>,
        %parallel_loop3A_767 = vector.shape_cast %parallel_loop3A_766 : vector<1x16xf32> to vector<16xf32>
        %parallel_loop3A_768 = vector.shape_cast %parallel_loop3A_763 : vector<16xf32> to vector<1x16xf32>
        tpu.vector_store %arg16[%parallel_loop3A_764, %parallel_loop3A_765], %parallel_loop3A_768 {strides = array<i32>} : memref<40x128xf32, #tpu.memory_space<vmem>>, vector<1x16xf32>,
        %parallel_loop3A_769 = arith.index_cast %parallel_loop3A_660 : i32 to index
        %parallel_loop3A_770 = arith.constant 96 : index
        %parallel_loop3A_771 = tpu.vector_load %arg15[%parallel_loop3A_769, %parallel_loop3A_770] {strides = array<i32>} : memref<40x256xf32, #tpu.memory_space<vmem>>, vector<1x16xf32>,
        %parallel_loop3A_772 = vector.shape_cast %parallel_loop3A_771 : vector<1x16xf32> to vector<16xf32>
        %parallel_loop3A_773 = arith.index_cast %parallel_loop3A_660 : i32 to index
        %parallel_loop3A_774 = arith.constant 224 : index
        %parallel_loop3A_775 = tpu.vector_load %arg14[%parallel_loop3A_773, %parallel_loop3A_774] {strides = array<i32>} : memref<40x256xf32, #tpu.memory_space<vmem>>, vector<1x16xf32>,
        %parallel_loop3A_776 = vector.shape_cast %parallel_loop3A_775 : vector<1x16xf32> to vector<16xf32>
        %parallel_loop3A_777 = arith.addf %parallel_loop3A_772, %parallel_loop3A_776 : vector<16xf32>
        %parallel_loop3A_778 = arith.constant 0.000000e+00 : f32
        %parallel_loop3A_779 = vector.broadcast %parallel_loop3A_778 : f32 to vector<16xf32>
        %parallel_loop3A_780 = arith.maximumf %parallel_loop3A_777, %parallel_loop3A_779 : vector<16xf32>
        %parallel_loop3A_781 = arith.addf %parallel_loop3A_780, %get3A_101 : vector<16xf32>
        %parallel_loop3A_782 = arith.index_cast %parallel_loop3A_660 : i32 to index
        %parallel_loop3A_783 = arith.constant 96 : index
        %parallel_loop3A_784 = tpu.vector_load %arg16[%parallel_loop3A_782, %parallel_loop3A_783] {strides = array<i32>} : memref<40x128xf32, #tpu.memory_space<vmem>>, vector<1x16xf32>,
        %parallel_loop3A_785 = vector.shape_cast %parallel_loop3A_784 : vector<1x16xf32> to vector<16xf32>
        %parallel_loop3A_786 = vector.shape_cast %parallel_loop3A_781 : vector<16xf32> to vector<1x16xf32>
        tpu.vector_store %arg16[%parallel_loop3A_782, %parallel_loop3A_783], %parallel_loop3A_786 {strides = array<i32>} : memref<40x128xf32, #tpu.memory_space<vmem>>, vector<1x16xf32>,
        %parallel_loop3A_787 = arith.index_cast %parallel_loop3A_660 : i32 to index
        %parallel_loop3A_788 = arith.constant 112 : index
        %parallel_loop3A_789 = tpu.vector_load %arg15[%parallel_loop3A_787, %parallel_loop3A_788] {strides = array<i32>} : memref<40x256xf32, #tpu.memory_space<vmem>>, vector<1x16xf32>,
        %parallel_loop3A_790 = vector.shape_cast %parallel_loop3A_789 : vector<1x16xf32> to vector<16xf32>
        %parallel_loop3A_791 = arith.index_cast %parallel_loop3A_660 : i32 to index
        %parallel_loop3A_792 = arith.constant 240 : index
        %parallel_loop3A_793 = tpu.vector_load %arg14[%parallel_loop3A_791, %parallel_loop3A_792] {strides = array<i32>} : memref<40x256xf32, #tpu.memory_space<vmem>>, vector<1x16xf32>,
        %parallel_loop3A_794 = vector.shape_cast %parallel_loop3A_793 : vector<1x16xf32> to vector<16xf32>
        %parallel_loop3A_795 = arith.addf %parallel_loop3A_790, %parallel_loop3A_794 : vector<16xf32>
        %parallel_loop3A_796 = arith.constant 0.000000e+00 : f32
        %parallel_loop3A_797 = vector.broadcast %parallel_loop3A_796 : f32 to vector<16xf32>
        %parallel_loop3A_798 = arith.maximumf %parallel_loop3A_795, %parallel_loop3A_797 : vector<16xf32>
        %parallel_loop3A_799 = arith.addf %parallel_loop3A_798, %get3A_106 : vector<16xf32>
        %parallel_loop3A_800 = arith.index_cast %parallel_loop3A_660 : i32 to index
        %parallel_loop3A_801 = arith.constant 112 : index
        %parallel_loop3A_802 = tpu.vector_load %arg16[%parallel_loop3A_800, %parallel_loop3A_801] {strides = array<i32>} : memref<40x128xf32, #tpu.memory_space<vmem>>, vector<1x16xf32>,
        %parallel_loop3A_803 = vector.shape_cast %parallel_loop3A_802 : vector<1x16xf32> to vector<16xf32>
        %parallel_loop3A_804 = vector.shape_cast %parallel_loop3A_799 : vector<16xf32> to vector<1x16xf32>
        tpu.vector_store %arg16[%parallel_loop3A_800, %parallel_loop3A_801], %parallel_loop3A_804 {strides = array<i32>} : memref<40x128xf32, #tpu.memory_space<vmem>>, vector<1x16xf32>,
      } {sc.loop_unroll_factor = 4 : i64, sc.parallel_access}
      %dma_start3A_559 = arith.constant 0 : i32
      %dma_start3A_560 = arith.constant 0 : i32
      %dma_start3A_561 = arith.constant 0 : i32
      %dma_start3A_562 = tpu.memref_slice %arg16[%dma_start3A_560, %dma_start3A_561] : memref<40x128xf32, #tpu.memory_space<vmem>> -> memref<8x128xf32, #tpu.memory_space<vmem>>
      %dma_start3A_563 = arith.constant 0 : i32
      %dma_start3A_564 = tpu.memref_slice %arg11[%dma_start3A_559, %dma_start3A_563] : memref<1x40xi32, #tpu.memory_space<vmem>> -> memref<1x8xi32, #tpu.memory_space<vmem>>
      %dma_start3A_565 = tpu.memref_squeeze %dma_start3A_564 : memref<1x8xi32, #tpu.memory_space<vmem>> -> memref<8xi32, #tpu.memory_space<vmem>>
      %dma_start3A_566 = arith.constant 0 : i32
      %dma_start3A_567 = arith.constant 0 : i32
      %dma_start3A_568 = tpu.memref_slice %arg18[%dma_start3A_566, %dma_start3A_567] : memref<10000x128xf32, #tpu.memory_space<vmem_shared>> -> memref<10000x128xf32, #tpu.memory_space<vmem_shared>>
      tpu.enqueue_indirect_dma source(%dma_start3A_562 : memref<8x128xf32, #tpu.memory_space<vmem>>) target(%dma_start3A_568 : memref<10000x128xf32, #tpu.memory_space<vmem_shared>>) offsets(%dma_start3A_565 : memref<8xi32, #tpu.memory_space<vmem>>) semaphore(%arg24 : memref<!tpu.dma_semaphore, #tpu.memory_space<semaphore_mem>>) {add = true}
      %dma_start3A_569 = arith.constant 0 : i32
      %dma_start3A_570 = arith.constant 8 : i32
      %dma_start3A_571 = arith.constant 0 : i32
      %dma_start3A_572 = tpu.memref_slice %arg16[%dma_start3A_570, %dma_start3A_571] : memref<40x128xf32, #tpu.memory_space<vmem>> -> memref<8x128xf32, #tpu.memory_space<vmem>>
      %dma_start3A_573 = arith.constant 8 : i32
      %dma_start3A_574 = tpu.memref_slice %arg11[%dma_start3A_569, %dma_start3A_573] : memref<1x40xi32, #tpu.memory_space<vmem>> -> memref<1x8xi32, #tpu.memory_space<vmem>>
      %dma_start3A_575 = tpu.memref_squeeze %dma_start3A_574 : memref<1x8xi32, #tpu.memory_space<vmem>> -> memref<8xi32, #tpu.memory_space<vmem>>
      %dma_start3A_576 = arith.constant 0 : i32
      %dma_start3A_577 = arith.constant 0 : i32
      %dma_start3A_578 = tpu.memref_slice %arg18[%dma_start3A_576, %dma_start3A_577] : memref<10000x128xf32, #tpu.memory_space<vmem_shared>> -> memref<10000x128xf32, #tpu.memory_space<vmem_shared>>
      tpu.enqueue_indirect_dma source(%dma_start3A_572 : memref<8x128xf32, #tpu.memory_space<vmem>>) target(%dma_start3A_578 : memref<10000x128xf32, #tpu.memory_space<vmem_shared>>) offsets(%dma_start3A_575 : memref<8xi32, #tpu.memory_space<vmem>>) semaphore(%arg24 : memref<!tpu.dma_semaphore, #tpu.memory_space<semaphore_mem>>) {add = true}
      %dma_start3A_579 = arith.constant 0 : i32
      %dma_start3A_580 = arith.constant 16 : i32
      %dma_start3A_581 = arith.constant 0 : i32
      %dma_start3A_582 = tpu.memref_slice %arg16[%dma_start3A_580, %dma_start3A_581] : memref<40x128xf32, #tpu.memory_space<vmem>> -> memref<8x128xf32, #tpu.memory_space<vmem>>
      %dma_start3A_583 = arith.constant 16 : i32
      %dma_start3A_584 = tpu.memref_slice %arg11[%dma_start3A_579, %dma_start3A_583] : memref<1x40xi32, #tpu.memory_space<vmem>> -> memref<1x8xi32, #tpu.memory_space<vmem>>
      %dma_start3A_585 = tpu.memref_squeeze %dma_start3A_584 : memref<1x8xi32, #tpu.memory_space<vmem>> -> memref<8xi32, #tpu.memory_space<vmem>>
      %dma_start3A_586 = arith.constant 0 : i32
      %dma_start3A_587 = arith.constant 0 : i32
      %dma_start3A_588 = tpu.memref_slice %arg18[%dma_start3A_586, %dma_start3A_587] : memref<10000x128xf32, #tpu.memory_space<vmem_shared>> -> memref<10000x128xf32, #tpu.memory_space<vmem_shared>>
      tpu.enqueue_indirect_dma source(%dma_start3A_582 : memref<8x128xf32, #tpu.memory_space<vmem>>) target(%dma_start3A_588 : memref<10000x128xf32, #tpu.memory_space<vmem_shared>>) offsets(%dma_start3A_585 : memref<8xi32, #tpu.memory_space<vmem>>) semaphore(%arg24 : memref<!tpu.dma_semaphore, #tpu.memory_space<semaphore_mem>>) {add = true}
      %dma_start3A_589 = arith.constant 0 : i32
      %dma_start3A_590 = arith.constant 24 : i32
      %dma_start3A_591 = arith.constant 0 : i32
      %dma_start3A_592 = tpu.memref_slice %arg16[%dma_start3A_590, %dma_start3A_591] : memref<40x128xf32, #tpu.memory_space<vmem>> -> memref<8x128xf32, #tpu.memory_space<vmem>>
      %dma_start3A_593 = arith.constant 24 : i32
      %dma_start3A_594 = tpu.memref_slice %arg11[%dma_start3A_589, %dma_start3A_593] : memref<1x40xi32, #tpu.memory_space<vmem>> -> memref<1x8xi32, #tpu.memory_space<vmem>>
      %dma_start3A_595 = tpu.memref_squeeze %dma_start3A_594 : memref<1x8xi32, #tpu.memory_space<vmem>> -> memref<8xi32, #tpu.memory_space<vmem>>
      %dma_start3A_596 = arith.constant 0 : i32
      %dma_start3A_597 = arith.constant 0 : i32
      %dma_start3A_598 = tpu.memref_slice %arg18[%dma_start3A_596, %dma_start3A_597] : memref<10000x128xf32, #tpu.memory_space<vmem_shared>> -> memref<10000x128xf32, #tpu.memory_space<vmem_shared>>
      tpu.enqueue_indirect_dma source(%dma_start3A_592 : memref<8x128xf32, #tpu.memory_space<vmem>>) target(%dma_start3A_598 : memref<10000x128xf32, #tpu.memory_space<vmem_shared>>) offsets(%dma_start3A_595 : memref<8xi32, #tpu.memory_space<vmem>>) semaphore(%arg24 : memref<!tpu.dma_semaphore, #tpu.memory_space<semaphore_mem>>) {add = true}
      %dma_start3A_599 = arith.constant 0 : i32
      %dma_start3A_600 = arith.constant 32 : i32
      %dma_start3A_601 = arith.constant 0 : i32
      %dma_start3A_602 = tpu.memref_slice %arg16[%dma_start3A_600, %dma_start3A_601] : memref<40x128xf32, #tpu.memory_space<vmem>> -> memref<8x128xf32, #tpu.memory_space<vmem>>
      %dma_start3A_603 = arith.constant 32 : i32
      %dma_start3A_604 = tpu.memref_slice %arg11[%dma_start3A_599, %dma_start3A_603] : memref<1x40xi32, #tpu.memory_space<vmem>> -> memref<1x8xi32, #tpu.memory_space<vmem>>
      %dma_start3A_605 = tpu.memref_squeeze %dma_start3A_604 : memref<1x8xi32, #tpu.memory_space<vmem>> -> memref<8xi32, #tpu.memory_space<vmem>>
      %dma_start3A_606 = arith.constant 0 : i32
      %dma_start3A_607 = arith.constant 0 : i32
      %dma_start3A_608 = tpu.memref_slice %arg18[%dma_start3A_606, %dma_start3A_607] : memref<10000x128xf32, #tpu.memory_space<vmem_shared>> -> memref<10000x128xf32, #tpu.memory_space<vmem_shared>>
      tpu.enqueue_indirect_dma source(%dma_start3A_602 : memref<8x128xf32, #tpu.memory_space<vmem>>) target(%dma_start3A_608 : memref<10000x128xf32, #tpu.memory_space<vmem_shared>>) offsets(%dma_start3A_605 : memref<8xi32, #tpu.memory_space<vmem>>) semaphore(%arg24 : memref<!tpu.dma_semaphore, #tpu.memory_space<semaphore_mem>>) {add = true}
      %dma_wait3A_609 = arith.constant 0 : i32
      %dma_wait3A_610 = arith.constant 0 : i32
      %dma_wait3A_611 = arith.constant 0 : i32
      %dma_wait3A_612 = tpu.memref_slice %arg16[%dma_wait3A_610, %dma_wait3A_611] : memref<40x128xf32, #tpu.memory_space<vmem>> -> memref<8x128xf32, #tpu.memory_space<vmem>>
      %dma_wait3A_613 = arith.constant 0 : i32
      %dma_wait3A_614 = tpu.memref_slice %arg11[%dma_wait3A_609, %dma_wait3A_613] : memref<1x40xi32, #tpu.memory_space<vmem>> -> memref<1x8xi32, #tpu.memory_space<vmem>>
      %dma_wait3A_615 = tpu.memref_squeeze %dma_wait3A_614 : memref<1x8xi32, #tpu.memory_space<vmem>> -> memref<8xi32, #tpu.memory_space<vmem>>
      %dma_wait3A_616 = arith.constant 0 : i32
      %dma_wait3A_617 = arith.constant 0 : i32
      %dma_wait3A_618 = tpu.memref_slice %arg18[%dma_wait3A_616, %dma_wait3A_617] : memref<10000x128xf32, #tpu.memory_space<vmem_shared>> -> memref<10000x128xf32, #tpu.memory_space<vmem_shared>>
      tpu.wait_indirect_dma semaphore(%arg24 : memref<!tpu.dma_semaphore, #tpu.memory_space<semaphore_mem>>) src(%dma_wait3A_612 : memref<8x128xf32, #tpu.memory_space<vmem>>) dst(%dma_wait3A_618 : memref<10000x128xf32, #tpu.memory_space<vmem_shared>>)
      %dma_wait3A_619 = arith.constant 0 : i32
      %dma_wait3A_620 = arith.constant 8 : i32
      %dma_wait3A_621 = arith.constant 0 : i32
      %dma_wait3A_622 = tpu.memref_slice %arg16[%dma_wait3A_620, %dma_wait3A_621] : memref<40x128xf32, #tpu.memory_space<vmem>> -> memref<8x128xf32, #tpu.memory_space<vmem>>
      %dma_wait3A_623 = arith.constant 8 : i32
      %dma_wait3A_624 = tpu.memref_slice %arg11[%dma_wait3A_619, %dma_wait3A_623] : memref<1x40xi32, #tpu.memory_space<vmem>> -> memref<1x8xi32, #tpu.memory_space<vmem>>
      %dma_wait3A_625 = tpu.memref_squeeze %dma_wait3A_624 : memref<1x8xi32, #tpu.memory_space<vmem>> -> memref<8xi32, #tpu.memory_space<vmem>>
      %dma_wait3A_626 = arith.constant 0 : i32
      %dma_wait3A_627 = arith.constant 0 : i32
      %dma_wait3A_628 = tpu.memref_slice %arg18[%dma_wait3A_626, %dma_wait3A_627] : memref<10000x128xf32, #tpu.memory_space<vmem_shared>> -> memref<10000x128xf32, #tpu.memory_space<vmem_shared>>
      tpu.wait_indirect_dma semaphore(%arg24 : memref<!tpu.dma_semaphore, #tpu.memory_space<semaphore_mem>>) src(%dma_wait3A_622 : memref<8x128xf32, #tpu.memory_space<vmem>>) dst(%dma_wait3A_628 : memref<10000x128xf32, #tpu.memory_space<vmem_shared>>)
      %dma_wait3A_629 = arith.constant 0 : i32
      %dma_wait3A_630 = arith.constant 16 : i32
      %dma_wait3A_631 = arith.constant 0 : i32
      %dma_wait3A_632 = tpu.memref_slice %arg16[%dma_wait3A_630, %dma_wait3A_631] : memref<40x128xf32, #tpu.memory_space<vmem>> -> memref<8x128xf32, #tpu.memory_space<vmem>>
      %dma_wait3A_633 = arith.constant 16 : i32
      %dma_wait3A_634 = tpu.memref_slice %arg11[%dma_wait3A_629, %dma_wait3A_633] : memref<1x40xi32, #tpu.memory_space<vmem>> -> memref<1x8xi32, #tpu.memory_space<vmem>>
      %dma_wait3A_635 = tpu.memref_squeeze %dma_wait3A_634 : memref<1x8xi32, #tpu.memory_space<vmem>> -> memref<8xi32, #tpu.memory_space<vmem>>
      %dma_wait3A_636 = arith.constant 0 : i32
      %dma_wait3A_637 = arith.constant 0 : i32
      %dma_wait3A_638 = tpu.memref_slice %arg18[%dma_wait3A_636, %dma_wait3A_637] : memref<10000x128xf32, #tpu.memory_space<vmem_shared>> -> memref<10000x128xf32, #tpu.memory_space<vmem_shared>>
      tpu.wait_indirect_dma semaphore(%arg24 : memref<!tpu.dma_semaphore, #tpu.memory_space<semaphore_mem>>) src(%dma_wait3A_632 : memref<8x128xf32, #tpu.memory_space<vmem>>) dst(%dma_wait3A_638 : memref<10000x128xf32, #tpu.memory_space<vmem_shared>>)
      %dma_wait3A_639 = arith.constant 0 : i32
      %dma_wait3A_640 = arith.constant 24 : i32
      %dma_wait3A_641 = arith.constant 0 : i32
      %dma_wait3A_642 = tpu.memref_slice %arg16[%dma_wait3A_640, %dma_wait3A_641] : memref<40x128xf32, #tpu.memory_space<vmem>> -> memref<8x128xf32, #tpu.memory_space<vmem>>
      %dma_wait3A_643 = arith.constant 24 : i32
      %dma_wait3A_644 = tpu.memref_slice %arg11[%dma_wait3A_639, %dma_wait3A_643] : memref<1x40xi32, #tpu.memory_space<vmem>> -> memref<1x8xi32, #tpu.memory_space<vmem>>
      %dma_wait3A_645 = tpu.memref_squeeze %dma_wait3A_644 : memref<1x8xi32, #tpu.memory_space<vmem>> -> memref<8xi32, #tpu.memory_space<vmem>>
      %dma_wait3A_646 = arith.constant 0 : i32
      %dma_wait3A_647 = arith.constant 0 : i32
      %dma_wait3A_648 = tpu.memref_slice %arg18[%dma_wait3A_646, %dma_wait3A_647] : memref<10000x128xf32, #tpu.memory_space<vmem_shared>> -> memref<10000x128xf32, #tpu.memory_space<vmem_shared>>
      tpu.wait_indirect_dma semaphore(%arg24 : memref<!tpu.dma_semaphore, #tpu.memory_space<semaphore_mem>>) src(%dma_wait3A_642 : memref<8x128xf32, #tpu.memory_space<vmem>>) dst(%dma_wait3A_648 : memref<10000x128xf32, #tpu.memory_space<vmem_shared>>)
      %dma_wait3A_649 = arith.constant 0 : i32
      %dma_wait3A_650 = arith.constant 32 : i32
      %dma_wait3A_651 = arith.constant 0 : i32
      %dma_wait3A_652 = tpu.memref_slice %arg16[%dma_wait3A_650, %dma_wait3A_651] : memref<40x128xf32, #tpu.memory_space<vmem>> -> memref<8x128xf32, #tpu.memory_space<vmem>>
      %dma_wait3A_653 = arith.constant 32 : i32
      %dma_wait3A_654 = tpu.memref_slice %arg11[%dma_wait3A_649, %dma_wait3A_653] : memref<1x40xi32, #tpu.memory_space<vmem>> -> memref<1x8xi32, #tpu.memory_space<vmem>>
      %dma_wait3A_655 = tpu.memref_squeeze %dma_wait3A_654 : memref<1x8xi32, #tpu.memory_space<vmem>> -> memref<8xi32, #tpu.memory_space<vmem>>
      %dma_wait3A_656 = arith.constant 0 : i32
      %dma_wait3A_657 = arith.constant 0 : i32
      %dma_wait3A_658 = tpu.memref_slice %arg18[%dma_wait3A_656, %dma_wait3A_657] : memref<10000x128xf32, #tpu.memory_space<vmem_shared>> -> memref<10000x128xf32, #tpu.memory_space<vmem_shared>>
      tpu.wait_indirect_dma semaphore(%arg24 : memref<!tpu.dma_semaphore, #tpu.memory_space<semaphore_mem>>) src(%dma_wait3A_652 : memref<8x128xf32, #tpu.memory_space<vmem>>) dst(%dma_wait3A_658 : memref<10000x128xf32, #tpu.memory_space<vmem_shared>>)
      %scan3A_659 = arith.constant 0 : i32
      scf.yield %scan3A_659 : i32
    }
    %scan3A_158 = arith.constant 250 : i32
    %barrier3A_159 = arith.constant 0 : index
    tpu.barrier barrier_id(%barrier3A_159)
    %mul3A_160 = arith.constant 624 : i32
    %mul3A_161 = arith.muli %arg1, %mul3A_160 : i32
    "tpu.region"() ({
      %run_scoped3A = tpu.sem_alloc : memref<!tpu.dma_semaphore, #tpu.memory_space<semaphore_mem>>
      %dma_start3A_167 = arith.constant 0 : i32
      %dma_start3A_168 = tpu.memref_slice %arg7[%arg0, %mul3A_161, %dma_start3A_167] : memref<2x10000x128xf32, #tpu.memory_space<hbm>> -> memref<1x624x128xf32, #tpu.memory_space<hbm>>
      %dma_start3A_169 = tpu.memref_squeeze %dma_start3A_168 : memref<1x624x128xf32, #tpu.memory_space<hbm>> -> memref<624x128xf32, #tpu.memory_space<hbm>>
      %dma_start3A_170 = arith.constant 0 : i32
      %dma_start3A_171 = tpu.memref_slice %arg18[%mul3A_161, %dma_start3A_170] : memref<10000x128xf32, #tpu.memory_space<vmem_shared>> -> memref<624x128xf32, #tpu.memory_space<vmem_shared>>
      tpu.enqueue_dma source(%dma_start3A_171 : memref<624x128xf32, #tpu.memory_space<vmem_shared>>) target(%dma_start3A_169 : memref<624x128xf32, #tpu.memory_space<hbm>>) target_semaphore(%run_scoped3A : memref<!tpu.dma_semaphore, #tpu.memory_space<semaphore_mem>>)
      %dma_wait3A_172 = arith.constant 0 : i32
      %dma_wait3A_173 = tpu.memref_slice %arg7[%arg0, %mul3A_161, %dma_wait3A_172] : memref<2x10000x128xf32, #tpu.memory_space<hbm>> -> memref<1x624x128xf32, #tpu.memory_space<hbm>>
      %dma_wait3A_174 = tpu.memref_squeeze %dma_wait3A_173 : memref<1x624x128xf32, #tpu.memory_space<hbm>> -> memref<624x128xf32, #tpu.memory_space<hbm>>
      %dma_wait3A_175 = arith.constant 0 : i32
      %dma_wait3A_176 = tpu.memref_slice %arg18[%mul3A_161, %dma_wait3A_175] : memref<10000x128xf32, #tpu.memory_space<vmem_shared>> -> memref<624x128xf32, #tpu.memory_space<vmem_shared>>
      tpu.wait_dma2 semaphore(%run_scoped3A : memref<!tpu.dma_semaphore, #tpu.memory_space<semaphore_mem>>) src(%dma_wait3A_176 : memref<624x128xf32, #tpu.memory_space<vmem_shared>>) dst(%dma_wait3A_174 : memref<624x128xf32, #tpu.memory_space<hbm>>)
      tpu.yield
    }) : () -> ()
    %eq3A_162 = arith.constant 15 : i32
    %eq3A_163 = arith.cmpi eq, %arg1, %eq3A_162 : i32
    %convert_element_type3A_164 = arith.extui %eq3A_163 : i1 to i32
    %cond3A_165 = arith.constant 0 : i32
    %cond3A_166 = arith.cmpi ne, %convert_element_type3A_164, %cond3A_165 : i32
    scf.if %cond3A_166 {
      "tpu.region"() ({
        %run_scoped3A = tpu.sem_alloc : memref<!tpu.dma_semaphore, #tpu.memory_space<semaphore_mem>>
        %dma_start3A_167 = arith.constant 9984 : i32
        %dma_start3A_168 = arith.constant 0 : i32
        %dma_start3A_169 = tpu.memref_slice %arg7[%arg0, %dma_start3A_167, %dma_start3A_168] : memref<2x10000x128xf32, #tpu.memory_space<hbm>> -> memref<1x16x128xf32, #tpu.memory_space<hbm>>
        %dma_start3A_170 = tpu.memref_squeeze %dma_start3A_169 : memref<1x16x128xf32, #tpu.memory_space<hbm>> -> memref<16x128xf32, #tpu.memory_space<hbm>>
        %dma_start3A_171 = arith.constant 9984 : i32
        %dma_start3A_172 = arith.constant 0 : i32
        %dma_start3A_173 = tpu.memref_slice %arg18[%dma_start3A_171, %dma_start3A_172] : memref<10000x128xf32, #tpu.memory_space<vmem_shared>> -> memref<16x128xf32, #tpu.memory_space<vmem_shared>>
        tpu.enqueue_dma source(%dma_start3A_173 : memref<16x128xf32, #tpu.memory_space<vmem_shared>>) target(%dma_start3A_170 : memref<16x128xf32, #tpu.memory_space<hbm>>) target_semaphore(%run_scoped3A : memref<!tpu.dma_semaphore, #tpu.memory_space<semaphore_mem>>)
        %dma_wait3A_174 = arith.constant 9984 : i32
        %dma_wait3A_175 = arith.constant 0 : i32
        %dma_wait3A_176 = tpu.memref_slice %arg7[%arg0, %dma_wait3A_174, %dma_wait3A_175] : memref<2x10000x128xf32, #tpu.memory_space<hbm>> -> memref<1x16x128xf32, #tpu.memory_space<hbm>>
        %dma_wait3A_177 = tpu.memref_squeeze %dma_wait3A_176 : memref<1x16x128xf32, #tpu.memory_space<hbm>> -> memref<16x128xf32, #tpu.memory_space<hbm>>
        %dma_wait3A_178 = arith.constant 9984 : i32
        %dma_wait3A_179 = arith.constant 0 : i32
        %dma_wait3A_180 = tpu.memref_slice %arg18[%dma_wait3A_178, %dma_wait3A_179] : memref<10000x128xf32, #tpu.memory_space<vmem_shared>> -> memref<16x128xf32, #tpu.memory_space<vmem_shared>>
        tpu.wait_dma2 semaphore(%run_scoped3A : memref<!tpu.dma_semaphore, #tpu.memory_space<semaphore_mem>>) src(%dma_wait3A_180 : memref<16x128xf32, #tpu.memory_space<vmem_shared>>) dst(%dma_wait3A_177 : memref<16x128xf32, #tpu.memory_space<hbm>>)
        tpu.yield
      }) : () -> ()
    } else {
    }
    return
  }
}

module attributes {stable_mosaic.version = 14 : i64} {
  func.func @_table_body(%arg0: i32, %arg1: i32, %arg2: memref<1000x128xf32, #tpu.memory_space<vmem>>, %arg3: memref<128x256xf32, #tpu.memory_space<vmem>>, %arg4: memref<1x1x128xf32, #tpu.memory_space<vmem>>, %arg5: memref<1x1000x256xf32, #tpu.memory_space<vmem>>) attributes {dimension_semantics = [#tpu.dimension_semantics<arbitrary>, #tpu.dimension_semantics<arbitrary>], iteration_bounds = array<i64: 2, 10>, scalar_prefetch = 0 : i64, scratch_operands = 0 : i64, tpu.core_type = #tpu.core_type<tc>, window_params = [{transform_indices = @transform_0, window_bounds = array<i64: 1000, 128>}, {transform_indices = @transform_1, window_bounds = array<i64: 128, 256>}, {transform_indices = @transform_2, window_bounds = array<i64: 1, 1, 128>}, {transform_indices = @transform_3, window_bounds = array<i64: 1, 1000, 256>}]} {
    %get3A = arith.constant 0 : index
    %get3A_0 = arith.constant 0 : index
    %get3A_1 = vector.load %arg2[%get3A, %get3A_0] : memref<1000x128xf32, #tpu.memory_space<vmem>>, vector<1000x128xf32>
    %get3A_2 = arith.constant 0 : index
    %get3A_3 = arith.constant 0 : index
    %get3A_4 = vector.load %arg3[%get3A_2, %get3A_3] : memref<128x256xf32, #tpu.memory_space<vmem>>, vector<128x256xf32>
    %slice3A = vector.extract_strided_slice %get3A_4 {offsets = [0, 0], sizes = [128, 128], strides = [1, 1]} : vector<128x256xf32> to vector<128x128xf32>
    %dot_general3A = arith.constant dense<0.000000e+00> : vector<1000x128xf32>
    %dot_general3A_5 = tpu.matmul %get3A_1, %slice3A, %dot_general3A {dimension_numbers = #tpu.dot_dimension_numbers<[1], [1], [0], [0], [0, 0, 1, 0], [], []>, transpose_lhs_hint = false} : vector<1000x128xf32>, vector<128x128xf32>, vector<1000x128xf32> -> vector<1000x128xf32>
    %slice3A_6 = vector.extract_strided_slice %get3A_4 {offsets = [0, 128], sizes = [128, 128], strides = [1, 1]} : vector<128x256xf32> to vector<128x128xf32>
    %dot_general3A_7 = arith.constant dense<0.000000e+00> : vector<1000x128xf32>
    %dot_general3A_8 = tpu.matmul %get3A_1, %slice3A_6, %dot_general3A_7 {dimension_numbers = #tpu.dot_dimension_numbers<[1], [1], [0], [0], [0, 0, 1, 0], [], []>, transpose_lhs_hint = false} : vector<1000x128xf32>, vector<128x128xf32>, vector<1000x128xf32> -> vector<1000x128xf32>
    %get3A_9 = arith.constant 0 : index
    %get3A_10 = arith.constant 0 : index
    %get3A_11 = arith.constant 0 : index
    %get3A_12 = vector.load %arg4[%get3A_9, %get3A_10, %get3A_11] : memref<1x1x128xf32, #tpu.memory_space<vmem>>, vector<1x1x128xf32>
    %get3A_13 = vector.shape_cast %get3A_12 : vector<1x1x128xf32> to vector<1x128xf32>
    %add3A = vector.broadcast %get3A_13 : vector<1x128xf32> to vector<1000x128xf32>
    %add3A_14 = arith.addf %dot_general3A_5, %add3A : vector<1000x128xf32>
    %swap3A = arith.constant 0 : index
    %swap3A_15 = arith.constant 0 : index
    %swap3A_16 = arith.constant 0 : index
    %swap3A_17 = vector.load %arg5[%swap3A, %swap3A_15, %swap3A_16] : memref<1x1000x256xf32, #tpu.memory_space<vmem>>, vector<1x1000x128xf32>
    %swap3A_18 = vector.shape_cast %swap3A_17 : vector<1x1000x128xf32> to vector<1000x128xf32>
    %swap3A_19 = vector.shape_cast %add3A_14 : vector<1000x128xf32> to vector<1x1000x128xf32>
    tpu.vector_store %arg5[%swap3A, %swap3A_15, %swap3A_16], %swap3A_19 {strides = array<i32>} : memref<1x1000x256xf32, #tpu.memory_space<vmem>>, vector<1x1000x128xf32>,
    %swap3A_20 = arith.constant 0 : index
    %swap3A_21 = arith.constant 0 : index
    %swap3A_22 = arith.constant 128 : index
    %swap3A_23 = vector.load %arg5[%swap3A_20, %swap3A_21, %swap3A_22] : memref<1x1000x256xf32, #tpu.memory_space<vmem>>, vector<1x1000x128xf32>
    %swap3A_24 = vector.shape_cast %swap3A_23 : vector<1x1000x128xf32> to vector<1000x128xf32>
    %swap3A_25 = vector.shape_cast %dot_general3A_8 : vector<1000x128xf32> to vector<1x1000x128xf32>
    tpu.vector_store %arg5[%swap3A_20, %swap3A_21, %swap3A_22], %swap3A_25 {strides = array<i32>} : memref<1x1000x256xf32, #tpu.memory_space<vmem>>, vector<1x1000x128xf32>,
    return
  }
  func.func @transform_0(%arg0: i32, %arg1: i32) -> (i32, i32) {
    %c0_i32 = arith.constant 0 : i32
    %c0_i32_0 = arith.constant 0 : i32
    return %arg1, %c0_i32 : i32, i32
  }
  func.func @transform_1(%arg0: i32, %arg1: i32) -> (i32, i32) {
    %c0_i32 = arith.constant 0 : i32
    %c0_i32_0 = arith.constant 0 : i32
    return %arg0, %c0_i32 : i32, i32
  }
  func.func @transform_2(%arg0: i32, %arg1: i32) -> (i32, i32, i32) {
    %c0_i32 = arith.constant 0 : i32
    %c0_i32_0 = arith.constant 0 : i32
    %c0_i32_1 = arith.constant 0 : i32
    return %arg0, %c0_i32, %c0_i32_0 : i32, i32, i32
  }
  func.func @transform_3(%arg0: i32, %arg1: i32) -> (i32, i32, i32) {
    %c0_i32 = arith.constant 0 : i32
    %c0_i32_0 = arith.constant 0 : i32
    return %arg0, %arg1, %c0_i32 : i32, i32, i32
  }
}

module attributes {stable_mosaic.version = 14 : i64} {
  func.func @_final_body(%arg0: i32, %arg1: memref<1000x128xf32, #tpu.memory_space<vmem>>, %arg2: memref<1000x128xf32, #tpu.memory_space<vmem>>, %arg3: memref<1000x128xf32, #tpu.memory_space<vmem>>, %arg4: memref<128x256xf32, #tpu.memory_space<vmem>>, %arg5: memref<1000x128xf32, #tpu.memory_space<vmem>>) attributes {dimension_semantics = [#tpu.dimension_semantics<arbitrary>], iteration_bounds = array<i64: 10>, scalar_prefetch = 0 : i64, scratch_operands = 0 : i64, tpu.core_type = #tpu.core_type<tc>, window_params = [{transform_indices = @transform_0, window_bounds = array<i64: 1000, 128>}, {transform_indices = @transform_1, window_bounds = array<i64: 1000, 128>}, {transform_indices = @transform_2, window_bounds = array<i64: 1000, 128>}, {pipeline_mode = #tpu.pipeline_mode<synchronous>, transform_indices = @transform_3, window_bounds = array<i64: 128, 256>}, {transform_indices = @transform_4, window_bounds = array<i64: 1000, 128>}]} {
    %get3A = arith.constant 0 : index
    %get3A_0 = arith.constant 0 : index
    %get3A_1 = vector.load %arg4[%get3A, %get3A_0] : memref<128x256xf32, #tpu.memory_space<vmem>>, vector<128x256xf32>
    %get3A_2 = arith.constant 0 : index
    %get3A_3 = arith.constant 0 : index
    %get3A_4 = vector.load %arg2[%get3A_2, %get3A_3] : memref<1000x128xf32, #tpu.memory_space<vmem>>, vector<1000x128xf32>
    %slice3A = vector.extract_strided_slice %get3A_1 {offsets = [0, 0], sizes = [128, 128], strides = [1, 1]} : vector<128x256xf32> to vector<128x128xf32>
    %dot_general3A = arith.constant dense<0.000000e+00> : vector<1000x128xf32>
    %dot_general3A_5 = tpu.matmul %get3A_4, %slice3A, %dot_general3A {dimension_numbers = #tpu.dot_dimension_numbers<[1], [1], [0], [0], [0, 0, 1, 0], [], []>, transpose_lhs_hint = false} : vector<1000x128xf32>, vector<128x128xf32>, vector<1000x128xf32> -> vector<1000x128xf32>
    %get3A_6 = arith.constant 0 : index
    %get3A_7 = arith.constant 0 : index
    %get3A_8 = vector.load %arg3[%get3A_6, %get3A_7] : memref<1000x128xf32, #tpu.memory_space<vmem>>, vector<1000x128xf32>
    %slice3A_9 = vector.extract_strided_slice %get3A_1 {offsets = [0, 128], sizes = [128, 128], strides = [1, 1]} : vector<128x256xf32> to vector<128x128xf32>
    %dot_general3A_10 = arith.constant dense<0.000000e+00> : vector<1000x128xf32>
    %dot_general3A_11 = tpu.matmul %get3A_8, %slice3A_9, %dot_general3A_10 {dimension_numbers = #tpu.dot_dimension_numbers<[1], [1], [0], [0], [0, 0, 1, 0], [], []>, transpose_lhs_hint = false} : vector<1000x128xf32>, vector<128x128xf32>, vector<1000x128xf32> -> vector<1000x128xf32>
    %add3A = arith.addf %dot_general3A_5, %dot_general3A_11 : vector<1000x128xf32>
    %get3A_12 = arith.constant 0 : index
    %get3A_13 = arith.constant 0 : index
    %get3A_14 = vector.load %arg1[%get3A_12, %get3A_13] : memref<1000x128xf32, #tpu.memory_space<vmem>>, vector<1000x128xf32>
    %add3A_15 = arith.addf %get3A_14, %add3A : vector<1000x128xf32>
    %swap3A = arith.constant 0 : index
    %swap3A_16 = arith.constant 0 : index
    %swap3A_17 = vector.load %arg5[%swap3A, %swap3A_16] : memref<1000x128xf32, #tpu.memory_space<vmem>>, vector<1000x128xf32>
    tpu.vector_store %arg5[%swap3A, %swap3A_16], %add3A_15 {strides = array<i32>} : memref<1000x128xf32, #tpu.memory_space<vmem>>, vector<1000x128xf32>,
    return
  }
  func.func @transform_0(%arg0: i32) -> (i32, i32) {
    %c0_i32 = arith.constant 0 : i32
    %c0_i32_0 = arith.constant 0 : i32
    return %arg0, %c0_i32 : i32, i32
  }
  func.func @transform_1(%arg0: i32) -> (i32, i32) {
    %c0_i32 = arith.constant 0 : i32
    %c0_i32_0 = arith.constant 0 : i32
    return %arg0, %c0_i32 : i32, i32
  }
  func.func @transform_2(%arg0: i32) -> (i32, i32) {
    %c0_i32 = arith.constant 0 : i32
    %c0_i32_0 = arith.constant 0 : i32
    return %arg0, %c0_i32 : i32, i32
  }
  func.func @transform_3(%arg0: i32) -> (i32, i32) {
    %c0_i32 = arith.constant 0 : i32
    %c0_i32_0 = arith.constant 0 : i32
    %c0_i32_1 = arith.constant 0 : i32
    return %c0_i32, %c0_i32_0 : i32, i32
  }
  func.func @transform_4(%arg0: i32) -> (i32, i32) {
    %c0_i32 = arith.constant 0 : i32
    %c0_i32_0 = arith.constant 0 : i32
    return %arg0, %c0_i32 : i32, i32
  }
}

</mosaic_0001>

<sc_bundles>
// kernel: kernel.5.cloned.1.call-start
scs
__scs_entry_jumppad:
0x0: {  	(pc) =	sbr.rel $0x88, $3  }
0x1: {  	(tag) =	ssettag $0x0;
	lr =	simm.s32 $0x1  }
0x2: {  	[smem:$0x3F9B] =	sst lr;
	_ =	strace $0xD0000000  }
0x3: {  	_ = 	snop  }
0x4: {  	_ = 	snop  }
0x5: {  	_ = 	snop  }
0x6: {  	_ = 	snop  }
0x7: {  	_ = 	snop  }
__scs_overlays_trampoline_lowered:
0x8: {  	[smem:$0x3FAA] =	sst s0  }
0x9: {  	[smem:$0x3FAB] =	sst s1  }
0xa: {  	[smem:$0x3FAC] =	sst s2  }
0xb: {  	[smem:$0x3FAD] =	sst s3  }
0xc: {  	[smem:$0x3FAE] =	sst s4  }
0xd: {  	[smem:$0x3FAF] =	sst s5  }
0xe: {  	[smem:$0x3FB0] =	sst s6  }
0xf: {  	[smem:$0x3FB1] =	sst s7  }
0x10: {  	[smem:$0x3FB2] =	sst s8  }
0x11: {  	[smem:$0x3FB3] =	sst s9;
	s0 =	simm.s32 @!p0 $0x0  }
0x12: {  	s1 =	sld [smem:$0x3F99];
	s0 =	simm.s32 @p0 $0x1  }
0x13: {  	[smem:$0x3FB4] =	sst s0;
	s0 =	simm.s32 @!p1 $0x0  }
0x14: {  	s2 =	sld [smem:$0x3F98];
	s0 =	simm.s32 @p1 $0x1  }
0x15: {  	[smem:$0x3FB5] =	sst s0;
	s0 =	simm.s32 @!p2 $0x0  }
0x16: {  	s3 =	sld [smem:$0x3FDB];
	s0 =	simm.s32 @p2 $0x1  }
0x17: {  	s4 =	simm.s32 $0x1BF5;
	[smem:$0x3FB7] =	sst s0  }
0x18: {  	s0 =	sld [smem:$0x3F9A];
	_ =	swait.ge [sflag:s4], $0x0  }
0x19: {  	s7 =	sld [smem:$0x3F9B]  }
0x1a: {  	s8 =	sadd.s32 $0xFFFFE003, lr  }
0x1b: {  	s9 =	sadd.s32 $0xFFFFFEF7, lr;
	s5 =	simm.s32 $0xFFFFFFFF;
	p2 =	slt.u32 s8, $0xFFFFF086  }
0x1c: {  	p1 =	slt.u32 s9, $0xF7A;
	s5 =	simm.s32 @!p2 $0x0  }
0x1d: {  	s5 =	simm.s32 @p1 $0x1;
	p0 =	seq.s32 s7, s2  }
0x1e: {  	s7 =	smul.u32 @!p0 $0xF7A, s2;
	p2 =	seq.s32 @!p0 s5, $0x0  }
0x1f: {  	s9 =	smul.u32 $0xF7A, s1;
	s8 =	simm.s32 @!p0 $0x1BF5;
	p2 =	por !p2, p0  }
0x20: {  	[sflag:s8] =	ssyncset.s32 @!p0 $0xFFFFF086;
	s6 =	sadd.s32 @!p0 s3, s7;
	s7 =	simm.s32 @!p0 $0x108  }
0x21: {  	s3 =	sadd.s32 s3, s9;
	s6 =	sadd.s32 @!p0 $0x88, s6;
	s7 =	simm.s32 @p2 $0x1082  }
0x22: {  	[simem:s7], [sflag:s8] =	dma.local @!p0 [hbm:s6], $0xF7A  }
0x23: {  	s9 =	sor.u32 $0xD0000000, s2;
	s6 =	simm.s32 $0x108;
	_ =	swait.ge @!p0 [sflag:s8], $0x0  }
0x24: {  	s3 =	sadd.s32 $0x88, s3;
	s6 =	simm.s32 @!p1 $0x1082;
	[sflag:s4] =	ssyncset.s32 $0xFFFFF086  }
0x25: {  	[simem:s6], [sflag:s4] =	dma.local [hbm:s3], $0xF7A  }
0x26: {  	[smem:$0x3F9B] =	sst s1;
	(tag) =	ssettag s2;
	_ =	strace s9  }
0x27: {  	s1 =	sld [smem:$0x3FAB]  }
0x28: {  	s2 =	sld [smem:$0x3FAC]  }
0x29: {  	s4 =	sld [smem:$0x3FAE]  }
0x2a: {  	p0 =	seq.s32 s5, $0x0;
	s5 =	sld [smem:$0x3FAF]  }
0x2b: {  	s6 =	sld [smem:$0x3FB0]  }
0x2c: {  	s7 =	sld [smem:$0x3FB1]  }
0x2d: {  	s3 =	simm.s32 $0x108;
	s8 =	sld [smem:$0x3FB2]  }
0x2e: {  	s3 =	simm.s32 @!p0 $0x1082;
	s9 =	sld [smem:$0x3FB3]  }
0x2f: {  	lr =	sadd.s32 s0, s3;
	s0 =	sld [smem:$0x3FAA]  }
0x30: {  	s3 =	sld [smem:$0x3FAD]  }
0x31: {  	[smem:$0x3FB6] =	sst s10  }
0x32: {  	s10 =	sld [smem:$0x3FB4];
	_ =	sdelay $0x3  }
0x33: {  	p0 =	seq.s32 s10, $0x1;
	s10 =	sld [smem:$0x3FB6];
	_ =	sdelay $0x3  }
0x34: {  	[smem:$0x3FB6] =	sst s10  }
0x35: {  	s10 =	sld [smem:$0x3FB5];
	_ =	sdelay $0x3  }
0x36: {  	p1 =	seq.s32 s10, $0x1;
	s10 =	sld [smem:$0x3FB6];
	_ =	sdelay $0x3  }
0x37: {  	[smem:$0x3FB6] =	sst s10  }
0x38: {  	s10 =	sld [smem:$0x3FB7]  }
0x39: {  	_ = 	snop;
	(pc) =	sbr.ind lr, $3  }
0x3a: {  	_ = 	snop  }
0x3b: {  	_ = 	snop  }
0x3c: {  	p2 =	seq.s32 s10, $0x1;
	s10 =	sld [smem:$0x3FB6]  }
0x3d: {  	_ =	shalt  }
0x3e: {  	_ =	shalt  }
0x3f: {  	_ =	shalt  }
0x40: {  	_ =	shalt  }
0x41: {  	_ =	shalt  }
0x42: {  	_ =	shalt  }
0x43: {  	_ =	shalt  }
0x44: {  	_ =	shalt  }
0x45: {  	_ =	shalt  }
0x46: {  	_ =	shalt  }
0x47: {  	_ =	shalt  }
0x48: {  	_ =	shalt  }
0x49: {  	_ =	shalt  }
0x4a: {  	_ =	shalt  }
0x4b: {  	_ =	shalt  }
0x4c: {  	_ =	shalt  }
0x4d: {  	_ =	shalt  }
0x4e: {  	_ =	shalt  }
0x4f: {  	_ =	shalt  }
0x50: {  	_ =	shalt  }
0x51: {  	_ =	shalt  }
0x52: {  	_ =	shalt  }
0x53: {  	_ =	shalt  }
0x54: {  	_ =	shalt  }
0x55: {  	_ =	shalt  }
0x56: {  	_ =	shalt  }
0x57: {  	_ =	shalt  }
0x58: {  	_ =	shalt  }
0x59: {  	_ =	shalt  }
0x5a: {  	_ =	shalt  }
0x5b: {  	_ =	shalt  }
0x5c: {  	_ =	shalt  }
0x5d: {  	_ =	shalt  }
0x5e: {  	_ =	shalt  }
0x5f: {  	_ =	shalt  }
0x60: {  	_ =	shalt  }
0x61: {  	_ =	shalt  }
0x62: {  	_ =	shalt  }
0x63: {  	_ =	shalt  }
0x64: {  	_ =	shalt  }
0x65: {  	_ =	shalt  }
0x66: {  	_ =	shalt  }
0x67: {  	_ =	shalt  }
0x68: {  	_ =	shalt  }
0x69: {  	_ =	shalt  }
0x6a: {  	_ =	shalt  }
0x6b: {  	_ =	shalt  }
0x6c: {  	_ =	shalt  }
0x6d: {  	_ =	shalt  }
0x6e: {  	_ =	shalt  }
0x6f: {  	_ =	shalt  }
0x70: {  	_ =	shalt  }
0x71: {  	_ =	shalt  }
0x72: {  	_ =	shalt  }
0x73: {  	_ =	shalt  }
0x74: {  	_ =	shalt  }
0x75: {  	_ =	shalt  }
0x76: {  	_ =	shalt  }
0x77: {  	_ =	shalt  }
0x78: {  	_ =	shalt  }
0x79: {  	_ =	shalt  }
0x7a: {  	_ =	shalt  }
0x7b: {  	_ =	shalt  }
0x7c: {  	_ =	shalt  }
0x7d: {  	_ =	shalt  }
0x7e: {  	_ =	shalt  }
0x7f: {  	_ =	shalt  }
0x80: {  	_ =	shalt  }
0x81: {  	_ =	shalt  }
0x82: {  	_ =	shalt  }
0x83: {  	_ =	shalt  }
0x84: {  	_ =	shalt  }
0x85: {  	_ =	shalt  }
0x86: {  	_ =	shalt  }
0x87: {  	_ =	shalt  }
.Lfunc_end0:
.L_simem_size_0:
called_computation_lowered:
.L_overlay_start_0:
0x88: {  	s2 =	sld [smem:$0x3FD9]  }
0x89: {  	s3 =	sld [smem:$0x3FFE];
	_ =	sdelay $0x1  }
0x8a: {  	s1 =	srdreg.scid  }
0x8b: {  	s0 =	sand.u32 $0x1, s1  }
0x8c: {  	s17 =	sshll.u32 s0, $0xA;
	s2 =	sadd.s32 s3, s2  }
0x8d: {  	s2 =	sadd.s32 s2, s17  }
0x8e: {  	[smem:$0x3FC2] =	sst s2  }
0x8f: {  	_ = 	snop  }
0x90: {  	s2 =	sld [smem:$0x3FD0];
	(tm) =	ssettm $0x1  }
0x91: {  	s18 =	sld [smem:$0x3FFB];
	_ =	sdelay $0x3  }
0x92: {  	_ =	strace s18  }
0x93: {  	s3 =	sld [smem:$0x3FFC];
	_ =	sdelay $0x3  }
0x94: {  	_ =	strace s3  }
0x95: {  	s3 =	sld [smem:$0x3FFD];
	_ =	sdelay $0x3  }
0x96: {  	_ =	strace s3  }
0x97: {  	_ =	strace $0x8FFFFFFF  }
0x98: {  	s19 =	sld [smem:$0x3FDB];
	_ =	sdelay $0x1  }
0x99: {  	s4 =	simm.s32 $_scs_section_size  }
0x9a: {  	s5 =	simm.s32 $_size__tile_overlayer_lowered;
	s6 =	simm.s32 $_tile_overlayer_lowered  }
0x9b: {  	s22 =	simm.s32 $0x1BFF;
	s21 =	sshll.u32 s6, $0x1;
	s3 =	sadd.s32 s4, s19  }
0x9c: {  	s7 =	simm.s32 $0x0;
	s20 =	sshll.u32 s5, $0x1;
	s5 =	sadd.s32 s21, s3  }
0x9d: {  	[timem:s7], [sflag:s22] =	dma.local [hbm:s5], s20  }
0x9e: {  	_ =	swait.ge [sflag:s22], s20  }
0x9f: {  	s4 =	ssub.s32 $0x0, s20;
	[sflag:s22] =	ssyncset.done $0x0  }
0xa0: {  	[sflag:s22] =	ssyncadd.s32 s4;
	_ =	sdelay $0x1  }
0xa1: {  	s23 =	simm.s32 $0x1B8B  }
0xa2: {  	_ =	swait.ge [sflag:s23], $0x1  }
0xa3: {  	[sflag:s23] =	ssyncset.done $0x0  }
0xa4: {  	s25 =	simm.s32 $0x1B8E;
	s24 =	sld [smem:$0x3FFE];
	[sflag:s23] =	ssyncadd.s32 $0xFFFFFFFF  }
0xa5: {  	s26 =	simm.s32 $execute0_lowered;
	[smem:$0x3FD2] =	sst s25  }
0xa6: {  	s5 =	sshll.u32 s26, $0x1;
	_ =	strace $0x80000046;
	[dreg:$0x1] =	wrdreg $0xFFFFFFFF  }
0xa7: {  	s28 =	simm.s32 $_size_execute0_lowered;
	s3 =	sadd.s32 s3, s5;
	[dreg:$0x0] =	wrdreg $0x0  }
0xa8: {  	s5 =	sshll.u32 s28, $0x1;
	[dreg:$0x2] =	wrdreg s3  }
0xa9: {  	[dreg:$0x3] =	wrdreg s5  }
0xaa: {  	[dreg:$0x4] =	wrdreg $0xC0  }
0xab: {  	_ =	task [dreg:s7], $0x5FFFF  }
0xac: {  	[dreg:$0x1] =	wrdreg $0xFFFFFFFF  }
0xad: {  	[dreg:$0x0] =	wrdreg $0x60  }
0xae: {  	[dreg:$0x2] =	wrdreg s24  }
0xaf: {  	[dreg:$0x3] =	wrdreg s2  }
0xb0: {  	[dreg:$0x4] =	wrdreg $0xB6800  }
0xb1: {  	[dreg:$0x5] =	wrdreg $0x9  }
0xb2: {  	_ =	task.clear_ibuf [dreg:s7], $0x6FFFF;
	_ =	strace $0x90000046  }
0xb3: {  	s29 =	simm.s32 $0x9;
	_ =	strace $0x80000048  }
0xb4: {  	_ =	swait.ge [sflag:s29], $0x1  }
0xb5: {  	[sflag:s29] =	ssyncadd.s32 $0xFFFFFFFF  }
0xb6: {  	_ =	strace $0x90000048  }
0xb7: {  	_ =	sfence  }
0xb8: {  	s30 =	sld [smem:$0x0];
	_ =	sdelay $0x2  }
0xb9: {  	s31 =	sshll.u32 s1, $0xD;
	s1 =	sshrl.u32 s1, $0x2  }
0xba: {  	s3 =	sand.u32 $0x4000, s31;
	s1 =	sadd.s32 s1, s30  }
0xbb: {  	s0 =	sor.u32 s3, s0;
	s1 =	sshll.u32 s1, $0x11  }
0xbc: {  	s0 =	sor.u32 s1, s0  }
0xbd: {  	s0 =	sadd.s32 $0x8F2B, s0  }
0xbe: {  	[sflag:s0] =	ssyncadd.remote.s32 $0x1  }
0xbf: {  	_ =	sfence.sel $0xFFFF  }
0xc0: {  	[dreg:$0x0] =	wrdreg $0xFFFFFFFF;
	(pc) =	sbr.abs _section_cstart, $3  }
0xc1: {  	[dreg:$0x1] =	wrdreg $0xFFFFFFFF  }
0xc2: {  	_ =	task.clear_ibuf [dreg:s7], $0x2FFFF;
	_ =	strace $0x9FFFFFFF  }
0xc3: {  	(tm) =	ssettm $0x7FFFFFFF  }
tec
execute0_lowered:
.L_overlay_start_1:
0x0: {  	(tag) =	ssettag $0x1  }
0x1: {  	s0 =	rddreg [dreg:$0x0]  }
0x2: {  	s9 =	rddreg [dreg:$0x1]  }
0x3: {  	s10 =	rddreg [dreg:$0x2];
	s11 =	stileid.u32  }
0x4: {  	s1 =	simm.s32 $0x0;
	s22 =	srdreg.scid;
	s2 =	smul.u32 $0x4E200, s11  }
0x5: {  	[smem:$0x7FF] =	sst s1;
	s1 =	sand.u32 $0x1, s22;
	s28 =	smul.u32 $0x4E20, s11  }
0x6: {  	s12 =	sadd.s32 $0x1200, s0;
	_ =	strace $0x80000047;
	s3 =	sshll.u32 s1, $0x4  }
0x7: {  	[smem:$0x7EB] =	sst s12;
	s3 =	sadd.s32 s3, s0;
	s17 =	sadd.s32 $0x28, s28  }
0x8: {  	s14 =	sshrl.u32 s28, $0x3;
	s3 =	sadd.s32 $0xB000, s3;
	[smem:$0x7EE] =	sst s17  }
0x9: {  	s15 =	sadd.s32 s12, s14;
	[smem:$0x7EA] =	sst s3  }
0xa: {  	s2 =	sshrl.u32 s2, $0x2;
	s16 =	sadd.s32 s9, s14;
	[smem:$0x7EC] =	sst s15  }
0xb: {  	s13 =	sadd.s32 s2, s10;
	[smem:$0x7ED] =	sst s16  }
0xc: {  	s6 =	sadd.s32 $0xB200, s0;
	s2 =	sadd.s32 $0x1400, s13;
	[smem:$0x7FC] =	sst s13  }
0xd: {  	s8 =	smul.u32 $0x13800, s11;
	s23 =	sadd.s32 $0x2800, s13;
	[smem:$0x7E2] =	sst s2  }
0xe: {  	s4 =	ssub.s32 $0x2, s1;
	s24 =	sadd.s32 $0x3C00, s13;
	[smem:$0x7E3] =	sst s23  }
0xf: {  	s31 =	smul.u32 $0x138800, s1;
	s25 =	sadd.s32 $0x5000, s13;
	[smem:$0x7E4] =	sst s24  }
0x10: {  	p0 =	seq.s32 s1, $0x0;
	s26 =	sadd.s32 $0x6400, s13;
	[smem:$0x7E5] =	sst s25  }
0x11: {  	s5 =	sshrl.u32 s4, $0x1;
	s29 =	sadd.s32 $0x7800, s13;
	[smem:$0x7E6] =	sst s26  }
0x12: {  	s4 =	ssub.s32 s4, s5;
	s30 =	sadd.s32 $0x8C00, s13;
	[smem:$0x7E7] =	sst s29  }
0x13: {  	s18 =	sadd.s32 s8, s31;
	s7 =	sadd.s32 $0xA000, s13;
	[smem:$0x7E8] =	sst s30  }
0x14: {  	s5 =	sshrl.u32 s31, $0x3;
	s22 =	smax.u32 s4, $0x1;
	[smem:$0x7E9] =	sst s7  }
0x15: {  	s1 =	sshrl.u32 s18, $0x3;
	s31 =	sadd.s32 $0x12C00, s13;
	[smem:$0x7F3] =	sst s22  }
0x16: {  	s1 =	sadd.s32 s6, s1;
	[smem:$0x7FD] =	sst s31  }
0x17: {  	s2 =	sadd.s32 $0x50, s28;
	[smem:$0x7EF] =	sst s1  }
0x18: {  	s19 =	smul.u32 $0x4E000, s11;
	s24 =	sadd.s32 $0xB400, s13;
	[smem:$0x7F0] =	sst s2  }
0x19: {  	s25 =	sadd.s32 $0xC800, s13;
	[smem:$0x7F6] =	sst s24  }
0x1a: {  	s21 =	sshrl.u32 s19, $0x2;
	s26 =	sadd.s32 $0xDC00, s13;
	[smem:$0x7F7] =	sst s25  }
0x1b: {  	s20 =	sadd.s32 s6, s5;
	s28 =	sadd.s32 $0xF000, s13;
	[smem:$0x7F8] =	sst s26  }
0x1c: {  	s5 =	simm.s32 $0xEB800;
	s29 =	sadd.s32 $0x10400, s13;
	[smem:$0x7F9] =	sst s28  }
0x1d: {  	s5 =	simm.s32 @!p0 $0x9D600;
	s30 =	sadd.s32 $0x11800, s13;
	[smem:$0x7FA] =	sst s29  }
0x1e: {  	p0 =	sne.s32 s11, $0xF;
	s1 =	sadd.s32 $0x27000, s20;
	[smem:$0x7FB] =	sst s30  }
0x1f: {  	s2 =	sadd.s32 s21, s10;
	s0 =	sadd.s32 s5, s0;
	[smem:$0x7F1] =	sst s1  }
0x20: {  	v1 =	vlaneseq.u32;
	[smem:$0x7F2] =	sst s0;
	s0 =	sadd.s32 $0x138000, s10;
	s23 =	sshrl.u32 s2, $0x3  }
0x21: {  	v0 =	vimm.f32 $0.0e+00;
	v2 =	vshrl.u32 v1, $0x3;
	s3 =	simm.s32 $0x9;
	[smem:$0x7F4] =	sst s23;
	s0 =	sshrl.u32 @!p0 s0, $0x3  }
0x22: {  	vm0 =	vmmov $0xffff;
	v1 =	vand.u32 $0x7, v1;
	v2 =	vmul.u32 $0x8, v2;
	s4 =	simm.s32 $0x8;
	s2 =	simm.s32 $0x0;
	[smem:$0x7F5] =	sst s0  }
.LBB2_1:
0x23: {  	s0 =	simm.s32 $0x0;
	s1 =	simm.s32 $0x200  }
.LBB2_2:
0x24: {  	p1 =	sne.s32 s1, $0x4E00;
	[tilespmem:s0+$0xA270] =	vst v0  }
0x25: {  	[tilespmem:s0+$0xA200] =	vst v0  }
0x26: {  	[tilespmem:s0+$0xA210] =	vst v0  }
.Ltmp0:
0x27: {  	[tilespmem:s0+$0xA220] =	vst v0;
	(pc) =	sbr.rel @p1 .LBB2_2-.Ltmp0, $4  }
0x28: {  	[tilespmem:s0+$0xA230] =	vst v0  }
0x29: {  	[tilespmem:s0+$0xA240] =	vst v0  }
0x2a: {  	[tilespmem:s0+$0xA250] =	vst v0  }
0x2b: {  	[tilespmem:s0+$0xA260] =	vst v0;
	s0 =	sshra.s32 s1, $0x2;
	s1 =	sadd.s32 $0x200, s1  }
0x2c: {  	[tilespmem:s0+$0xA270] =	vst v0  }
0x2d: {  	[tilespmem:s0+$0xA200] =	vst v0  }
0x2e: {  	[tilespmem:s0+$0xA210] =	vst v0  }
0x2f: {  	[tilespmem:s0+$0xA220] =	vst v0  }
0x30: {  	[tilespmem:s0+$0xA230] =	vst v0  }
0x31: {  	[tilespmem:s0+$0xA240] =	vst v0;
	s24 =	sld [smem:$0x7FC]  }
0x32: {  	[tilespmem:s0+$0xA250] =	vst v0  }
0x33: {  	[smem:$0x7E1] =	sst s2;
	[tilespmem:s0+$0xA260] =	vst v0;
	s1 =	simm.s32 $0xA200  }
0x34: {  	[spmem:s24] =	stream.linear.scatter [tilespmem:s1], [sflag:$0x9], $0x1400, $0x38;
	[tilespmem:$0x1EF00] =	vst v63  }
0x35: {  	_ =	swait.ge [sflag:s3], $0x1400  }
0x36: {  	s25 =	sld [smem:$0x7E2]  }
0x37: {  	[sflag:s3] =	ssyncset.done $0x0  }
0x38: {  	[sflag:s3] =	ssyncadd.s32 $0xFFFFEC00  }
0x39: {  	[spmem:s25] =	stream.linear.scatter [tilespmem:s1], [sflag:$0x9], $0x1400, $0x38;
	[tilespmem:$0x1EF00] =	vst v63  }
0x3a: {  	_ =	swait.ge [sflag:s3], $0x1400  }
0x3b: {  	s26 =	sld [smem:$0x7E3]  }
0x3c: {  	[sflag:s3] =	ssyncset.done $0x0  }
0x3d: {  	[sflag:s3] =	ssyncadd.s32 $0xFFFFEC00  }
0x3e: {  	[spmem:s26] =	stream.linear.scatter [tilespmem:s1], [sflag:$0x9], $0x1400, $0x38;
	[tilespmem:$0x1EF00] =	vst v63  }
0x3f: {  	_ =	swait.ge [sflag:s3], $0x1400  }
0x40: {  	s28 =	sld [smem:$0x7E4]  }
0x41: {  	[sflag:s3] =	ssyncset.done $0x0  }
0x42: {  	[sflag:s3] =	ssyncadd.s32 $0xFFFFEC00  }
0x43: {  	[spmem:s28] =	stream.linear.scatter [tilespmem:s1], [sflag:$0x9], $0x1400, $0x38;
	[tilespmem:$0x1EF00] =	vst v63  }
0x44: {  	_ =	swait.ge [sflag:s3], $0x1400  }
0x45: {  	s29 =	sld [smem:$0x7E5]  }
0x46: {  	[sflag:s3] =	ssyncset.done $0x0  }
0x47: {  	[sflag:s3] =	ssyncadd.s32 $0xFFFFEC00  }
0x48: {  	[spmem:s29] =	stream.linear.scatter [tilespmem:s1], [sflag:$0x9], $0x1400, $0x38;
	[tilespmem:$0x1EF00] =	vst v63  }
0x49: {  	_ =	swait.ge [sflag:s3], $0x1400  }
0x4a: {  	s30 =	sld [smem:$0x7E6]  }
0x4b: {  	[sflag:s3] =	ssyncset.done $0x0  }
0x4c: {  	[sflag:s3] =	ssyncadd.s32 $0xFFFFEC00  }
0x4d: {  	[spmem:s30] =	stream.linear.scatter [tilespmem:s1], [sflag:$0x9], $0x1400, $0x38;
	[tilespmem:$0x1EF00] =	vst v63  }
0x4e: {  	_ =	swait.ge [sflag:s3], $0x1400  }
0x4f: {  	s31 =	sld [smem:$0x7E7]  }
0x50: {  	[sflag:s3] =	ssyncset.done $0x0  }
0x51: {  	[sflag:s3] =	ssyncadd.s32 $0xFFFFEC00  }
0x52: {  	[spmem:s31] =	stream.linear.scatter [tilespmem:s1], [sflag:$0x9], $0x1400, $0x38;
	[tilespmem:$0x1EF00] =	vst v63  }
0x53: {  	_ =	swait.ge [sflag:s3], $0x1400  }
0x54: {  	s2 =	sld [smem:$0x7E8]  }
0x55: {  	[sflag:s3] =	ssyncset.done $0x0  }
0x56: {  	[sflag:s3] =	ssyncadd.s32 $0xFFFFEC00  }
0x57: {  	[spmem:s2] =	stream.linear.scatter [tilespmem:s1], [sflag:$0x9], $0x1400, $0x38;
	[tilespmem:$0x1EF00] =	vst v63  }
0x58: {  	_ =	swait.ge [sflag:s3], $0x1400  }
0x59: {  	s5 =	sld [smem:$0x7E9]  }
0x5a: {  	[sflag:s3] =	ssyncset.done $0x0  }
0x5b: {  	[sflag:s3] =	ssyncadd.s32 $0xFFFFEC00  }
0x5c: {  	[spmem:s5] =	stream.linear.scatter [tilespmem:s1], [sflag:$0x9], $0x1400, $0x38;
	[tilespmem:$0x1EF00] =	vst v63  }
0x5d: {  	_ =	swait.ge [sflag:s3], $0x1400  }
0x5e: {  	s6 =	sld [smem:$0x7F6]  }
0x5f: {  	[sflag:s3] =	ssyncset.done $0x0  }
0x60: {  	[sflag:s3] =	ssyncadd.s32 $0xFFFFEC00  }
0x61: {  	[spmem:s6] =	stream.linear.scatter [tilespmem:s1], [sflag:$0x9], $0x1400, $0x38;
	[tilespmem:$0x1EF00] =	vst v63  }
0x62: {  	_ =	swait.ge [sflag:s3], $0x1400  }
0x63: {  	s7 =	sld [smem:$0x7F7]  }
0x64: {  	[sflag:s3] =	ssyncset.done $0x0  }
0x65: {  	[sflag:s3] =	ssyncadd.s32 $0xFFFFEC00  }
0x66: {  	[spmem:s7] =	stream.linear.scatter [tilespmem:s1], [sflag:$0x9], $0x1400, $0x38;
	[tilespmem:$0x1EF00] =	vst v63  }
0x67: {  	_ =	swait.ge [sflag:s3], $0x1400  }
0x68: {  	s8 =	sld [smem:$0x7F8]  }
0x69: {  	[sflag:s3] =	ssyncset.done $0x0  }
0x6a: {  	[sflag:s3] =	ssyncadd.s32 $0xFFFFEC00  }
0x6b: {  	[spmem:s8] =	stream.linear.scatter [tilespmem:s1], [sflag:$0x9], $0x1400, $0x38;
	[tilespmem:$0x1EF00] =	vst v63  }
0x6c: {  	_ =	swait.ge [sflag:s3], $0x1400  }
0x6d: {  	s9 =	sld [smem:$0x7F9]  }
0x6e: {  	[sflag:s3] =	ssyncset.done $0x0  }
0x6f: {  	[sflag:s3] =	ssyncadd.s32 $0xFFFFEC00  }
0x70: {  	[spmem:s9] =	stream.linear.scatter [tilespmem:s1], [sflag:$0x9], $0x1400, $0x38;
	[tilespmem:$0x1EF00] =	vst v63  }
0x71: {  	_ =	swait.ge [sflag:s3], $0x1400  }
0x72: {  	s10 =	sld [smem:$0x7FA]  }
0x73: {  	[sflag:s3] =	ssyncset.done $0x0  }
0x74: {  	[sflag:s3] =	ssyncadd.s32 $0xFFFFEC00  }
0x75: {  	[spmem:s10] =	stream.linear.scatter [tilespmem:s1], [sflag:$0x9], $0x1400, $0x38;
	[tilespmem:$0x1EF00] =	vst v63  }
0x76: {  	_ =	swait.ge [sflag:s3], $0x1400  }
0x77: {  	s11 =	sld [smem:$0x7FB]  }
0x78: {  	[sflag:s3] =	ssyncset.done $0x0  }
0x79: {  	[sflag:s3] =	ssyncadd.s32 $0xFFFFEC00  }
0x7a: {  	[spmem:s11] =	stream.linear.scatter [tilespmem:s1], [sflag:$0x9], $0x1400, $0x38;
	[tilespmem:$0x1EF00] =	vst v63  }
0x7b: {  	_ =	swait.ge [sflag:s3], $0x1400  }
0x7c: {  	s12 =	sld [smem:$0x7FD]  }
0x7d: {  	[sflag:s3] =	ssyncset.done $0x0  }
0x7e: {  	[sflag:s3] =	ssyncadd.s32 $0xFFFFEC00  }
0x7f: {  	[spmem:s12] =	stream.linear.scatter [tilespmem:s1], [sflag:$0x9], $0xC80, $0x38;
	[tilespmem:$0x1EF00] =	vst v63  }
0x80: {  	_ =	swait.ge [sflag:s3], $0xC80  }
0x81: {  	[sflag:s3] =	ssyncset.done $0x0  }
0x82: {  	[sflag:s3] =	ssyncadd.s32 $0xFFFFF380  }
0x83: {  	[bflag:$0x0] =	sbarrier.arrive $0xFFFF  }
0x84: {  	s14 =	sld [smem:$0x7EA];
	_ =	sdelay $0x1  }
0x85: {  	s13 =	simm.s32 $0x0;
	s15 =	simm.s32 $0xB600  }
0x86: {  	[tilespmem:s15], [sflag:$0x9] =	stream.linear.gather [hbm4b:s14+s13], $0x80, $0x38;
	[tilespmem:$0x1EF00] =	vst v63  }
0x87: {  	_ =	swait.ge [sflag:s3], $0x80  }
0x88: {  	[sflag:s3] =	ssyncset.done $0x0  }
0x89: {  	[sflag:s3] =	ssyncadd.s32 $0xFFFFFF80  }
0x8a: {  	v3 =	vld [tilespmem:$0xB600]  }
0x8b: {  	v4 =	vld [tilespmem:$0xB610]  }
0x8c: {  	v5 =	vld [tilespmem:$0xB620]  }
0x8d: {  	v6 =	vld [tilespmem:$0xB630]  }
0x8e: {  	s16 =	sld [smem:$0x7EC];
	v7 =	vld [tilespmem:$0xB640]  }
0x8f: {  	v8 =	vld [tilespmem:$0xB650]  }
0x90: {  	s17 =	sld [smem:$0x7ED];
	v9 =	vld [tilespmem:$0xB660]  }
0x91: {  	v10 =	vld [tilespmem:$0xB670];
	[tilespmem:s13], [sflag:$0x7] =	stream.linear.gather [hbm4b:s16+s13], $0x28, $0x38  }
0x92: {  	s18 =	simm.s32 $0x80;
	s19 =	simm.s32 $0x7  }
0x93: {  	[tilespmem:s18], [sflag:$0x8] =	stream.linear.gather [hbm4b:s17+s13], $0x28, $0x38;
	[tilespmem:$0x1EF00] =	vst v63  }
0x94: {  	_ =	swait.ge [sflag:s19], $0x28  }
0x95: {  	[sflag:s19] =	ssyncset.done $0x0  }
0x96: {  	[sflag:s19] =	ssyncadd.s32 $0xFFFFFFD8  }
0x97: {  	_ =	swait.ge [sflag:s4], $0x28  }
0x98: {  	[sflag:s4] =	ssyncset.done $0x0  }
0x99: {  	[sflag:s4] =	ssyncadd.s32 $0xFFFFFFD8  }
0x9a: {  	v11 =	vld.msk [tilespmem:$0x0], $0xff;
	_ =	sdelay $0x4  }
0x9b: {  	v12 =	vshll.u32 v11, $0x1  }
0x9c: {  	v11 =	vand.u32 $0x7, v11;
	v12 =	vand.u32 $0xFFFFFFF0, v12  }
0x9d: {  	v11 =	vor.u32 v11, v12  }
0x9e: {  	v11 =	vperm.xlane v11, v1;
	_ =	sdelay $0x1  }
0x9f: {  	v11 =	vadd.s32 v2, v11;
	_ =	sdelay $0x1  }
0xa0: {  	s20 =	sld [smem:$0x7F2];
	_ =	sdelay $0x1  }
0xa1: {  	s21 =	simm.s32 $0x200  }
0xa2: {  	[tilespmem:s21], [sflag:$0x1] =	stream.indirect_vreg.gather [hbm4b:s20+s13], $0x80, v11, vm0, $0xb8;
	[tilespmem:$0x1EF00] =	vst v63  }
0xa3: {  	v11 =	vld.msk [tilespmem:$0x80], $0xff;
	_ =	sdelay $0x4  }
0xa4: {  	v55 =	vshll.u32 v11, $0x1  }
0xa5: {  	v11 =	vand.u32 $0x7, v11;
	v12 =	vand.u32 $0xFFFFFFF0, v55  }
0xa6: {  	v11 =	vor.u32 v11, v12  }
0xa7: {  	v11 =	vperm.xlane v11, v1;
	_ =	sdelay $0x1  }
0xa8: {  	v11 =	vadd.s32 v2, v11;
	_ =	sdelay $0x3  }
0xa9: {  	s22 =	simm.s32 $0x2A00  }
0xaa: {  	[tilespmem:s22], [sflag:$0x2] =	stream.indirect_vreg.gather [hbm4b:s20+s13], $0x80, v11, vm0, $0xb8;
	[tilespmem:$0x1EF00] =	vst v63  }
0xab: {  	v11 =	vld.msk [tilespmem:$0x8], $0xff;
	_ =	sdelay $0x4  }
0xac: {  	v56 =	vshll.u32 v11, $0x1  }
0xad: {  	v11 =	vand.u32 $0x7, v11;
	v12 =	vand.u32 $0xFFFFFFF0, v56  }
0xae: {  	v11 =	vor.u32 v11, v12  }
0xaf: {  	v11 =	vperm.xlane v11, v1;
	_ =	sdelay $0x1  }
0xb0: {  	v11 =	vadd.s32 v2, v11;
	_ =	sdelay $0x3  }
0xb1: {  	s23 =	simm.s32 $0xA00  }
0xb2: {  	[tilespmem:s23], [sflag:$0x1] =	stream.indirect_vreg.gather [hbm4b:s20+s13], $0x80, v11, vm0, $0xb8;
	[tilespmem:$0x1EF00] =	vst v63  }
0xb3: {  	v11 =	vld.msk [tilespmem:$0x88], $0xff;
	_ =	sdelay $0x4  }
0xb4: {  	v57 =	vshll.u32 v11, $0x1  }
0xb5: {  	v11 =	vand.u32 $0x7, v11;
	v12 =	vand.u32 $0xFFFFFFF0, v57  }
0xb6: {  	v11 =	vor.u32 v11, v12  }
0xb7: {  	v11 =	vperm.xlane v11, v1;
	_ =	sdelay $0x1  }
0xb8: {  	v11 =	vadd.s32 v2, v11;
	_ =	sdelay $0x3  }
0xb9: {  	s24 =	simm.s32 $0x3200  }
0xba: {  	[tilespmem:s24], [sflag:$0x2] =	stream.indirect_vreg.gather [hbm4b:s20+s13], $0x80, v11, vm0, $0xb8;
	[tilespmem:$0x1EF00] =	vst v63  }
0xbb: {  	v11 =	vld.msk [tilespmem:$0x10], $0xff;
	_ =	sdelay $0x4  }
0xbc: {  	v58 =	vshll.u32 v11, $0x1  }
0xbd: {  	v11 =	vand.u32 $0x7, v11;
	v12 =	vand.u32 $0xFFFFFFF0, v58  }
0xbe: {  	v11 =	vor.u32 v11, v12  }
0xbf: {  	v11 =	vperm.xlane v11, v1;
	_ =	sdelay $0x1  }
0xc0: {  	v11 =	vadd.s32 v2, v11;
	_ =	sdelay $0x3  }
0xc1: {  	s25 =	simm.s32 $0x1200  }
0xc2: {  	[tilespmem:s25], [sflag:$0x1] =	stream.indirect_vreg.gather [hbm4b:s20+s13], $0x80, v11, vm0, $0xb8;
	[tilespmem:$0x1EF00] =	vst v63  }
0xc3: {  	v11 =	vld.msk [tilespmem:$0x90], $0xff;
	_ =	sdelay $0x4  }
0xc4: {  	v59 =	vshll.u32 v11, $0x1  }
0xc5: {  	v11 =	vand.u32 $0x7, v11;
	v12 =	vand.u32 $0xFFFFFFF0, v59  }
0xc6: {  	v11 =	vor.u32 v11, v12  }
0xc7: {  	v11 =	vperm.xlane v11, v1;
	_ =	sdelay $0x1  }
0xc8: {  	v11 =	vadd.s32 v2, v11;
	_ =	sdelay $0x3  }
0xc9: {  	s26 =	simm.s32 $0x3A00  }
0xca: {  	[tilespmem:s26], [sflag:$0x2] =	stream.indirect_vreg.gather [hbm4b:s20+s13], $0x80, v11, vm0, $0xb8;
	[tilespmem:$0x1EF00] =	vst v63  }
0xcb: {  	v11 =	vld.msk [tilespmem:$0x18], $0xff;
	_ =	sdelay $0x4  }
0xcc: {  	v60 =	vshll.u32 v11, $0x1  }
0xcd: {  	v11 =	vand.u32 $0x7, v11;
	v12 =	vand.u32 $0xFFFFFFF0, v60  }
0xce: {  	v11 =	vor.u32 v11, v12  }
0xcf: {  	v11 =	vperm.xlane v11, v1;
	_ =	sdelay $0x1  }
0xd0: {  	v11 =	vadd.s32 v2, v11;
	_ =	sdelay $0x3  }
0xd1: {  	s28 =	simm.s32 $0x1A00  }
0xd2: {  	[tilespmem:s28], [sflag:$0x1] =	stream.indirect_vreg.gather [hbm4b:s20+s13], $0x80, v11, vm0, $0xb8;
	[tilespmem:$0x1EF00] =	vst v63  }
0xd3: {  	v11 =	vld.msk [tilespmem:$0x98], $0xff;
	_ =	sdelay $0x4  }
0xd4: {  	v61 =	vshll.u32 v11, $0x1  }
0xd5: {  	v11 =	vand.u32 $0x7, v11;
	v12 =	vand.u32 $0xFFFFFFF0, v61  }
0xd6: {  	v11 =	vor.u32 v11, v12  }
0xd7: {  	v11 =	vperm.xlane v11, v1;
	_ =	sdelay $0x1  }
0xd8: {  	v11 =	vadd.s32 v2, v11;
	_ =	sdelay $0x3  }
0xd9: {  	s29 =	simm.s32 $0x4200  }
0xda: {  	[tilespmem:s29], [sflag:$0x2] =	stream.indirect_vreg.gather [hbm4b:s20+s13], $0x80, v11, vm0, $0xb8;
	[tilespmem:$0x1EF00] =	vst v63  }
0xdb: {  	v11 =	vld.msk [tilespmem:$0x20], $0xff;
	_ =	sdelay $0x4  }
0xdc: {  	v62 =	vshll.u32 v11, $0x1  }
0xdd: {  	v11 =	vand.u32 $0x7, v11;
	v12 =	vand.u32 $0xFFFFFFF0, v62  }
0xde: {  	v11 =	vor.u32 v11, v12  }
0xdf: {  	v11 =	vperm.xlane v11, v1;
	_ =	sdelay $0x1  }
0xe0: {  	v11 =	vadd.s32 v2, v11;
	_ =	sdelay $0x3  }
0xe1: {  	s30 =	simm.s32 $0x2200  }
0xe2: {  	[tilespmem:s30], [sflag:$0x1] =	stream.indirect_vreg.gather [hbm4b:s20+s13], $0x80, v11, vm0, $0xb8;
	[tilespmem:$0x1EF00] =	vst v63  }
0xe3: {  	v11 =	vld.msk [tilespmem:$0xA0], $0xff;
	_ =	sdelay $0x4  }
0xe4: {  	v63 =	vshll.u32 v11, $0x1  }
0xe5: {  	v11 =	vand.u32 $0x7, v11;
	v12 =	vand.u32 $0xFFFFFFF0, v63  }
0xe6: {  	v11 =	vor.u32 v11, v12  }
0xe7: {  	v11 =	vperm.xlane v11, v1;
	_ =	sdelay $0x1  }
0xe8: {  	v11 =	vadd.s32 v2, v11;
	_ =	sdelay $0x3  }
0xe9: {  	s31 =	simm.s32 $0x4A00;
	s1 =	simm.s32 $0x0  }
0xea: {  	[tilespmem:s31], [sflag:$0x2] =	stream.indirect_vreg.gather [hbm4b:s20+s13], $0x80, v11, vm0, $0xb8;
	[tilespmem:$0x1EF00] =	vst v63  }
.LBB2_4:
0xeb: {  	s0 =	sld [smem:$0x7EE]  }
0xec: {  	s3 =	smul.u32 $0x50, s1  }
0xed: {  	s5 =	sld [smem:$0x7EB]  }
0xee: {  	[smem:$0x7DF] =	sst s1;
	s0 =	sadd.s32 s3, s0  }
0xef: {  	s2 =	simm.s32 $0x100;
	s6 =	rddreg [dreg:$0x1];
	s0 =	sshrl.u32 s0, $0x3  }
0xf0: {  	s7 =	simm.s32 $0x180;
	s1 =	sadd.s32 s5, s0;
	s5 =	simm.s32 $0x0  }
0xf1: {  	[tilespmem:s2], [sflag:$0x7] =	stream.linear.gather [hbm4b:s1+s5], $0x28, $0x38;
	[tilespmem:$0x1EF00] =	vst v63  }
0xf2: {  	s8 =	simm.s32 $0x7;
	[smem:$0x7E0] =	sst s3;
	s1 =	sadd.s32 s6, s0  }
0xf3: {  	[tilespmem:s7], [sflag:$0x8] =	stream.linear.gather [hbm4b:s1+s5], $0x28, $0x38;
	[tilespmem:$0x1EF00] =	vst v63  }
0xf4: {  	_ =	swait.ge [sflag:s8], $0x28  }
0xf5: {  	[sflag:s8] =	ssyncset.done $0x0  }
0xf6: {  	[sflag:s8] =	ssyncadd.s32 $0xFFFFFFD8  }
0xf7: {  	_ =	swait.ge [sflag:s4], $0x28  }
0xf8: {  	[sflag:s4] =	ssyncset.done $0x0  }
0xf9: {  	[sflag:s4] =	ssyncadd.s32 $0xFFFFFFD8  }
0xfa: {  	v11 =	vld.msk [tilespmem:$0x100], $0xff;
	_ =	sdelay $0x4  }
0xfb: {  	v12 =	vshll.u32 v11, $0x1  }
0xfc: {  	v11 =	vand.u32 $0x7, v11;
	v12 =	vand.u32 $0xFFFFFFF0, v12  }
0xfd: {  	v11 =	vor.u32 v11, v12  }
0xfe: {  	v11 =	vperm.xlane v11, v1;
	_ =	sdelay $0x1  }
0xff: {  	v11 =	vadd.s32 v2, v11;
	_ =	sdelay $0x1  }
0x100: {  	s9 =	sld [smem:$0x7F2];
	_ =	sdelay $0x1  }
0x101: {  	s10 =	simm.s32 $0x5200  }
0x102: {  	[tilespmem:s10], [sflag:$0x3] =	stream.indirect_vreg.gather [hbm4b:s9+s5], $0x80, v11, vm0, $0xb8;
	[tilespmem:$0x1EF00] =	vst v63  }
0x103: {  	v11 =	vld.msk [tilespmem:$0x180], $0xff;
	_ =	sdelay $0x4  }
0x104: {  	v12 =	vshll.u32 v11, $0x1  }
0x105: {  	v11 =	vand.u32 $0x7, v11;
	v12 =	vand.u32 $0xFFFFFFF0, v12  }
0x106: {  	v11 =	vor.u32 v11, v12  }
0x107: {  	v11 =	vperm.xlane v11, v1;
	_ =	sdelay $0x1  }
0x108: {  	v11 =	vadd.s32 v2, v11;
	_ =	sdelay $0x3  }
0x109: {  	s11 =	simm.s32 $0x7A00  }
0x10a: {  	[tilespmem:s11], [sflag:$0x4] =	stream.indirect_vreg.gather [hbm4b:s9+s5], $0x80, v11, vm0, $0xb8;
	[tilespmem:$0x1EF00] =	vst v63  }
0x10b: {  	v11 =	vld.msk [tilespmem:$0x108], $0xff;
	_ =	sdelay $0x4  }
0x10c: {  	v12 =	vshll.u32 v11, $0x1  }
0x10d: {  	v11 =	vand.u32 $0x7, v11;
	v12 =	vand.u32 $0xFFFFFFF0, v12  }
0x10e: {  	v11 =	vor.u32 v11, v12  }
0x10f: {  	v11 =	vperm.xlane v11, v1;
	_ =	sdelay $0x1  }
0x110: {  	v11 =	vadd.s32 v2, v11;
	_ =	sdelay $0x3  }
0x111: {  	s12 =	simm.s32 $0x5A00  }
0x112: {  	[tilespmem:s12], [sflag:$0x3] =	stream.indirect_vreg.gather [hbm4b:s9+s5], $0x80, v11, vm0, $0xb8;
	[tilespmem:$0x1EF00] =	vst v63  }
0x113: {  	v11 =	vld.msk [tilespmem:$0x188], $0xff;
	_ =	sdelay $0x4  }
0x114: {  	v12 =	vshll.u32 v11, $0x1  }
0x115: {  	v11 =	vand.u32 $0x7, v11;
	v12 =	vand.u32 $0xFFFFFFF0, v12  }
0x116: {  	v11 =	vor.u32 v11, v12  }
0x117: {  	v11 =	vperm.xlane v11, v1;
	_ =	sdelay $0x1  }
0x118: {  	v11 =	vadd.s32 v2, v11;
	_ =	sdelay $0x3  }
0x119: {  	s13 =	simm.s32 $0x8200  }
0x11a: {  	[tilespmem:s13], [sflag:$0x4] =	stream.indirect_vreg.gather [hbm4b:s9+s5], $0x80, v11, vm0, $0xb8;
	[tilespmem:$0x1EF00] =	vst v63  }
0x11b: {  	v11 =	vld.msk [tilespmem:$0x110], $0xff;
	_ =	sdelay $0x4  }
0x11c: {  	v12 =	vshll.u32 v11, $0x1  }
0x11d: {  	v11 =	vand.u32 $0x7, v11;
	v12 =	vand.u32 $0xFFFFFFF0, v12  }
0x11e: {  	v11 =	vor.u32 v11, v12  }
0x11f: {  	v11 =	vperm.xlane v11, v1;
	_ =	sdelay $0x1  }
0x120: {  	v11 =	vadd.s32 v2, v11;
	_ =	sdelay $0x3  }
0x121: {  	s14 =	simm.s32 $0x6200  }
0x122: {  	[tilespmem:s14], [sflag:$0x3] =	stream.indirect_vreg.gather [hbm4b:s9+s5], $0x80, v11, vm0, $0xb8;
	[tilespmem:$0x1EF00] =	vst v63  }
0x123: {  	v11 =	vld.msk [tilespmem:$0x190], $0xff;
	_ =	sdelay $0x4  }
0x124: {  	v12 =	vshll.u32 v11, $0x1  }
0x125: {  	v11 =	vand.u32 $0x7, v11;
	v12 =	vand.u32 $0xFFFFFFF0, v12  }
0x126: {  	v11 =	vor.u32 v11, v12  }
0x127: {  	v11 =	vperm.xlane v11, v1;
	_ =	sdelay $0x1  }
0x128: {  	v11 =	vadd.s32 v2, v11;
	_ =	sdelay $0x3  }
0x129: {  	s15 =	simm.s32 $0x8A00  }
0x12a: {  	[tilespmem:s15], [sflag:$0x4] =	stream.indirect_vreg.gather [hbm4b:s9+s5], $0x80, v11, vm0, $0xb8;
	[tilespmem:$0x1EF00] =	vst v63  }
0x12b: {  	v11 =	vld.msk [tilespmem:$0x118], $0xff;
	_ =	sdelay $0x4  }
0x12c: {  	v12 =	vshll.u32 v11, $0x1  }
0x12d: {  	v11 =	vand.u32 $0x7, v11;
	v12 =	vand.u32 $0xFFFFFFF0, v12  }
0x12e: {  	v11 =	vor.u32 v11, v12  }
0x12f: {  	v11 =	vperm.xlane v11, v1;
	_ =	sdelay $0x1  }
0x130: {  	v11 =	vadd.s32 v2, v11;
	_ =	sdelay $0x3  }
0x131: {  	s16 =	simm.s32 $0x6A00  }
0x132: {  	[tilespmem:s16], [sflag:$0x3] =	stream.indirect_vreg.gather [hbm4b:s9+s5], $0x80, v11, vm0, $0xb8;
	[tilespmem:$0x1EF00] =	vst v63  }
0x133: {  	v11 =	vld.msk [tilespmem:$0x198], $0xff;
	_ =	sdelay $0x4  }
0x134: {  	v12 =	vshll.u32 v11, $0x1  }
0x135: {  	v11 =	vand.u32 $0x7, v11;
	v12 =	vand.u32 $0xFFFFFFF0, v12  }
0x136: {  	v11 =	vor.u32 v11, v12  }
0x137: {  	v11 =	vperm.xlane v11, v1;
	_ =	sdelay $0x1  }
0x138: {  	v11 =	vadd.s32 v2, v11;
	_ =	sdelay $0x3  }
0x139: {  	s17 =	simm.s32 $0x9200  }
0x13a: {  	[tilespmem:s17], [sflag:$0x4] =	stream.indirect_vreg.gather [hbm4b:s9+s5], $0x80, v11, vm0, $0xb8;
	[tilespmem:$0x1EF00] =	vst v63  }
0x13b: {  	v11 =	vld.msk [tilespmem:$0x120], $0xff;
	_ =	sdelay $0x4  }
0x13c: {  	v12 =	vshll.u32 v11, $0x1  }
0x13d: {  	v11 =	vand.u32 $0x7, v11;
	v12 =	vand.u32 $0xFFFFFFF0, v12  }
0x13e: {  	v11 =	vor.u32 v11, v12  }
0x13f: {  	v11 =	vperm.xlane v11, v1;
	_ =	sdelay $0x1  }
0x140: {  	v11 =	vadd.s32 v2, v11;
	_ =	sdelay $0x3  }
0x141: {  	s18 =	simm.s32 $0x7200  }
0x142: {  	[tilespmem:s18], [sflag:$0x3] =	stream.indirect_vreg.gather [hbm4b:s9+s5], $0x80, v11, vm0, $0xb8;
	[tilespmem:$0x1EF00] =	vst v63  }
0x143: {  	v11 =	vld.msk [tilespmem:$0x1A0], $0xff;
	_ =	sdelay $0x4  }
0x144: {  	v12 =	vshll.u32 v11, $0x1  }
0x145: {  	v11 =	vand.u32 $0x7, v11;
	v12 =	vand.u32 $0xFFFFFFF0, v12  }
0x146: {  	v11 =	vor.u32 v11, v12  }
0x147: {  	v11 =	vperm.xlane v11, v1;
	_ =	sdelay $0x1  }
0x148: {  	v11 =	vadd.s32 v2, v11;
	_ =	sdelay $0x3  }
0x149: {  	s19 =	simm.s32 $0x9A00;
	s20 =	simm.s32 $0x1  }
0x14a: {  	[tilespmem:s19], [sflag:$0x4] =	stream.indirect_vreg.gather [hbm4b:s9+s5], $0x80, v11, vm0, $0xb8;
	[tilespmem:$0x1EF00] =	vst v63  }
0x14b: {  	_ =	swait.ge [sflag:s20], $0x800  }
0x14c: {  	[sflag:s20] =	ssyncset.done $0x0  }
0x14d: {  	s3 =	simm.s32 $0x2;
	[sflag:s20] =	ssyncadd.s32 $0xFFFFF800  }
0x14e: {  	_ =	swait.ge [sflag:s3], $0x800  }
0x14f: {  	[sflag:s3] =	ssyncset.done $0x0  }
0x150: {  	[sflag:s3] =	ssyncadd.s32 $0xFFFFF800  }
0x151: {  	_ =	swait.ge [sflag:s20], $0x800  }
0x152: {  	[sflag:s20] =	ssyncset.done $0x0  }
0x153: {  	[sflag:s20] =	ssyncadd.s32 $0xFFFFF800  }
0x154: {  	_ =	swait.ge [sflag:s3], $0x800  }
0x155: {  	[sflag:s3] =	ssyncset.done $0x0  }
0x156: {  	[sflag:s3] =	ssyncadd.s32 $0xFFFFF800  }
0x157: {  	_ =	swait.ge [sflag:s20], $0x800  }
0x158: {  	[sflag:s20] =	ssyncset.done $0x0  }
0x159: {  	[sflag:s20] =	ssyncadd.s32 $0xFFFFF800  }
0x15a: {  	_ =	swait.ge [sflag:s3], $0x800  }
0x15b: {  	[sflag:s3] =	ssyncset.done $0x0  }
0x15c: {  	[sflag:s3] =	ssyncadd.s32 $0xFFFFF800  }
0x15d: {  	_ =	swait.ge [sflag:s20], $0x800  }
0x15e: {  	[sflag:s20] =	ssyncset.done $0x0  }
0x15f: {  	[sflag:s20] =	ssyncadd.s32 $0xFFFFF800  }
0x160: {  	_ =	swait.ge [sflag:s3], $0x800  }
0x161: {  	[sflag:s3] =	ssyncset.done $0x0  }
0x162: {  	[sflag:s3] =	ssyncadd.s32 $0xFFFFF800  }
0x163: {  	_ =	swait.ge [sflag:s20], $0x800  }
0x164: {  	[sflag:s20] =	ssyncset.done $0x0  }
0x165: {  	s21 =	sand.u32 $0x7, s5;
	s22 =	sand.u32 $0x3800, s5;
	[sflag:s20] =	ssyncadd.s32 $0xFFFFF800  }
0x166: {  	s0 =	sand.u32 $0x380, s7;
	s1 =	sshll.u32 s21, $0x7;
	_ =	swait.ge [sflag:s3], $0x800  }
0x167: {  	s2 =	sor.u32 $0x200, s22;
	s1 =	sadd.s32 $0x0, s1;
	[sflag:s3] =	ssyncset.done $0x0  }
0x168: {  	s6 =	sadd.s32 s0, s2;
	s12 =	sadd.s32 $0x180, s1;
	[sflag:s3] =	ssyncadd.s32 $0xFFFFF800  }
0x169: {  	s23 =	sor.u32 $0x400, s12;
	v11 =	vld [tilespmem:s6+$0x0]  }
0x16a: {  	p1 =	por $0x0, $0x0;
	s3 =	simm.s32 $0x1;
	v12 =	vld [tilespmem:s23+$0x2A00]  }
0x16b: {  	s3 =	simm.s32 @!p1 $0x0  }
0x16c: {  	s24 =	sshll.u32 s3, $0x9  }
0x16d: {  	s25 =	simm.s32 $0x0;
	s4 =	sadd.s32 $0x0, s24  }
0x16e: {  	s26 =	sand.u32 $0x200, s25;
	s29 =	sor.u32 $0x400, s4  }
0x16f: {  	s25 =	sadd.s32 s26, s2;
	v13 =	vld [tilespmem:s29+$0x2A00];
	v11 =	vadd.f32 v12, v11  }
0x170: {  	v12 =	vld [tilespmem:s25+$0x0]  }
0x171: {  	s31 =	simm.s32 $0x80;
	s10 =	sadd.s32 $0x80, s1;
	v11 =	vmax.f32 v11, $0.0e+00  }
0x172: {  	s0 =	sand.u32 $0x280, s31;
	s3 =	sand.u32 $0x3, s5;
	s5 =	sor.u32 $0x400, s10;
	v11 =	vadd.f32 v11, v3  }
0x173: {  	s21 =	simm.s32 $0xA300;
	s1 =	sshll.u32 s3, $0x8;
	v14 =	vld [tilespmem:s5+$0x2A00];
	s3 =	sadd.s32 s0, s2  }
0x174: {  	s8 =	simm.s32 $0x100;
	v15 =	vld [tilespmem:s3+$0x0];
	[tilespmem:s21+$0x80] =	vst v11  }
0x175: {  	s9 =	sor.u32 $0x410, s12;
	s7 =	sadd.s32 $0x0, s1;
	s1 =	sand.u32 $0x300, s8;
	v11 =	vadd.f32 v13, v12;
	v12 =	vld [tilespmem:s6+$0x10]  }
0x176: {  	s5 =	sadd.s32 $0x100, s7;
	s7 =	sadd.s32 s1, s2;
	v13 =	vld [tilespmem:s9+$0x2A00]  }
0x177: {  	s8 =	sor.u32 $0x400, s5;
	v17 =	vld [tilespmem:s7+$0x0];
	v11 =	vmax.f32 v11, $0.0e+00  }
0x178: {  	v16 =	vld [tilespmem:s8+$0x2A00];
	v11 =	vadd.f32 v11, v3  }
0x179: {  	v14 =	vadd.f32 v14, v15  }
0x17a: {  	[tilespmem:s21+$0xFFFFFF00] =	vst v11  }
0x17b: {  	s11 =	sor.u32 $0x410, s4;
	v11 =	vmax.f32 v14, $0.0e+00;
	v14 =	vld [tilespmem:s25+$0x10];
	v12 =	vadd.f32 v13, v12  }
0x17c: {  	v11 =	vadd.f32 v11, v3;
	v13 =	vld [tilespmem:s11+$0x2A00]  }
0x17d: {  	v15 =	vadd.f32 v16, v17;
	v12 =	vmax.f32 v12, $0.0e+00  }
0x17e: {  	[tilespmem:s21+$0xFFFFFF80] =	vst v11;
	v11 =	vadd.f32 v12, v4  }
0x17f: {  	v12 =	vmax.f32 v15, $0.0e+00  }
0x180: {  	v12 =	vadd.f32 v12, v3;
	[tilespmem:s21+$0x90] =	vst v11  }
0x181: {  	s14 =	sor.u32 $0x420, s12;
	v11 =	vadd.f32 v13, v14;
	v13 =	vld [tilespmem:s6+$0x20]  }
0x182: {  	[tilespmem:s21+$0x0] =	vst v12;
	v12 =	vld [tilespmem:s14+$0x2A00];
	_ =	sdelay $0x1  }
0x183: {  	s13 =	sor.u32 $0x410, s10;
	v15 =	vld [tilespmem:s3+$0x10];
	v11 =	vmax.f32 v11, $0.0e+00  }
0x184: {  	v16 =	vld [tilespmem:s13+$0x2A00];
	v11 =	vadd.f32 v11, v4  }
0x185: {  	s15 =	sor.u32 $0x410, s5;
	v14 =	vld [tilespmem:s7+$0x10]  }
0x186: {  	v17 =	vld [tilespmem:s15+$0x2A00];
	[tilespmem:s21+$0xFFFFFF10] =	vst v11;
	v12 =	vadd.f32 v12, v13  }
0x187: {  	s16 =	sor.u32 $0x420, s4;
	v11 =	vld [tilespmem:s25+$0x20]  }
0x188: {  	v13 =	vld [tilespmem:s16+$0x2A00];
	v12 =	vmax.f32 v12, $0.0e+00  }
0x189: {  	v15 =	vadd.f32 v16, v15;
	v12 =	vadd.f32 v12, v5;
	_ =	sdelay $0x1  }
0x18a: {  	v15 =	vmax.f32 v15, $0.0e+00;
	v14 =	vadd.f32 v17, v14;
	[tilespmem:s21+$0xA0] =	vst v12  }
0x18b: {  	s18 =	sor.u32 $0x430, s12;
	v15 =	vadd.f32 v15, v4;
	v12 =	vld [tilespmem:s6+$0x30]  }
0x18c: {  	v14 =	vmax.f32 v14, $0.0e+00;
	v11 =	vadd.f32 v13, v11;
	v13 =	vld [tilespmem:s18+$0x2A00]  }
0x18d: {  	[tilespmem:s21+$0xFFFFFF90] =	vst v15;
	v14 =	vadd.f32 v14, v4  }
0x18e: {  	s17 =	sor.u32 $0x420, s10;
	v15 =	vld [tilespmem:s3+$0x20];
	v11 =	vmax.f32 v11, $0.0e+00  }
0x18f: {  	v16 =	vld [tilespmem:s17+$0x2A00];
	[tilespmem:s21+$0x10] =	vst v14;
	v11 =	vadd.f32 v11, v5  }
0x190: {  	s19 =	sor.u32 $0x420, s5;
	v14 =	vld [tilespmem:s7+$0x20]  }
0x191: {  	v17 =	vld [tilespmem:s19+$0x2A00];
	[tilespmem:s21+$0xFFFFFF20] =	vst v11;
	v12 =	vadd.f32 v13, v12  }
0x192: {  	s20 =	sor.u32 $0x430, s4;
	v11 =	vld [tilespmem:s25+$0x30]  }
0x193: {  	v13 =	vld [tilespmem:s20+$0x2A00];
	v12 =	vmax.f32 v12, $0.0e+00  }
0x194: {  	v12 =	vadd.f32 v12, v6  }
0x195: {  	v15 =	vadd.f32 v16, v15  }
0x196: {  	[tilespmem:s21+$0xB0] =	vst v12  }
0x197: {  	s23 =	sor.u32 $0x440, s12;
	v15 =	vmax.f32 v15, $0.0e+00;
	v14 =	vadd.f32 v17, v14;
	v12 =	vld [tilespmem:s6+$0x40]  }
0x198: {  	v15 =	vadd.f32 v15, v5;
	v11 =	vadd.f32 v13, v11;
	v13 =	vld [tilespmem:s23+$0x2A00]  }
0x199: {  	v14 =	vmax.f32 v14, $0.0e+00  }
0x19a: {  	[tilespmem:s21+$0xFFFFFFA0] =	vst v15;
	v14 =	vadd.f32 v14, v5;
	v11 =	vmax.f32 v11, $0.0e+00  }
0x19b: {  	s22 =	sor.u32 $0x430, s10;
	s1 =	simm.s32 $0x4;
	v15 =	vld [tilespmem:s3+$0x30];
	v11 =	vadd.f32 v11, v6  }
0x19c: {  	s14 =	sand.u32 $0x7, s1;
	v16 =	vld [tilespmem:s22+$0x2A00];
	[tilespmem:s21+$0x20] =	vst v14  }
0x19d: {  	s26 =	sor.u32 $0x440, s4;
	s24 =	sor.u32 $0x430, s5;
	s0 =	sshll.u32 s14, $0x7;
	v14 =	vld [tilespmem:s7+$0x30];
	[tilespmem:s21+$0xFFFFFF30] =	vst v11;
	v12 =	vadd.f32 v13, v12  }
0x19e: {  	s8 =	simm.s32 $0x380;
	s9 =	simm.s32 $0x400;
	s0 =	sadd.s32 $0x400, s0;
	v11 =	vld [tilespmem:s25+$0x40]  }
0x19f: {  	s11 =	sand.u32 $0x3800, s9;
	s13 =	simm.s32 $0x2;
	s28 =	sadd.s32 $0x180, s0;
	v13 =	vld [tilespmem:s26+$0x2A00];
	v12 =	vmax.f32 v12, $0.0e+00  }
0x1a0: {  	s14 =	sor.u32 $0x200, s11;
	s16 =	sand.u32 $0x380, s8;
	s19 =	sor.u32 $0x400, s28;
	v17 =	vld [tilespmem:s24+$0x2A00];
	v12 =	vadd.f32 v12, v7  }
0x1a1: {  	s18 =	sand.u32 $0x3, s13;
	v19 =	vld [tilespmem:s19+$0x2A00];
	s24 =	sadd.s32 s16, s14  }
0x1a2: {  	s11 =	sshll.u32 s18, $0x8;
	v18 =	vld [tilespmem:s24+$0x0];
	[tilespmem:s21+$0xC0] =	vst v12  }
0x1a3: {  	s15 =	sor.u32 $0x450, s12;
	s11 =	sadd.s32 $0x400, s11;
	v15 =	vadd.f32 v16, v15;
	v12 =	vld [tilespmem:s6+$0x50]  }
0x1a4: {  	s13 =	sadd.s32 $0x80, s0;
	s0 =	sadd.s32 $0x100, s11;
	v11 =	vadd.f32 v13, v11;
	v13 =	vld [tilespmem:s15+$0x2A00]  }
0x1a5: {  	s20 =	simm.s32 $0x200;
	s22 =	sor.u32 $0x400, s0;
	v15 =	vmax.f32 v15, $0.0e+00;
	v14 =	vadd.f32 v17, v14  }
0x1a6: {  	s2 =	sand.u32 $0x200, s20;
	v21 =	vld [tilespmem:s22+$0x2A00];
	s16 =	sor.u32 $0x400, s13;
	v15 =	vadd.f32 v15, v6  }
0x1a7: {  	s22 =	sadd.s32 s2, s14;
	v20 =	vld [tilespmem:s16+$0x2A00];
	v14 =	vmax.f32 v14, $0.0e+00  }
0x1a8: {  	[tilespmem:s21+$0xFFFFFFB0] =	vst v15;
	v18 =	vadd.f32 v19, v18;
	v19 =	vld [tilespmem:s22+$0x0];
	v14 =	vadd.f32 v14, v6  }
0x1a9: {  	p1 =	por !p1, !p1;
	s29 =	sor.u32 $0x440, s10;
	v15 =	vld [tilespmem:s3+$0x40];
	s15 =	simm.s32 $0x1;
	v11 =	vmax.f32 v11, $0.0e+00;
	v12 =	vadd.f32 v13, v12  }
0x1aa: {  	v16 =	vld [tilespmem:s29+$0x2A00];
	[tilespmem:s21+$0x30] =	vst v14;
	s15 =	simm.s32 @!p1 $0x0;
	v11 =	vadd.f32 v11, v7  }
0x1ab: {  	s31 =	sor.u32 $0x440, s5;
	v14 =	vld [tilespmem:s7+$0x40];
	s15 =	sshll.u32 s15, $0x9;
	v12 =	vmax.f32 v12, $0.0e+00  }
0x1ac: {  	v17 =	vld [tilespmem:s31+$0x2A00];
	s11 =	sadd.s32 $0x400, s15;
	[tilespmem:s21+$0xFFFFFF40] =	vst v11;
	v12 =	vadd.f32 v12, v8  }
0x1ad: {  	s23 =	sor.u32 $0x400, s11;
	v11 =	vld [tilespmem:s25+$0x50]  }
0x1ae: {  	v22 =	vld [tilespmem:s23+$0x2A00];
	[tilespmem:s21+$0xD0] =	vst v12  }
0x1af: {  	s26 =	simm.s32 $0x280;
	s31 =	sor.u32 $0x460, s12;
	v12 =	vadd.f32 v16, v15;
	v16 =	vld [tilespmem:s6+$0x60]  }
0x1b0: {  	s17 =	sor.u32 $0x450, s4;
	s2 =	sand.u32 $0x280, s26;
	s29 =	simm.s32 $0x300;
	v15 =	vmax.f32 v18, $0.0e+00;
	v18 =	vld [tilespmem:s31+$0x2A00]  }
0x1b1: {  	s19 =	sadd.s32 s2, s14;
	s15 =	sand.u32 $0x300, s29;
	v13 =	vld [tilespmem:s17+$0x2A00];
	v14 =	vadd.f32 v17, v14;
	v15 =	vadd.f32 v15, v3;
	v12 =	vmax.f32 v12, $0.0e+00  }
0x1b2: {  	s18 =	simm.s32 $0xA500;
	s14 =	sadd.s32 s15, s14;
	v17 =	vld [tilespmem:s19+$0x0];
	v12 =	vadd.f32 v12, v7  }
0x1b3: {  	v14 =	vmax.f32 v14, $0.0e+00;
	v19 =	vadd.f32 v22, v19;
	[tilespmem:s18+$0x80] =	vst v15;
	v15 =	vld [tilespmem:s14+$0x0]  }
0x1b4: {  	s17 =	sor.u32 $0x410, s28;
	v54 =	vld [tilespmem:s24+$0x10];
	[tilespmem:s21+$0xFFFFFFC0] =	vst v12;
	v12 =	vadd.f32 v14, v7  }
0x1b5: {  	v19 =	vmax.f32 v19, $0.0e+00;
	v14 =	vld [tilespmem:s17+$0x2A00];
	v16 =	vadd.f32 v18, v16  }
0x1b6: {  	s20 =	sor.u32 $0x450, s10;
	v18 =	vld [tilespmem:s3+$0x50];
	[tilespmem:s21+$0x40] =	vst v12;
	v12 =	vadd.f32 v19, v3  }
0x1b7: {  	v19 =	vld [tilespmem:s20+$0x2A00];
	v16 =	vmax.f32 v16, $0.0e+00  }
0x1b8: {  	v17 =	vadd.f32 v20, v17;
	v20 =	vld [tilespmem:s7+$0x50];
	[tilespmem:s18+$0xFFFFFF00] =	vst v12;
	v16 =	vadd.f32 v16, v9  }
0x1b9: {  	s26 =	sor.u32 $0x410, s11;
	v55 =	vld [tilespmem:s22+$0x10]  }
0x1ba: {  	s23 =	sor.u32 $0x450, s5;
	v17 =	vmax.f32 v17, $0.0e+00;
	v14 =	vadd.f32 v14, v54;
	[tilespmem:s21+$0xE0] =	vst v16;
	v16 =	vld [tilespmem:s26+$0x2A00]  }
0x1bb: {  	v17 =	vadd.f32 v17, v3;
	v15 =	vadd.f32 v21, v15;
	v12 =	vld [tilespmem:s23+$0x2A00]  }
0x1bc: {  	s29 =	sor.u32 $0x470, s12;
	v14 =	vmax.f32 v14, $0.0e+00;
	v56 =	vld [tilespmem:s6+$0x70]  }
0x1bd: {  	[tilespmem:s18+$0xFFFFFF80] =	vst v17;
	v15 =	vmax.f32 v15, $0.0e+00;
	v17 =	vld [tilespmem:s29+$0x2A00];
	v18 =	vadd.f32 v19, v18;
	v14 =	vadd.f32 v14, v4  }
0x1be: {  	s31 =	sor.u32 $0x410, s13;
	v15 =	vadd.f32 v15, v3;
	v19 =	vld [tilespmem:s19+$0x10]  }
0x1bf: {  	v18 =	vmax.f32 v18, $0.0e+00;
	[tilespmem:s18+$0x90] =	vst v14;
	v14 =	vld [tilespmem:s31+$0x2A00];
	v16 =	vadd.f32 v16, v55  }
0x1c0: {  	s6 =	sor.u32 $0x420, s28;
	[tilespmem:s18+$0x0] =	vst v15;
	v15 =	vadd.f32 v18, v8;
	v57 =	vld [tilespmem:s24+$0x20]  }
0x1c1: {  	v12 =	vadd.f32 v12, v20;
	v18 =	vld [tilespmem:s6+$0x2A00];
	v16 =	vmax.f32 v16, $0.0e+00  }
0x1c2: {  	s12 =	sor.u32 $0x410, s0;
	v20 =	vld [tilespmem:s14+$0x10];
	[tilespmem:s21+$0xFFFFFFD0] =	vst v15;
	v15 =	vadd.f32 v16, v4  }
0x1c3: {  	v12 =	vmax.f32 v12, $0.0e+00;
	v16 =	vld [tilespmem:s12+$0x2A00]  }
0x1c4: {  	v12 =	vadd.f32 v12, v8;
	v14 =	vadd.f32 v14, v19;
	v19 =	vld [tilespmem:s3+$0x60];
	[tilespmem:s18+$0xFFFFFF10] =	vst v15  }
0x1c5: {  	s16 =	sor.u32 $0x420, s11;
	v58 =	vld [tilespmem:s22+$0x20]  }
0x1c6: {  	s15 =	sor.u32 $0x460, s10;
	[tilespmem:s21+$0x50] =	vst v12;
	v18 =	vadd.f32 v18, v57;
	v14 =	vmax.f32 v14, $0.0e+00;
	v12 =	vld [tilespmem:s16+$0x2A00]  }
0x1c7: {  	v15 =	vld [tilespmem:s15+$0x2A00];
	v14 =	vadd.f32 v14, v4  }
0x1c8: {  	s17 =	sor.u32 $0x460, s5;
	v18 =	vmax.f32 v18, $0.0e+00;
	v16 =	vadd.f32 v16, v20;
	v20 =	vld [tilespmem:s7+$0x60]  }
0x1c9: {  	v11 =	vadd.f32 v13, v11;
	[tilespmem:s18+$0xFFFFFF90] =	vst v14;
	v14 =	vadd.f32 v18, v5;
	v18 =	vld [tilespmem:s17+$0x2A00]  }
0x1ca: {  	s20 =	sor.u32 $0x420, s13;
	v13 =	vld [tilespmem:s19+$0x20];
	v16 =	vmax.f32 v16, $0.0e+00  }
0x1cb: {  	v11 =	vmax.f32 v11, $0.0e+00;
	[tilespmem:s18+$0xA0] =	vst v14;
	v14 =	vld [tilespmem:s20+$0x2A00];
	v16 =	vadd.f32 v16, v4;
	v12 =	vadd.f32 v12, v58  }
0x1cc: {  	v11 =	vadd.f32 v11, v8;
	s23 =	sor.u32 $0x430, s28;
	v59 =	vld [tilespmem:s24+$0x30]  }
0x1cd: {  	v15 =	vadd.f32 v15, v19;
	[tilespmem:s18+$0x10] =	vst v16;
	v16 =	vld [tilespmem:s23+$0x2A00];
	v12 =	vmax.f32 v12, $0.0e+00  }
0x1ce: {  	[tilespmem:s21+$0xFFFFFF50] =	vst v11;
	s26 =	sor.u32 $0x420, s0;
	v19 =	vld [tilespmem:s14+$0x20];
	v11 =	vadd.f32 v12, v5  }
0x1cf: {  	v15 =	vmax.f32 v15, $0.0e+00;
	v12 =	vld [tilespmem:s26+$0x2A00]  }
0x1d0: {  	v15 =	vadd.f32 v15, v9;
	v13 =	vadd.f32 v14, v13;
	v14 =	vld [tilespmem:s25+$0x60];
	[tilespmem:s18+$0xFFFFFF20] =	vst v11  }
0x1d1: {  	s31 =	sor.u32 $0x430, s11;
	v60 =	vld [tilespmem:s22+$0x30]  }
0x1d2: {  	s29 =	sor.u32 $0x460, s4;
	[tilespmem:s21+$0xFFFFFFE0] =	vst v15;
	v15 =	vld [tilespmem:s31+$0x2A00];
	v16 =	vadd.f32 v16, v59;
	v13 =	vmax.f32 v13, $0.0e+00  }
0x1d3: {  	v11 =	vld [tilespmem:s29+$0x2A00];
	v13 =	vadd.f32 v13, v5  }
0x1d4: {  	s6 =	sor.u32 $0x470, s10;
	v12 =	vadd.f32 v12, v19;
	v19 =	vld [tilespmem:s3+$0x70];
	v16 =	vmax.f32 v16, $0.0e+00  }
0x1d5: {  	[tilespmem:s18+$0xFFFFFFA0] =	vst v13;
	v13 =	vadd.f32 v16, v6;
	v16 =	vld [tilespmem:s6+$0x2A00]  }
0x1d6: {  	s10 =	sor.u32 $0x430, s13;
	v18 =	vadd.f32 v18, v20;
	v12 =	vmax.f32 v12, $0.0e+00;
	v20 =	vld [tilespmem:s19+$0x30]  }
0x1d7: {  	v12 =	vadd.f32 v12, v5;
	v15 =	vadd.f32 v15, v60;
	[tilespmem:s18+$0xB0] =	vst v13;
	v13 =	vld [tilespmem:s10+$0x2A00]  }
0x1d8: {  	v17 =	vadd.f32 v17, v56;
	s12 =	sor.u32 $0x440, s28;
	v18 =	vmax.f32 v18, $0.0e+00;
	v61 =	vld [tilespmem:s24+$0x40]  }
0x1d9: {  	v18 =	vadd.f32 v18, v9;
	[tilespmem:s18+$0x20] =	vst v12;
	v62 =	vld [tilespmem:s12+$0x2A00];
	v12 =	vmax.f32 v15, $0.0e+00  }
0x1da: {  	s15 =	sor.u32 $0x430, s0;
	v11 =	vadd.f32 v11, v14;
	v15 =	vmax.f32 v17, $0.0e+00;
	v14 =	vld [tilespmem:s14+$0x30];
	v12 =	vadd.f32 v12, v6  }
0x1db: {  	s30 =	sor.u32 $0x450, s13;
	[tilespmem:s21+$0x60] =	vst v18;
	v17 =	vld [tilespmem:s15+$0x2A00];
	v15 =	vadd.f32 v15, v10;
	v16 =	vadd.f32 v16, v19  }
0x1dc: {  	p1 =	por !p1, !p1;
	s16 =	sor.u32 $0x470, s4;
	s23 =	sor.u32 $0x470, s5;
	v18 =	vmax.f32 v11, $0.0e+00;
	v11 =	vld [tilespmem:s7+$0x70];
	[tilespmem:s18+$0xFFFFFF30] =	vst v12;
	v13 =	vadd.f32 v13, v20  }
0x1dd: {  	s4 =	sor.u32 $0x470, s0;
	s29 =	sor.u32 $0x440, s11;
	s31 =	sor.u32 $0x450, s0;
	v18 =	vadd.f32 v18, v9;
	v12 =	vld [tilespmem:s23+$0x2A00];
	[tilespmem:s21+$0xF0] =	vst v15;
	v16 =	vmax.f32 v16, $0.0e+00  }
0x1de: {  	s17 =	simm.s32 $0x4;
	s20 =	sor.u32 $0x460, s13;
	v15 =	vld [tilespmem:s29+$0x2A00];
	[dreg:$0x6] =	wrdreg s31;
	v19 =	vadd.f32 v16, v10;
	v20 =	vadd.f32 v62, v61;
	v13 =	vmax.f32 v13, $0.0e+00  }
0x1df: {  	s5 =	simm.s32 $0xA500;
	s26 =	sor.u32 $0x440, s0;
	s3 =	sor.u32 $0x470, s11;
	[tilespmem:s21+$0xFFFFFF60] =	vst v18;
	v16 =	vld [tilespmem:s22+$0x40];
	v63 =	vadd.f32 v13, v6  }
0x1e0: {  	s6 =	sor.u32 $0x440, s13;
	s10 =	sor.u32 $0x460, s11;
	s7 =	sor.u32 $0x470, s13;
	v18 =	vadd.f32 v17, v14;
	v14 =	vld [tilespmem:s16+$0x2A00];
	[tilespmem:s21+$0xFFFFFFF0] =	vst v19;
	v19 =	vmax.f32 v20, $0.0e+00  }
0x1e1: {  	s12 =	sor.u32 $0x450, s11;
	s15 =	simm.s32 $0x4;
	s23 =	sor.u32 $0x460, s0;
	v13 =	vld [tilespmem:s25+$0x70];
	v17 =	vadd.f32 v19, v7;
	[tilespmem:s18+$0xFFFFFFB0] =	vst v63  }
.LBB2_5:
0x1e2: {  	[smem:$0x7D4] =	sst s20  }
0x1e3: {  	[smem:$0x7D5] =	sst s23  }
0x1e4: {  	[dreg:$0x10] =	wrdreg s4;
	v19 =	vld [tilespmem:s19+$0x40];
	v18 =	vmax.f32 v18, $0.0e+00  }
0x1e5: {  	[dreg:$0xa] =	wrdreg s3;
	s1 =	sadd.s32 $0x4, s1;
	s31 =	sor.u32 $0x450, s28;
	[tilespmem:s18+$0xC0] =	vst v17;
	v18 =	vadd.f32 v18, v6;
	v11 =	vadd.f32 v12, v11;
	v12 =	vld [tilespmem:s6+$0x2A00]  }
0x1e6: {  	s9 =	sadd.s32 $0x400, s9;
	s8 =	sadd.s32 $0x200, s8;
	s29 =	sand.u32 $0x7, s1;
	v17 =	vld [tilespmem:s31+$0x2A00];
	v15 =	vadd.f32 v15, v16  }
0x1e7: {  	[dreg:$0x4] =	wrdreg s1;
	s1 =	sand.u32 $0x3800, s9;
	s4 =	sshll.u32 s29, $0x7;
	v16 =	vld [tilespmem:s24+$0x50];
	[tilespmem:s18+$0x30] =	vst v18;
	v11 =	vmax.f32 v11, $0.0e+00  }
0x1e8: {  	s3 =	sand.u32 $0x380, s8;
	s4 =	sadd.s32 s4, s9;
	s6 =	sor.u32 $0x200, s1;
	v18 =	vld [tilespmem:s14+$0x40];
	v15 =	vmax.f32 v15, $0.0e+00;
	v11 =	vadd.f32 v11, v10  }
0x1e9: {  	[dreg:$0x1a] =	wrdreg s7;
	v13 =	vadd.f32 v14, v13;
	s20 =	sadd.s32 $0x180, s4;
	s23 =	sadd.s32 s3, s6;
	v14 =	vadd.f32 v15, v7;
	v15 =	vld [tilespmem:s26+$0x2A00]  }
0x1ea: {  	s0 =	simm.s32 $0x1;
	s2 =	sand.u32 $0x3, s15;
	s13 =	sor.u32 $0x400, s20;
	[tilespmem:s21+$0x70] =	vst v11;
	v11 =	vld [tilespmem:s23+$0x0];
	v12 =	vadd.f32 v12, v19  }
0x1eb: {  	s11 =	smov.u32 s30;
	s30 =	smov.u32 s5;
	s2 =	sshll.u32 s2, $0x8;
	v13 =	vmax.f32 v13, $0.0e+00;
	v19 =	vld [tilespmem:s13+$0x2A00];
	[tilespmem:s18+$0xFFFFFF40] =	vst v14  }
0x1ec: {  	s0 =	simm.s32 @!p1 $0x0;
	s2 =	sadd.s32 s9, s2;
	s26 =	sadd.s32 $0x80, s4;
	v13 =	vadd.f32 v13, v10;
	v16 =	vadd.f32 v17, v16;
	v14 =	vld [tilespmem:s22+$0x50];
	v12 =	vmax.f32 v12, $0.0e+00  }
0x1ed: {  	s0 =	sshll.u32 s0, $0x9;
	s2 =	sadd.s32 $0x100, s2;
	s29 =	sor.u32 $0x400, s26;
	v17 =	vld [tilespmem:s12+$0x2A00];
	v12 =	vadd.f32 v12, v7  }
0x1ee: {  	s7 =	sadd.s32 $0xFFFFFE80, s8;
	s5 =	sadd.s32 s0, s9;
	s1 =	sor.u32 $0x400, s2;
	[tilespmem:s21+$0xFFFFFF70] =	vst v13;
	v13 =	vld [tilespmem:s29+$0x2A00];
	v16 =	vmax.f32 v16, $0.0e+00;
	v15 =	vadd.f32 v15, v18  }
0x1ef: {  	s31 =	sor.u32 $0x400, s5;
	s3 =	sand.u32 $0x200, s7;
	v18 =	vld [tilespmem:s1+$0x2A00];
	[tilespmem:s18+$0xFFFFFFC0] =	vst v12;
	v12 =	vadd.f32 v16, v8  }
0x1f0: {  	s12 =	sadd.s32 s3, s6;
	v16 =	vld [tilespmem:s31+$0x2A00];
	v11 =	vadd.f32 v19, v11;
	v15 =	vmax.f32 v15, $0.0e+00  }
0x1f1: {  	[smem:$0x7D8] =	sst s10;
	s10 =	sadd.s32 $0xFFFFFF00, s8;
	v19 =	vld [tilespmem:s12+$0x0];
	v15 =	vadd.f32 v15, v7;
	[tilespmem:s18+$0xD0] =	vst v12  }
0x1f2: {  	s16 =	sadd.s32 $0xFFFFFF80, s8;
	s25 =	sand.u32 $0x280, s10;
	s21 =	sor.u32 $0x460, s28;
	v11 =	vmax.f32 v11, $0.0e+00;
	v12 =	vadd.f32 v17, v14;
	v14 =	vld [tilespmem:s24+$0x60]  }
0x1f3: {  	s0 =	sadd.s32 s25, s6;
	s4 =	sand.u32 $0x300, s16;
	v11 =	vadd.f32 v11, v3;
	[tilespmem:s18+$0x40] =	vst v15;
	v15 =	vld [tilespmem:s21+$0x2A00]  }
0x1f4: {  	s13 =	sadd.s32 s4, s6;
	v17 =	vld [tilespmem:s0+$0x0];
	s18 =	sadd.s32 $0x200, s18  }
0x1f5: {  	v12 =	vmax.f32 v12, $0.0e+00;
	v20 =	vld [tilespmem:s13+$0x0];
	[tilespmem:s18+$0x80] =	vst v11  }
0x1f6: {  	s21 =	sor.u32 $0x410, s20;
	v11 =	vadd.f32 v12, v8;
	v12 =	vadd.f32 v16, v19;
	v16 =	vld [tilespmem:s23+$0x10]  }
0x1f7: {  	v19 =	vld [tilespmem:s21+$0x2A00]  }
0x1f8: {  	[tilespmem:s30+$0xFFFFFF50] =	vst v11;
	v11 =	vmax.f32 v12, $0.0e+00;
	v12 =	vld [tilespmem:s19+$0x50];
	v14 =	vadd.f32 v15, v14  }
0x1f9: {  	s1 =	smov.u32 s14;
	v13 =	vadd.f32 v13, v17;
	v11 =	vadd.f32 v11, v3;
	v15 =	vld [tilespmem:s11+$0x2A00]  }
0x1fa: {  	s11 =	rddreg [dreg:$0x6];
	v17 =	vadd.f32 v18, v20;
	v18 =	vld [tilespmem:s1+$0x50];
	v14 =	vmax.f32 v14, $0.0e+00  }
0x1fb: {  	[tilespmem:s18+$0xFFFFFF00] =	vst v11;
	v11 =	vmax.f32 v13, $0.0e+00;
	v13 =	vld [tilespmem:s11+$0x2A00];
	v14 =	vadd.f32 v14, v9  }
0x1fc: {  	s25 =	sor.u32 $0x410, s5;
	s21 =	smov.u32 s30;
	v20 =	vld [tilespmem:s12+$0x10];
	v11 =	vadd.f32 v11, v3;
	v16 =	vadd.f32 v19, v16  }
0x1fd: {  	v17 =	vmax.f32 v17, $0.0e+00;
	v19 =	vld [tilespmem:s25+$0x2A00];
	[tilespmem:s21+$0xE0] =	vst v14  }
0x1fe: {  	s25 =	sor.u32 $0x470, s28;
	v17 =	vadd.f32 v17, v3;
	[tilespmem:s18+$0xFFFFFF80] =	vst v11;
	v11 =	vmax.f32 v16, $0.0e+00;
	v14 =	vld [tilespmem:s24+$0x70]  }
0x1ff: {  	[smem:$0x7D7] =	sst s22;
	s31 =	sor.u32 $0x430, s5;
	v12 =	vadd.f32 v15, v12;
	v11 =	vadd.f32 v11, v4;
	v15 =	vld [tilespmem:s25+$0x2A00]  }
0x200: {  	s22 =	sor.u32 $0x410, s26;
	s14 =	sor.u32 $0x450, s26;
	[smem:$0x7D9] =	sst s31;
	[tilespmem:s18+$0x0] =	vst v17;
	v16 =	vld [tilespmem:s0+$0x10]  }
0x201: {  	s31 =	sor.u32 $0x450, s2;
	s28 =	smov.u32 s20;
	s24 =	smov.u32 s23;
	v17 =	vld [tilespmem:s22+$0x2A00];
	v12 =	vmax.f32 v12, $0.0e+00;
	v13 =	vadd.f32 v13, v18;
	[tilespmem:s18+$0x90] =	vst v11  }
0x202: {  	s30 =	smov.u32 s14;
	s14 =	smov.u32 s31;
	s31 =	sor.u32 $0x420, s28;
	v11 =	vadd.f32 v12, v8;
	v12 =	vadd.f32 v19, v20;
	v18 =	vld [tilespmem:s24+$0x20]  }
0x203: {  	v13 =	vmax.f32 v13, $0.0e+00;
	v19 =	vld [tilespmem:s31+$0x2A00]  }
0x204: {  	s29 =	sor.u32 $0x410, s2;
	s11 =	sld [smem:$0x7D4];
	[tilespmem:s21+$0xFFFFFFD0] =	vst v11;
	v11 =	vadd.f32 v13, v8;
	v12 =	vmax.f32 v12, $0.0e+00;
	v13 =	vld [tilespmem:s13+$0x10]  }
0x205: {  	v14 =	vadd.f32 v15, v14;
	v12 =	vadd.f32 v12, v4;
	v15 =	vld [tilespmem:s29+$0x2A00]  }
0x206: {  	[tilespmem:s21+$0x50] =	vst v11;
	v11 =	vadd.f32 v17, v16;
	v16 =	vld [tilespmem:s19+$0x60]  }
0x207: {  	[dreg:$0x6] =	wrdreg s14;
	v14 =	vmax.f32 v14, $0.0e+00;
	[tilespmem:s18+$0xFFFFFF10] =	vst v12;
	v12 =	vld [tilespmem:s11+$0x2A00]  }
0x208: {  	s7 =	sor.u32 $0x420, s5;
	s14 =	sld [smem:$0x7D5];
	v14 =	vadd.f32 v14, v10;
	v17 =	vld [tilespmem:s12+$0x20];
	v11 =	vmax.f32 v11, $0.0e+00;
	v18 =	vadd.f32 v19, v18  }
0x209: {  	s10 =	sor.u32 $0x430, s2;
	v19 =	vld [tilespmem:s7+$0x2A00];
	v11 =	vadd.f32 v11, v4  }
0x20a: {  	[smem:$0x7DC] =	sst s10;
	s10 =	sor.u32 $0x450, s5;
	[tilespmem:s21+$0xF0] =	vst v14;
	v13 =	vadd.f32 v15, v13;
	v14 =	vmax.f32 v18, $0.0e+00;
	v15 =	vld [tilespmem:s1+$0x60]  }
0x20b: {  	[dreg:$0x16] =	wrdreg s10;
	[tilespmem:s18+$0xFFFFFF90] =	vst v11;
	v11 =	vadd.f32 v14, v5;
	v14 =	vld [tilespmem:s14+$0x2A00]  }
0x20c: {  	s10 =	sor.u32 $0x460, s2;
	s16 =	sor.u32 $0x420, s26;
	s4 =	sor.u32 $0x420, s2;
	v18 =	vld [tilespmem:s0+$0x20]  }
0x20d: {  	[smem:$0x7D6] =	sst s4;
	s3 =	sor.u32 $0x440, s2;
	s2 =	sor.u32 $0x470, s2;
	v13 =	vmax.f32 v13, $0.0e+00;
	v12 =	vadd.f32 v12, v16;
	v16 =	vld [tilespmem:s16+$0x2A00]  }
0x20e: {  	[smem:$0x7DD] =	sst s2;
	v13 =	vadd.f32 v13, v4;
	[tilespmem:s18+$0xA0] =	vst v11;
	v11 =	vadd.f32 v19, v17  }
0x20f: {  	s22 =	sor.u32 $0x430, s28;
	s25 =	sld [smem:$0x7D6];
	v17 =	vld [tilespmem:s24+$0x30];
	v12 =	vmax.f32 v12, $0.0e+00  }
0x210: {  	s2 =	sld [smem:$0x7D7];
	[tilespmem:s18+$0x10] =	vst v13;
	v13 =	vld [tilespmem:s22+$0x2A00];
	v12 =	vadd.f32 v12, v9;
	v11 =	vmax.f32 v11, $0.0e+00  }
0x211: {  	s6 =	sor.u32 $0x430, s26;
	s29 =	sld [smem:$0x7D8];
	v19 =	vld [tilespmem:s13+$0x20];
	v14 =	vadd.f32 v14, v15;
	v11 =	vadd.f32 v11, v5  }
0x212: {  	[smem:$0x7DB] =	sst s6;
	v15 =	vld [tilespmem:s25+$0x2A00];
	[tilespmem:s21+$0xFFFFFFE0] =	vst v12;
	v12 =	vadd.f32 v16, v18  }
0x213: {  	s31 =	sld [smem:$0x7D9];
	v16 =	vld [tilespmem:s2+$0x60];
	v14 =	vmax.f32 v14, $0.0e+00;
	[tilespmem:s18+$0xFFFFFF20] =	vst v11  }
0x214: {  	s4 =	sor.u32 $0x440, s5;
	[smem:$0x7DA] =	sst s3;
	v11 =	vld [tilespmem:s29+$0x2A00];
	v14 =	vadd.f32 v14, v9;
	v12 =	vmax.f32 v12, $0.0e+00  }
0x215: {  	[dreg:$0x1c] =	wrdreg s4;
	s4 =	sor.u32 $0x460, s26;
	v18 =	vld [tilespmem:s12+$0x30];
	v13 =	vadd.f32 v13, v17;
	v12 =	vadd.f32 v12, v5  }
0x216: {  	s3 =	sor.u32 $0x460, s5;
	s20 =	smov.u32 s4;
	s4 =	sld [smem:$0x7DB];
	v17 =	vld [tilespmem:s31+$0x2A00];
	[tilespmem:s21+$0x60] =	vst v14  }
0x217: {  	s23 =	smov.u32 s10;
	s10 =	smov.u32 s3;
	s3 =	rddreg [dreg:$0x1a];
	v14 =	vadd.f32 v15, v19;
	v15 =	vld [tilespmem:s19+$0x70];
	v13 =	vmax.f32 v13, $0.0e+00;
	[tilespmem:s18+$0xFFFFFFA0] =	vst v12  }
0x218: {  	s19 =	smov.u32 s0;
	v12 =	vadd.f32 v13, v6;
	v13 =	vld [tilespmem:s3+$0x2A00]  }
0x219: {  	v19 =	vld [tilespmem:s19+$0x30];
	v14 =	vmax.f32 v14, $0.0e+00  }
0x21a: {  	v11 =	vadd.f32 v11, v16;
	v16 =	vld [tilespmem:s4+$0x2A00];
	v14 =	vadd.f32 v14, v5;
	[tilespmem:s18+$0xB0] =	vst v12  }
0x21b: {  	s5 =	sor.u32 $0x470, s5;
	s11 =	sor.u32 $0x440, s28;
	s14 =	sld [smem:$0x7DC];
	v12 =	vadd.f32 v17, v18;
	v17 =	vld [tilespmem:s24+$0x40]  }
0x21c: {  	s6 =	sor.u32 $0x440, s26;
	s26 =	sor.u32 $0x470, s26;
	[smem:$0x7DE] =	sst s5;
	v11 =	vmax.f32 v11, $0.0e+00;
	[tilespmem:s18+$0x20] =	vst v14;
	v14 =	vld [tilespmem:s11+$0x2A00]  }
0x21d: {  	s7 =	smov.u32 s26;
	s26 =	sld [smem:$0x7DA];
	v11 =	vadd.f32 v11, v9;
	v12 =	vmax.f32 v12, $0.0e+00;
	v18 =	vld [tilespmem:s13+$0x30]  }
0x21e: {  	s17 =	sadd.s32 $0x4, s17;
	s16 =	rddreg [dreg:$0x10];
	v20 =	vld [tilespmem:s14+$0x2A00];
	v13 =	vadd.f32 v13, v15;
	v12 =	vadd.f32 v12, v6  }
0x21f: {  	p2 =	slt.u32 s17, $0x24;
	s22 =	sld [smem:$0x7DD];
	[tilespmem:s21+$0xFFFFFF60] =	vst v11;
	v15 =	vadd.f32 v16, v19;
	v11 =	vld [tilespmem:s1+$0x70]  }
.Ltmp1:
0x220: {  	s31 =	sld [smem:$0x7DE];
	v13 =	vmax.f32 v13, $0.0e+00;
	[tilespmem:s18+$0xFFFFFF30] =	vst v12;
	v12 =	vld [tilespmem:s16+$0x2A00];
	(pc) =	sbr.rel @p2 .LBB2_5-.Ltmp1, $4  }
0x221: {  	s15 =	sadd.s32 $0x2, s15;
	s25 =	rddreg [dreg:$0x1c];
	v13 =	vadd.f32 v13, v10;
	v16 =	vld [tilespmem:s12+$0x40];
	v19 =	vmax.f32 v15, $0.0e+00;
	v14 =	vadd.f32 v14, v17  }
0x222: {  	p1 =	por !p1, !p1;
	s5 =	smov.u32 s18;
	s29 =	rddreg [dreg:$0xa];
	v15 =	vld [tilespmem:s25+$0x2A00];
	v17 =	vadd.f32 v19, v6  }
0x223: {  	s3 =	smov.u32 s31;
	s4 =	smov.u32 s22;
	s1 =	rddreg [dreg:$0x4];
	[tilespmem:s21+$0xFFFFFFF0] =	vst v13;
	v14 =	vmax.f32 v14, $0.0e+00;
	v13 =	vld [tilespmem:s2+$0x70]  }
0x224: {  	s22 =	smov.u32 s12;
	s14 =	smov.u32 s13;
	s12 =	rddreg [dreg:$0x16];
	v18 =	vadd.f32 v20, v18;
	[tilespmem:s18+$0xFFFFFFB0] =	vst v17;
	v17 =	vadd.f32 v14, v7;
	v14 =	vld [tilespmem:s29+$0x2A00]  }
0x225: {  	_ = 	snop  }
0x226: {  	v18 =	vmax.f32 v18, $0.0e+00  }
0x227: {  	v18 =	vadd.f32 v18, v6  }
0x228: {  	v19 =	vld [tilespmem:s19+$0x40]  }
0x229: {  	v20 =	vld [tilespmem:s6+$0x2A00];
	[tilespmem:s18+$0x30] =	vst v18  }
0x22a: {  	v18 =	vld [tilespmem:s14+$0x40]  }
0x22b: {  	v21 =	vld [tilespmem:s26+$0x2A00];
	_ =	sdelay $0x2  }
0x22c: {  	v19 =	vadd.f32 v20, v19  }
0x22d: {  	v15 =	vadd.f32 v15, v16  }
0x22e: {  	v19 =	vmax.f32 v19, $0.0e+00;
	v18 =	vadd.f32 v21, v18  }
0x22f: {  	[tilespmem:s18+$0xC0] =	vst v17;
	v15 =	vmax.f32 v15, $0.0e+00;
	v17 =	vadd.f32 v19, v7  }
0x230: {  	s0 =	sor.u32 $0x450, s28;
	v16 =	vld [tilespmem:s24+$0x50];
	v15 =	vadd.f32 v15, v7;
	v18 =	vmax.f32 v18, $0.0e+00  }
0x231: {  	v19 =	vld [tilespmem:s0+$0x2A00];
	[tilespmem:s18+$0xFFFFFFC0] =	vst v17;
	v17 =	vadd.f32 v18, v7  }
0x232: {  	[tilespmem:s18+$0xFFFFFF40] =	vst v15;
	v18 =	vld [tilespmem:s19+$0x50]  }
0x233: {  	[tilespmem:s18+$0x40] =	vst v17;
	v17 =	vld [tilespmem:s30+$0x2A00]  }
0x234: {  	v20 =	vld [tilespmem:s14+$0x50];
	s16 =	rddreg [dreg:$0x6]  }
0x235: {  	v15 =	vld [tilespmem:s16+$0x2A00]  }
0x236: {  	v50 =	vld [tilespmem:s22+$0x50];
	v16 =	vadd.f32 v19, v16  }
0x237: {  	v19 =	vld [tilespmem:s12+$0x2A00]  }
0x238: {  	v16 =	vmax.f32 v16, $0.0e+00;
	v17 =	vadd.f32 v17, v18  }
0x239: {  	v16 =	vadd.f32 v16, v8  }
0x23a: {  	v17 =	vmax.f32 v17, $0.0e+00;
	v15 =	vadd.f32 v15, v20  }
0x23b: {  	[tilespmem:s18+$0xD0] =	vst v16;
	v16 =	vadd.f32 v17, v8  }
0x23c: {  	s17 =	sor.u32 $0x460, s28;
	v18 =	vld [tilespmem:s24+$0x60];
	v17 =	vadd.f32 v19, v50;
	v15 =	vmax.f32 v15, $0.0e+00  }
0x23d: {  	v19 =	vld [tilespmem:s17+$0x2A00];
	[tilespmem:s5+$0xFFFFFFD0] =	vst v16;
	v15 =	vadd.f32 v15, v8  }
0x23e: {  	v16 =	vmax.f32 v17, $0.0e+00;
	v17 =	vld [tilespmem:s19+$0x60]  }
0x23f: {  	v16 =	vadd.f32 v16, v8;
	[tilespmem:s5+$0x50] =	vst v15;
	v15 =	vld [tilespmem:s20+$0x2A00]  }
0x240: {  	v20 =	vld [tilespmem:s14+$0x60]  }
0x241: {  	[tilespmem:s5+$0xFFFFFF50] =	vst v16;
	v16 =	vld [tilespmem:s23+$0x2A00]  }
0x242: {  	v18 =	vadd.f32 v19, v18;
	v19 =	vld [tilespmem:s22+$0x60]  }
0x243: {  	v51 =	vld [tilespmem:s10+$0x2A00]  }
0x244: {  	v18 =	vmax.f32 v18, $0.0e+00;
	v15 =	vadd.f32 v15, v17  }
0x245: {  	v17 =	vadd.f32 v18, v9  }
0x246: {  	v16 =	vadd.f32 v16, v20;
	v15 =	vmax.f32 v15, $0.0e+00  }
0x247: {  	[tilespmem:s5+$0xE0] =	vst v17;
	v15 =	vadd.f32 v15, v9  }
0x248: {  	s18 =	sor.u32 $0x470, s28;
	v18 =	vadd.f32 v51, v19;
	v17 =	vld [tilespmem:s24+$0x70];
	v16 =	vmax.f32 v16, $0.0e+00  }
0x249: {  	v19 =	vld [tilespmem:s18+$0x2A00];
	[tilespmem:s5+$0xFFFFFFE0] =	vst v15;
	v15 =	vadd.f32 v16, v9  }
0x24a: {  	v18 =	vmax.f32 v18, $0.0e+00;
	v16 =	vld [tilespmem:s19+$0x70]  }
0x24b: {  	v18 =	vadd.f32 v18, v9;
	[tilespmem:s5+$0x60] =	vst v15;
	v15 =	vld [tilespmem:s7+$0x2A00]  }
0x24c: {  	v20 =	vld [tilespmem:s14+$0x70]  }
0x24d: {  	[tilespmem:s5+$0xFFFFFF60] =	vst v18;
	v18 =	vld [tilespmem:s4+$0x2A00]  }
0x24e: {  	v52 =	vld [tilespmem:s22+$0x70]  }
0x24f: {  	v11 =	vadd.f32 v12, v11;
	v12 =	vld [tilespmem:s3+$0x2A00]  }
0x250: {  	v13 =	vadd.f32 v14, v13  }
0x251: {  	v11 =	vmax.f32 v11, $0.0e+00;
	v14 =	vadd.f32 v19, v17  }
0x252: {  	v11 =	vadd.f32 v11, v10;
	v13 =	vmax.f32 v13, $0.0e+00;
	v15 =	vadd.f32 v15, v16  }
0x253: {  	v13 =	vadd.f32 v13, v10;
	v14 =	vmax.f32 v14, $0.0e+00;
	v16 =	vadd.f32 v18, v20  }
0x254: {  	[tilespmem:s21+$0x70] =	vst v11;
	v11 =	vadd.f32 v14, v10;
	v12 =	vadd.f32 v12, v52;
	v14 =	vmax.f32 v15, $0.0e+00  }
0x255: {  	[tilespmem:s21+$0xFFFFFF70] =	vst v13;
	v13 =	vadd.f32 v14, v10;
	v14 =	vmax.f32 v16, $0.0e+00  }
0x256: {  	[tilespmem:s5+$0xF0] =	vst v11;
	v12 =	vmax.f32 v12, $0.0e+00;
	v11 =	vadd.f32 v14, v10  }
0x257: {  	v12 =	vadd.f32 v12, v10;
	[tilespmem:s5+$0xFFFFFFF0] =	vst v13  }
0x258: {  	s1 =	rddreg [dreg:$0x2];
	[tilespmem:s5+$0x70] =	vst v11  }
0x259: {  	s2 =	simm.s32 $0xA200;
	s20 =	simm.s32 $0x8;
	s19 =	simm.s32 $0x0;
	[tilespmem:s5+$0xFFFFFF70] =	vst v12  }
0x25a: {  	[spmem:s1] =	stream.indirect.scatter.add.f32 [tilespmem:s2], [sflag:$0x5], $0x80, s19, s20, $0xb8;
	[tilespmem:$0x1EF00] =	vst v63  }
0x25b: {  	s21 =	simm.s32 $0xA600  }
0x25c: {  	[spmem:s1] =	stream.indirect.scatter.add.f32 [tilespmem:s21], [sflag:$0x5], $0x80, s20, s20, $0xb8;
	[tilespmem:$0x1EF00] =	vst v63  }
0x25d: {  	s23 =	simm.s32 $0xAA00;
	s22 =	simm.s32 $0x10  }
0x25e: {  	[spmem:s1] =	stream.indirect.scatter.add.f32 [tilespmem:s23], [sflag:$0x5], $0x80, s22, s20, $0xb8;
	[tilespmem:$0x1EF00] =	vst v63  }
0x25f: {  	s25 =	simm.s32 $0xAE00;
	s24 =	simm.s32 $0x18  }
0x260: {  	[spmem:s1] =	stream.indirect.scatter.add.f32 [tilespmem:s25], [sflag:$0x5], $0x80, s24, s20, $0xb8;
	[tilespmem:$0x1EF00] =	vst v63  }
0x261: {  	s31 =	simm.s32 $0xB200;
	s26 =	simm.s32 $0x20;
	s5 =	simm.s32 $0x5  }
0x262: {  	[spmem:s1] =	stream.indirect.scatter.add.f32 [tilespmem:s31], [sflag:$0x5], $0x80, s26, s20, $0xb8;
	[tilespmem:$0x1EF00] =	vst v63  }
0x263: {  	_ =	swait.ge [sflag:s5], $0x400  }
0x264: {  	[sflag:s5] =	ssyncset.done $0x0  }
0x265: {  	[sflag:s5] =	ssyncadd.s32 $0xFFFFFC00  }
0x266: {  	_ =	swait.ge [sflag:s5], $0x400  }
0x267: {  	[sflag:s5] =	ssyncset.done $0x0  }
0x268: {  	[sflag:s5] =	ssyncadd.s32 $0xFFFFFC00  }
0x269: {  	_ =	swait.ge [sflag:s5], $0x400  }
0x26a: {  	[sflag:s5] =	ssyncset.done $0x0  }
0x26b: {  	[sflag:s5] =	ssyncadd.s32 $0xFFFFFC00  }
0x26c: {  	_ =	swait.ge [sflag:s5], $0x400  }
0x26d: {  	s6 =	sand.u32 $0x7, s19;
	[sflag:s5] =	ssyncset.done $0x0  }
0x26e: {  	s7 =	simm.s32 $0x180;
	s8 =	sand.u32 $0x3800, s19;
	[sflag:s5] =	ssyncadd.s32 $0xFFFFFC00  }
0x26f: {  	s9 =	sadd.s32 $0x2A00, s8;
	s1 =	sshll.u32 s6, $0x7;
	_ =	swait.ge [sflag:s5], $0x400  }
0x270: {  	s2 =	sand.u32 $0x380, s7;
	s1 =	sadd.s32 $0x0, s1;
	[sflag:s5] =	ssyncset.done $0x0  }
0x271: {  	s6 =	sadd.s32 s2, s9;
	s12 =	sadd.s32 $0x180, s1;
	[sflag:s5] =	ssyncadd.s32 $0xFFFFFC00  }
0x272: {  	s10 =	sor.u32 $0x400, s12;
	v11 =	vld [tilespmem:s6+$0x0]  }
0x273: {  	p1 =	por $0x0, $0x0;
	s3 =	simm.s32 $0x1;
	v12 =	vld [tilespmem:s10+$0x200]  }
0x274: {  	s3 =	simm.s32 @!p1 $0x0  }
0x275: {  	s11 =	sshll.u32 s3, $0x9  }
0x276: {  	s13 =	simm.s32 $0x0;
	s4 =	sadd.s32 $0x0, s11  }
0x277: {  	s14 =	sand.u32 $0x200, s13;
	s15 =	sor.u32 $0x400, s4  }
0x278: {  	s25 =	sadd.s32 s14, s9;
	v13 =	vld [tilespmem:s15+$0x200];
	v11 =	vadd.f32 v12, v11  }
0x279: {  	s16 =	simm.s32 $0x80;
	v12 =	vld [tilespmem:s25+$0x0]  }
0x27a: {  	s17 =	sand.u32 $0x280, s16;
	v11 =	vmax.f32 v11, $0.0e+00  }
0x27b: {  	s0 =	sand.u32 $0x3, s19;
	s3 =	sadd.s32 s17, s9;
	s10 =	sadd.s32 $0x80, s1;
	v11 =	vadd.f32 v11, v3  }
0x27c: {  	s0 =	sshll.u32 s0, $0x8;
	s21 =	simm.s32 $0xA300;
	v15 =	vld [tilespmem:s3+$0x0];
	s18 =	sor.u32 $0x400, s10  }
0x27d: {  	s0 =	sadd.s32 $0x0, s0;
	v14 =	vld [tilespmem:s18+$0x200];
	[tilespmem:s21+$0x80] =	vst v11  }
0x27e: {  	s19 =	simm.s32 $0x100;
	s20 =	sor.u32 $0x410, s12;
	s5 =	sadd.s32 $0x100, s0;
	v11 =	vadd.f32 v13, v12;
	v12 =	vld [tilespmem:s6+$0x10]  }
0x27f: {  	s1 =	sand.u32 $0x300, s19;
	s22 =	sor.u32 $0x400, s5;
	v13 =	vld [tilespmem:s20+$0x200]  }
0x280: {  	s7 =	sadd.s32 s1, s9;
	v16 =	vld [tilespmem:s22+$0x200];
	v11 =	vmax.f32 v11, $0.0e+00  }
0x281: {  	v17 =	vld [tilespmem:s7+$0x0];
	v11 =	vadd.f32 v11, v3  }
0x282: {  	v14 =	vadd.f32 v14, v15  }
0x283: {  	[tilespmem:s21+$0xFFFFFF00] =	vst v11  }
0x284: {  	s23 =	sor.u32 $0x410, s4;
	v11 =	vmax.f32 v14, $0.0e+00;
	v14 =	vld [tilespmem:s25+$0x10];
	v12 =	vadd.f32 v13, v12  }
0x285: {  	v11 =	vadd.f32 v11, v3;
	v13 =	vld [tilespmem:s23+$0x200]  }
0x286: {  	v15 =	vadd.f32 v16, v17;
	v12 =	vmax.f32 v12, $0.0e+00  }
0x287: {  	[tilespmem:s21+$0xFFFFFF80] =	vst v11;
	v11 =	vadd.f32 v12, v4  }
0x288: {  	v12 =	vmax.f32 v15, $0.0e+00  }
0x289: {  	v12 =	vadd.f32 v12, v3;
	[tilespmem:s21+$0x90] =	vst v11  }
0x28a: {  	s26 =	sor.u32 $0x420, s12;
	v11 =	vadd.f32 v13, v14;
	v13 =	vld [tilespmem:s6+$0x20]  }
0x28b: {  	[tilespmem:s21+$0x0] =	vst v12;
	v12 =	vld [tilespmem:s26+$0x200];
	_ =	sdelay $0x1  }
0x28c: {  	s24 =	sor.u32 $0x410, s10;
	v15 =	vld [tilespmem:s3+$0x10];
	v11 =	vmax.f32 v11, $0.0e+00  }
0x28d: {  	v16 =	vld [tilespmem:s24+$0x200];
	v11 =	vadd.f32 v11, v4  }
0x28e: {  	s31 =	sor.u32 $0x410, s5;
	v14 =	vld [tilespmem:s7+$0x10]  }
0x28f: {  	v17 =	vld [tilespmem:s31+$0x200];
	[tilespmem:s21+$0xFFFFFF10] =	vst v11;
	v12 =	vadd.f32 v12, v13  }
0x290: {  	s1 =	sor.u32 $0x420, s4;
	v11 =	vld [tilespmem:s25+$0x20]  }
0x291: {  	v13 =	vld [tilespmem:s1+$0x200];
	v12 =	vmax.f32 v12, $0.0e+00  }
0x292: {  	v15 =	vadd.f32 v16, v15;
	v12 =	vadd.f32 v12, v5;
	_ =	sdelay $0x1  }
0x293: {  	v15 =	vmax.f32 v15, $0.0e+00;
	v14 =	vadd.f32 v17, v14;
	[tilespmem:s21+$0xA0] =	vst v12  }
0x294: {  	s8 =	sor.u32 $0x430, s12;
	v15 =	vadd.f32 v15, v4;
	v12 =	vld [tilespmem:s6+$0x30]  }
0x295: {  	v14 =	vmax.f32 v14, $0.0e+00;
	v11 =	vadd.f32 v13, v11;
	v13 =	vld [tilespmem:s8+$0x200]  }
0x296: {  	[tilespmem:s21+$0xFFFFFF90] =	vst v15;
	v14 =	vadd.f32 v14, v4  }
0x297: {  	s2 =	sor.u32 $0x420, s10;
	v15 =	vld [tilespmem:s3+$0x20];
	v11 =	vmax.f32 v11, $0.0e+00  }
0x298: {  	v16 =	vld [tilespmem:s2+$0x200];
	[tilespmem:s21+$0x10] =	vst v14;
	v11 =	vadd.f32 v11, v5  }
0x299: {  	s9 =	sor.u32 $0x420, s5;
	v14 =	vld [tilespmem:s7+$0x20]  }
0x29a: {  	v17 =	vld [tilespmem:s9+$0x200];
	[tilespmem:s21+$0xFFFFFF20] =	vst v11;
	v12 =	vadd.f32 v13, v12  }
0x29b: {  	s11 =	sor.u32 $0x430, s4;
	v11 =	vld [tilespmem:s25+$0x30]  }
0x29c: {  	v13 =	vld [tilespmem:s11+$0x200];
	v12 =	vmax.f32 v12, $0.0e+00  }
0x29d: {  	v15 =	vadd.f32 v16, v15;
	v12 =	vadd.f32 v12, v6;
	_ =	sdelay $0x1  }
0x29e: {  	v15 =	vmax.f32 v15, $0.0e+00;
	v14 =	vadd.f32 v17, v14;
	[tilespmem:s21+$0xB0] =	vst v12  }
0x29f: {  	s14 =	sor.u32 $0x440, s12;
	v15 =	vadd.f32 v15, v5;
	v12 =	vld [tilespmem:s6+$0x40]  }
0x2a0: {  	v14 =	vmax.f32 v14, $0.0e+00;
	v11 =	vadd.f32 v13, v11;
	v13 =	vld [tilespmem:s14+$0x200]  }
0x2a1: {  	[tilespmem:s21+$0xFFFFFFA0] =	vst v15;
	v14 =	vadd.f32 v14, v5  }
0x2a2: {  	s13 =	sor.u32 $0x430, s10;
	v15 =	vld [tilespmem:s3+$0x30];
	v11 =	vmax.f32 v11, $0.0e+00  }
0x2a3: {  	v16 =	vld [tilespmem:s13+$0x200];
	[tilespmem:s21+$0x20] =	vst v14;
	v11 =	vadd.f32 v11, v6  }
0x2a4: {  	s15 =	sor.u32 $0x430, s5;
	s22 =	simm.s32 $0x4;
	v14 =	vld [tilespmem:s7+$0x30]  }
0x2a5: {  	s19 =	sand.u32 $0x7, s22;
	v17 =	vld [tilespmem:s15+$0x200];
	[tilespmem:s21+$0xFFFFFF30] =	vst v11;
	v12 =	vadd.f32 v13, v12  }
0x2a6: {  	s16 =	sor.u32 $0x440, s4;
	s0 =	sshll.u32 s19, $0x7;
	v11 =	vld [tilespmem:s25+$0x40]  }
0x2a7: {  	s0 =	sadd.s32 $0x400, s0;
	s9 =	simm.s32 $0x400;
	s13 =	simm.s32 $0x2;
	v13 =	vld [tilespmem:s16+$0x200];
	v12 =	vmax.f32 v12, $0.0e+00  }
0x2a8: {  	s28 =	sadd.s32 $0x180, s0;
	s11 =	sand.u32 $0x3800, s9;
	s24 =	sand.u32 $0x3, s13;
	v15 =	vadd.f32 v16, v15;
	v12 =	vadd.f32 v12, v7  }
0x2a9: {  	s26 =	sor.u32 $0x400, s28;
	s14 =	sadd.s32 $0x2A00, s11;
	s11 =	sshll.u32 s24, $0x8  }
0x2aa: {  	v19 =	vld [tilespmem:s26+$0x200];
	s11 =	sadd.s32 $0x400, s11;
	v15 =	vmax.f32 v15, $0.0e+00;
	[tilespmem:s21+$0xC0] =	vst v12  }
0x2ab: {  	s8 =	sor.u32 $0x450, s12;
	s13 =	sadd.s32 $0x80, s0;
	s0 =	sadd.s32 $0x100, s11;
	v15 =	vadd.f32 v15, v6;
	v12 =	vld [tilespmem:s6+$0x50]  }
0x2ac: {  	s1 =	sor.u32 $0x400, s0;
	v14 =	vadd.f32 v17, v14;
	v11 =	vadd.f32 v13, v11;
	v13 =	vld [tilespmem:s8+$0x200]  }
0x2ad: {  	v53 =	vld [tilespmem:s1+$0x200];
	s16 =	sor.u32 $0x400, s13  }
0x2ae: {  	p1 =	por !p1, !p1;
	v20 =	vld [tilespmem:s16+$0x200];
	[tilespmem:s21+$0xFFFFFFB0] =	vst v15;
	v14 =	vmax.f32 v14, $0.0e+00;
	s8 =	simm.s32 $0x380  }
0x2af: {  	s17 =	sor.u32 $0x440, s10;
	s15 =	simm.s32 $0x1;
	v15 =	vld [tilespmem:s3+$0x40];
	v14 =	vadd.f32 v14, v6;
	s20 =	sand.u32 $0x380, s8  }
0x2b0: {  	s15 =	simm.s32 @!p1 $0x0;
	v16 =	vld [tilespmem:s17+$0x200];
	s29 =	sadd.s32 s20, s14  }
0x2b1: {  	s15 =	sshll.u32 s15, $0x9;
	[tilespmem:s21+$0x30] =	vst v14;
	v11 =	vmax.f32 v11, $0.0e+00;
	v18 =	vld [tilespmem:s29+$0x0];
	v12 =	vadd.f32 v13, v12  }
0x2b2: {  	s18 =	sor.u32 $0x440, s5;
	v14 =	vld [tilespmem:s7+$0x40];
	v11 =	vadd.f32 v11, v7;
	s20 =	sadd.s32 $0x400, s15  }
0x2b3: {  	s31 =	simm.s32 $0x200;
	v17 =	vld [tilespmem:s18+$0x200];
	s11 =	sor.u32 $0x400, s20;
	v12 =	vmax.f32 v12, $0.0e+00  }
0x2b4: {  	s2 =	sand.u32 $0x200, s31;
	[tilespmem:s21+$0xFFFFFF40] =	vst v11;
	v22 =	vld [tilespmem:s11+$0x200];
	v12 =	vadd.f32 v12, v8  }
0x2b5: {  	s19 =	sadd.s32 s2, s14;
	v11 =	vld [tilespmem:s25+$0x50]  }
0x2b6: {  	v18 =	vadd.f32 v19, v18;
	v19 =	vld [tilespmem:s19+$0x0];
	[tilespmem:s21+$0xD0] =	vst v12  }
0x2b7: {  	s16 =	simm.s32 $0x280;
	s18 =	sor.u32 $0x460, s12;
	v12 =	vadd.f32 v16, v15;
	v16 =	vld [tilespmem:s6+$0x60]  }
0x2b8: {  	s23 =	sor.u32 $0x450, s4;
	s2 =	sand.u32 $0x280, s16;
	s17 =	simm.s32 $0x300;
	v15 =	vmax.f32 v18, $0.0e+00;
	v18 =	vld [tilespmem:s18+$0x200]  }
0x2b9: {  	s16 =	sadd.s32 s2, s14;
	s15 =	sand.u32 $0x300, s17;
	v13 =	vld [tilespmem:s23+$0x200];
	v14 =	vadd.f32 v17, v14;
	v15 =	vadd.f32 v15, v3;
	v12 =	vmax.f32 v12, $0.0e+00  }
0x2ba: {  	s1 =	sadd.s32 s15, s14;
	v17 =	vld [tilespmem:s16+$0x0];
	s18 =	simm.s32 $0xA500;
	v12 =	vadd.f32 v12, v7  }
0x2bb: {  	v14 =	vmax.f32 v14, $0.0e+00;
	[tilespmem:s18+$0x80] =	vst v15;
	v15 =	vld [tilespmem:s1+$0x0];
	v19 =	vadd.f32 v22, v19  }
0x2bc: {  	s23 =	sor.u32 $0x410, s28;
	v54 =	vld [tilespmem:s29+$0x10];
	[tilespmem:s21+$0xFFFFFFC0] =	vst v12;
	v12 =	vadd.f32 v14, v7  }
0x2bd: {  	v14 =	vld [tilespmem:s23+$0x200];
	v19 =	vmax.f32 v19, $0.0e+00;
	v16 =	vadd.f32 v18, v16  }
0x2be: {  	s24 =	sor.u32 $0x450, s10;
	v18 =	vld [tilespmem:s3+$0x50];
	[tilespmem:s21+$0x40] =	vst v12;
	v12 =	vadd.f32 v19, v3  }
0x2bf: {  	v19 =	vld [tilespmem:s24+$0x200];
	v16 =	vmax.f32 v16, $0.0e+00  }
0x2c0: {  	v17 =	vadd.f32 v20, v17;
	v20 =	vld [tilespmem:s7+$0x50];
	[tilespmem:s18+$0xFFFFFF00] =	vst v12;
	v16 =	vadd.f32 v16, v9  }
0x2c1: {  	s31 =	sor.u32 $0x410, s20;
	v55 =	vld [tilespmem:s19+$0x10]  }
0x2c2: {  	s26 =	sor.u32 $0x450, s5;
	v17 =	vmax.f32 v17, $0.0e+00;
	v14 =	vadd.f32 v14, v54;
	[tilespmem:s21+$0xE0] =	vst v16;
	v16 =	vld [tilespmem:s31+$0x200]  }
0x2c3: {  	v17 =	vadd.f32 v17, v3;
	v15 =	vadd.f32 v53, v15;
	v12 =	vld [tilespmem:s26+$0x200]  }
0x2c4: {  	s11 =	sor.u32 $0x470, s12;
	v14 =	vmax.f32 v14, $0.0e+00;
	v56 =	vld [tilespmem:s6+$0x70]  }
0x2c5: {  	[tilespmem:s18+$0xFFFFFF80] =	vst v17;
	v15 =	vmax.f32 v15, $0.0e+00;
	v17 =	vld [tilespmem:s11+$0x200];
	v18 =	vadd.f32 v19, v18;
	v14 =	vadd.f32 v14, v4  }
0x2c6: {  	s12 =	sor.u32 $0x410, s13;
	v15 =	vadd.f32 v15, v3;
	v19 =	vld [tilespmem:s16+$0x10]  }
0x2c7: {  	v18 =	vmax.f32 v18, $0.0e+00;
	[tilespmem:s18+$0x90] =	vst v14;
	v14 =	vld [tilespmem:s12+$0x200];
	v16 =	vadd.f32 v16, v55  }
0x2c8: {  	s14 =	sor.u32 $0x420, s28;
	[tilespmem:s18+$0x0] =	vst v15;
	v15 =	vadd.f32 v18, v8;
	v57 =	vld [tilespmem:s29+$0x20]  }
0x2c9: {  	v12 =	vadd.f32 v12, v20;
	v18 =	vld [tilespmem:s14+$0x200];
	v16 =	vmax.f32 v16, $0.0e+00  }
0x2ca: {  	s15 =	sor.u32 $0x410, s0;
	v20 =	vld [tilespmem:s1+$0x10];
	[tilespmem:s21+$0xFFFFFFD0] =	vst v15;
	v15 =	vadd.f32 v16, v4  }
0x2cb: {  	v12 =	vmax.f32 v12, $0.0e+00;
	v16 =	vld [tilespmem:s15+$0x200]  }
0x2cc: {  	v12 =	vadd.f32 v12, v8;
	v14 =	vadd.f32 v14, v19;
	v19 =	vld [tilespmem:s3+$0x60];
	[tilespmem:s18+$0xFFFFFF10] =	vst v15  }
0x2cd: {  	s23 =	sor.u32 $0x420, s20;
	v58 =	vld [tilespmem:s19+$0x20]  }
0x2ce: {  	s17 =	sor.u32 $0x460, s10;
	[tilespmem:s21+$0x50] =	vst v12;
	v18 =	vadd.f32 v18, v57;
	v14 =	vmax.f32 v14, $0.0e+00;
	v12 =	vld [tilespmem:s23+$0x200]  }
0x2cf: {  	v15 =	vld [tilespmem:s17+$0x200];
	v14 =	vadd.f32 v14, v4  }
0x2d0: {  	s24 =	sor.u32 $0x460, s5;
	v18 =	vmax.f32 v18, $0.0e+00;
	v16 =	vadd.f32 v16, v20;
	v20 =	vld [tilespmem:s7+$0x60]  }
0x2d1: {  	v11 =	vadd.f32 v13, v11;
	[tilespmem:s18+$0xFFFFFF90] =	vst v14;
	v14 =	vadd.f32 v18, v5;
	v18 =	vld [tilespmem:s24+$0x200]  }
0x2d2: {  	s26 =	sor.u32 $0x420, s13;
	v13 =	vld [tilespmem:s16+$0x20];
	v16 =	vmax.f32 v16, $0.0e+00  }
0x2d3: {  	v11 =	vmax.f32 v11, $0.0e+00;
	[tilespmem:s18+$0xA0] =	vst v14;
	v14 =	vld [tilespmem:s26+$0x200];
	v16 =	vadd.f32 v16, v4;
	v12 =	vadd.f32 v12, v58  }
0x2d4: {  	v11 =	vadd.f32 v11, v8;
	s31 =	sor.u32 $0x430, s28;
	v59 =	vld [tilespmem:s29+$0x30]  }
0x2d5: {  	v15 =	vadd.f32 v15, v19;
	[tilespmem:s18+$0x10] =	vst v16;
	v16 =	vld [tilespmem:s31+$0x200];
	v12 =	vmax.f32 v12, $0.0e+00  }
0x2d6: {  	[tilespmem:s21+$0xFFFFFF50] =	vst v11;
	s6 =	sor.u32 $0x420, s0;
	v19 =	vld [tilespmem:s1+$0x20];
	v11 =	vadd.f32 v12, v5  }
0x2d7: {  	v15 =	vmax.f32 v15, $0.0e+00;
	v12 =	vld [tilespmem:s6+$0x200]  }
0x2d8: {  	v15 =	vadd.f32 v15, v9;
	v13 =	vadd.f32 v14, v13;
	v14 =	vld [tilespmem:s25+$0x60];
	[tilespmem:s18+$0xFFFFFF20] =	vst v11  }
0x2d9: {  	s12 =	sor.u32 $0x430, s20;
	v60 =	vld [tilespmem:s19+$0x30]  }
0x2da: {  	s11 =	sor.u32 $0x460, s4;
	[tilespmem:s21+$0xFFFFFFE0] =	vst v15;
	v15 =	vld [tilespmem:s12+$0x200];
	v16 =	vadd.f32 v16, v59;
	v13 =	vmax.f32 v13, $0.0e+00  }
0x2db: {  	v11 =	vld [tilespmem:s11+$0x200];
	v13 =	vadd.f32 v13, v5  }
0x2dc: {  	s14 =	sor.u32 $0x470, s10;
	v12 =	vadd.f32 v12, v19;
	v19 =	vld [tilespmem:s3+$0x70];
	v16 =	vmax.f32 v16, $0.0e+00  }
0x2dd: {  	[tilespmem:s18+$0xFFFFFFA0] =	vst v13;
	v13 =	vadd.f32 v16, v6;
	v16 =	vld [tilespmem:s14+$0x200]  }
0x2de: {  	s15 =	sor.u32 $0x430, s13;
	v18 =	vadd.f32 v18, v20;
	v12 =	vmax.f32 v12, $0.0e+00;
	v20 =	vld [tilespmem:s16+$0x30]  }
0x2df: {  	v12 =	vadd.f32 v12, v5;
	v15 =	vadd.f32 v15, v60;
	[tilespmem:s18+$0xB0] =	vst v13;
	v13 =	vld [tilespmem:s15+$0x200]  }
0x2e0: {  	v17 =	vadd.f32 v17, v56;
	s17 =	sor.u32 $0x440, s28;
	v18 =	vmax.f32 v18, $0.0e+00;
	v61 =	vld [tilespmem:s29+$0x40]  }
0x2e1: {  	v18 =	vadd.f32 v18, v9;
	[tilespmem:s18+$0x20] =	vst v12;
	v62 =	vld [tilespmem:s17+$0x200];
	v12 =	vmax.f32 v15, $0.0e+00  }
0x2e2: {  	s23 =	sor.u32 $0x430, s0;
	v11 =	vadd.f32 v11, v14;
	v15 =	vmax.f32 v17, $0.0e+00;
	v14 =	vld [tilespmem:s1+$0x30];
	v12 =	vadd.f32 v12, v6  }
0x2e3: {  	s30 =	sor.u32 $0x450, s13;
	[tilespmem:s21+$0x60] =	vst v18;
	v17 =	vld [tilespmem:s23+$0x200];
	v15 =	vadd.f32 v15, v10;
	v16 =	vadd.f32 v16, v19  }
0x2e4: {  	p1 =	por !p1, !p1;
	s2 =	sor.u32 $0x470, s4;
	s24 =	sor.u32 $0x470, s5;
	v18 =	vmax.f32 v11, $0.0e+00;
	v11 =	vld [tilespmem:s7+$0x70];
	[tilespmem:s18+$0xFFFFFF30] =	vst v12;
	v13 =	vadd.f32 v13, v20  }
0x2e5: {  	s4 =	sor.u32 $0x470, s0;
	s26 =	sor.u32 $0x440, s20;
	s31 =	sor.u32 $0x450, s0;
	v18 =	vadd.f32 v18, v9;
	v12 =	vld [tilespmem:s24+$0x200];
	[tilespmem:s21+$0xF0] =	vst v15;
	v16 =	vmax.f32 v16, $0.0e+00  }
0x2e6: {  	s10 =	sor.u32 $0x460, s20;
	s5 =	simm.s32 $0xA500;
	v15 =	vld [tilespmem:s26+$0x200];
	[dreg:$0x8] =	wrdreg s31;
	v19 =	vadd.f32 v16, v10;
	v20 =	vadd.f32 v62, v61;
	v13 =	vmax.f32 v13, $0.0e+00  }
0x2e7: {  	s6 =	sor.u32 $0x440, s13;
	s11 =	sor.u32 $0x460, s13;
	s12 =	sor.u32 $0x450, s20;
	[tilespmem:s21+$0xFFFFFF60] =	vst v18;
	v16 =	vld [tilespmem:s19+$0x40];
	v63 =	vadd.f32 v13, v6  }
0x2e8: {  	s3 =	sor.u32 $0x470, s20;
	s14 =	simm.s32 $0x4;
	s15 =	sor.u32 $0x460, s0;
	v18 =	vadd.f32 v17, v14;
	v14 =	vld [tilespmem:s2+$0x200];
	[tilespmem:s21+$0xFFFFFFF0] =	vst v19;
	v19 =	vmax.f32 v20, $0.0e+00  }
0x2e9: {  	s7 =	sor.u32 $0x470, s13;
	s17 =	simm.s32 $0x4;
	s23 =	sor.u32 $0x440, s0;
	v13 =	vld [tilespmem:s25+$0x70];
	v17 =	vadd.f32 v19, v7;
	[tilespmem:s18+$0xFFFFFFB0] =	vst v63  }
.LBB2_7:
0x2ea: {  	[smem:$0x7C9] =	sst s30  }
0x2eb: {  	[smem:$0x7CA] =	sst s11  }
0x2ec: {  	[dreg:$0x14] =	wrdreg s10  }
0x2ed: {  	[dreg:$0x12] =	wrdreg s7  }
0x2ee: {  	[dreg:$0xe] =	wrdreg s3  }
0x2ef: {  	[dreg:$0xc] =	wrdreg s4  }
0x2f0: {  	s0 =	simm.s32 $0x1;
	s2 =	sand.u32 $0x3, s14;
	s22 =	sadd.s32 $0x4, s22  }
0x2f1: {  	v19 =	vld [tilespmem:s16+$0x40];
	s30 =	smov.u32 s5;
	s11 =	sor.u32 $0x450, s28;
	s9 =	sadd.s32 $0x400, s9;
	v18 =	vmax.f32 v18, $0.0e+00  }
0x2f2: {  	s8 =	sadd.s32 $0x200, s8;
	s0 =	simm.s32 @!p1 $0x0;
	s2 =	sshll.u32 s2, $0x8;
	[tilespmem:s18+$0xC0] =	vst v17;
	v18 =	vadd.f32 v18, v6;
	v11 =	vadd.f32 v12, v11;
	v12 =	vld [tilespmem:s6+$0x200]  }
0x2f3: {  	s10 =	sand.u32 $0x7, s22;
	s13 =	sand.u32 $0x3800, s9;
	s20 =	sand.u32 $0x380, s8;
	v17 =	vld [tilespmem:s11+$0x200];
	v15 =	vadd.f32 v15, v16  }
0x2f4: {  	s24 =	sadd.s32 $0xFFFFFF00, s8;
	s31 =	sadd.s32 $0xFFFFFF80, s8;
	s4 =	sshll.u32 s10, $0x7;
	v16 =	vld [tilespmem:s29+$0x50];
	[tilespmem:s18+$0x30] =	vst v18;
	v11 =	vmax.f32 v11, $0.0e+00  }
0x2f5: {  	s0 =	sshll.u32 s0, $0x9;
	s4 =	sadd.s32 s4, s9;
	s6 =	sadd.s32 $0x2A00, s13;
	v18 =	vld [tilespmem:s1+$0x40];
	v15 =	vmax.f32 v15, $0.0e+00;
	v11 =	vadd.f32 v11, v10  }
0x2f6: {  	s2 =	sadd.s32 s9, s2;
	v13 =	vadd.f32 v14, v13;
	s7 =	sadd.s32 $0x180, s4;
	s20 =	sadd.s32 s20, s6;
	v14 =	vadd.f32 v15, v7;
	v15 =	vld [tilespmem:s23+$0x200]  }
0x2f7: {  	s26 =	sadd.s32 $0x80, s4;
	s4 =	sadd.s32 $0x100, s2;
	s25 =	sor.u32 $0x400, s7;
	[tilespmem:s21+$0x70] =	vst v11;
	v11 =	vld [tilespmem:s20+$0x0];
	v12 =	vadd.f32 v12, v19  }
0x2f8: {  	s5 =	sadd.s32 s0, s9;
	s3 =	sor.u32 $0x420, s4;
	s10 =	sor.u32 $0x430, s4;
	v13 =	vmax.f32 v13, $0.0e+00;
	v19 =	vld [tilespmem:s25+$0x200];
	[tilespmem:s18+$0xFFFFFF40] =	vst v14  }
0x2f9: {  	[smem:$0x7D1] =	sst s10;
	s10 =	sor.u32 $0x450, s5;
	s23 =	sadd.s32 $0xFFFFFE80, s8;
	v13 =	vadd.f32 v13, v10;
	v16 =	vadd.f32 v17, v16;
	v14 =	vld [tilespmem:s19+$0x50];
	v12 =	vmax.f32 v12, $0.0e+00  }
0x2fa: {  	s13 =	sand.u32 $0x200, s23;
	s23 =	sand.u32 $0x280, s24;
	s24 =	sor.u32 $0x400, s26;
	v17 =	vld [tilespmem:s12+$0x200];
	v12 =	vadd.f32 v12, v7  }
0x2fb: {  	[dreg:$0x18] =	wrdreg s10;
	s10 =	sor.u32 $0x460, s4;
	[tilespmem:s21+$0xFFFFFF70] =	vst v13;
	v13 =	vld [tilespmem:s24+$0x200];
	s21 =	sor.u32 $0x400, s4;
	v16 =	vmax.f32 v16, $0.0e+00;
	v15 =	vadd.f32 v15, v18  }
0x2fc: {  	s25 =	sand.u32 $0x300, s31;
	s31 =	sor.u32 $0x400, s5;
	s0 =	sadd.s32 s23, s6;
	v18 =	vld [tilespmem:s21+$0x200];
	[tilespmem:s18+$0xFFFFFFC0] =	vst v12;
	v12 =	vadd.f32 v16, v8  }
0x2fd: {  	s23 =	sor.u32 $0x420, s5;
	s12 =	sadd.s32 s13, s6;
	s24 =	sor.u32 $0x410, s4;
	v16 =	vld [tilespmem:s31+$0x200];
	v11 =	vadd.f32 v19, v11;
	v15 =	vmax.f32 v15, $0.0e+00  }
0x2fe: {  	[smem:$0x7CB] =	sst s23;
	s23 =	sor.u32 $0x440, s4;
	v19 =	vld [tilespmem:s12+$0x0];
	s31 =	sor.u32 $0x420, s26;
	v15 =	vadd.f32 v15, v7;
	[tilespmem:s18+$0xD0] =	vst v12  }
0x2ff: {  	s21 =	sor.u32 $0x460, s28;
	[smem:$0x7CC] =	sst s31;
	s31 =	sor.u32 $0x430, s5;
	v11 =	vmax.f32 v11, $0.0e+00;
	v12 =	vadd.f32 v17, v14;
	v14 =	vld [tilespmem:s29+$0x60]  }
0x300: {  	[smem:$0x7CF] =	sst s31;
	s31 =	sor.u32 $0x450, s4;
	s4 =	sor.u32 $0x470, s4;
	v11 =	vadd.f32 v11, v3;
	[tilespmem:s18+$0x40] =	vst v15;
	v15 =	vld [tilespmem:s21+$0x200]  }
0x301: {  	s13 =	sadd.s32 s25, s6;
	v17 =	vld [tilespmem:s0+$0x0];
	s18 =	sadd.s32 $0x200, s18;
	[smem:$0x7D2] =	sst s4  }
0x302: {  	s21 =	sor.u32 $0x460, s5;
	s4 =	sld [smem:$0x7C9];
	v12 =	vmax.f32 v12, $0.0e+00;
	v20 =	vld [tilespmem:s13+$0x0];
	[tilespmem:s18+$0x80] =	vst v11  }
0x303: {  	[smem:$0x7CE] =	sst s21;
	s21 =	sor.u32 $0x410, s7;
	v11 =	vadd.f32 v12, v8;
	v12 =	vadd.f32 v16, v19;
	v16 =	vld [tilespmem:s20+$0x10]  }
0x304: {  	v19 =	vld [tilespmem:s21+$0x200]  }
0x305: {  	[smem:$0x7CD] =	sst s3;
	s3 =	sor.u32 $0x440, s5;
	[tilespmem:s30+$0xFFFFFF50] =	vst v11;
	v11 =	vmax.f32 v12, $0.0e+00;
	v12 =	vld [tilespmem:s16+$0x50];
	v14 =	vadd.f32 v15, v14  }
0x306: {  	[dreg:$0x1d] =	wrdreg s3;
	s3 =	smov.u32 s15;
	s15 =	sor.u32 $0x450, s26;
	v13 =	vadd.f32 v13, v17;
	v11 =	vadd.f32 v11, v3;
	v15 =	vld [tilespmem:s4+$0x200]  }
0x307: {  	s21 =	smov.u32 s30;
	s30 =	smov.u32 s15;
	s15 =	rddreg [dreg:$0x8];
	v17 =	vadd.f32 v18, v20;
	v18 =	vld [tilespmem:s1+$0x50];
	v14 =	vmax.f32 v14, $0.0e+00  }
0x308: {  	[tilespmem:s18+$0xFFFFFF00] =	vst v11;
	v11 =	vmax.f32 v13, $0.0e+00;
	v13 =	vld [tilespmem:s15+$0x200];
	v14 =	vadd.f32 v14, v9  }
0x309: {  	s25 =	sor.u32 $0x410, s5;
	v20 =	vld [tilespmem:s12+$0x10];
	v11 =	vadd.f32 v11, v3;
	v16 =	vadd.f32 v19, v16  }
0x30a: {  	s15 =	smov.u32 s31;
	v17 =	vmax.f32 v17, $0.0e+00;
	v19 =	vld [tilespmem:s25+$0x200];
	[tilespmem:s21+$0xE0] =	vst v14  }
0x30b: {  	[dreg:$0x8] =	wrdreg s15;
	s15 =	sor.u32 $0x470, s28;
	v17 =	vadd.f32 v17, v3;
	[tilespmem:s18+$0xFFFFFF80] =	vst v11;
	v11 =	vmax.f32 v16, $0.0e+00;
	v14 =	vld [tilespmem:s29+$0x70]  }
0x30c: {  	v12 =	vadd.f32 v15, v12;
	v11 =	vadd.f32 v11, v4;
	v15 =	vld [tilespmem:s15+$0x200]  }
0x30d: {  	s11 =	sor.u32 $0x410, s26;
	[tilespmem:s18+$0x0] =	vst v17;
	v16 =	vld [tilespmem:s0+$0x10]  }
0x30e: {  	s28 =	smov.u32 s7;
	s29 =	smov.u32 s20;
	v17 =	vld [tilespmem:s11+$0x200];
	v12 =	vmax.f32 v12, $0.0e+00;
	v13 =	vadd.f32 v13, v18;
	[tilespmem:s18+$0x90] =	vst v11  }
0x30f: {  	s20 =	sor.u32 $0x420, s28;
	v11 =	vadd.f32 v12, v8;
	v12 =	vadd.f32 v19, v20;
	v18 =	vld [tilespmem:s29+$0x20]  }
0x310: {  	v13 =	vmax.f32 v13, $0.0e+00;
	v19 =	vld [tilespmem:s20+$0x200]  }
0x311: {  	s25 =	sld [smem:$0x7CA];
	[tilespmem:s21+$0xFFFFFFD0] =	vst v11;
	v11 =	vadd.f32 v13, v8;
	v12 =	vmax.f32 v12, $0.0e+00;
	v13 =	vld [tilespmem:s13+$0x10]  }
0x312: {  	v14 =	vadd.f32 v15, v14;
	v12 =	vadd.f32 v12, v4;
	v15 =	vld [tilespmem:s24+$0x200]  }
0x313: {  	s31 =	sld [smem:$0x7CB];
	[tilespmem:s21+$0x50] =	vst v11;
	v11 =	vadd.f32 v17, v16;
	v16 =	vld [tilespmem:s16+$0x60]  }
0x314: {  	v14 =	vmax.f32 v14, $0.0e+00;
	[tilespmem:s18+$0xFFFFFF10] =	vst v12;
	v12 =	vld [tilespmem:s25+$0x200]  }
0x315: {  	v14 =	vadd.f32 v14, v10;
	v17 =	vld [tilespmem:s12+$0x20];
	v11 =	vmax.f32 v11, $0.0e+00;
	v18 =	vadd.f32 v19, v18  }
0x316: {  	v19 =	vld [tilespmem:s31+$0x200];
	v11 =	vadd.f32 v11, v4  }
0x317: {  	s4 =	sld [smem:$0x7CC];
	[tilespmem:s21+$0xF0] =	vst v14;
	v13 =	vadd.f32 v15, v13;
	v14 =	vmax.f32 v18, $0.0e+00;
	v15 =	vld [tilespmem:s1+$0x60]  }
0x318: {  	[tilespmem:s18+$0xFFFFFF90] =	vst v11;
	v11 =	vadd.f32 v14, v5;
	v14 =	vld [tilespmem:s3+$0x200]  }
0x319: {  	v18 =	vld [tilespmem:s0+$0x20]  }
0x31a: {  	v13 =	vmax.f32 v13, $0.0e+00;
	v12 =	vadd.f32 v12, v16;
	v16 =	vld [tilespmem:s4+$0x200]  }
0x31b: {  	v13 =	vadd.f32 v13, v4;
	[tilespmem:s18+$0xA0] =	vst v11;
	v11 =	vadd.f32 v19, v17  }
0x31c: {  	s7 =	sor.u32 $0x430, s28;
	s15 =	smov.u32 s10;
	s10 =	sld [smem:$0x7CD];
	v17 =	vld [tilespmem:s29+$0x30];
	v12 =	vmax.f32 v12, $0.0e+00  }
0x31d: {  	[tilespmem:s18+$0x10] =	vst v13;
	v13 =	vld [tilespmem:s7+$0x200];
	v12 =	vadd.f32 v12, v9;
	v11 =	vmax.f32 v11, $0.0e+00  }
0x31e: {  	v19 =	vld [tilespmem:s13+$0x20];
	v14 =	vadd.f32 v14, v15;
	v11 =	vadd.f32 v11, v5  }
0x31f: {  	s20 =	rddreg [dreg:$0x14];
	v15 =	vld [tilespmem:s10+$0x200];
	[tilespmem:s21+$0xFFFFFFE0] =	vst v12;
	v12 =	vadd.f32 v16, v18  }
0x320: {  	s25 =	sld [smem:$0x7CF];
	v16 =	vld [tilespmem:s19+$0x60];
	v14 =	vmax.f32 v14, $0.0e+00;
	[tilespmem:s18+$0xFFFFFF20] =	vst v11  }
0x321: {  	s6 =	sor.u32 $0x430, s26;
	v11 =	vld [tilespmem:s20+$0x200];
	v14 =	vadd.f32 v14, v9;
	v12 =	vmax.f32 v12, $0.0e+00  }
0x322: {  	s2 =	sor.u32 $0x460, s26;
	[smem:$0x7D0] =	sst s6;
	v18 =	vld [tilespmem:s12+$0x30];
	v13 =	vadd.f32 v13, v17;
	v12 =	vadd.f32 v12, v5  }
0x323: {  	s11 =	smov.u32 s2;
	s2 =	sld [smem:$0x7D0];
	v17 =	vld [tilespmem:s25+$0x200];
	[tilespmem:s21+$0x60] =	vst v14  }
0x324: {  	s31 =	rddreg [dreg:$0x12];
	v14 =	vadd.f32 v15, v19;
	v15 =	vld [tilespmem:s16+$0x70];
	v13 =	vmax.f32 v13, $0.0e+00;
	[tilespmem:s18+$0xFFFFFFA0] =	vst v12  }
0x325: {  	s16 =	smov.u32 s0;
	v12 =	vadd.f32 v13, v6;
	v13 =	vld [tilespmem:s31+$0x200]  }
0x326: {  	v19 =	vld [tilespmem:s16+$0x30];
	v14 =	vmax.f32 v14, $0.0e+00  }
0x327: {  	s24 =	sld [smem:$0x7CE];
	v11 =	vadd.f32 v11, v16;
	v16 =	vld [tilespmem:s2+$0x200];
	v14 =	vadd.f32 v14, v5;
	[tilespmem:s18+$0xB0] =	vst v12  }
0x328: {  	s3 =	sor.u32 $0x440, s28;
	s4 =	sld [smem:$0x7D1];
	v12 =	vadd.f32 v17, v18;
	v17 =	vld [tilespmem:s29+$0x40]  }
0x329: {  	s5 =	sor.u32 $0x470, s5;
	v11 =	vmax.f32 v11, $0.0e+00;
	[tilespmem:s18+$0x20] =	vst v14;
	v14 =	vld [tilespmem:s3+$0x200]  }
0x32a: {  	[smem:$0x7D3] =	sst s5;
	v11 =	vadd.f32 v11, v9;
	v12 =	vmax.f32 v12, $0.0e+00;
	v18 =	vld [tilespmem:s13+$0x30]  }
0x32b: {  	s17 =	sadd.s32 $0x4, s17;
	s10 =	smov.u32 s24;
	s24 =	sld [smem:$0x7D2];
	v20 =	vld [tilespmem:s4+$0x200];
	v13 =	vadd.f32 v13, v15;
	v12 =	vadd.f32 v12, v6  }
0x32c: {  	p2 =	slt.u32 s17, $0x24;
	s20 =	rddreg [dreg:$0xc];
	[tilespmem:s21+$0xFFFFFF60] =	vst v11;
	v15 =	vadd.f32 v16, v19;
	v11 =	vld [tilespmem:s1+$0x70]  }
.Ltmp2:
0x32d: {  	s14 =	sadd.s32 $0x2, s14;
	s31 =	sld [smem:$0x7D3];
	v13 =	vmax.f32 v13, $0.0e+00;
	[tilespmem:s18+$0xFFFFFF30] =	vst v12;
	v12 =	vld [tilespmem:s20+$0x200];
	(pc) =	sbr.rel @p2 .LBB2_7-.Ltmp2, $4  }
0x32e: {  	s6 =	sor.u32 $0x440, s26;
	s26 =	sor.u32 $0x470, s26;
	s25 =	rddreg [dreg:$0x1d];
	v13 =	vadd.f32 v13, v10;
	v16 =	vld [tilespmem:s12+$0x40];
	v19 =	vmax.f32 v15, $0.0e+00;
	v14 =	vadd.f32 v14, v17  }
0x32f: {  	p1 =	por !p1, !p1;
	s5 =	smov.u32 s18;
	s7 =	smov.u32 s26;
	v15 =	vld [tilespmem:s25+$0x200];
	v17 =	vadd.f32 v19, v6  }
0x330: {  	s26 =	rddreg [dreg:$0xe];
	s3 =	smov.u32 s31;
	s4 =	smov.u32 s24;
	[tilespmem:s21+$0xFFFFFFF0] =	vst v13;
	v14 =	vmax.f32 v14, $0.0e+00;
	v13 =	vld [tilespmem:s19+$0x70]  }
0x331: {  	s1 =	smov.u32 s13;
	v18 =	vadd.f32 v20, v18;
	s19 =	smov.u32 s12;
	s12 =	rddreg [dreg:$0x18];
	[tilespmem:s18+$0xFFFFFFB0] =	vst v17;
	v17 =	vadd.f32 v14, v7;
	v14 =	vld [tilespmem:s26+$0x200]  }
0x332: {  	_ = 	snop  }
0x333: {  	v18 =	vmax.f32 v18, $0.0e+00  }
0x334: {  	v18 =	vadd.f32 v18, v6  }
0x335: {  	v19 =	vld [tilespmem:s6+$0x200]  }
0x336: {  	v20 =	vld [tilespmem:s16+$0x40];
	[tilespmem:s18+$0x30] =	vst v18  }
0x337: {  	v18 =	vld [tilespmem:s1+$0x40]  }
0x338: {  	v21 =	vld [tilespmem:s23+$0x200];
	_ =	sdelay $0x2  }
0x339: {  	v19 =	vadd.f32 v19, v20;
	_ =	sdelay $0x1  }
0x33a: {  	v19 =	vmax.f32 v19, $0.0e+00;
	v18 =	vadd.f32 v21, v18  }
0x33b: {  	s0 =	sor.u32 $0x450, s28;
	[tilespmem:s18+$0xC0] =	vst v17;
	v27 =	vadd.f32 v19, v7  }
0x33c: {  	v28 =	vld [tilespmem:s0+$0x200];
	v15 =	vadd.f32 v15, v16;
	v29 =	vmax.f32 v18, $0.0e+00  }
0x33d: {  	v30 =	vld [tilespmem:s29+$0x50];
	[tilespmem:s18+$0xFFFFFFC0] =	vst v27;
	v16 =	vadd.f32 v29, v7  }
0x33e: {  	v15 =	vmax.f32 v15, $0.0e+00;
	v17 =	vld [tilespmem:s30+$0x200]  }
0x33f: {  	v15 =	vadd.f32 v15, v7;
	v31 =	vld [tilespmem:s16+$0x50];
	[tilespmem:s18+$0x40] =	vst v16  }
0x340: {  	s14 =	rddreg [dreg:$0x8];
	v33 =	vld [tilespmem:s1+$0x50]  }
0x341: {  	[tilespmem:s18+$0xFFFFFF40] =	vst v15;
	v32 =	vld [tilespmem:s14+$0x200]  }
0x342: {  	v18 =	vadd.f32 v28, v30;
	v34 =	vld [tilespmem:s12+$0x200]  }
0x343: {  	v35 =	vld [tilespmem:s19+$0x50]  }
0x344: {  	v18 =	vmax.f32 v18, $0.0e+00;
	v16 =	vadd.f32 v17, v31  }
0x345: {  	v36 =	vadd.f32 v18, v8  }
0x346: {  	v16 =	vmax.f32 v16, $0.0e+00;
	v15 =	vadd.f32 v32, v33  }
0x347: {  	s17 =	sor.u32 $0x460, s28;
	[tilespmem:s18+$0xD0] =	vst v36;
	v16 =	vadd.f32 v16, v8  }
0x348: {  	v17 =	vld [tilespmem:s17+$0x200];
	v37 =	vadd.f32 v34, v35;
	v15 =	vmax.f32 v15, $0.0e+00  }
0x349: {  	v38 =	vld [tilespmem:s29+$0x60];
	[tilespmem:s5+$0xFFFFFFD0] =	vst v16;
	v15 =	vadd.f32 v15, v8  }
0x34a: {  	v16 =	vld [tilespmem:s11+$0x200];
	v18 =	vmax.f32 v37, $0.0e+00  }
0x34b: {  	v39 =	vld [tilespmem:s16+$0x60];
	v18 =	vadd.f32 v18, v8;
	[tilespmem:s5+$0x50] =	vst v15  }
0x34c: {  	v40 =	vld [tilespmem:s15+$0x200]  }
0x34d: {  	[tilespmem:s5+$0xFFFFFF50] =	vst v18;
	v41 =	vld [tilespmem:s1+$0x60]  }
0x34e: {  	v17 =	vadd.f32 v17, v38;
	v42 =	vld [tilespmem:s10+$0x200]  }
0x34f: {  	v43 =	vld [tilespmem:s19+$0x60]  }
0x350: {  	v17 =	vmax.f32 v17, $0.0e+00;
	v15 =	vadd.f32 v16, v39  }
0x351: {  	v44 =	vadd.f32 v17, v9  }
0x352: {  	v15 =	vmax.f32 v15, $0.0e+00;
	v45 =	vadd.f32 v40, v41  }
0x353: {  	[tilespmem:s5+$0xE0] =	vst v44;
	v15 =	vadd.f32 v15, v9  }
0x354: {  	s18 =	sor.u32 $0x470, s28;
	v16 =	vld [tilespmem:s29+$0x70];
	v46 =	vadd.f32 v42, v43;
	v17 =	vmax.f32 v45, $0.0e+00  }
0x355: {  	v47 =	vld [tilespmem:s18+$0x200];
	[tilespmem:s5+$0xFFFFFFE0] =	vst v15;
	v48 =	vadd.f32 v17, v9  }
0x356: {  	v49 =	vld [tilespmem:s16+$0x70];
	v18 =	vmax.f32 v46, $0.0e+00  }
0x357: {  	v50 =	vld [tilespmem:s7+$0x200];
	v51 =	vadd.f32 v18, v9;
	[tilespmem:s5+$0x60] =	vst v48  }
0x358: {  	v52 =	vld [tilespmem:s1+$0x70]  }
0x359: {  	[tilespmem:s5+$0xFFFFFF60] =	vst v51;
	v53 =	vld [tilespmem:s4+$0x200]  }
0x35a: {  	v15 =	vld [tilespmem:s19+$0x70]  }
0x35b: {  	v11 =	vadd.f32 v12, v11;
	v22 =	vld [tilespmem:s3+$0x200]  }
0x35c: {  	v54 =	vadd.f32 v14, v13  }
0x35d: {  	v11 =	vmax.f32 v11, $0.0e+00;
	v55 =	vadd.f32 v47, v16  }
0x35e: {  	v11 =	vadd.f32 v11, v10;
	v12 =	vmax.f32 v54, $0.0e+00;
	v56 =	vadd.f32 v50, v49  }
0x35f: {  	v12 =	vadd.f32 v12, v10;
	v13 =	vmax.f32 v55, $0.0e+00;
	v57 =	vadd.f32 v53, v52  }
0x360: {  	[tilespmem:s21+$0x70] =	vst v11;
	v11 =	vadd.f32 v13, v10;
	v58 =	vmax.f32 v56, $0.0e+00;
	v59 =	vadd.f32 v22, v15  }
0x361: {  	[tilespmem:s21+$0xFFFFFF70] =	vst v12;
	v60 =	vadd.f32 v58, v10;
	v61 =	vmax.f32 v57, $0.0e+00  }
0x362: {  	[tilespmem:s5+$0xF0] =	vst v11;
	v62 =	vmax.f32 v59, $0.0e+00;
	v11 =	vadd.f32 v61, v10  }
0x363: {  	[tilespmem:s5+$0xFFFFFFF0] =	vst v60;
	v63 =	vadd.f32 v62, v10  }
0x364: {  	s20 =	simm.s32 $0xA200;
	[tilespmem:s5+$0x70] =	vst v11  }
0x365: {  	s2 =	simm.s32 $0x80;
	s19 =	rddreg [dreg:$0x2];
	s3 =	simm.s32 $0x8;
	[tilespmem:s5+$0xFFFFFF70] =	vst v63  }
0x366: {  	[spmem:s19] =	stream.indirect.scatter.add.f32 [tilespmem:s20], [sflag:$0x6], $0x80, s2, s3, $0xb8;
	[tilespmem:$0x1EF00] =	vst v63  }
0x367: {  	s22 =	simm.s32 $0x88;
	s21 =	simm.s32 $0xA600  }
0x368: {  	[spmem:s19] =	stream.indirect.scatter.add.f32 [tilespmem:s21], [sflag:$0x6], $0x80, s22, s3, $0xb8;
	[tilespmem:$0x1EF00] =	vst v63  }
0x369: {  	s24 =	simm.s32 $0x90;
	s23 =	simm.s32 $0xAA00  }
0x36a: {  	[spmem:s19] =	stream.indirect.scatter.add.f32 [tilespmem:s23], [sflag:$0x6], $0x80, s24, s3, $0xb8;
	[tilespmem:$0x1EF00] =	vst v63  }
0x36b: {  	s25 =	simm.s32 $0xAE00;
	s26 =	simm.s32 $0x98  }
0x36c: {  	[spmem:s19] =	stream.indirect.scatter.add.f32 [tilespmem:s25], [sflag:$0x6], $0x80, s26, s3, $0xb8;
	[tilespmem:$0x1EF00] =	vst v63  }
0x36d: {  	s30 =	simm.s32 $0x6;
	s28 =	simm.s32 $0xB200;
	s29 =	simm.s32 $0xA0  }
0x36e: {  	[spmem:s19] =	stream.indirect.scatter.add.f32 [tilespmem:s28], [sflag:$0x6], $0x80, s29, s3, $0xb8;
	[tilespmem:$0x1EF00] =	vst v63  }
0x36f: {  	_ =	swait.ge [sflag:s30], $0x400  }
0x370: {  	[sflag:s30] =	ssyncset.done $0x0  }
0x371: {  	[sflag:s30] =	ssyncadd.s32 $0xFFFFFC00  }
0x372: {  	_ =	swait.ge [sflag:s30], $0x400  }
0x373: {  	[sflag:s30] =	ssyncset.done $0x0  }
0x374: {  	[sflag:s30] =	ssyncadd.s32 $0xFFFFFC00  }
0x375: {  	_ =	swait.ge [sflag:s30], $0x400  }
0x376: {  	[sflag:s30] =	ssyncset.done $0x0  }
0x377: {  	[sflag:s30] =	ssyncadd.s32 $0xFFFFFC00  }
0x378: {  	_ =	swait.ge [sflag:s30], $0x400  }
0x379: {  	[sflag:s30] =	ssyncset.done $0x0  }
0x37a: {  	[sflag:s30] =	ssyncadd.s32 $0xFFFFFC00  }
0x37b: {  	_ =	swait.ge [sflag:s30], $0x400  }
0x37c: {  	s31 =	sld [smem:$0x7DF];
	_ =	sdelay $0x2  }
0x37d: {  	p1 =	seq.s32 s31, $0xF9  }
.Ltmp3:
0x37e: {  	_ = 	snop;
	(pc) =	sbr.rel @p1 .LBB2_10-.Ltmp3, $3  }
0x37f: {  	_ =	sdelay $0x1  }
0x380: {  	[sflag:s30] =	ssyncset.done $0x0  }
0x381: {  	[sflag:s30] =	ssyncadd.s32 $0xFFFFFC00  }
0x382: {  	s0 =	sld [smem:$0x7F0]  }
0x383: {  	s1 =	sld [smem:$0x7E0];
	_ =	sdelay $0x1  }
0x384: {  	s16 =	sld [smem:$0x7EB]  }
0x385: {  	s0 =	sadd.s32 s1, s0  }
0x386: {  	s0 =	sshrl.u32 s0, $0x3  }
0x387: {  	s2 =	simm.s32 $0x0;
	s17 =	rddreg [dreg:$0x1];
	s1 =	sadd.s32 s16, s0  }
0x388: {  	[tilespmem:s2], [sflag:$0x7] =	stream.linear.gather [hbm4b:s1+s2], $0x28, $0x38;
	[tilespmem:$0x1EF00] =	vst v63  }
0x389: {  	s18 =	simm.s32 $0x80;
	s19 =	simm.s32 $0x7;
	s0 =	sadd.s32 s17, s0  }
0x38a: {  	[tilespmem:s18], [sflag:$0x8] =	stream.linear.gather [hbm4b:s0+s2], $0x28, $0x38;
	[tilespmem:$0x1EF00] =	vst v63  }
0x38b: {  	_ =	swait.ge [sflag:s19], $0x28  }
0x38c: {  	[sflag:s19] =	ssyncset.done $0x0  }
0x38d: {  	[sflag:s19] =	ssyncadd.s32 $0xFFFFFFD8  }
0x38e: {  	_ =	swait.ge [sflag:s3], $0x28  }
0x38f: {  	[sflag:s3] =	ssyncset.done $0x0  }
0x390: {  	[sflag:s3] =	ssyncadd.s32 $0xFFFFFFD8  }
0x391: {  	v11 =	vld.msk [tilespmem:$0x0], $0xff;
	_ =	sdelay $0x4  }
0x392: {  	v12 =	vshll.u32 v11, $0x1  }
0x393: {  	v11 =	vand.u32 $0x7, v11;
	v12 =	vand.u32 $0xFFFFFFF0, v12  }
0x394: {  	v11 =	vor.u32 v11, v12  }
0x395: {  	v11 =	vperm.xlane v11, v1;
	_ =	sdelay $0x1  }
0x396: {  	v11 =	vadd.s32 v2, v11;
	_ =	sdelay $0x1  }
0x397: {  	s20 =	sld [smem:$0x7F2];
	_ =	sdelay $0x1  }
0x398: {  	s21 =	simm.s32 $0x200  }
0x399: {  	[tilespmem:s21], [sflag:$0x1] =	stream.indirect_vreg.gather [hbm4b:s20+s2], $0x80, v11, vm0, $0xb8;
	[tilespmem:$0x1EF00] =	vst v63  }
0x39a: {  	v11 =	vld.msk [tilespmem:$0x80], $0xff;
	_ =	sdelay $0x4  }
0x39b: {  	v55 =	vshll.u32 v11, $0x1  }
0x39c: {  	v11 =	vand.u32 $0x7, v11;
	v12 =	vand.u32 $0xFFFFFFF0, v55  }
0x39d: {  	v11 =	vor.u32 v11, v12  }
0x39e: {  	v11 =	vperm.xlane v11, v1;
	_ =	sdelay $0x1  }
0x39f: {  	v11 =	vadd.s32 v2, v11;
	_ =	sdelay $0x3  }
0x3a0: {  	s22 =	simm.s32 $0x2A00  }
0x3a1: {  	[tilespmem:s22], [sflag:$0x2] =	stream.indirect_vreg.gather [hbm4b:s20+s2], $0x80, v11, vm0, $0xb8;
	[tilespmem:$0x1EF00] =	vst v63  }
0x3a2: {  	v11 =	vld.msk [tilespmem:$0x8], $0xff;
	_ =	sdelay $0x4  }
0x3a3: {  	v56 =	vshll.u32 v11, $0x1  }
0x3a4: {  	v11 =	vand.u32 $0x7, v11;
	v12 =	vand.u32 $0xFFFFFFF0, v56  }
0x3a5: {  	v11 =	vor.u32 v11, v12  }
0x3a6: {  	v11 =	vperm.xlane v11, v1;
	_ =	sdelay $0x1  }
0x3a7: {  	v11 =	vadd.s32 v2, v11;
	_ =	sdelay $0x3  }
0x3a8: {  	s23 =	simm.s32 $0xA00  }
0x3a9: {  	[tilespmem:s23], [sflag:$0x1] =	stream.indirect_vreg.gather [hbm4b:s20+s2], $0x80, v11, vm0, $0xb8;
	[tilespmem:$0x1EF00] =	vst v63  }
0x3aa: {  	v11 =	vld.msk [tilespmem:$0x88], $0xff;
	_ =	sdelay $0x4  }
0x3ab: {  	v57 =	vshll.u32 v11, $0x1  }
0x3ac: {  	v11 =	vand.u32 $0x7, v11;
	v12 =	vand.u32 $0xFFFFFFF0, v57  }
0x3ad: {  	v11 =	vor.u32 v11, v12  }
0x3ae: {  	v11 =	vperm.xlane v11, v1;
	_ =	sdelay $0x1  }
0x3af: {  	v11 =	vadd.s32 v2, v11;
	_ =	sdelay $0x3  }
0x3b0: {  	s24 =	simm.s32 $0x3200  }
0x3b1: {  	[tilespmem:s24], [sflag:$0x2] =	stream.indirect_vreg.gather [hbm4b:s20+s2], $0x80, v11, vm0, $0xb8;
	[tilespmem:$0x1EF00] =	vst v63  }
0x3b2: {  	v11 =	vld.msk [tilespmem:$0x10], $0xff;
	_ =	sdelay $0x4  }
0x3b3: {  	v58 =	vshll.u32 v11, $0x1  }
0x3b4: {  	v11 =	vand.u32 $0x7, v11;
	v12 =	vand.u32 $0xFFFFFFF0, v58  }
0x3b5: {  	v11 =	vor.u32 v11, v12  }
0x3b6: {  	v11 =	vperm.xlane v11, v1;
	_ =	sdelay $0x1  }
0x3b7: {  	v11 =	vadd.s32 v2, v11;
	_ =	sdelay $0x3  }
0x3b8: {  	s25 =	simm.s32 $0x1200  }
0x3b9: {  	[tilespmem:s25], [sflag:$0x1] =	stream.indirect_vreg.gather [hbm4b:s20+s2], $0x80, v11, vm0, $0xb8;
	[tilespmem:$0x1EF00] =	vst v63  }
0x3ba: {  	v11 =	vld.msk [tilespmem:$0x90], $0xff;
	_ =	sdelay $0x4  }
0x3bb: {  	v59 =	vshll.u32 v11, $0x1  }
0x3bc: {  	v11 =	vand.u32 $0x7, v11;
	v12 =	vand.u32 $0xFFFFFFF0, v59  }
0x3bd: {  	v11 =	vor.u32 v11, v12  }
0x3be: {  	v11 =	vperm.xlane v11, v1;
	_ =	sdelay $0x1  }
0x3bf: {  	v11 =	vadd.s32 v2, v11;
	_ =	sdelay $0x3  }
0x3c0: {  	s26 =	simm.s32 $0x3A00  }
0x3c1: {  	[tilespmem:s26], [sflag:$0x2] =	stream.indirect_vreg.gather [hbm4b:s20+s2], $0x80, v11, vm0, $0xb8;
	[tilespmem:$0x1EF00] =	vst v63  }
0x3c2: {  	v11 =	vld.msk [tilespmem:$0x18], $0xff;
	_ =	sdelay $0x4  }
0x3c3: {  	v60 =	vshll.u32 v11, $0x1  }
0x3c4: {  	v11 =	vand.u32 $0x7, v11;
	v12 =	vand.u32 $0xFFFFFFF0, v60  }
0x3c5: {  	v11 =	vor.u32 v11, v12  }
0x3c6: {  	v11 =	vperm.xlane v11, v1;
	_ =	sdelay $0x1  }
0x3c7: {  	v11 =	vadd.s32 v2, v11;
	_ =	sdelay $0x3  }
0x3c8: {  	s28 =	simm.s32 $0x1A00  }
0x3c9: {  	[tilespmem:s28], [sflag:$0x1] =	stream.indirect_vreg.gather [hbm4b:s20+s2], $0x80, v11, vm0, $0xb8;
	[tilespmem:$0x1EF00] =	vst v63  }
0x3ca: {  	v11 =	vld.msk [tilespmem:$0x98], $0xff;
	_ =	sdelay $0x4  }
0x3cb: {  	v61 =	vshll.u32 v11, $0x1  }
0x3cc: {  	v11 =	vand.u32 $0x7, v11;
	v12 =	vand.u32 $0xFFFFFFF0, v61  }
0x3cd: {  	v11 =	vor.u32 v11, v12  }
0x3ce: {  	v11 =	vperm.xlane v11, v1;
	_ =	sdelay $0x1  }
0x3cf: {  	v11 =	vadd.s32 v2, v11;
	_ =	sdelay $0x3  }
0x3d0: {  	s29 =	simm.s32 $0x4200  }
0x3d1: {  	[tilespmem:s29], [sflag:$0x2] =	stream.indirect_vreg.gather [hbm4b:s20+s2], $0x80, v11, vm0, $0xb8;
	[tilespmem:$0x1EF00] =	vst v63  }
0x3d2: {  	v11 =	vld.msk [tilespmem:$0x20], $0xff;
	_ =	sdelay $0x4  }
0x3d3: {  	v62 =	vshll.u32 v11, $0x1  }
0x3d4: {  	v11 =	vand.u32 $0x7, v11;
	v12 =	vand.u32 $0xFFFFFFF0, v62  }
0x3d5: {  	v11 =	vor.u32 v11, v12  }
0x3d6: {  	v11 =	vperm.xlane v11, v1;
	_ =	sdelay $0x1  }
0x3d7: {  	v11 =	vadd.s32 v2, v11;
	_ =	sdelay $0x3  }
0x3d8: {  	s30 =	simm.s32 $0x2200  }
0x3d9: {  	[tilespmem:s30], [sflag:$0x1] =	stream.indirect_vreg.gather [hbm4b:s20+s2], $0x80, v11, vm0, $0xb8;
	[tilespmem:$0x1EF00] =	vst v63  }
0x3da: {  	v11 =	vld.msk [tilespmem:$0xA0], $0xff;
	_ =	sdelay $0x4  }
0x3db: {  	v63 =	vshll.u32 v11, $0x1  }
0x3dc: {  	v11 =	vand.u32 $0x7, v11;
	v12 =	vand.u32 $0xFFFFFFF0, v63  }
0x3dd: {  	v11 =	vor.u32 v11, v12  }
0x3de: {  	v11 =	vperm.xlane v11, v1;
	_ =	sdelay $0x1  }
0x3df: {  	v11 =	vadd.s32 v2, v11;
	_ =	sdelay $0x3  }
0x3e0: {  	s31 =	simm.s32 $0x4A00  }
0x3e1: {  	[tilespmem:s31], [sflag:$0x2] =	stream.indirect_vreg.gather [hbm4b:s20+s2], $0x80, v11, vm0, $0xb8;
	[tilespmem:$0x1EF00] =	vst v63  }
.LBB2_10:
0x3e2: {  	s0 =	simm.s32 $0x3  }
0x3e3: {  	_ =	swait.ge [sflag:s0], $0x800  }
0x3e4: {  	[sflag:s0] =	ssyncset.done $0x0  }
0x3e5: {  	s4 =	simm.s32 $0x4;
	[sflag:s0] =	ssyncadd.s32 $0xFFFFF800  }
0x3e6: {  	_ =	swait.ge [sflag:s4], $0x800  }
0x3e7: {  	[sflag:s4] =	ssyncset.done $0x0  }
0x3e8: {  	[sflag:s4] =	ssyncadd.s32 $0xFFFFF800  }
0x3e9: {  	_ =	swait.ge [sflag:s0], $0x800  }
0x3ea: {  	[sflag:s0] =	ssyncset.done $0x0  }
0x3eb: {  	[sflag:s0] =	ssyncadd.s32 $0xFFFFF800  }
0x3ec: {  	_ =	swait.ge [sflag:s4], $0x800  }
0x3ed: {  	[sflag:s4] =	ssyncset.done $0x0  }
0x3ee: {  	[sflag:s4] =	ssyncadd.s32 $0xFFFFF800  }
0x3ef: {  	_ =	swait.ge [sflag:s0], $0x800  }
0x3f0: {  	[sflag:s0] =	ssyncset.done $0x0  }
0x3f1: {  	[sflag:s0] =	ssyncadd.s32 $0xFFFFF800  }
0x3f2: {  	_ =	swait.ge [sflag:s4], $0x800  }
0x3f3: {  	[sflag:s4] =	ssyncset.done $0x0  }
0x3f4: {  	[sflag:s4] =	ssyncadd.s32 $0xFFFFF800  }
0x3f5: {  	_ =	swait.ge [sflag:s0], $0x800  }
0x3f6: {  	[sflag:s0] =	ssyncset.done $0x0  }
0x3f7: {  	[sflag:s0] =	ssyncadd.s32 $0xFFFFF800  }
0x3f8: {  	_ =	swait.ge [sflag:s4], $0x800  }
0x3f9: {  	[sflag:s4] =	ssyncset.done $0x0  }
0x3fa: {  	[sflag:s4] =	ssyncadd.s32 $0xFFFFF800  }
0x3fb: {  	_ =	swait.ge [sflag:s0], $0x800  }
0x3fc: {  	s16 =	simm.s32 $0x0;
	s2 =	simm.s32 $0x180;
	[sflag:s0] =	ssyncset.done $0x0  }
0x3fd: {  	s1 =	sand.u32 $0x7, s16;
	s3 =	sand.u32 $0x3800, s16;
	[sflag:s0] =	ssyncadd.s32 $0xFFFFF800  }
0x3fe: {  	s2 =	sand.u32 $0x380, s2;
	s1 =	sshll.u32 s1, $0x7;
	_ =	swait.ge [sflag:s4], $0x800  }
0x3ff: {  	s7 =	sadd.s32 $0x5200, s3;
	s1 =	sadd.s32 $0x0, s1;
	[sflag:s4] =	ssyncset.done $0x0  }
0x400: {  	s6 =	sadd.s32 s2, s7;
	s12 =	sadd.s32 $0x180, s1;
	[sflag:s4] =	ssyncadd.s32 $0xFFFFF800  }
0x401: {  	s17 =	sor.u32 $0x400, s12;
	v11 =	vld [tilespmem:s6+$0x0]  }
0x402: {  	p1 =	por $0x0, $0x0;
	s3 =	simm.s32 $0x1;
	v12 =	vld [tilespmem:s17+$0x7A00]  }
0x403: {  	s3 =	simm.s32 @!p1 $0x0  }
0x404: {  	s18 =	sshll.u32 s3, $0x9  }
0x405: {  	s19 =	simm.s32 $0x0;
	s4 =	sadd.s32 $0x0, s18  }
0x406: {  	s20 =	sand.u32 $0x200, s19;
	s21 =	sor.u32 $0x400, s4  }
0x407: {  	s25 =	sadd.s32 s20, s7;
	v13 =	vld [tilespmem:s21+$0x7A00];
	v11 =	vadd.f32 v12, v11  }
0x408: {  	v12 =	vld [tilespmem:s25+$0x0]  }
0x409: {  	s22 =	simm.s32 $0x80;
	s10 =	sadd.s32 $0x80, s1;
	v11 =	vmax.f32 v11, $0.0e+00  }
0x40a: {  	s23 =	sand.u32 $0x280, s22;
	s24 =	sor.u32 $0x400, s10;
	v11 =	vadd.f32 v11, v3  }
0x40b: {  	s3 =	sadd.s32 s23, s7;
	s0 =	sand.u32 $0x3, s16;
	s17 =	simm.s32 $0xA300;
	v14 =	vld [tilespmem:s24+$0x7A00]  }
0x40c: {  	s26 =	simm.s32 $0x100;
	s0 =	sshll.u32 s0, $0x8;
	v15 =	vld [tilespmem:s3+$0x0];
	[tilespmem:s17+$0x80] =	vst v11  }
0x40d: {  	s1 =	sand.u32 $0x300, s26;
	s28 =	sor.u32 $0x410, s12;
	s0 =	sadd.s32 $0x0, s0;
	v11 =	vadd.f32 v13, v12;
	v12 =	vld [tilespmem:s6+$0x10]  }
0x40e: {  	s7 =	sadd.s32 s1, s7;
	s5 =	sadd.s32 $0x100, s0;
	v13 =	vld [tilespmem:s28+$0x7A00]  }
0x40f: {  	s30 =	sor.u32 $0x400, s5;
	v17 =	vld [tilespmem:s7+$0x0];
	v11 =	vmax.f32 v11, $0.0e+00  }
0x410: {  	v16 =	vld [tilespmem:s30+$0x7A00];
	v11 =	vadd.f32 v11, v3  }
0x411: {  	v14 =	vadd.f32 v14, v15  }
0x412: {  	[tilespmem:s17+$0xFFFFFF00] =	vst v11  }
0x413: {  	s1 =	sor.u32 $0x410, s4;
	v11 =	vmax.f32 v14, $0.0e+00;
	v14 =	vld [tilespmem:s25+$0x10];
	v12 =	vadd.f32 v13, v12  }
0x414: {  	v11 =	vadd.f32 v11, v3;
	v13 =	vld [tilespmem:s1+$0x7A00]  }
0x415: {  	v15 =	vadd.f32 v16, v17;
	v12 =	vmax.f32 v12, $0.0e+00  }
0x416: {  	[tilespmem:s17+$0xFFFFFF80] =	vst v11;
	v11 =	vadd.f32 v12, v4  }
0x417: {  	v12 =	vmax.f32 v15, $0.0e+00  }
0x418: {  	v12 =	vadd.f32 v12, v3;
	[tilespmem:s17+$0x90] =	vst v11  }
0x419: {  	s8 =	sor.u32 $0x420, s12;
	v11 =	vadd.f32 v13, v14;
	v13 =	vld [tilespmem:s6+$0x20]  }
0x41a: {  	[tilespmem:s17+$0x0] =	vst v12;
	v12 =	vld [tilespmem:s8+$0x7A00];
	_ =	sdelay $0x1  }
0x41b: {  	s2 =	sor.u32 $0x410, s10;
	v15 =	vld [tilespmem:s3+$0x10];
	v11 =	vmax.f32 v11, $0.0e+00  }
0x41c: {  	v16 =	vld [tilespmem:s2+$0x7A00];
	v11 =	vadd.f32 v11, v4  }
0x41d: {  	s9 =	sor.u32 $0x410, s5;
	v14 =	vld [tilespmem:s7+$0x10]  }
0x41e: {  	v17 =	vld [tilespmem:s9+$0x7A00];
	[tilespmem:s17+$0xFFFFFF10] =	vst v11;
	v12 =	vadd.f32 v12, v13  }
0x41f: {  	s11 =	sor.u32 $0x420, s4;
	v11 =	vld [tilespmem:s25+$0x20]  }
0x420: {  	v13 =	vld [tilespmem:s11+$0x7A00];
	v12 =	vmax.f32 v12, $0.0e+00  }
0x421: {  	v15 =	vadd.f32 v16, v15;
	v12 =	vadd.f32 v12, v5;
	_ =	sdelay $0x1  }
0x422: {  	v15 =	vmax.f32 v15, $0.0e+00;
	v14 =	vadd.f32 v17, v14;
	[tilespmem:s17+$0xA0] =	vst v12  }
0x423: {  	s14 =	sor.u32 $0x430, s12;
	v15 =	vadd.f32 v15, v4;
	v12 =	vld [tilespmem:s6+$0x30]  }
0x424: {  	v14 =	vmax.f32 v14, $0.0e+00;
	v11 =	vadd.f32 v13, v11;
	v13 =	vld [tilespmem:s14+$0x7A00]  }
0x425: {  	[tilespmem:s17+$0xFFFFFF90] =	vst v15;
	v14 =	vadd.f32 v14, v4  }
0x426: {  	s13 =	sor.u32 $0x420, s10;
	v15 =	vld [tilespmem:s3+$0x20];
	v11 =	vmax.f32 v11, $0.0e+00  }
0x427: {  	v16 =	vld [tilespmem:s13+$0x7A00];
	[tilespmem:s17+$0x10] =	vst v14;
	v11 =	vadd.f32 v11, v5  }
0x428: {  	s15 =	sor.u32 $0x420, s5;
	v14 =	vld [tilespmem:s7+$0x20]  }
0x429: {  	v17 =	vld [tilespmem:s15+$0x7A00];
	[tilespmem:s17+$0xFFFFFF20] =	vst v11;
	v12 =	vadd.f32 v13, v12  }
0x42a: {  	s16 =	sor.u32 $0x430, s4;
	v11 =	vld [tilespmem:s25+$0x30]  }
0x42b: {  	v13 =	vld [tilespmem:s16+$0x7A00];
	v12 =	vmax.f32 v12, $0.0e+00  }
0x42c: {  	v15 =	vadd.f32 v16, v15;
	v12 =	vadd.f32 v12, v6;
	_ =	sdelay $0x1  }
0x42d: {  	v15 =	vmax.f32 v15, $0.0e+00;
	v14 =	vadd.f32 v17, v14;
	[tilespmem:s17+$0xB0] =	vst v12  }
0x42e: {  	s19 =	sor.u32 $0x440, s12;
	v15 =	vadd.f32 v15, v5;
	v12 =	vld [tilespmem:s6+$0x40]  }
0x42f: {  	v14 =	vmax.f32 v14, $0.0e+00;
	v11 =	vadd.f32 v13, v11;
	v13 =	vld [tilespmem:s19+$0x7A00]  }
0x430: {  	[tilespmem:s17+$0xFFFFFFA0] =	vst v15;
	v14 =	vadd.f32 v14, v5  }
0x431: {  	s18 =	sor.u32 $0x430, s10;
	v15 =	vld [tilespmem:s3+$0x30];
	v11 =	vmax.f32 v11, $0.0e+00  }
0x432: {  	v16 =	vld [tilespmem:s18+$0x7A00];
	[tilespmem:s17+$0x20] =	vst v14;
	v11 =	vadd.f32 v11, v6  }
0x433: {  	s20 =	sor.u32 $0x430, s5;
	s1 =	simm.s32 $0x4;
	v14 =	vld [tilespmem:s7+$0x30]  }
0x434: {  	s26 =	sand.u32 $0x7, s1;
	v17 =	vld [tilespmem:s20+$0x7A00];
	[tilespmem:s17+$0xFFFFFF30] =	vst v11;
	v12 =	vadd.f32 v13, v12  }
0x435: {  	s21 =	sor.u32 $0x440, s4;
	s0 =	sshll.u32 s26, $0x7;
	v11 =	vld [tilespmem:s25+$0x40]  }
0x436: {  	s0 =	sadd.s32 $0x400, s0;
	s13 =	simm.s32 $0x2;
	v13 =	vld [tilespmem:s21+$0x7A00];
	v12 =	vmax.f32 v12, $0.0e+00  }
0x437: {  	s18 =	sand.u32 $0x3, s13;
	s13 =	sadd.s32 $0x80, s0;
	v15 =	vadd.f32 v16, v15;
	v12 =	vadd.f32 v12, v7  }
0x438: {  	s16 =	sor.u32 $0x400, s13  }
0x439: {  	s9 =	simm.s32 $0x400;
	v20 =	vld [tilespmem:s16+$0x7A00];
	v15 =	vmax.f32 v15, $0.0e+00;
	[tilespmem:s17+$0xC0] =	vst v12  }
0x43a: {  	s24 =	sadd.s32 $0x180, s0;
	s8 =	sor.u32 $0x450, s12;
	s11 =	sand.u32 $0x3800, s9;
	v15 =	vadd.f32 v15, v6;
	v12 =	vld [tilespmem:s6+$0x50]  }
0x43b: {  	s14 =	sadd.s32 $0x5200, s11;
	s11 =	sshll.u32 s18, $0x8;
	s19 =	sor.u32 $0x400, s24;
	v14 =	vadd.f32 v17, v14;
	v11 =	vadd.f32 v13, v11;
	v13 =	vld [tilespmem:s8+$0x7A00]  }
0x43c: {  	p1 =	por !p1, !p1;
	s11 =	sadd.s32 $0x400, s11;
	v19 =	vld [tilespmem:s19+$0x7A00];
	[tilespmem:s17+$0xFFFFFFB0] =	vst v15  }
0x43d: {  	s22 =	sor.u32 $0x440, s10;
	s0 =	sadd.s32 $0x100, s11;
	v15 =	vld [tilespmem:s3+$0x40];
	v14 =	vmax.f32 v14, $0.0e+00;
	s8 =	simm.s32 $0x380  }
0x43e: {  	s15 =	simm.s32 $0x1;
	v16 =	vld [tilespmem:s22+$0x7A00];
	s22 =	sor.u32 $0x400, s0;
	v14 =	vadd.f32 v14, v6;
	s28 =	sand.u32 $0x380, s8  }
0x43f: {  	s15 =	simm.s32 @!p1 $0x0;
	v21 =	vld [tilespmem:s22+$0x7A00];
	s21 =	sadd.s32 s28, s14  }
0x440: {  	s15 =	sshll.u32 s15, $0x9;
	[tilespmem:s17+$0x30] =	vst v14;
	v11 =	vmax.f32 v11, $0.0e+00;
	v18 =	vld [tilespmem:s21+$0x0];
	v12 =	vadd.f32 v13, v12  }
0x441: {  	s23 =	sor.u32 $0x440, s5;
	s11 =	sadd.s32 $0x400, s15;
	v14 =	vld [tilespmem:s7+$0x40];
	v11 =	vadd.f32 v11, v7  }
0x442: {  	s20 =	simm.s32 $0x200;
	v17 =	vld [tilespmem:s23+$0x7A00];
	s23 =	sor.u32 $0x400, s11;
	v12 =	vmax.f32 v12, $0.0e+00  }
0x443: {  	s30 =	sor.u32 $0x450, s4;
	s2 =	sand.u32 $0x200, s20;
	v22 =	vld [tilespmem:s23+$0x7A00];
	[tilespmem:s17+$0xFFFFFF40] =	vst v11;
	v12 =	vadd.f32 v12, v8  }
0x444: {  	s22 =	sadd.s32 s2, s14;
	v13 =	vld [tilespmem:s30+$0x7A00]  }
0x445: {  	v18 =	vadd.f32 v19, v18;
	v19 =	vld [tilespmem:s22+$0x0];
	[tilespmem:s17+$0xD0] =	vst v12  }
0x446: {  	s26 =	simm.s32 $0x280;
	s30 =	sor.u32 $0x460, s12;
	v12 =	vadd.f32 v16, v15;
	v16 =	vld [tilespmem:s6+$0x60]  }
0x447: {  	s2 =	sand.u32 $0x280, s26;
	s28 =	simm.s32 $0x300;
	v15 =	vmax.f32 v18, $0.0e+00;
	v18 =	vld [tilespmem:s30+$0x7A00]  }
0x448: {  	s19 =	sadd.s32 s2, s14;
	s15 =	sand.u32 $0x300, s28;
	v11 =	vld [tilespmem:s25+$0x50];
	v14 =	vadd.f32 v17, v14;
	v15 =	vadd.f32 v15, v3;
	v12 =	vmax.f32 v12, $0.0e+00  }
0x449: {  	s18 =	simm.s32 $0xA500;
	s14 =	sadd.s32 s15, s14;
	v17 =	vld [tilespmem:s19+$0x0];
	v12 =	vadd.f32 v12, v7  }
0x44a: {  	v14 =	vmax.f32 v14, $0.0e+00;
	[tilespmem:s18+$0x80] =	vst v15;
	v15 =	vld [tilespmem:s14+$0x0];
	v19 =	vadd.f32 v22, v19  }
0x44b: {  	s15 =	sor.u32 $0x410, s24;
	v54 =	vld [tilespmem:s21+$0x10];
	[tilespmem:s17+$0xFFFFFFC0] =	vst v12;
	v12 =	vadd.f32 v14, v7  }
0x44c: {  	v14 =	vld [tilespmem:s15+$0x7A00];
	v19 =	vmax.f32 v19, $0.0e+00;
	v16 =	vadd.f32 v18, v16  }
0x44d: {  	s16 =	sor.u32 $0x450, s10;
	v18 =	vld [tilespmem:s3+$0x50];
	[tilespmem:s17+$0x40] =	vst v12;
	v12 =	vadd.f32 v19, v3  }
0x44e: {  	v19 =	vld [tilespmem:s16+$0x7A00];
	v16 =	vmax.f32 v16, $0.0e+00  }
0x44f: {  	v17 =	vadd.f32 v20, v17;
	v20 =	vld [tilespmem:s7+$0x50];
	[tilespmem:s18+$0xFFFFFF00] =	vst v12;
	v16 =	vadd.f32 v16, v9  }
0x450: {  	s23 =	sor.u32 $0x410, s11;
	v55 =	vld [tilespmem:s22+$0x10]  }
0x451: {  	s20 =	sor.u32 $0x450, s5;
	v17 =	vmax.f32 v17, $0.0e+00;
	v14 =	vadd.f32 v14, v54;
	[tilespmem:s17+$0xE0] =	vst v16;
	v16 =	vld [tilespmem:s23+$0x7A00]  }
0x452: {  	v17 =	vadd.f32 v17, v3;
	v15 =	vadd.f32 v21, v15;
	v12 =	vld [tilespmem:s20+$0x7A00]  }
0x453: {  	s26 =	sor.u32 $0x470, s12;
	v14 =	vmax.f32 v14, $0.0e+00;
	v56 =	vld [tilespmem:s6+$0x70]  }
0x454: {  	[tilespmem:s18+$0xFFFFFF80] =	vst v17;
	v15 =	vmax.f32 v15, $0.0e+00;
	v17 =	vld [tilespmem:s26+$0x7A00];
	v18 =	vadd.f32 v19, v18;
	v14 =	vadd.f32 v14, v4  }
0x455: {  	s28 =	sor.u32 $0x410, s13;
	v15 =	vadd.f32 v15, v3;
	v19 =	vld [tilespmem:s19+$0x10]  }
0x456: {  	v18 =	vmax.f32 v18, $0.0e+00;
	[tilespmem:s18+$0x90] =	vst v14;
	v14 =	vld [tilespmem:s28+$0x7A00];
	v16 =	vadd.f32 v16, v55  }
0x457: {  	s30 =	sor.u32 $0x420, s24;
	[tilespmem:s18+$0x0] =	vst v15;
	v15 =	vadd.f32 v18, v8;
	v57 =	vld [tilespmem:s21+$0x20]  }
0x458: {  	v12 =	vadd.f32 v12, v20;
	v18 =	vld [tilespmem:s30+$0x7A00];
	v16 =	vmax.f32 v16, $0.0e+00  }
0x459: {  	s6 =	sor.u32 $0x410, s0;
	v20 =	vld [tilespmem:s14+$0x10];
	[tilespmem:s17+$0xFFFFFFD0] =	vst v15;
	v15 =	vadd.f32 v16, v4  }
0x45a: {  	v12 =	vmax.f32 v12, $0.0e+00;
	v16 =	vld [tilespmem:s6+$0x7A00]  }
0x45b: {  	v12 =	vadd.f32 v12, v8;
	v14 =	vadd.f32 v14, v19;
	v19 =	vld [tilespmem:s3+$0x60];
	[tilespmem:s18+$0xFFFFFF10] =	vst v15  }
0x45c: {  	s15 =	sor.u32 $0x420, s11;
	v58 =	vld [tilespmem:s22+$0x20]  }
0x45d: {  	s12 =	sor.u32 $0x460, s10;
	[tilespmem:s17+$0x50] =	vst v12;
	v18 =	vadd.f32 v18, v57;
	v14 =	vmax.f32 v14, $0.0e+00;
	v12 =	vld [tilespmem:s15+$0x7A00]  }
0x45e: {  	v15 =	vld [tilespmem:s12+$0x7A00];
	v14 =	vadd.f32 v14, v4  }
0x45f: {  	s16 =	sor.u32 $0x460, s5;
	v18 =	vmax.f32 v18, $0.0e+00;
	v16 =	vadd.f32 v16, v20;
	v20 =	vld [tilespmem:s7+$0x60]  }
0x460: {  	v11 =	vadd.f32 v13, v11;
	[tilespmem:s18+$0xFFFFFF90] =	vst v14;
	v14 =	vadd.f32 v18, v5;
	v18 =	vld [tilespmem:s16+$0x7A00]  }
0x461: {  	s20 =	sor.u32 $0x420, s13;
	v13 =	vld [tilespmem:s19+$0x20];
	v16 =	vmax.f32 v16, $0.0e+00  }
0x462: {  	v11 =	vmax.f32 v11, $0.0e+00;
	[tilespmem:s18+$0xA0] =	vst v14;
	v14 =	vld [tilespmem:s20+$0x7A00];
	v16 =	vadd.f32 v16, v4;
	v12 =	vadd.f32 v12, v58  }
0x463: {  	v11 =	vadd.f32 v11, v8;
	s23 =	sor.u32 $0x430, s24;
	v59 =	vld [tilespmem:s21+$0x30]  }
0x464: {  	v15 =	vadd.f32 v15, v19;
	[tilespmem:s18+$0x10] =	vst v16;
	v16 =	vld [tilespmem:s23+$0x7A00];
	v12 =	vmax.f32 v12, $0.0e+00  }
0x465: {  	[tilespmem:s17+$0xFFFFFF50] =	vst v11;
	s26 =	sor.u32 $0x420, s0;
	v19 =	vld [tilespmem:s14+$0x20];
	v11 =	vadd.f32 v12, v5  }
0x466: {  	v15 =	vmax.f32 v15, $0.0e+00;
	v12 =	vld [tilespmem:s26+$0x7A00]  }
0x467: {  	v15 =	vadd.f32 v15, v9;
	v13 =	vadd.f32 v14, v13;
	v14 =	vld [tilespmem:s25+$0x60];
	[tilespmem:s18+$0xFFFFFF20] =	vst v11  }
0x468: {  	s30 =	sor.u32 $0x430, s11;
	v60 =	vld [tilespmem:s22+$0x30]  }
0x469: {  	s28 =	sor.u32 $0x460, s4;
	[tilespmem:s17+$0xFFFFFFE0] =	vst v15;
	v15 =	vld [tilespmem:s30+$0x7A00];
	v16 =	vadd.f32 v16, v59;
	v13 =	vmax.f32 v13, $0.0e+00  }
0x46a: {  	v11 =	vld [tilespmem:s28+$0x7A00];
	v13 =	vadd.f32 v13, v5  }
0x46b: {  	s6 =	sor.u32 $0x470, s10;
	v12 =	vadd.f32 v12, v19;
	v19 =	vld [tilespmem:s3+$0x70];
	v16 =	vmax.f32 v16, $0.0e+00  }
0x46c: {  	[tilespmem:s18+$0xFFFFFFA0] =	vst v13;
	v13 =	vadd.f32 v16, v6;
	v16 =	vld [tilespmem:s6+$0x7A00]  }
0x46d: {  	s10 =	sor.u32 $0x430, s13;
	v18 =	vadd.f32 v18, v20;
	v12 =	vmax.f32 v12, $0.0e+00;
	v20 =	vld [tilespmem:s19+$0x30]  }
0x46e: {  	v12 =	vadd.f32 v12, v5;
	v15 =	vadd.f32 v15, v60;
	[tilespmem:s18+$0xB0] =	vst v13;
	v13 =	vld [tilespmem:s10+$0x7A00]  }
0x46f: {  	v17 =	vadd.f32 v17, v56;
	s12 =	sor.u32 $0x440, s24;
	v18 =	vmax.f32 v18, $0.0e+00;
	v61 =	vld [tilespmem:s21+$0x40]  }
0x470: {  	v18 =	vadd.f32 v18, v9;
	[tilespmem:s18+$0x20] =	vst v12;
	v62 =	vld [tilespmem:s12+$0x7A00];
	v12 =	vmax.f32 v15, $0.0e+00  }
0x471: {  	s15 =	sor.u32 $0x430, s0;
	v11 =	vadd.f32 v11, v14;
	v15 =	vmax.f32 v17, $0.0e+00;
	v14 =	vld [tilespmem:s14+$0x30];
	v12 =	vadd.f32 v12, v6  }
0x472: {  	s31 =	simm.s32 $0x4;
	[tilespmem:s17+$0x60] =	vst v18;
	v17 =	vld [tilespmem:s15+$0x7A00];
	v15 =	vadd.f32 v15, v10;
	v16 =	vadd.f32 v16, v19  }
0x473: {  	p1 =	por !p1, !p1;
	s29 =	sor.u32 $0x450, s13;
	s23 =	sor.u32 $0x470, s5;
	v18 =	vmax.f32 v11, $0.0e+00;
	v11 =	vld [tilespmem:s7+$0x70];
	[tilespmem:s18+$0xFFFFFF30] =	vst v12;
	v13 =	vadd.f32 v13, v20  }
0x474: {  	s16 =	sor.u32 $0x470, s4;
	s28 =	sor.u32 $0x440, s11;
	s30 =	sor.u32 $0x450, s0;
	v18 =	vadd.f32 v18, v9;
	v12 =	vld [tilespmem:s23+$0x7A00];
	[tilespmem:s17+$0xF0] =	vst v15;
	v16 =	vmax.f32 v16, $0.0e+00  }
0x475: {  	s4 =	sor.u32 $0x470, s0;
	s20 =	sor.u32 $0x460, s13;
	v15 =	vld [tilespmem:s28+$0x7A00];
	[dreg:$0x7] =	wrdreg s30;
	v19 =	vadd.f32 v16, v10;
	v20 =	vadd.f32 v62, v61;
	v13 =	vmax.f32 v13, $0.0e+00  }
0x476: {  	s5 =	simm.s32 $0xA500;
	s26 =	sor.u32 $0x440, s0;
	s3 =	sor.u32 $0x470, s11;
	[tilespmem:s17+$0xFFFFFF60] =	vst v18;
	v16 =	vld [tilespmem:s22+$0x40];
	v63 =	vadd.f32 v13, v6  }
0x477: {  	s6 =	sor.u32 $0x440, s13;
	s10 =	sor.u32 $0x460, s11;
	s7 =	sor.u32 $0x470, s13;
	v18 =	vadd.f32 v17, v14;
	v14 =	vld [tilespmem:s16+$0x7A00];
	[tilespmem:s17+$0xFFFFFFF0] =	vst v19;
	v19 =	vmax.f32 v20, $0.0e+00  }
0x478: {  	s12 =	sor.u32 $0x450, s11;
	s15 =	simm.s32 $0x4;
	s23 =	sor.u32 $0x460, s0;
	v13 =	vld [tilespmem:s25+$0x70];
	v17 =	vadd.f32 v19, v7;
	[tilespmem:s18+$0xFFFFFFB0] =	vst v63  }
.LBB2_11:
0x479: {  	[smem:$0x7BE] =	sst s20  }
0x47a: {  	[smem:$0x7BF] =	sst s23  }
0x47b: {  	[dreg:$0x11] =	wrdreg s4;
	v19 =	vld [tilespmem:s19+$0x40];
	v18 =	vmax.f32 v18, $0.0e+00  }
0x47c: {  	[dreg:$0xb] =	wrdreg s3;
	s1 =	sadd.s32 $0x4, s1;
	s30 =	sor.u32 $0x450, s24;
	[tilespmem:s18+$0xC0] =	vst v17;
	v18 =	vadd.f32 v18, v6;
	v11 =	vadd.f32 v12, v11;
	v12 =	vld [tilespmem:s6+$0x7A00]  }
0x47d: {  	s9 =	sadd.s32 $0x400, s9;
	s8 =	sadd.s32 $0x200, s8;
	s28 =	sand.u32 $0x7, s1;
	v17 =	vld [tilespmem:s30+$0x7A00];
	v15 =	vadd.f32 v15, v16  }
0x47e: {  	[dreg:$0x5] =	wrdreg s1;
	s1 =	sand.u32 $0x3800, s9;
	s4 =	sshll.u32 s28, $0x7;
	v16 =	vld [tilespmem:s21+$0x50];
	[tilespmem:s18+$0x30] =	vst v18;
	v11 =	vmax.f32 v11, $0.0e+00  }
0x47f: {  	s3 =	sand.u32 $0x380, s8;
	s4 =	sadd.s32 s4, s9;
	s6 =	sadd.s32 $0x5200, s1;
	v18 =	vld [tilespmem:s14+$0x40];
	v15 =	vmax.f32 v15, $0.0e+00;
	v11 =	vadd.f32 v11, v10  }
0x480: {  	[dreg:$0x1b] =	wrdreg s7;
	v13 =	vadd.f32 v14, v13;
	s20 =	sadd.s32 $0x180, s4;
	s23 =	sadd.s32 s3, s6;
	v14 =	vadd.f32 v15, v7;
	v15 =	vld [tilespmem:s26+$0x7A00]  }
0x481: {  	s0 =	simm.s32 $0x1;
	s2 =	sand.u32 $0x3, s15;
	s13 =	sor.u32 $0x400, s20;
	[tilespmem:s17+$0x70] =	vst v11;
	v11 =	vld [tilespmem:s23+$0x0];
	v12 =	vadd.f32 v12, v19  }
0x482: {  	s11 =	smov.u32 s29;
	s29 =	smov.u32 s5;
	s2 =	sshll.u32 s2, $0x8;
	v13 =	vmax.f32 v13, $0.0e+00;
	v19 =	vld [tilespmem:s13+$0x7A00];
	[tilespmem:s18+$0xFFFFFF40] =	vst v14  }
0x483: {  	s0 =	simm.s32 @!p1 $0x0;
	s2 =	sadd.s32 s9, s2;
	s26 =	sadd.s32 $0x80, s4;
	v13 =	vadd.f32 v13, v10;
	v16 =	vadd.f32 v17, v16;
	v14 =	vld [tilespmem:s22+$0x50];
	v12 =	vmax.f32 v12, $0.0e+00  }
0x484: {  	s0 =	sshll.u32 s0, $0x9;
	s2 =	sadd.s32 $0x100, s2;
	s28 =	sor.u32 $0x400, s26;
	v17 =	vld [tilespmem:s12+$0x7A00];
	v12 =	vadd.f32 v12, v7  }
0x485: {  	s7 =	sadd.s32 $0xFFFFFE80, s8;
	s5 =	sadd.s32 s0, s9;
	s1 =	sor.u32 $0x400, s2;
	[tilespmem:s17+$0xFFFFFF70] =	vst v13;
	v13 =	vld [tilespmem:s28+$0x7A00];
	v16 =	vmax.f32 v16, $0.0e+00;
	v15 =	vadd.f32 v15, v18  }
0x486: {  	s30 =	sor.u32 $0x400, s5;
	s3 =	sand.u32 $0x200, s7;
	v18 =	vld [tilespmem:s1+$0x7A00];
	[tilespmem:s18+$0xFFFFFFC0] =	vst v12;
	v12 =	vadd.f32 v16, v8  }
0x487: {  	s12 =	sadd.s32 s3, s6;
	v16 =	vld [tilespmem:s30+$0x7A00];
	v11 =	vadd.f32 v19, v11;
	v15 =	vmax.f32 v15, $0.0e+00  }
0x488: {  	[smem:$0x7C2] =	sst s10;
	s10 =	sadd.s32 $0xFFFFFF00, s8;
	v19 =	vld [tilespmem:s12+$0x0];
	v15 =	vadd.f32 v15, v7;
	[tilespmem:s18+$0xD0] =	vst v12  }
0x489: {  	s16 =	sadd.s32 $0xFFFFFF80, s8;
	s25 =	sand.u32 $0x280, s10;
	s17 =	sor.u32 $0x460, s24;
	v11 =	vmax.f32 v11, $0.0e+00;
	v12 =	vadd.f32 v17, v14;
	v14 =	vld [tilespmem:s21+$0x60]  }
0x48a: {  	s0 =	sadd.s32 s25, s6;
	s4 =	sand.u32 $0x300, s16;
	v11 =	vadd.f32 v11, v3;
	[tilespmem:s18+$0x40] =	vst v15;
	v15 =	vld [tilespmem:s17+$0x7A00]  }
0x48b: {  	s13 =	sadd.s32 s4, s6;
	v17 =	vld [tilespmem:s0+$0x0];
	s18 =	sadd.s32 $0x200, s18  }
0x48c: {  	v12 =	vmax.f32 v12, $0.0e+00;
	v20 =	vld [tilespmem:s13+$0x0];
	[tilespmem:s18+$0x80] =	vst v11  }
0x48d: {  	s17 =	sor.u32 $0x410, s20;
	v11 =	vadd.f32 v12, v8;
	v12 =	vadd.f32 v16, v19;
	v16 =	vld [tilespmem:s23+$0x10]  }
0x48e: {  	v19 =	vld [tilespmem:s17+$0x7A00]  }
0x48f: {  	[tilespmem:s29+$0xFFFFFF50] =	vst v11;
	v11 =	vmax.f32 v12, $0.0e+00;
	v12 =	vld [tilespmem:s19+$0x50];
	v14 =	vadd.f32 v15, v14  }
0x490: {  	s1 =	smov.u32 s14;
	v13 =	vadd.f32 v13, v17;
	v11 =	vadd.f32 v11, v3;
	v15 =	vld [tilespmem:s11+$0x7A00]  }
0x491: {  	s11 =	rddreg [dreg:$0x7];
	v17 =	vadd.f32 v18, v20;
	v18 =	vld [tilespmem:s1+$0x50];
	v14 =	vmax.f32 v14, $0.0e+00  }
0x492: {  	[tilespmem:s18+$0xFFFFFF00] =	vst v11;
	v11 =	vmax.f32 v13, $0.0e+00;
	v13 =	vld [tilespmem:s11+$0x7A00];
	v14 =	vadd.f32 v14, v9  }
0x493: {  	s25 =	sor.u32 $0x410, s5;
	s17 =	smov.u32 s29;
	v20 =	vld [tilespmem:s12+$0x10];
	v11 =	vadd.f32 v11, v3;
	v16 =	vadd.f32 v19, v16  }
0x494: {  	v17 =	vmax.f32 v17, $0.0e+00;
	v19 =	vld [tilespmem:s25+$0x7A00];
	[tilespmem:s17+$0xE0] =	vst v14  }
0x495: {  	s25 =	sor.u32 $0x470, s24;
	v17 =	vadd.f32 v17, v3;
	[tilespmem:s18+$0xFFFFFF80] =	vst v11;
	v11 =	vmax.f32 v16, $0.0e+00;
	v14 =	vld [tilespmem:s21+$0x70]  }
0x496: {  	[smem:$0x7C1] =	sst s22;
	s30 =	sor.u32 $0x430, s5;
	v12 =	vadd.f32 v15, v12;
	v11 =	vadd.f32 v11, v4;
	v15 =	vld [tilespmem:s25+$0x7A00]  }
0x497: {  	s22 =	sor.u32 $0x410, s26;
	s14 =	sor.u32 $0x450, s26;
	[smem:$0x7C3] =	sst s30;
	[tilespmem:s18+$0x0] =	vst v17;
	v16 =	vld [tilespmem:s0+$0x10]  }
0x498: {  	s30 =	sor.u32 $0x450, s2;
	s24 =	smov.u32 s20;
	s21 =	smov.u32 s23;
	v17 =	vld [tilespmem:s22+$0x7A00];
	v12 =	vmax.f32 v12, $0.0e+00;
	v13 =	vadd.f32 v13, v18;
	[tilespmem:s18+$0x90] =	vst v11  }
0x499: {  	s29 =	smov.u32 s14;
	s14 =	smov.u32 s30;
	s30 =	sor.u32 $0x420, s24;
	v11 =	vadd.f32 v12, v8;
	v12 =	vadd.f32 v19, v20;
	v18 =	vld [tilespmem:s21+$0x20]  }
0x49a: {  	v13 =	vmax.f32 v13, $0.0e+00;
	v19 =	vld [tilespmem:s30+$0x7A00]  }
0x49b: {  	s28 =	sor.u32 $0x410, s2;
	s11 =	sld [smem:$0x7BE];
	[tilespmem:s17+$0xFFFFFFD0] =	vst v11;
	v11 =	vadd.f32 v13, v8;
	v12 =	vmax.f32 v12, $0.0e+00;
	v13 =	vld [tilespmem:s13+$0x10]  }
0x49c: {  	v14 =	vadd.f32 v15, v14;
	v12 =	vadd.f32 v12, v4;
	v15 =	vld [tilespmem:s28+$0x7A00]  }
0x49d: {  	[tilespmem:s17+$0x50] =	vst v11;
	v11 =	vadd.f32 v17, v16;
	v16 =	vld [tilespmem:s19+$0x60]  }
0x49e: {  	[dreg:$0x7] =	wrdreg s14;
	v14 =	vmax.f32 v14, $0.0e+00;
	[tilespmem:s18+$0xFFFFFF10] =	vst v12;
	v12 =	vld [tilespmem:s11+$0x7A00]  }
0x49f: {  	s7 =	sor.u32 $0x420, s5;
	s14 =	sld [smem:$0x7BF];
	v14 =	vadd.f32 v14, v10;
	v17 =	vld [tilespmem:s12+$0x20];
	v11 =	vmax.f32 v11, $0.0e+00;
	v18 =	vadd.f32 v19, v18  }
0x4a0: {  	s10 =	sor.u32 $0x430, s2;
	v19 =	vld [tilespmem:s7+$0x7A00];
	v11 =	vadd.f32 v11, v4  }
0x4a1: {  	[smem:$0x7C6] =	sst s10;
	s10 =	sor.u32 $0x450, s5;
	[tilespmem:s17+$0xF0] =	vst v14;
	v13 =	vadd.f32 v15, v13;
	v14 =	vmax.f32 v18, $0.0e+00;
	v15 =	vld [tilespmem:s1+$0x60]  }
0x4a2: {  	[dreg:$0x17] =	wrdreg s10;
	[tilespmem:s18+$0xFFFFFF90] =	vst v11;
	v11 =	vadd.f32 v14, v5;
	v14 =	vld [tilespmem:s14+$0x7A00]  }
0x4a3: {  	s10 =	sor.u32 $0x460, s2;
	s16 =	sor.u32 $0x420, s26;
	s4 =	sor.u32 $0x420, s2;
	v18 =	vld [tilespmem:s0+$0x20]  }
0x4a4: {  	[smem:$0x7C0] =	sst s4;
	s3 =	sor.u32 $0x440, s2;
	s2 =	sor.u32 $0x470, s2;
	v13 =	vmax.f32 v13, $0.0e+00;
	v12 =	vadd.f32 v12, v16;
	v16 =	vld [tilespmem:s16+$0x7A00]  }
0x4a5: {  	[smem:$0x7C7] =	sst s2;
	v13 =	vadd.f32 v13, v4;
	[tilespmem:s18+$0xA0] =	vst v11;
	v11 =	vadd.f32 v19, v17  }
0x4a6: {  	s22 =	sor.u32 $0x430, s24;
	s25 =	sld [smem:$0x7C0];
	v17 =	vld [tilespmem:s21+$0x30];
	v12 =	vmax.f32 v12, $0.0e+00  }
0x4a7: {  	s2 =	sld [smem:$0x7C1];
	[tilespmem:s18+$0x10] =	vst v13;
	v13 =	vld [tilespmem:s22+$0x7A00];
	v12 =	vadd.f32 v12, v9;
	v11 =	vmax.f32 v11, $0.0e+00  }
0x4a8: {  	s6 =	sor.u32 $0x430, s26;
	s28 =	sld [smem:$0x7C2];
	v19 =	vld [tilespmem:s13+$0x20];
	v14 =	vadd.f32 v14, v15;
	v11 =	vadd.f32 v11, v5  }
0x4a9: {  	[smem:$0x7C5] =	sst s6;
	v15 =	vld [tilespmem:s25+$0x7A00];
	[tilespmem:s17+$0xFFFFFFE0] =	vst v12;
	v12 =	vadd.f32 v16, v18  }
0x4aa: {  	s30 =	sld [smem:$0x7C3];
	v16 =	vld [tilespmem:s2+$0x60];
	v14 =	vmax.f32 v14, $0.0e+00;
	[tilespmem:s18+$0xFFFFFF20] =	vst v11  }
0x4ab: {  	s4 =	sor.u32 $0x440, s5;
	[smem:$0x7C4] =	sst s3;
	v11 =	vld [tilespmem:s28+$0x7A00];
	v14 =	vadd.f32 v14, v9;
	v12 =	vmax.f32 v12, $0.0e+00  }
0x4ac: {  	[dreg:$0x1e] =	wrdreg s4;
	s4 =	sor.u32 $0x460, s26;
	v18 =	vld [tilespmem:s12+$0x30];
	v13 =	vadd.f32 v13, v17;
	v12 =	vadd.f32 v12, v5  }
0x4ad: {  	s3 =	sor.u32 $0x460, s5;
	s20 =	smov.u32 s4;
	s4 =	sld [smem:$0x7C5];
	v17 =	vld [tilespmem:s30+$0x7A00];
	[tilespmem:s17+$0x60] =	vst v14  }
0x4ae: {  	s23 =	smov.u32 s10;
	s10 =	smov.u32 s3;
	s3 =	rddreg [dreg:$0x1b];
	v14 =	vadd.f32 v15, v19;
	v15 =	vld [tilespmem:s19+$0x70];
	v13 =	vmax.f32 v13, $0.0e+00;
	[tilespmem:s18+$0xFFFFFFA0] =	vst v12  }
0x4af: {  	s19 =	smov.u32 s0;
	v12 =	vadd.f32 v13, v6;
	v13 =	vld [tilespmem:s3+$0x7A00]  }
0x4b0: {  	v19 =	vld [tilespmem:s19+$0x30];
	v14 =	vmax.f32 v14, $0.0e+00  }
0x4b1: {  	v11 =	vadd.f32 v11, v16;
	v16 =	vld [tilespmem:s4+$0x7A00];
	v14 =	vadd.f32 v14, v5;
	[tilespmem:s18+$0xB0] =	vst v12  }
0x4b2: {  	s5 =	sor.u32 $0x470, s5;
	s11 =	sor.u32 $0x440, s24;
	s14 =	sld [smem:$0x7C6];
	v12 =	vadd.f32 v17, v18;
	v17 =	vld [tilespmem:s21+$0x40]  }
0x4b3: {  	s6 =	sor.u32 $0x440, s26;
	s26 =	sor.u32 $0x470, s26;
	[smem:$0x7C8] =	sst s5;
	v11 =	vmax.f32 v11, $0.0e+00;
	[tilespmem:s18+$0x20] =	vst v14;
	v14 =	vld [tilespmem:s11+$0x7A00]  }
0x4b4: {  	s7 =	smov.u32 s26;
	s26 =	sld [smem:$0x7C4];
	v11 =	vadd.f32 v11, v9;
	v12 =	vmax.f32 v12, $0.0e+00;
	v18 =	vld [tilespmem:s13+$0x30]  }
0x4b5: {  	s31 =	sadd.s32 $0x4, s31;
	s16 =	rddreg [dreg:$0x11];
	v20 =	vld [tilespmem:s14+$0x7A00];
	v13 =	vadd.f32 v13, v15;
	v12 =	vadd.f32 v12, v6  }
0x4b6: {  	p2 =	slt.u32 s31, $0x24;
	s22 =	sld [smem:$0x7C7];
	[tilespmem:s17+$0xFFFFFF60] =	vst v11;
	v15 =	vadd.f32 v16, v19;
	v11 =	vld [tilespmem:s1+$0x70]  }
.Ltmp4:
0x4b7: {  	s30 =	sld [smem:$0x7C8];
	v13 =	vmax.f32 v13, $0.0e+00;
	[tilespmem:s18+$0xFFFFFF30] =	vst v12;
	v12 =	vld [tilespmem:s16+$0x7A00];
	(pc) =	sbr.rel @p2 .LBB2_11-.Ltmp4, $4  }
0x4b8: {  	s15 =	sadd.s32 $0x2, s15;
	s25 =	rddreg [dreg:$0x1e];
	v13 =	vadd.f32 v13, v10;
	v16 =	vld [tilespmem:s12+$0x40];
	v19 =	vmax.f32 v15, $0.0e+00;
	v14 =	vadd.f32 v14, v17  }
0x4b9: {  	p1 =	por !p1, !p1;
	s5 =	smov.u32 s18;
	s28 =	rddreg [dreg:$0xb];
	v15 =	vld [tilespmem:s25+$0x7A00];
	v17 =	vadd.f32 v19, v6  }
0x4ba: {  	s3 =	smov.u32 s30;
	s4 =	smov.u32 s22;
	s1 =	rddreg [dreg:$0x5];
	[tilespmem:s17+$0xFFFFFFF0] =	vst v13;
	v14 =	vmax.f32 v14, $0.0e+00;
	v13 =	vld [tilespmem:s2+$0x70]  }
0x4bb: {  	s22 =	smov.u32 s12;
	s14 =	smov.u32 s13;
	s12 =	rddreg [dreg:$0x17];
	v18 =	vadd.f32 v20, v18;
	[tilespmem:s18+$0xFFFFFFB0] =	vst v17;
	v17 =	vadd.f32 v14, v7;
	v14 =	vld [tilespmem:s28+$0x7A00]  }
0x4bc: {  	_ = 	snop  }
0x4bd: {  	v18 =	vmax.f32 v18, $0.0e+00  }
0x4be: {  	v18 =	vadd.f32 v18, v6  }
0x4bf: {  	v19 =	vld [tilespmem:s19+$0x40]  }
0x4c0: {  	v20 =	vld [tilespmem:s6+$0x7A00];
	[tilespmem:s18+$0x30] =	vst v18  }
0x4c1: {  	v18 =	vld [tilespmem:s14+$0x40]  }
0x4c2: {  	v21 =	vld [tilespmem:s26+$0x7A00];
	_ =	sdelay $0x2  }
0x4c3: {  	v19 =	vadd.f32 v20, v19  }
0x4c4: {  	v15 =	vadd.f32 v15, v16  }
0x4c5: {  	v19 =	vmax.f32 v19, $0.0e+00;
	v18 =	vadd.f32 v21, v18  }
0x4c6: {  	[tilespmem:s18+$0xC0] =	vst v17;
	v15 =	vmax.f32 v15, $0.0e+00;
	v17 =	vadd.f32 v19, v7  }
0x4c7: {  	s0 =	sor.u32 $0x450, s24;
	v16 =	vld [tilespmem:s21+$0x50];
	v15 =	vadd.f32 v15, v7;
	v18 =	vmax.f32 v18, $0.0e+00  }
0x4c8: {  	v19 =	vld [tilespmem:s0+$0x7A00];
	[tilespmem:s18+$0xFFFFFFC0] =	vst v17;
	v17 =	vadd.f32 v18, v7  }
0x4c9: {  	[tilespmem:s18+$0xFFFFFF40] =	vst v15;
	v18 =	vld [tilespmem:s19+$0x50]  }
0x4ca: {  	[tilespmem:s18+$0x40] =	vst v17;
	v17 =	vld [tilespmem:s29+$0x7A00]  }
0x4cb: {  	v20 =	vld [tilespmem:s14+$0x50];
	s16 =	rddreg [dreg:$0x7]  }
0x4cc: {  	v15 =	vld [tilespmem:s16+$0x7A00]  }
0x4cd: {  	v50 =	vld [tilespmem:s22+$0x50];
	v16 =	vadd.f32 v19, v16  }
0x4ce: {  	v19 =	vld [tilespmem:s12+$0x7A00]  }
0x4cf: {  	v16 =	vmax.f32 v16, $0.0e+00;
	v17 =	vadd.f32 v17, v18  }
0x4d0: {  	v16 =	vadd.f32 v16, v8  }
0x4d1: {  	v17 =	vmax.f32 v17, $0.0e+00;
	v15 =	vadd.f32 v15, v20  }
0x4d2: {  	[tilespmem:s18+$0xD0] =	vst v16;
	v16 =	vadd.f32 v17, v8  }
0x4d3: {  	s25 =	sor.u32 $0x460, s24;
	v18 =	vld [tilespmem:s21+$0x60];
	v17 =	vadd.f32 v19, v50;
	v15 =	vmax.f32 v15, $0.0e+00  }
0x4d4: {  	v19 =	vld [tilespmem:s25+$0x7A00];
	[tilespmem:s5+$0xFFFFFFD0] =	vst v16;
	v15 =	vadd.f32 v15, v8  }
0x4d5: {  	v16 =	vmax.f32 v17, $0.0e+00;
	v17 =	vld [tilespmem:s19+$0x60]  }
0x4d6: {  	v16 =	vadd.f32 v16, v8;
	[tilespmem:s5+$0x50] =	vst v15;
	v15 =	vld [tilespmem:s20+$0x7A00]  }
0x4d7: {  	v20 =	vld [tilespmem:s14+$0x60]  }
0x4d8: {  	[tilespmem:s5+$0xFFFFFF50] =	vst v16;
	v16 =	vld [tilespmem:s23+$0x7A00]  }
0x4d9: {  	v18 =	vadd.f32 v19, v18;
	v19 =	vld [tilespmem:s22+$0x60]  }
0x4da: {  	v51 =	vld [tilespmem:s10+$0x7A00]  }
0x4db: {  	v18 =	vmax.f32 v18, $0.0e+00;
	v15 =	vadd.f32 v15, v17  }
0x4dc: {  	v17 =	vadd.f32 v18, v9  }
0x4dd: {  	v16 =	vadd.f32 v16, v20;
	v15 =	vmax.f32 v15, $0.0e+00  }
0x4de: {  	[tilespmem:s5+$0xE0] =	vst v17;
	v15 =	vadd.f32 v15, v9  }
0x4df: {  	s26 =	sor.u32 $0x470, s24;
	v18 =	vadd.f32 v51, v19;
	v17 =	vld [tilespmem:s21+$0x70];
	v16 =	vmax.f32 v16, $0.0e+00  }
0x4e0: {  	v19 =	vld [tilespmem:s26+$0x7A00];
	[tilespmem:s5+$0xFFFFFFE0] =	vst v15;
	v15 =	vadd.f32 v16, v9  }
0x4e1: {  	v18 =	vmax.f32 v18, $0.0e+00;
	v16 =	vld [tilespmem:s19+$0x70]  }
0x4e2: {  	v18 =	vadd.f32 v18, v9;
	[tilespmem:s5+$0x60] =	vst v15;
	v15 =	vld [tilespmem:s7+$0x7A00]  }
0x4e3: {  	v20 =	vld [tilespmem:s14+$0x70]  }
0x4e4: {  	[tilespmem:s5+$0xFFFFFF60] =	vst v18;
	v18 =	vld [tilespmem:s4+$0x7A00]  }
0x4e5: {  	v52 =	vld [tilespmem:s22+$0x70]  }
0x4e6: {  	v11 =	vadd.f32 v12, v11;
	v12 =	vld [tilespmem:s3+$0x7A00]  }
0x4e7: {  	v13 =	vadd.f32 v14, v13  }
0x4e8: {  	v11 =	vmax.f32 v11, $0.0e+00;
	v14 =	vadd.f32 v19, v17  }
0x4e9: {  	v11 =	vadd.f32 v11, v10;
	v13 =	vmax.f32 v13, $0.0e+00;
	v15 =	vadd.f32 v15, v16  }
0x4ea: {  	v13 =	vadd.f32 v13, v10;
	v14 =	vmax.f32 v14, $0.0e+00;
	v16 =	vadd.f32 v18, v20  }
0x4eb: {  	[tilespmem:s17+$0x70] =	vst v11;
	v11 =	vadd.f32 v14, v10;
	v12 =	vadd.f32 v12, v52;
	v14 =	vmax.f32 v15, $0.0e+00  }
0x4ec: {  	[tilespmem:s17+$0xFFFFFF70] =	vst v13;
	v13 =	vadd.f32 v14, v10;
	v14 =	vmax.f32 v16, $0.0e+00  }
0x4ed: {  	[tilespmem:s5+$0xF0] =	vst v11;
	v12 =	vmax.f32 v12, $0.0e+00;
	v11 =	vadd.f32 v14, v10  }
0x4ee: {  	v12 =	vadd.f32 v12, v10;
	[tilespmem:s5+$0xFFFFFFF0] =	vst v13  }
0x4ef: {  	s30 =	rddreg [dreg:$0x2];
	[tilespmem:s5+$0x70] =	vst v11  }
0x4f0: {  	s1 =	simm.s32 $0xA200;
	s2 =	simm.s32 $0x8;
	s4 =	simm.s32 $0x100;
	[tilespmem:s5+$0xFFFFFF70] =	vst v12  }
0x4f1: {  	[spmem:s30] =	stream.indirect.scatter.add.f32 [tilespmem:s1], [sflag:$0x5], $0x80, s4, s2, $0xb8;
	[tilespmem:$0x1EF00] =	vst v63  }
0x4f2: {  	s6 =	simm.s32 $0x108;
	s5 =	simm.s32 $0xA600  }
0x4f3: {  	[spmem:s30] =	stream.indirect.scatter.add.f32 [tilespmem:s5], [sflag:$0x5], $0x80, s6, s2, $0xb8;
	[tilespmem:$0x1EF00] =	vst v63  }
0x4f4: {  	s8 =	simm.s32 $0x110;
	s7 =	simm.s32 $0xAA00  }
0x4f5: {  	[spmem:s30] =	stream.indirect.scatter.add.f32 [tilespmem:s7], [sflag:$0x5], $0x80, s8, s2, $0xb8;
	[tilespmem:$0x1EF00] =	vst v63  }
0x4f6: {  	s9 =	simm.s32 $0xAE00;
	s10 =	simm.s32 $0x118  }
0x4f7: {  	[spmem:s30] =	stream.indirect.scatter.add.f32 [tilespmem:s9], [sflag:$0x5], $0x80, s10, s2, $0xb8;
	[tilespmem:$0x1EF00] =	vst v63  }
0x4f8: {  	s11 =	simm.s32 $0xB200;
	s13 =	simm.s32 $0x5;
	s12 =	simm.s32 $0x120  }
0x4f9: {  	[spmem:s30] =	stream.indirect.scatter.add.f32 [tilespmem:s11], [sflag:$0x5], $0x80, s12, s2, $0xb8;
	[tilespmem:$0x1EF00] =	vst v63  }
0x4fa: {  	_ =	swait.ge [sflag:s13], $0x400  }
0x4fb: {  	[sflag:s13] =	ssyncset.done $0x0  }
0x4fc: {  	[sflag:s13] =	ssyncadd.s32 $0xFFFFFC00  }
0x4fd: {  	_ =	swait.ge [sflag:s13], $0x400  }
0x4fe: {  	[sflag:s13] =	ssyncset.done $0x0  }
0x4ff: {  	[sflag:s13] =	ssyncadd.s32 $0xFFFFFC00  }
0x500: {  	_ =	swait.ge [sflag:s13], $0x400  }
0x501: {  	[sflag:s13] =	ssyncset.done $0x0  }
0x502: {  	[sflag:s13] =	ssyncadd.s32 $0xFFFFFC00  }
0x503: {  	_ =	swait.ge [sflag:s13], $0x400  }
0x504: {  	s16 =	simm.s32 $0x180;
	s14 =	simm.s32 $0x0;
	[sflag:s13] =	ssyncset.done $0x0  }
0x505: {  	s15 =	sand.u32 $0x7, s14;
	s17 =	sand.u32 $0x3800, s14;
	[sflag:s13] =	ssyncadd.s32 $0xFFFFFC00  }
0x506: {  	s18 =	sadd.s32 $0x7A00, s17;
	s1 =	sshll.u32 s15, $0x7;
	_ =	swait.ge [sflag:s13], $0x400  }
0x507: {  	s1 =	sadd.s32 $0x0, s1;
	s2 =	sand.u32 $0x380, s16;
	[sflag:s13] =	ssyncset.done $0x0  }
0x508: {  	s12 =	sadd.s32 $0x180, s1;
	s6 =	sadd.s32 s2, s18;
	[sflag:s13] =	ssyncadd.s32 $0xFFFFFC00  }
0x509: {  	s19 =	sor.u32 $0x400, s12;
	v11 =	vld [tilespmem:s6+$0x0]  }
0x50a: {  	p1 =	por $0x0, $0x0;
	s3 =	simm.s32 $0x1;
	v12 =	vld [tilespmem:s19+$0x5200]  }
0x50b: {  	s3 =	simm.s32 @!p1 $0x0  }
0x50c: {  	s20 =	sshll.u32 s3, $0x9  }
0x50d: {  	s21 =	simm.s32 $0x0;
	s4 =	sadd.s32 $0x0, s20  }
0x50e: {  	s22 =	sand.u32 $0x200, s21;
	s23 =	sor.u32 $0x400, s4  }
0x50f: {  	s25 =	sadd.s32 s22, s18;
	v13 =	vld [tilespmem:s23+$0x5200];
	v11 =	vadd.f32 v12, v11  }
0x510: {  	v12 =	vld [tilespmem:s25+$0x0]  }
0x511: {  	s24 =	simm.s32 $0x80;
	s10 =	sadd.s32 $0x80, s1;
	v11 =	vmax.f32 v11, $0.0e+00  }
0x512: {  	s26 =	sand.u32 $0x280, s24;
	s0 =	sand.u32 $0x3, s14;
	s30 =	sor.u32 $0x400, s10;
	v11 =	vadd.f32 v11, v3  }
0x513: {  	s17 =	simm.s32 $0xA300;
	s0 =	sshll.u32 s0, $0x8;
	s3 =	sadd.s32 s26, s18;
	v14 =	vld [tilespmem:s30+$0x5200]  }
0x514: {  	s0 =	sadd.s32 $0x0, s0;
	v15 =	vld [tilespmem:s3+$0x0];
	[tilespmem:s17+$0x80] =	vst v11  }
0x515: {  	s5 =	sadd.s32 $0x100, s0;
	s2 =	simm.s32 $0x100;
	s8 =	sor.u32 $0x410, s12;
	v11 =	vadd.f32 v13, v12;
	v12 =	vld [tilespmem:s6+$0x10]  }
0x516: {  	s9 =	sor.u32 $0x400, s5;
	s1 =	sand.u32 $0x300, s2;
	v13 =	vld [tilespmem:s8+$0x5200]  }
0x517: {  	s7 =	sadd.s32 s1, s18;
	v16 =	vld [tilespmem:s9+$0x5200];
	v11 =	vmax.f32 v11, $0.0e+00  }
0x518: {  	v17 =	vld [tilespmem:s7+$0x0];
	v11 =	vadd.f32 v11, v3  }
0x519: {  	v14 =	vadd.f32 v14, v15  }
0x51a: {  	[tilespmem:s17+$0xFFFFFF00] =	vst v11  }
0x51b: {  	s11 =	sor.u32 $0x410, s4;
	v11 =	vmax.f32 v14, $0.0e+00;
	v14 =	vld [tilespmem:s25+$0x10];
	v12 =	vadd.f32 v13, v12  }
0x51c: {  	v11 =	vadd.f32 v11, v3;
	v13 =	vld [tilespmem:s11+$0x5200]  }
0x51d: {  	v15 =	vadd.f32 v16, v17;
	v12 =	vmax.f32 v12, $0.0e+00  }
0x51e: {  	[tilespmem:s17+$0xFFFFFF80] =	vst v11;
	v11 =	vadd.f32 v12, v4  }
0x51f: {  	v12 =	vmax.f32 v15, $0.0e+00  }
0x520: {  	v12 =	vadd.f32 v12, v3;
	[tilespmem:s17+$0x90] =	vst v11  }
0x521: {  	s14 =	sor.u32 $0x420, s12;
	v11 =	vadd.f32 v13, v14;
	v13 =	vld [tilespmem:s6+$0x20]  }
0x522: {  	[tilespmem:s17+$0x0] =	vst v12;
	v12 =	vld [tilespmem:s14+$0x5200];
	_ =	sdelay $0x1  }
0x523: {  	s13 =	sor.u32 $0x410, s10;
	v15 =	vld [tilespmem:s3+$0x10];
	v11 =	vmax.f32 v11, $0.0e+00  }
0x524: {  	v16 =	vld [tilespmem:s13+$0x5200];
	v11 =	vadd.f32 v11, v4  }
0x525: {  	s15 =	sor.u32 $0x410, s5;
	v14 =	vld [tilespmem:s7+$0x10]  }
0x526: {  	v17 =	vld [tilespmem:s15+$0x5200];
	[tilespmem:s17+$0xFFFFFF10] =	vst v11;
	v12 =	vadd.f32 v12, v13  }
0x527: {  	s16 =	sor.u32 $0x420, s4;
	v11 =	vld [tilespmem:s25+$0x20]  }
0x528: {  	v13 =	vld [tilespmem:s16+$0x5200];
	v12 =	vmax.f32 v12, $0.0e+00  }
0x529: {  	v15 =	vadd.f32 v16, v15;
	v12 =	vadd.f32 v12, v5;
	_ =	sdelay $0x1  }
0x52a: {  	v15 =	vmax.f32 v15, $0.0e+00;
	v14 =	vadd.f32 v17, v14;
	[tilespmem:s17+$0xA0] =	vst v12  }
0x52b: {  	s19 =	sor.u32 $0x430, s12;
	v15 =	vadd.f32 v15, v4;
	v12 =	vld [tilespmem:s6+$0x30]  }
0x52c: {  	v14 =	vmax.f32 v14, $0.0e+00;
	v11 =	vadd.f32 v13, v11;
	v13 =	vld [tilespmem:s19+$0x5200]  }
0x52d: {  	[tilespmem:s17+$0xFFFFFF90] =	vst v15;
	v14 =	vadd.f32 v14, v4  }
0x52e: {  	s18 =	sor.u32 $0x420, s10;
	v15 =	vld [tilespmem:s3+$0x20];
	v11 =	vmax.f32 v11, $0.0e+00  }
0x52f: {  	v16 =	vld [tilespmem:s18+$0x5200];
	[tilespmem:s17+$0x10] =	vst v14;
	v11 =	vadd.f32 v11, v5  }
0x530: {  	s20 =	sor.u32 $0x420, s5;
	v14 =	vld [tilespmem:s7+$0x20]  }
0x531: {  	v17 =	vld [tilespmem:s20+$0x5200];
	[tilespmem:s17+$0xFFFFFF20] =	vst v11;
	v12 =	vadd.f32 v13, v12  }
0x532: {  	s21 =	sor.u32 $0x430, s4;
	v11 =	vld [tilespmem:s25+$0x30]  }
0x533: {  	v13 =	vld [tilespmem:s21+$0x5200];
	v12 =	vmax.f32 v12, $0.0e+00  }
0x534: {  	v15 =	vadd.f32 v16, v15;
	v12 =	vadd.f32 v12, v6;
	_ =	sdelay $0x1  }
0x535: {  	v15 =	vmax.f32 v15, $0.0e+00;
	v14 =	vadd.f32 v17, v14;
	[tilespmem:s17+$0xB0] =	vst v12  }
0x536: {  	s23 =	sor.u32 $0x440, s12;
	v15 =	vadd.f32 v15, v5;
	v12 =	vld [tilespmem:s6+$0x40]  }
0x537: {  	v14 =	vmax.f32 v14, $0.0e+00;
	v11 =	vadd.f32 v13, v11;
	v13 =	vld [tilespmem:s23+$0x5200]  }
0x538: {  	[tilespmem:s17+$0xFFFFFFA0] =	vst v15;
	v14 =	vadd.f32 v14, v5  }
0x539: {  	s22 =	sor.u32 $0x430, s10;
	v15 =	vld [tilespmem:s3+$0x30];
	v11 =	vmax.f32 v11, $0.0e+00  }
0x53a: {  	v16 =	vld [tilespmem:s22+$0x5200];
	[tilespmem:s17+$0x20] =	vst v14;
	v11 =	vadd.f32 v11, v6  }
0x53b: {  	s24 =	sor.u32 $0x430, s5;
	s22 =	simm.s32 $0x4;
	v14 =	vld [tilespmem:s7+$0x30]  }
0x53c: {  	p1 =	por !p1, !p1;
	s15 =	sand.u32 $0x7, s22;
	v17 =	vld [tilespmem:s24+$0x5200];
	[tilespmem:s17+$0xFFFFFF30] =	vst v11;
	v12 =	vadd.f32 v13, v12  }
0x53d: {  	s26 =	sor.u32 $0x440, s4;
	s9 =	simm.s32 $0x400;
	s0 =	sshll.u32 s15, $0x7;
	v11 =	vld [tilespmem:s25+$0x40]  }
0x53e: {  	s11 =	sand.u32 $0x3800, s9;
	s13 =	simm.s32 $0x2;
	s0 =	sadd.s32 $0x400, s0;
	v13 =	vld [tilespmem:s26+$0x5200];
	v12 =	vmax.f32 v12, $0.0e+00  }
0x53f: {  	s14 =	sadd.s32 $0x7A00, s11;
	s19 =	sand.u32 $0x3, s13;
	s24 =	sadd.s32 $0x180, s0;
	v15 =	vadd.f32 v16, v15;
	v12 =	vadd.f32 v12, v7  }
0x540: {  	s11 =	sshll.u32 s19, $0x8;
	s15 =	simm.s32 $0x1;
	s20 =	sor.u32 $0x400, s24  }
0x541: {  	s8 =	sor.u32 $0x450, s12;
	s11 =	sadd.s32 $0x400, s11;
	s15 =	simm.s32 @!p1 $0x0;
	v19 =	vld [tilespmem:s20+$0x5200];
	v15 =	vmax.f32 v15, $0.0e+00;
	[tilespmem:s17+$0xC0] =	vst v12  }
0x542: {  	s13 =	sadd.s32 $0x80, s0;
	s15 =	sshll.u32 s15, $0x9;
	s0 =	sadd.s32 $0x100, s11;
	v15 =	vadd.f32 v15, v6;
	v12 =	vld [tilespmem:s6+$0x50]  }
0x543: {  	s23 =	sor.u32 $0x400, s0;
	s20 =	sadd.s32 $0x400, s15;
	v14 =	vadd.f32 v17, v14;
	v11 =	vadd.f32 v13, v11;
	v13 =	vld [tilespmem:s8+$0x5200]  }
0x544: {  	v53 =	vld [tilespmem:s23+$0x5200];
	s26 =	sor.u32 $0x400, s20  }
0x545: {  	v22 =	vld [tilespmem:s26+$0x5200];
	[tilespmem:s17+$0xFFFFFFB0] =	vst v15;
	v14 =	vmax.f32 v14, $0.0e+00;
	s8 =	simm.s32 $0x380  }
0x546: {  	s30 =	sor.u32 $0x440, s10;
	v15 =	vld [tilespmem:s3+$0x40];
	v14 =	vadd.f32 v14, v6;
	s16 =	sand.u32 $0x380, s8  }
0x547: {  	v16 =	vld [tilespmem:s30+$0x5200];
	s28 =	sadd.s32 s16, s14  }
0x548: {  	[tilespmem:s17+$0x30] =	vst v14;
	v11 =	vmax.f32 v11, $0.0e+00;
	v18 =	vld [tilespmem:s28+$0x0];
	v12 =	vadd.f32 v13, v12  }
0x549: {  	s1 =	sor.u32 $0x440, s5;
	v14 =	vld [tilespmem:s7+$0x40];
	v11 =	vadd.f32 v11, v7  }
0x54a: {  	s21 =	simm.s32 $0x200;
	v17 =	vld [tilespmem:s1+$0x5200];
	s16 =	sor.u32 $0x400, s13;
	v12 =	vmax.f32 v12, $0.0e+00  }
0x54b: {  	s2 =	sand.u32 $0x200, s21;
	v20 =	vld [tilespmem:s16+$0x5200];
	[tilespmem:s17+$0xFFFFFF40] =	vst v11;
	v12 =	vadd.f32 v12, v8  }
0x54c: {  	s19 =	sadd.s32 s2, s14;
	v11 =	vld [tilespmem:s25+$0x50]  }
0x54d: {  	v18 =	vadd.f32 v19, v18;
	v19 =	vld [tilespmem:s19+$0x0];
	[tilespmem:s17+$0xD0] =	vst v12  }
0x54e: {  	s11 =	sor.u32 $0x460, s12;
	s30 =	simm.s32 $0x280;
	v12 =	vadd.f32 v16, v15;
	v16 =	vld [tilespmem:s6+$0x60]  }
0x54f: {  	s18 =	sor.u32 $0x450, s4;
	s2 =	sand.u32 $0x280, s30;
	s1 =	simm.s32 $0x300;
	v15 =	vmax.f32 v18, $0.0e+00;
	v18 =	vld [tilespmem:s11+$0x5200]  }
0x550: {  	s15 =	sand.u32 $0x300, s1;
	s16 =	sadd.s32 s2, s14;
	v13 =	vld [tilespmem:s18+$0x5200];
	v14 =	vadd.f32 v17, v14;
	v15 =	vadd.f32 v15, v3;
	v12 =	vmax.f32 v12, $0.0e+00  }
0x551: {  	s1 =	sadd.s32 s15, s14;
	s18 =	simm.s32 $0xA500;
	v17 =	vld [tilespmem:s16+$0x0];
	v12 =	vadd.f32 v12, v7  }
0x552: {  	v14 =	vmax.f32 v14, $0.0e+00;
	[tilespmem:s18+$0x80] =	vst v15;
	v15 =	vld [tilespmem:s1+$0x0];
	v19 =	vadd.f32 v22, v19  }
0x553: {  	s14 =	sor.u32 $0x410, s24;
	v54 =	vld [tilespmem:s28+$0x10];
	[tilespmem:s17+$0xFFFFFFC0] =	vst v12;
	v12 =	vadd.f32 v14, v7  }
0x554: {  	v14 =	vld [tilespmem:s14+$0x5200];
	v19 =	vmax.f32 v19, $0.0e+00;
	v16 =	vadd.f32 v18, v16  }
0x555: {  	s15 =	sor.u32 $0x450, s10;
	v18 =	vld [tilespmem:s3+$0x50];
	[tilespmem:s17+$0x40] =	vst v12;
	v12 =	vadd.f32 v19, v3  }
0x556: {  	v19 =	vld [tilespmem:s15+$0x5200];
	v16 =	vmax.f32 v16, $0.0e+00  }
0x557: {  	v17 =	vadd.f32 v20, v17;
	v20 =	vld [tilespmem:s7+$0x50];
	[tilespmem:s18+$0xFFFFFF00] =	vst v12;
	v16 =	vadd.f32 v16, v9  }
0x558: {  	s23 =	sor.u32 $0x410, s20;
	v55 =	vld [tilespmem:s19+$0x10]  }
0x559: {  	s21 =	sor.u32 $0x450, s5;
	v17 =	vmax.f32 v17, $0.0e+00;
	v14 =	vadd.f32 v14, v54;
	[tilespmem:s17+$0xE0] =	vst v16;
	v16 =	vld [tilespmem:s23+$0x5200]  }
0x55a: {  	v17 =	vadd.f32 v17, v3;
	v15 =	vadd.f32 v53, v15;
	v12 =	vld [tilespmem:s21+$0x5200]  }
0x55b: {  	s26 =	sor.u32 $0x470, s12;
	v14 =	vmax.f32 v14, $0.0e+00;
	v56 =	vld [tilespmem:s6+$0x70]  }
0x55c: {  	[tilespmem:s18+$0xFFFFFF80] =	vst v17;
	v15 =	vmax.f32 v15, $0.0e+00;
	v17 =	vld [tilespmem:s26+$0x5200];
	v18 =	vadd.f32 v19, v18;
	v14 =	vadd.f32 v14, v4  }
0x55d: {  	s30 =	sor.u32 $0x410, s13;
	v15 =	vadd.f32 v15, v3;
	v19 =	vld [tilespmem:s16+$0x10]  }
0x55e: {  	v18 =	vmax.f32 v18, $0.0e+00;
	[tilespmem:s18+$0x90] =	vst v14;
	v14 =	vld [tilespmem:s30+$0x5200];
	v16 =	vadd.f32 v16, v55  }
0x55f: {  	s6 =	sor.u32 $0x420, s24;
	[tilespmem:s18+$0x0] =	vst v15;
	v15 =	vadd.f32 v18, v8;
	v57 =	vld [tilespmem:s28+$0x20]  }
0x560: {  	v12 =	vadd.f32 v12, v20;
	v18 =	vld [tilespmem:s6+$0x5200];
	v16 =	vmax.f32 v16, $0.0e+00  }
0x561: {  	s11 =	sor.u32 $0x410, s0;
	v20 =	vld [tilespmem:s1+$0x10];
	[tilespmem:s17+$0xFFFFFFD0] =	vst v15;
	v15 =	vadd.f32 v16, v4  }
0x562: {  	v12 =	vmax.f32 v12, $0.0e+00;
	v16 =	vld [tilespmem:s11+$0x5200]  }
0x563: {  	v12 =	vadd.f32 v12, v8;
	v14 =	vadd.f32 v14, v19;
	v19 =	vld [tilespmem:s3+$0x60];
	[tilespmem:s18+$0xFFFFFF10] =	vst v15  }
0x564: {  	s14 =	sor.u32 $0x420, s20;
	v58 =	vld [tilespmem:s19+$0x20]  }
0x565: {  	s12 =	sor.u32 $0x460, s10;
	[tilespmem:s17+$0x50] =	vst v12;
	v18 =	vadd.f32 v18, v57;
	v14 =	vmax.f32 v14, $0.0e+00;
	v12 =	vld [tilespmem:s14+$0x5200]  }
0x566: {  	v15 =	vld [tilespmem:s12+$0x5200];
	v14 =	vadd.f32 v14, v4  }
0x567: {  	s15 =	sor.u32 $0x460, s5;
	v18 =	vmax.f32 v18, $0.0e+00;
	v16 =	vadd.f32 v16, v20;
	v20 =	vld [tilespmem:s7+$0x60]  }
0x568: {  	v11 =	vadd.f32 v13, v11;
	[tilespmem:s18+$0xFFFFFF90] =	vst v14;
	v14 =	vadd.f32 v18, v5;
	v18 =	vld [tilespmem:s15+$0x5200]  }
0x569: {  	s21 =	sor.u32 $0x420, s13;
	v13 =	vld [tilespmem:s16+$0x20];
	v16 =	vmax.f32 v16, $0.0e+00  }
0x56a: {  	v11 =	vmax.f32 v11, $0.0e+00;
	[tilespmem:s18+$0xA0] =	vst v14;
	v14 =	vld [tilespmem:s21+$0x5200];
	v16 =	vadd.f32 v16, v4;
	v12 =	vadd.f32 v12, v58  }
0x56b: {  	v11 =	vadd.f32 v11, v8;
	s23 =	sor.u32 $0x430, s24;
	v59 =	vld [tilespmem:s28+$0x30]  }
0x56c: {  	v15 =	vadd.f32 v15, v19;
	[tilespmem:s18+$0x10] =	vst v16;
	v16 =	vld [tilespmem:s23+$0x5200];
	v12 =	vmax.f32 v12, $0.0e+00  }
0x56d: {  	[tilespmem:s17+$0xFFFFFF50] =	vst v11;
	s26 =	sor.u32 $0x420, s0;
	v19 =	vld [tilespmem:s1+$0x20];
	v11 =	vadd.f32 v12, v5  }
0x56e: {  	v15 =	vmax.f32 v15, $0.0e+00;
	v12 =	vld [tilespmem:s26+$0x5200]  }
0x56f: {  	v15 =	vadd.f32 v15, v9;
	v13 =	vadd.f32 v14, v13;
	v14 =	vld [tilespmem:s25+$0x60];
	[tilespmem:s18+$0xFFFFFF20] =	vst v11  }
0x570: {  	s6 =	sor.u32 $0x430, s20;
	v60 =	vld [tilespmem:s19+$0x30]  }
0x571: {  	s30 =	sor.u32 $0x460, s4;
	[tilespmem:s17+$0xFFFFFFE0] =	vst v15;
	v15 =	vld [tilespmem:s6+$0x5200];
	v16 =	vadd.f32 v16, v59;
	v13 =	vmax.f32 v13, $0.0e+00  }
0x572: {  	v11 =	vld [tilespmem:s30+$0x5200];
	v13 =	vadd.f32 v13, v5  }
0x573: {  	s11 =	sor.u32 $0x470, s10;
	v12 =	vadd.f32 v12, v19;
	v19 =	vld [tilespmem:s3+$0x70];
	v16 =	vmax.f32 v16, $0.0e+00  }
0x574: {  	[tilespmem:s18+$0xFFFFFFA0] =	vst v13;
	v13 =	vadd.f32 v16, v6;
	v16 =	vld [tilespmem:s11+$0x5200]  }
0x575: {  	s12 =	sor.u32 $0x430, s13;
	v18 =	vadd.f32 v18, v20;
	v12 =	vmax.f32 v12, $0.0e+00;
	v20 =	vld [tilespmem:s16+$0x30]  }
0x576: {  	v12 =	vadd.f32 v12, v5;
	v15 =	vadd.f32 v15, v60;
	[tilespmem:s18+$0xB0] =	vst v13;
	v13 =	vld [tilespmem:s12+$0x5200]  }
0x577: {  	v17 =	vadd.f32 v17, v56;
	s14 =	sor.u32 $0x440, s24;
	v18 =	vmax.f32 v18, $0.0e+00;
	v61 =	vld [tilespmem:s28+$0x40]  }
0x578: {  	v18 =	vadd.f32 v18, v9;
	[tilespmem:s18+$0x20] =	vst v12;
	v62 =	vld [tilespmem:s14+$0x5200];
	v12 =	vmax.f32 v15, $0.0e+00  }
0x579: {  	s15 =	sor.u32 $0x430, s0;
	v11 =	vadd.f32 v11, v14;
	v15 =	vmax.f32 v17, $0.0e+00;
	v14 =	vld [tilespmem:s1+$0x30];
	v12 =	vadd.f32 v12, v6  }
0x57a: {  	s31 =	simm.s32 $0x4;
	[tilespmem:s17+$0x60] =	vst v18;
	v17 =	vld [tilespmem:s15+$0x5200];
	v15 =	vadd.f32 v15, v10;
	v16 =	vadd.f32 v16, v19  }
0x57b: {  	p1 =	por !p1, !p1;
	s29 =	sor.u32 $0x450, s13;
	s21 =	sor.u32 $0x470, s5;
	v18 =	vmax.f32 v11, $0.0e+00;
	v11 =	vld [tilespmem:s7+$0x70];
	[tilespmem:s18+$0xFFFFFF30] =	vst v12;
	v13 =	vadd.f32 v13, v20  }
0x57c: {  	s2 =	sor.u32 $0x470, s4;
	s26 =	sor.u32 $0x440, s20;
	s30 =	sor.u32 $0x450, s0;
	v18 =	vadd.f32 v18, v9;
	v12 =	vld [tilespmem:s21+$0x5200];
	[tilespmem:s17+$0xF0] =	vst v15;
	v16 =	vmax.f32 v16, $0.0e+00  }
0x57d: {  	s4 =	sor.u32 $0x470, s0;
	s10 =	sor.u32 $0x460, s20;
	v15 =	vld [tilespmem:s26+$0x5200];
	[dreg:$0x9] =	wrdreg s30;
	v19 =	vadd.f32 v16, v10;
	v20 =	vadd.f32 v62, v61;
	v13 =	vmax.f32 v13, $0.0e+00  }
0x57e: {  	s5 =	simm.s32 $0xA500;
	s23 =	sor.u32 $0x440, s0;
	s6 =	sor.u32 $0x440, s13;
	[tilespmem:s17+$0xFFFFFF60] =	vst v18;
	v16 =	vld [tilespmem:s19+$0x40];
	v63 =	vadd.f32 v13, v6  }
0x57f: {  	s3 =	sor.u32 $0x470, s20;
	s11 =	sor.u32 $0x460, s13;
	s12 =	sor.u32 $0x450, s20;
	v18 =	vadd.f32 v17, v14;
	v14 =	vld [tilespmem:s2+$0x5200];
	[tilespmem:s17+$0xFFFFFFF0] =	vst v19;
	v19 =	vmax.f32 v20, $0.0e+00  }
0x580: {  	s7 =	sor.u32 $0x470, s13;
	s14 =	simm.s32 $0x4;
	s15 =	sor.u32 $0x460, s0;
	v13 =	vld [tilespmem:s25+$0x70];
	v17 =	vadd.f32 v19, v7;
	[tilespmem:s18+$0xFFFFFFB0] =	vst v63  }
.LBB2_13:
0x581: {  	[smem:$0x7B3] =	sst s29  }
0x582: {  	[smem:$0x7B4] =	sst s11  }
0x583: {  	[dreg:$0x15] =	wrdreg s10  }
0x584: {  	[dreg:$0x13] =	wrdreg s7  }
0x585: {  	[dreg:$0xf] =	wrdreg s3  }
0x586: {  	[dreg:$0xd] =	wrdreg s4  }
0x587: {  	s0 =	simm.s32 $0x1;
	s2 =	sand.u32 $0x3, s14;
	s22 =	sadd.s32 $0x4, s22  }
0x588: {  	v19 =	vld [tilespmem:s16+$0x40];
	s29 =	smov.u32 s5;
	s9 =	sadd.s32 $0x400, s9;
	s8 =	sadd.s32 $0x200, s8;
	v18 =	vmax.f32 v18, $0.0e+00  }
0x589: {  	s0 =	simm.s32 @!p1 $0x0;
	s2 =	sshll.u32 s2, $0x8;
	[tilespmem:s18+$0xC0] =	vst v17;
	s3 =	sand.u32 $0x7, s22;
	v18 =	vadd.f32 v18, v6;
	v11 =	vadd.f32 v12, v11;
	v12 =	vld [tilespmem:s6+$0x5200]  }
0x58a: {  	s7 =	sand.u32 $0x3800, s9;
	s10 =	sand.u32 $0x380, s8;
	v15 =	vadd.f32 v15, v16;
	v16 =	vld [tilespmem:s28+$0x50];
	s6 =	sor.u32 $0x450, s24  }
0x58b: {  	s11 =	sadd.s32 $0xFFFFFE80, s8;
	s13 =	sadd.s32 $0xFFFFFF00, s8;
	s4 =	sshll.u32 s3, $0x7;
	[tilespmem:s18+$0x30] =	vst v18;
	v17 =	vld [tilespmem:s6+$0x5200];
	v11 =	vmax.f32 v11, $0.0e+00  }
0x58c: {  	s0 =	sshll.u32 s0, $0x9;
	s4 =	sadd.s32 s4, s9;
	s6 =	sadd.s32 $0x7A00, s7;
	v18 =	vld [tilespmem:s1+$0x40];
	v15 =	vmax.f32 v15, $0.0e+00;
	v11 =	vadd.f32 v11, v10  }
0x58d: {  	s2 =	sadd.s32 s9, s2;
	v13 =	vadd.f32 v14, v13;
	s7 =	sadd.s32 $0x180, s4;
	s20 =	sadd.s32 s10, s6;
	v14 =	vadd.f32 v15, v7;
	v15 =	vld [tilespmem:s23+$0x5200]  }
0x58e: {  	s25 =	sand.u32 $0x200, s11;
	s30 =	sand.u32 $0x280, s13;
	s21 =	sor.u32 $0x400, s7;
	[tilespmem:s17+$0x70] =	vst v11;
	v11 =	vld [tilespmem:s20+$0x0];
	v12 =	vadd.f32 v12, v19  }
0x58f: {  	s5 =	sadd.s32 s0, s9;
	s26 =	sadd.s32 $0x80, s4;
	s4 =	sadd.s32 $0x100, s2;
	v13 =	vmax.f32 v13, $0.0e+00;
	v19 =	vld [tilespmem:s21+$0x5200];
	[tilespmem:s18+$0xFFFFFF40] =	vst v14  }
0x590: {  	s10 =	sor.u32 $0x400, s26;
	s0 =	sadd.s32 s30, s6;
	s30 =	sor.u32 $0x420, s26;
	v13 =	vadd.f32 v13, v10;
	v14 =	vld [tilespmem:s19+$0x50];
	v16 =	vadd.f32 v17, v16;
	v12 =	vmax.f32 v12, $0.0e+00  }
0x591: {  	s3 =	sor.u32 $0x420, s4;
	s23 =	sadd.s32 $0xFFFFFF80, s8;
	[smem:$0x7B6] =	sst s30;
	v17 =	vld [tilespmem:s12+$0x5200];
	v12 =	vadd.f32 v12, v7  }
0x592: {  	s30 =	sor.u32 $0x430, s5;
	s13 =	sand.u32 $0x300, s23;
	s21 =	sor.u32 $0x400, s4;
	[tilespmem:s17+$0xFFFFFF70] =	vst v13;
	v13 =	vld [tilespmem:s10+$0x5200];
	v15 =	vadd.f32 v15, v18;
	v16 =	vmax.f32 v16, $0.0e+00  }
0x593: {  	s23 =	sor.u32 $0x420, s5;
	[smem:$0x7B9] =	sst s30;
	s17 =	sor.u32 $0x400, s5;
	v18 =	vld [tilespmem:s21+$0x5200];
	[tilespmem:s18+$0xFFFFFFC0] =	vst v12;
	v12 =	vadd.f32 v16, v8  }
0x594: {  	[smem:$0x7B5] =	sst s23;
	s12 =	sadd.s32 s25, s6;
	s10 =	sor.u32 $0x430, s4;
	v16 =	vld [tilespmem:s17+$0x5200];
	v11 =	vadd.f32 v19, v11;
	v15 =	vmax.f32 v15, $0.0e+00  }
0x595: {  	s30 =	sor.u32 $0x450, s4;
	s23 =	sor.u32 $0x440, s4;
	[smem:$0x7BB] =	sst s10;
	v19 =	vld [tilespmem:s12+$0x0];
	v15 =	vadd.f32 v15, v7;
	[tilespmem:s18+$0xD0] =	vst v12  }
0x596: {  	s10 =	sor.u32 $0x450, s5;
	s21 =	sor.u32 $0x410, s4;
	s17 =	sor.u32 $0x460, s24;
	v11 =	vmax.f32 v11, $0.0e+00;
	v12 =	vadd.f32 v17, v14;
	v14 =	vld [tilespmem:s28+$0x60]  }
0x597: {  	[dreg:$0x19] =	wrdreg s10;
	s10 =	sor.u32 $0x460, s4;
	s4 =	sor.u32 $0x470, s4;
	v11 =	vadd.f32 v11, v3;
	[tilespmem:s18+$0x40] =	vst v15;
	v15 =	vld [tilespmem:s17+$0x5200]  }
0x598: {  	s13 =	sadd.s32 s13, s6;
	[smem:$0x7BC] =	sst s4;
	v17 =	vld [tilespmem:s0+$0x0];
	s18 =	sadd.s32 $0x200, s18  }
0x599: {  	s4 =	sld [smem:$0x7B3];
	s17 =	sor.u32 $0x460, s5;
	v12 =	vmax.f32 v12, $0.0e+00;
	v20 =	vld [tilespmem:s13+$0x0];
	[tilespmem:s18+$0x80] =	vst v11  }
0x59a: {  	[smem:$0x7B8] =	sst s17;
	s17 =	sor.u32 $0x410, s7;
	v11 =	vadd.f32 v12, v8;
	v12 =	vadd.f32 v16, v19;
	v16 =	vld [tilespmem:s20+$0x10]  }
0x59b: {  	v19 =	vld [tilespmem:s17+$0x5200]  }
0x59c: {  	[smem:$0x7B7] =	sst s3;
	s3 =	sor.u32 $0x440, s5;
	[tilespmem:s29+$0xFFFFFF50] =	vst v11;
	v11 =	vmax.f32 v12, $0.0e+00;
	v12 =	vld [tilespmem:s16+$0x50];
	v14 =	vadd.f32 v15, v14  }
0x59d: {  	[dreg:$0x1f] =	wrdreg s3;
	s3 =	smov.u32 s15;
	s15 =	sor.u32 $0x450, s26;
	v13 =	vadd.f32 v13, v17;
	v11 =	vadd.f32 v11, v3;
	v15 =	vld [tilespmem:s4+$0x5200]  }
0x59e: {  	s17 =	smov.u32 s29;
	s29 =	smov.u32 s15;
	s15 =	rddreg [dreg:$0x9];
	v17 =	vadd.f32 v18, v20;
	v18 =	vld [tilespmem:s1+$0x50];
	v14 =	vmax.f32 v14, $0.0e+00  }
0x59f: {  	[tilespmem:s18+$0xFFFFFF00] =	vst v11;
	v11 =	vmax.f32 v13, $0.0e+00;
	v13 =	vld [tilespmem:s15+$0x5200];
	v14 =	vadd.f32 v14, v9  }
0x5a0: {  	s25 =	sor.u32 $0x410, s5;
	v20 =	vld [tilespmem:s12+$0x10];
	v11 =	vadd.f32 v11, v3;
	v16 =	vadd.f32 v19, v16  }
0x5a1: {  	s15 =	smov.u32 s30;
	v17 =	vmax.f32 v17, $0.0e+00;
	v19 =	vld [tilespmem:s25+$0x5200];
	[tilespmem:s17+$0xE0] =	vst v14  }
0x5a2: {  	[dreg:$0x9] =	wrdreg s15;
	s15 =	sor.u32 $0x470, s24;
	v17 =	vadd.f32 v17, v3;
	[tilespmem:s18+$0xFFFFFF80] =	vst v11;
	v11 =	vmax.f32 v16, $0.0e+00;
	v14 =	vld [tilespmem:s28+$0x70]  }
0x5a3: {  	v12 =	vadd.f32 v15, v12;
	v11 =	vadd.f32 v11, v4;
	v15 =	vld [tilespmem:s15+$0x5200]  }
0x5a4: {  	s11 =	sor.u32 $0x410, s26;
	[tilespmem:s18+$0x0] =	vst v17;
	v16 =	vld [tilespmem:s0+$0x10]  }
0x5a5: {  	s24 =	smov.u32 s7;
	s28 =	smov.u32 s20;
	v17 =	vld [tilespmem:s11+$0x5200];
	v12 =	vmax.f32 v12, $0.0e+00;
	v13 =	vadd.f32 v13, v18;
	[tilespmem:s18+$0x90] =	vst v11  }
0x5a6: {  	s20 =	sor.u32 $0x420, s24;
	v11 =	vadd.f32 v12, v8;
	v12 =	vadd.f32 v19, v20;
	v18 =	vld [tilespmem:s28+$0x20]  }
0x5a7: {  	v13 =	vmax.f32 v13, $0.0e+00;
	v19 =	vld [tilespmem:s20+$0x5200]  }
0x5a8: {  	s25 =	sld [smem:$0x7B4];
	[tilespmem:s17+$0xFFFFFFD0] =	vst v11;
	v11 =	vadd.f32 v13, v8;
	v12 =	vmax.f32 v12, $0.0e+00;
	v13 =	vld [tilespmem:s13+$0x10]  }
0x5a9: {  	v14 =	vadd.f32 v15, v14;
	v12 =	vadd.f32 v12, v4;
	v15 =	vld [tilespmem:s21+$0x5200]  }
0x5aa: {  	s30 =	sld [smem:$0x7B5];
	[tilespmem:s17+$0x50] =	vst v11;
	v11 =	vadd.f32 v17, v16;
	v16 =	vld [tilespmem:s16+$0x60]  }
0x5ab: {  	v14 =	vmax.f32 v14, $0.0e+00;
	[tilespmem:s18+$0xFFFFFF10] =	vst v12;
	v12 =	vld [tilespmem:s25+$0x5200]  }
0x5ac: {  	v14 =	vadd.f32 v14, v10;
	v17 =	vld [tilespmem:s12+$0x20];
	v11 =	vmax.f32 v11, $0.0e+00;
	v18 =	vadd.f32 v19, v18  }
0x5ad: {  	v19 =	vld [tilespmem:s30+$0x5200];
	v11 =	vadd.f32 v11, v4  }
0x5ae: {  	s4 =	sld [smem:$0x7B6];
	[tilespmem:s17+$0xF0] =	vst v14;
	v13 =	vadd.f32 v15, v13;
	v14 =	vmax.f32 v18, $0.0e+00;
	v15 =	vld [tilespmem:s1+$0x60]  }
0x5af: {  	[tilespmem:s18+$0xFFFFFF90] =	vst v11;
	v11 =	vadd.f32 v14, v5;
	v14 =	vld [tilespmem:s3+$0x5200]  }
0x5b0: {  	v18 =	vld [tilespmem:s0+$0x20]  }
0x5b1: {  	v13 =	vmax.f32 v13, $0.0e+00;
	v12 =	vadd.f32 v12, v16;
	v16 =	vld [tilespmem:s4+$0x5200]  }
0x5b2: {  	v13 =	vadd.f32 v13, v4;
	[tilespmem:s18+$0xA0] =	vst v11;
	v11 =	vadd.f32 v19, v17  }
0x5b3: {  	s7 =	sor.u32 $0x430, s24;
	s15 =	smov.u32 s10;
	s10 =	sld [smem:$0x7B7];
	v17 =	vld [tilespmem:s28+$0x30];
	v12 =	vmax.f32 v12, $0.0e+00  }
0x5b4: {  	[tilespmem:s18+$0x10] =	vst v13;
	v13 =	vld [tilespmem:s7+$0x5200];
	v12 =	vadd.f32 v12, v9;
	v11 =	vmax.f32 v11, $0.0e+00  }
0x5b5: {  	v19 =	vld [tilespmem:s13+$0x20];
	v14 =	vadd.f32 v14, v15;
	v11 =	vadd.f32 v11, v5  }
0x5b6: {  	s20 =	rddreg [dreg:$0x15];
	v15 =	vld [tilespmem:s10+$0x5200];
	[tilespmem:s17+$0xFFFFFFE0] =	vst v12;
	v12 =	vadd.f32 v16, v18  }
0x5b7: {  	s25 =	sld [smem:$0x7B9];
	v16 =	vld [tilespmem:s19+$0x60];
	v14 =	vmax.f32 v14, $0.0e+00;
	[tilespmem:s18+$0xFFFFFF20] =	vst v11  }
0x5b8: {  	s6 =	sor.u32 $0x430, s26;
	v11 =	vld [tilespmem:s20+$0x5200];
	v14 =	vadd.f32 v14, v9;
	v12 =	vmax.f32 v12, $0.0e+00  }
0x5b9: {  	s2 =	sor.u32 $0x460, s26;
	[smem:$0x7BA] =	sst s6;
	v18 =	vld [tilespmem:s12+$0x30];
	v13 =	vadd.f32 v13, v17;
	v12 =	vadd.f32 v12, v5  }
0x5ba: {  	s11 =	smov.u32 s2;
	s2 =	sld [smem:$0x7BA];
	v17 =	vld [tilespmem:s25+$0x5200];
	[tilespmem:s17+$0x60] =	vst v14  }
0x5bb: {  	s30 =	rddreg [dreg:$0x13];
	v14 =	vadd.f32 v15, v19;
	v15 =	vld [tilespmem:s16+$0x70];
	v13 =	vmax.f32 v13, $0.0e+00;
	[tilespmem:s18+$0xFFFFFFA0] =	vst v12  }
0x5bc: {  	s16 =	smov.u32 s0;
	v12 =	vadd.f32 v13, v6;
	v13 =	vld [tilespmem:s30+$0x5200]  }
0x5bd: {  	v19 =	vld [tilespmem:s16+$0x30];
	v14 =	vmax.f32 v14, $0.0e+00  }
0x5be: {  	s21 =	sld [smem:$0x7B8];
	v11 =	vadd.f32 v11, v16;
	v16 =	vld [tilespmem:s2+$0x5200];
	v14 =	vadd.f32 v14, v5;
	[tilespmem:s18+$0xB0] =	vst v12  }
0x5bf: {  	s3 =	sor.u32 $0x440, s24;
	s4 =	sld [smem:$0x7BB];
	v12 =	vadd.f32 v17, v18;
	v17 =	vld [tilespmem:s28+$0x40]  }
0x5c0: {  	s5 =	sor.u32 $0x470, s5;
	v11 =	vmax.f32 v11, $0.0e+00;
	[tilespmem:s18+$0x20] =	vst v14;
	v14 =	vld [tilespmem:s3+$0x5200]  }
0x5c1: {  	[smem:$0x7BD] =	sst s5;
	v11 =	vadd.f32 v11, v9;
	v12 =	vmax.f32 v12, $0.0e+00;
	v18 =	vld [tilespmem:s13+$0x30]  }
0x5c2: {  	s31 =	sadd.s32 $0x4, s31;
	s10 =	smov.u32 s21;
	s21 =	sld [smem:$0x7BC];
	v20 =	vld [tilespmem:s4+$0x5200];
	v13 =	vadd.f32 v13, v15;
	v12 =	vadd.f32 v12, v6  }
0x5c3: {  	p2 =	slt.u32 s31, $0x24;
	s20 =	rddreg [dreg:$0xd];
	[tilespmem:s17+$0xFFFFFF60] =	vst v11;
	v15 =	vadd.f32 v16, v19;
	v11 =	vld [tilespmem:s1+$0x70]  }
.Ltmp5:
0x5c4: {  	s14 =	sadd.s32 $0x2, s14;
	s30 =	sld [smem:$0x7BD];
	v13 =	vmax.f32 v13, $0.0e+00;
	[tilespmem:s18+$0xFFFFFF30] =	vst v12;
	v12 =	vld [tilespmem:s20+$0x5200];
	(pc) =	sbr.rel @p2 .LBB2_13-.Ltmp5, $4  }
0x5c5: {  	s6 =	sor.u32 $0x440, s26;
	s26 =	sor.u32 $0x470, s26;
	s25 =	rddreg [dreg:$0x1f];
	v13 =	vadd.f32 v13, v10;
	v16 =	vld [tilespmem:s12+$0x40];
	v19 =	vmax.f32 v15, $0.0e+00;
	v14 =	vadd.f32 v14, v17  }
0x5c6: {  	p1 =	por !p1, !p1;
	s5 =	smov.u32 s18;
	s7 =	smov.u32 s26;
	v15 =	vld [tilespmem:s25+$0x5200];
	v17 =	vadd.f32 v19, v6  }
0x5c7: {  	s26 =	rddreg [dreg:$0xf];
	s3 =	smov.u32 s30;
	s4 =	smov.u32 s21;
	[tilespmem:s17+$0xFFFFFFF0] =	vst v13;
	v14 =	vmax.f32 v14, $0.0e+00;
	v13 =	vld [tilespmem:s19+$0x70]  }
0x5c8: {  	s1 =	smov.u32 s13;
	v18 =	vadd.f32 v20, v18;
	s19 =	smov.u32 s12;
	s12 =	rddreg [dreg:$0x19];
	[tilespmem:s18+$0xFFFFFFB0] =	vst v17;
	v17 =	vadd.f32 v14, v7;
	v14 =	vld [tilespmem:s26+$0x5200]  }
0x5c9: {  	_ = 	snop  }
0x5ca: {  	v18 =	vmax.f32 v18, $0.0e+00  }
0x5cb: {  	v18 =	vadd.f32 v18, v6  }
0x5cc: {  	v19 =	vld [tilespmem:s6+$0x5200]  }
0x5cd: {  	v20 =	vld [tilespmem:s16+$0x40];
	[tilespmem:s18+$0x30] =	vst v18  }
0x5ce: {  	v18 =	vld [tilespmem:s1+$0x40]  }
0x5cf: {  	v21 =	vld [tilespmem:s23+$0x5200];
	_ =	sdelay $0x2  }
0x5d0: {  	v19 =	vadd.f32 v19, v20;
	_ =	sdelay $0x1  }
0x5d1: {  	v19 =	vmax.f32 v19, $0.0e+00;
	v18 =	vadd.f32 v21, v18  }
0x5d2: {  	s0 =	sor.u32 $0x450, s24;
	[tilespmem:s18+$0xC0] =	vst v17;
	v27 =	vadd.f32 v19, v7  }
0x5d3: {  	v28 =	vld [tilespmem:s0+$0x5200];
	v15 =	vadd.f32 v15, v16;
	v29 =	vmax.f32 v18, $0.0e+00  }
0x5d4: {  	v30 =	vld [tilespmem:s28+$0x50];
	[tilespmem:s18+$0xFFFFFFC0] =	vst v27;
	v16 =	vadd.f32 v29, v7  }
0x5d5: {  	v15 =	vmax.f32 v15, $0.0e+00;
	v17 =	vld [tilespmem:s29+$0x5200]  }
0x5d6: {  	v15 =	vadd.f32 v15, v7;
	v31 =	vld [tilespmem:s16+$0x50];
	[tilespmem:s18+$0x40] =	vst v16  }
0x5d7: {  	s13 =	rddreg [dreg:$0x9];
	v33 =	vld [tilespmem:s1+$0x50]  }
0x5d8: {  	[tilespmem:s18+$0xFFFFFF40] =	vst v15;
	v32 =	vld [tilespmem:s13+$0x5200]  }
0x5d9: {  	v18 =	vadd.f32 v28, v30;
	v34 =	vld [tilespmem:s12+$0x5200]  }
0x5da: {  	v35 =	vld [tilespmem:s19+$0x50]  }
0x5db: {  	v18 =	vmax.f32 v18, $0.0e+00;
	v16 =	vadd.f32 v17, v31  }
0x5dc: {  	v36 =	vadd.f32 v18, v8  }
0x5dd: {  	v16 =	vmax.f32 v16, $0.0e+00;
	v15 =	vadd.f32 v32, v33  }
0x5de: {  	s14 =	sor.u32 $0x460, s24;
	[tilespmem:s18+$0xD0] =	vst v36;
	v16 =	vadd.f32 v16, v8  }
0x5df: {  	v17 =	vld [tilespmem:s14+$0x5200];
	v37 =	vadd.f32 v34, v35;
	v15 =	vmax.f32 v15, $0.0e+00  }
0x5e0: {  	v38 =	vld [tilespmem:s28+$0x60];
	[tilespmem:s5+$0xFFFFFFD0] =	vst v16;
	v15 =	vadd.f32 v15, v8  }
0x5e1: {  	v16 =	vld [tilespmem:s11+$0x5200];
	v18 =	vmax.f32 v37, $0.0e+00  }
0x5e2: {  	v39 =	vld [tilespmem:s16+$0x60];
	v18 =	vadd.f32 v18, v8;
	[tilespmem:s5+$0x50] =	vst v15  }
0x5e3: {  	v40 =	vld [tilespmem:s15+$0x5200]  }
0x5e4: {  	[tilespmem:s5+$0xFFFFFF50] =	vst v18;
	v41 =	vld [tilespmem:s1+$0x60]  }
0x5e5: {  	v17 =	vadd.f32 v17, v38;
	v42 =	vld [tilespmem:s10+$0x5200]  }
0x5e6: {  	v43 =	vld [tilespmem:s19+$0x60]  }
0x5e7: {  	v17 =	vmax.f32 v17, $0.0e+00;
	v15 =	vadd.f32 v16, v39  }
0x5e8: {  	v44 =	vadd.f32 v17, v9  }
0x5e9: {  	v15 =	vmax.f32 v15, $0.0e+00;
	v45 =	vadd.f32 v40, v41  }
0x5ea: {  	[tilespmem:s5+$0xE0] =	vst v44;
	v15 =	vadd.f32 v15, v9  }
0x5eb: {  	s18 =	sor.u32 $0x470, s24;
	v16 =	vld [tilespmem:s28+$0x70];
	v46 =	vadd.f32 v42, v43;
	v17 =	vmax.f32 v45, $0.0e+00  }
0x5ec: {  	v47 =	vld [tilespmem:s18+$0x5200];
	[tilespmem:s5+$0xFFFFFFE0] =	vst v15;
	v48 =	vadd.f32 v17, v9  }
0x5ed: {  	v49 =	vld [tilespmem:s16+$0x70];
	v18 =	vmax.f32 v46, $0.0e+00  }
0x5ee: {  	v50 =	vld [tilespmem:s7+$0x5200];
	v51 =	vadd.f32 v18, v9;
	[tilespmem:s5+$0x60] =	vst v48  }
0x5ef: {  	v52 =	vld [tilespmem:s1+$0x70]  }
0x5f0: {  	[tilespmem:s5+$0xFFFFFF60] =	vst v51;
	v53 =	vld [tilespmem:s4+$0x5200]  }
0x5f1: {  	v15 =	vld [tilespmem:s19+$0x70]  }
0x5f2: {  	v11 =	vadd.f32 v12, v11;
	v22 =	vld [tilespmem:s3+$0x5200]  }
0x5f3: {  	v54 =	vadd.f32 v14, v13  }
0x5f4: {  	v11 =	vmax.f32 v11, $0.0e+00;
	v55 =	vadd.f32 v47, v16  }
0x5f5: {  	v11 =	vadd.f32 v11, v10;
	v12 =	vmax.f32 v54, $0.0e+00;
	v56 =	vadd.f32 v50, v49  }
0x5f6: {  	v12 =	vadd.f32 v12, v10;
	v13 =	vmax.f32 v55, $0.0e+00;
	v57 =	vadd.f32 v53, v52  }
0x5f7: {  	[tilespmem:s17+$0x70] =	vst v11;
	v11 =	vadd.f32 v13, v10;
	v58 =	vmax.f32 v56, $0.0e+00;
	v59 =	vadd.f32 v22, v15  }
0x5f8: {  	[tilespmem:s17+$0xFFFFFF70] =	vst v12;
	v60 =	vadd.f32 v58, v10;
	v61 =	vmax.f32 v57, $0.0e+00  }
0x5f9: {  	[tilespmem:s5+$0xF0] =	vst v11;
	v62 =	vmax.f32 v59, $0.0e+00;
	v11 =	vadd.f32 v61, v10  }
0x5fa: {  	[tilespmem:s5+$0xFFFFFFF0] =	vst v60;
	v63 =	vadd.f32 v62, v10  }
0x5fb: {  	s20 =	simm.s32 $0xA200;
	[tilespmem:s5+$0x70] =	vst v11  }
0x5fc: {  	s2 =	simm.s32 $0x180;
	s19 =	rddreg [dreg:$0x2];
	s4 =	simm.s32 $0x8;
	[tilespmem:s5+$0xFFFFFF70] =	vst v63  }
0x5fd: {  	[spmem:s19] =	stream.indirect.scatter.add.f32 [tilespmem:s20], [sflag:$0x6], $0x80, s2, s4, $0xb8;
	[tilespmem:$0x1EF00] =	vst v63  }
0x5fe: {  	s21 =	simm.s32 $0xA600;
	s22 =	simm.s32 $0x188  }
0x5ff: {  	[spmem:s19] =	stream.indirect.scatter.add.f32 [tilespmem:s21], [sflag:$0x6], $0x80, s22, s4, $0xb8;
	[tilespmem:$0x1EF00] =	vst v63  }
0x600: {  	s23 =	simm.s32 $0xAA00;
	s24 =	simm.s32 $0x190  }
0x601: {  	[spmem:s19] =	stream.indirect.scatter.add.f32 [tilespmem:s23], [sflag:$0x6], $0x80, s24, s4, $0xb8;
	[tilespmem:$0x1EF00] =	vst v63  }
0x602: {  	s25 =	simm.s32 $0xAE00;
	s26 =	simm.s32 $0x198  }
0x603: {  	[spmem:s19] =	stream.indirect.scatter.add.f32 [tilespmem:s25], [sflag:$0x6], $0x80, s26, s4, $0xb8;
	[tilespmem:$0x1EF00] =	vst v63  }
0x604: {  	s30 =	simm.s32 $0x6;
	s29 =	simm.s32 $0x1A0;
	s28 =	simm.s32 $0xB200  }
0x605: {  	[spmem:s19] =	stream.indirect.scatter.add.f32 [tilespmem:s28], [sflag:$0x6], $0x80, s29, s4, $0xb8;
	[tilespmem:$0x1EF00] =	vst v63  }
0x606: {  	_ =	swait.ge [sflag:s30], $0x400  }
0x607: {  	[sflag:s30] =	ssyncset.done $0x0  }
0x608: {  	[sflag:s30] =	ssyncadd.s32 $0xFFFFFC00  }
0x609: {  	_ =	swait.ge [sflag:s30], $0x400  }
0x60a: {  	[sflag:s30] =	ssyncset.done $0x0  }
0x60b: {  	[sflag:s30] =	ssyncadd.s32 $0xFFFFFC00  }
0x60c: {  	_ =	swait.ge [sflag:s30], $0x400  }
0x60d: {  	[sflag:s30] =	ssyncset.done $0x0  }
0x60e: {  	[sflag:s30] =	ssyncadd.s32 $0xFFFFFC00  }
0x60f: {  	_ =	swait.ge [sflag:s30], $0x400  }
0x610: {  	[sflag:s30] =	ssyncset.done $0x0  }
0x611: {  	[sflag:s30] =	ssyncadd.s32 $0xFFFFFC00  }
0x612: {  	_ =	swait.ge [sflag:s30], $0x400  }
0x613: {  	s31 =	sld [smem:$0x7DF];
	_ =	sdelay $0x2  }
0x614: {  	s1 =	sadd.s32 $0x1, s31  }
0x615: {  	p1 =	sne.s32 s1, $0xFA  }
.Ltmp6:
0x616: {  	_ = 	snop;
	(pc) =	sbr.rel @p1 .LBB2_4-.Ltmp6, $3  }
0x617: {  	_ =	sdelay $0x1  }
0x618: {  	[sflag:s30] =	ssyncset.done $0x0  }
0x619: {  	[sflag:s30] =	ssyncadd.s32 $0xFFFFFC00  }
0x61a: {  	[bflag:$0x0] =	sbarrier.arrive $0xFFFF  }
0x61b: {  	s1 =	sld [smem:$0x7EF]  }
0x61c: {  	s0 =	stileid.u32;
	s2 =	sld [smem:$0x7F4]  }
0x61d: {  	s0 =	sshll.u32 s0, $0x6  }
0x61e: {  	s3 =	simm.s32 $0x9;
	s0 =	sor.u32 $0x1C09, s0  }
0x61f: {  	[hbm:s1], [sflag:s0] =	dma.local [spmem:s2], $0x2700  }
0x620: {  	_ =	swait.ge [sflag:s3], $0x2700  }
0x621: {  	s1 =	sld [smem:$0x7F1]  }
0x622: {  	s2 =	sld [smem:$0x7F5]  }
0x623: {  	[sflag:s3] =	ssyncset.done $0x0  }
0x624: {  	[sflag:s3] =	ssyncadd.s32 $0xFFFFD900  }
0x625: {  	[hbm:s1], [sflag:s0] =	dma.local @!p0 [spmem:s2], $0x100  }
0x626: {  	s0 =	simm.s32 @!p0 $0x9  }
0x627: {  	_ =	swait.ge @!p0 [sflag:s0], $0x100  }
0x628: {  	s30 =	sld [smem:$0x7E1]  }
0x629: {  	s31 =	sld [smem:$0x7F3];
	_ =	sdelay $0x1  }
0x62a: {  	s2 =	sadd.s32 $0x1, s30  }
0x62b: {  	p1 =	sne.s32 s2, s31  }
.Ltmp7:
0x62c: {  	_ = 	snop;
	(pc) =	sbr.rel @p1 .LBB2_1-.Ltmp7, $3  }
0x62d: {  	_ =	sdelay $0x1  }
0x62e: {  	[sflag:s0] =	ssyncset.done @!p0 $0x0  }
0x62f: {  	[sflag:s0] =	ssyncadd.s32 @!p0 $0xFFFFFF00  }
0x630: {  	_ =	sfence.sel $0x180000  }
0x631: {  	[bflag:$0x0] =	sbarrier.arrive $0xFFFF  }
0x632: {  	_ =	strace $0x90000047  }
0x633: {  	s0 =	stileid.u32;
	[bflag:$0x2] =	sbarrier.arrive $0xFFFF  }
0x634: {  	p0 =	sne.s32 s0, $0x0;
	s0 =	rddreg [dreg:$0x3]  }
0x635: {  	s0 =	sadd.s32 @!p0 $0x100000, s0  }
0x636: {  	[sflag:s0] =	ssyncadd.tile.s32 @!p0 $0x1;
	_ =	shalt  }
.Lfunc_end2:
_tile_overlayer_lowered:
.L_overlay_start_2:
0x637: {  	(tag) =	ssettag $0x2  }
0x638: {  	s0 =	rddreg [dreg:$0x0];
	s2 =	stileid.u32  }
0x639: {  	s1 =	rddreg [dreg:$0x1];
	p0 =	sne.s32 s2, $0x0  }
0x63a: {  	s3 =	rddreg [dreg:$0x2];
	[bflag:$0x3] =	sbarrier.arrive $0xFFFF;
	s2 =	simm.s32 @!p0 $0x1C09  }
0x63b: {  	[timem:s3], [sflag:s2] =	dma.local @!p0 [hbm:s0], s1  }
0x63c: {  	s0 =	simm.s32 @!p0 $0x9  }
0x63d: {  	_ =	swait.ge @!p0 [sflag:s0], s1  }
0x63e: {  	s1 =	ssub.s32 @!p0 $0x0, s1;
	[sflag:s0] =	ssyncset.done @!p0 $0x0  }
0x63f: {  	[sflag:s0] =	ssyncadd.s32 @!p0 s1  }
0x640: {  	[bflag:$0x3] =	sbarrier.arrive $0xFFFF  }
0x641: {  	_ =	shalt  }

</sc_bundles>
